<compile_context>
chip_gen: v7x
topology: tpu7x:2x2x1
jax: 0.10.2.dev20260603
libtpu: 0.0.44.dev20260713+nightly
codegen_flags: <defaults>
</compile_context>

<pallas_src>
import functools

import jax
import jax.numpy as jnp
from jax import lax
from jax.experimental import pallas as pl
from jax.experimental.pallas import tpu as pltpu
from jax.experimental.pallas import tpu_sc as plsc

_B, _C, _H, _W = 4, 19, 512, 512
_HTC = 320
_HSC = _H - _HTC
_NW = 32
_WPB = _NW // _B
_RPW = _HSC // _WPB
_RPC = 2
_NCH = _RPW // _RPC
_G = (_RPC * _W) // 16
_HB = 64

_LN2 = 0.6931471805599453
_EPS = 1e-3


def _ln(s):
    bits = lax.bitcast_convert_type(s, jnp.int32)
    y = bits.astype(jnp.float32) * (_LN2 / 8388608.0) - ((127.0 - 0.0450466) * _LN2)
    for _ in range(2):
        y = y + s * jnp.exp(-y) - 1.0
    return y


def _sc_body(score_hbm, target_hbm, out_hbm, sbuf, tbuf, obuf,
             ss0, ss1, st0, st1):
    cid = lax.axis_index("c")
    sid = lax.axis_index("s")
    wid = sid * 2 + cid
    b = wid // _WPB
    wrow = _HTC + (wid % _WPB) * _RPW
    sems = ((ss0, st0), (ss1, st1))

    def start(j, par):
        r0 = wrow + j * _RPC
        pltpu.async_copy(score_hbm.at[b, :, pl.ds(r0, _RPC), :],
                         sbuf.at[par], sems[par][0])
        pltpu.async_copy(target_hbm.at[b, pl.ds(r0, _RPC), :],
                         tbuf.at[par], sems[par][1])

    def wait(par):
        pltpu.make_async_copy(score_hbm.at[b, :, pl.ds(wrow, _RPC), :],
                              sbuf.at[par], sems[par][0]).wait()
        pltpu.make_async_copy(target_hbm.at[b, pl.ds(wrow, _RPC), :],
                              tbuf.at[par], sems[par][1]).wait()

    def make_group(par):
        sref = sbuf.at[par]

        def group(i, accs):
            nll, cnt, saa, sbb, scc = accs
            r = lax.shift_right_logical(i, 5)
            col = lax.shift_left(jnp.bitwise_and(i, 31), 4)
            t = tbuf[par, r, pl.ds(col, 16)]

            def ld(c):
                return sbuf[par, c, r, pl.ds(col, 16)]

            hc = _C // 2
            m1 = ld(0)
            am1 = jnp.zeros((16,), jnp.float32)
            m2 = ld(hc)
            am2 = jnp.full((16,), float(hc), jnp.float32)
            for c in range(1, hc):
                x1 = ld(c)
                gt1 = x1 > m1
                m1 = jnp.where(gt1, x1, m1)
                am1 = jnp.where(gt1, jnp.float32(c), am1)
                x2 = ld(hc + c)
                gt2 = x2 > m2
                m2 = jnp.where(gt2, x2, m2)
                am2 = jnp.where(gt2, jnp.float32(hc + c), am2)
            xl = ld(_C - 1)
            gtl = xl > m2
            m2 = jnp.where(gtl, xl, m2)
            am2 = jnp.where(gtl, jnp.float32(_C - 1), am2)
            gt = m2 > m1
            m = jnp.where(gt, m2, m1)
            am = jnp.where(gt, am2, am1)
            s1 = jnp.exp(ld(0) - m)
            s2 = jnp.exp(ld(1) - m)
            for c in range(2, _C, 2):
                s1 = s1 + jnp.exp(ld(c) - m)
                if c + 1 < _C:
                    s2 = s2 + jnp.exp(ld(c + 1) - m)
            s = s1 + s2
            rvec = jnp.full((16,), r, jnp.int32)
            cvec = col + lax.iota(jnp.int32, 16)
            t0 = jnp.maximum(t, 0)
            xt = plsc.load_gather(sref, [t0, rvec, cvec])
            lse = _ln(s) + m
            valid = t >= 0
            vf = jnp.where(valid, 1.0, 0.0).astype(jnp.float32)
            tf = t.astype(jnp.float32)
            nll = nll + jnp.where(valid, lse - xt, 0.0)
            cnt = cnt + vf
            saa = saa + am * tf
            sbb = sbb + am * am
            scc = scc + tf * tf
            return (nll, cnt, saa, sbb, scc)

        return group

    start(0, 0)
    start(1, 1)

    def pair(j2, accs):
        j = j2 * 2
        for par in range(2):
            jj = j + par
            wait(par)
            accs = lax.fori_loop(0, _G, make_group(par), accs, unroll=False)
            start(jnp.minimum(jj + 2, _NCH - 1), par)
        return accs

    zeros = jnp.zeros((16,), jnp.float32)
    accs = lax.fori_loop(0, _NCH // 2, pair,
                         (zeros, zeros, zeros, zeros, zeros), unroll=False)
    if _NCH % 2 == 1:
        wait(0)
        accs = lax.fori_loop(0, _G, make_group(0), accs, unroll=False)
        wait(1)
    else:
        wait(0)
        wait(1)
    for q in range(5):
        obuf[q, :] = accs[q]
    pltpu.sync_copy(obuf, out_hbm.at[wid])


def _tc_body(score_ref, target_ref, out_ref):
    a_nll = jnp.zeros((8, _W), jnp.float32)
    a_vf = jnp.zeros((8, _W), jnp.float32)
    a_aa = jnp.zeros((8, _W), jnp.float32)
    a_bb = jnp.zeros((8, _W), jnp.float32)
    a_cc = jnp.zeros((8, _W), jnp.float32)
    for r8 in range(_HB // 8):
        sl = pl.ds(r8 * 8, 8)
        t = target_ref[0, sl, :]
        valid = t >= 0
        t0 = jnp.where(valid, t, 0)
        x0 = score_ref[0, 0, sl, :]
        m = x0
        am = jnp.zeros((8, _W), jnp.float32)
        xt = jnp.where(t0 == 0, x0, 0.0)
        for c in range(1, _C):
            xc = score_ref[0, c, sl, :]
            gt = xc > m
            m = jnp.where(gt, xc, m)
            am = jnp.where(gt, jnp.float32(c), am)
            xt = jnp.where(t0 == c, xc, xt)
        s = jnp.exp(x0 - m)
        for c in range(1, _C):
            s = s + jnp.exp(score_ref[0, c, sl, :] - m)
        lse = jnp.log(s) + m
        vf = valid.astype(jnp.float32)
        tf = t.astype(jnp.float32)
        a_nll = a_nll + jnp.where(valid, lse - xt, 0.0)
        a_vf = a_vf + vf
        a_aa = a_aa + am * tf
        a_bb = a_bb + am * am
        a_cc = a_cc + tf * tf
    out_ref[0, 0, 0, 0] = jnp.sum(a_nll)
    out_ref[0, 0, 0, 1] = jnp.sum(a_vf)
    out_ref[0, 0, 0, 2] = jnp.sum(a_aa)
    out_ref[0, 0, 0, 3] = jnp.sum(a_bb)
    out_ref[0, 0, 0, 4] = jnp.sum(a_cc)


@jax.jit
def _run(score, target):
    mesh = plsc.VectorSubcoreMesh(core_axis_name="c", subcore_axis_name="s")
    call = pl.kernel(
        _sc_body,
        out_type=jax.ShapeDtypeStruct((_NW, 5, 16), jnp.float32),
        mesh=mesh,
        scratch_types=[
            pltpu.VMEM((2, _C, _RPC, _W), jnp.float32),
            pltpu.VMEM((2, _RPC, _W), jnp.int32),
            pltpu.VMEM((5, 16), jnp.float32),
            pltpu.SemaphoreType.DMA,
            pltpu.SemaphoreType.DMA,
            pltpu.SemaphoreType.DMA,
            pltpu.SemaphoreType.DMA,
        ],
        compiler_params=pltpu.CompilerParams(needs_layout_passes=False),
    )
    sc_part = call(score, target)

    nblk = _HTC // _HB
    tc_part = pl.pallas_call(
        _tc_body,
        grid=(_B, nblk),
        in_specs=[
            pl.BlockSpec((1, _C, _HB, _W), lambda b, j: (b, 0, j, 0)),
            pl.BlockSpec((1, _HB, _W), lambda b, j: (b, j, 0)),
        ],
        out_specs=pl.BlockSpec((1, 1, 1, 5), lambda b, j: (b, j, 0, 0),
                               memory_space=pltpu.SMEM),
        out_shape=jax.ShapeDtypeStruct((_B, nblk, 1, 5), jnp.float32),
    )(score, target)

    part = sc_part.sum(axis=2)
    per_b = (part.reshape(_B, _WPB, 5).sum(axis=1)
             + tc_part.sum(axis=(1, 2)))
    nll_tot = per_b[:, 0].sum()
    cnt_tot = per_b[:, 1].sum()
    ce = nll_tot / jnp.maximum(cnt_tot, 1.0)
    a = per_b[:, 2]
    bb = per_b[:, 3] + _EPS
    cc = per_b[:, 4] + _EPS
    dice = 1.0 - 2.0 * a / (bb + cc)
    return ce + dice


def kernel(score, target, epoch):
    return _run(score, target)

# --- scband reference (transcript-rebuilt; emitter-appended) ---
"""Pipeline reference for scband-ohem-cross-entropy-84009560310512 (READ-ONLY COPY).

The authoritative reference and input builder live on the scoring server;
editing this copy changes nothing except your own understanding.
"""

import jax, jax.numpy as jnp
import numpy as np

# Assumed external config (the torch module references a global `config`):
#   config.MODEL.NUM_OUTPUTS = 1, config.MODEL.MI_cul = False,
#   config.LOSS.BALANCE_WEIGHTS = [1.0]
# So forward(score, target, epoch) = 1.0 * CE(score, target) + 1.0 * DiceLoss(score, target).
# Note: DiceLoss uses reduction='mean' nominally but never reduces, returning a per-sample
# vector [B]; total loss therefore broadcasts to shape [B]. Epoch is unused when MI_cul=False.

IGNORE_LABEL = -1
EPS = 1e-3

def _ce_forward(score, target):
    # nn.CrossEntropyLoss(ignore_index=-1, reduction='mean') on [B,C,H,W] vs [B,H,W]
    logsm = jax.nn.log_softmax(score, axis=1)
    valid = (target != IGNORE_LABEL)
    tgt = jnp.where(valid, target, 0)
    nll = -jnp.take_along_axis(logsm, tgt[:, None, :, :], axis=1)[:, 0]
    vf = valid.astype(score.dtype)
    return jnp.sum(nll * vf) / jnp.maximum(jnp.sum(vf), 1.0)

def _dice_forward(score, target, eps=EPS):
    # DiceLoss.forward: pred = score.argmax(dim=1, keepdim=True); non-naive dice; no reduction
    pred = jnp.argmax(score, axis=1)  # [B,H,W] int
    inp = pred.reshape(pred.shape[0], -1).astype(jnp.float32)
    tgt = target.reshape(target.shape[0], -1).astype(jnp.float32)
    a = jnp.sum(inp * tgt, axis=1)
    b = jnp.sum(inp * inp, axis=1) + eps
    c = jnp.sum(tgt * tgt, axis=1) + eps
    d = 2.0 * a / (b + c)
    return 1.0 - d  # [B]

def setup_inputs(seed: int = 0) -> dict:
    key = jax.random.key(seed)
    k1, k2 = jax.random.split(key)
    score = jax.random.normal(k1, (4, 19, 512, 512), dtype=jnp.float32)
    target = jax.random.randint(k2, (4, 512, 512), 0, 19, dtype=jnp.int32)
    epoch = 3
    return {"score": score, "target": target, "epoch": epoch}

def reference(score, target, epoch):
    weights = [1.0]
    ce = weights[0] * _ce_forward(score, target)
    dice = weights[0] * _dice_forward(score, target)
    total_loss = ce + dice  # scalar + [B] -> [B]
    return total_loss

if __name__ == "__main__":
    import jax
    _d = setup_inputs()
    print(jax.jit(kernel)(*tuple(_d.values())))

</pallas_src>

<mosaic_0001>
#map = affine_map<(d0, d1) -> (0, 0, 0, 0)>
#map1 = affine_map<(d0, d1) -> (0, 0, 0)>
module attributes {stable_mosaic.version = 14 : i64} {
  func.func @_sc_body(%arg0: i32, %arg1: i32, %arg2: memref<4x19x512x512xf32, #tpu.memory_space<hbm>>, %arg3: memref<4x512x512xi32, #tpu.memory_space<hbm>>, %arg4: memref<32x5x16xf32, #tpu.memory_space<hbm>>, %arg5: memref<2x19x2x512xf32, #tpu.memory_space<vmem>>, %arg6: memref<2x2x512xi32, #tpu.memory_space<vmem>>, %arg7: memref<5x16xf32, #tpu.memory_space<vmem>>, %arg8: memref<!tpu.dma_semaphore, #tpu.memory_space<semaphore_mem>>, %arg9: memref<!tpu.dma_semaphore, #tpu.memory_space<semaphore_mem>>, %arg10: memref<!tpu.dma_semaphore, #tpu.memory_space<semaphore_mem>>, %arg11: memref<!tpu.dma_semaphore, #tpu.memory_space<semaphore_mem>>) attributes {dimension_semantics = [#tpu.dimension_semantics<core_parallel>, #tpu.dimension_semantics<subcore_parallel>], iteration_bounds = array<i64: 2, 16>, scalar_prefetch = 0 : i64, scratch_operands = 7 : i64, tpu.core_type = #tpu.core_type<sc_vector_subcore>, window_params = [{transform_indices = #map}, {transform_indices = #map1}, {transform_indices = #map1}]} {
    %mul3A = arith.constant 2 : i32
    %mul3A_0 = arith.muli %arg1, %mul3A : i32
    %add3A = arith.addi %mul3A_0, %arg0 : i32
    %jit3A = arith.constant 8 : i32
    %div3A = arith.divsi %add3A, %jit3A : i32
    %sign3A = arith.constant 0 : i32
    %sign3A_1 = arith.cmpi sgt, %add3A, %sign3A : i32
    %sign3A_2 = arith.extui %sign3A_1 : i1 to i32
    %sign3A_3 = arith.constant 0 : i32
    %sign3A_4 = arith.cmpi slt, %add3A, %sign3A_3 : i32
    %sign3A_5 = arith.extui %sign3A_4 : i1 to i32
    %sign3A_6 = arith.subi %sign3A_2, %sign3A_5 : i32
    %sign3A_7 = arith.constant 0 : i32
    %sign3A_8 = arith.cmpi sgt, %jit3A, %sign3A_7 : i32
    %sign3A_9 = arith.extui %sign3A_8 : i1 to i32
    %sign3A_10 = arith.constant 0 : i32
    %sign3A_11 = arith.cmpi slt, %jit3A, %sign3A_10 : i32
    %sign3A_12 = arith.extui %sign3A_11 : i1 to i32
    %sign3A_13 = arith.subi %sign3A_9, %sign3A_12 : i32
    %ne3A = arith.cmpi ne, %sign3A_6, %sign3A_13 : i32
    %rem3A = arith.remsi %add3A, %jit3A : i32
    %ne3A_14 = arith.constant 0 : i32
    %ne3A_15 = arith.cmpi ne, %rem3A, %ne3A_14 : i32
    %and3A = arith.andi %ne3A, %ne3A_15 : i1
    %sub3A = arith.constant 1 : i32
    %sub3A_16 = arith.subi %div3A, %sub3A : i32
    %select_n3A = arith.select %and3A, %sub3A_16, %div3A : i32
    %jit3A_17 = arith.constant 8 : i32
    %eq3A = arith.constant 0 : i32
    %eq3A_18 = arith.cmpi eq, %jit3A_17, %eq3A : i32
    %jit3A_19 = arith.constant 1 : i32
    %select_n3A_20 = arith.select %eq3A_18, %jit3A_19, %jit3A_17 : i32
    %rem3A_21 = arith.remsi %add3A, %select_n3A_20 : i32
    %ne3A_22 = arith.constant 0 : i32
    %ne3A_23 = arith.cmpi ne, %rem3A_21, %ne3A_22 : i32
    %lt3A = arith.constant 0 : i32
    %lt3A_24 = arith.cmpi slt, %rem3A_21, %lt3A : i32
    %lt3A_25 = arith.constant 0 : i32
    %lt3A_26 = arith.cmpi slt, %select_n3A_20, %lt3A_25 : i32
    %ne3A_27 = arith.xori %lt3A_24, %lt3A_26 : i1
    %and3A_28 = arith.andi %ne3A_27, %ne3A_23 : i1
    %add3A_29 = arith.addi %rem3A_21, %select_n3A_20 : i32
    %select_n3A_30 = arith.select %and3A_28, %add3A_29, %rem3A_21 : i32
    %mul3A_31 = arith.constant 24 : i32
    %mul3A_32 = arith.muli %select_n3A_30, %mul3A_31 : i32
    %add3A_33 = arith.constant 320 : i32
    %add3A_34 = arith.addi %add3A_33, %mul3A_32 : i32
    %add3A_35 = arith.constant 0 : i32
    %add3A_36 = arith.addi %add3A_34, %add3A_35 : i32
    %dma_start3A = arith.constant 0 : i32
    %dma_start3A_37 = arith.constant 0 : i32
    %dma_start3A_38 = arith.constant 0 : i32
    %dma_start3A_39 = arith.constant 0 : i32
    %dma_start3A_40 = tpu.memref_slice %arg5[%dma_start3A, %dma_start3A_37, %dma_start3A_38, %dma_start3A_39] : memref<2x19x2x512xf32, #tpu.memory_space<vmem>> -> memref<1x19x2x512xf32, #tpu.memory_space<vmem>>
    %dma_start3A_41 = tpu.memref_squeeze %dma_start3A_40 : memref<1x19x2x512xf32, #tpu.memory_space<vmem>> -> memref<19x2x512xf32, #tpu.memory_space<vmem>>
    %dma_start3A_42 = arith.constant 0 : i32
    %dma_start3A_43 = arith.constant 0 : i32
    %dma_start3A_44 = tpu.memref_slice %arg2[%select_n3A, %dma_start3A_42, %add3A_36, %dma_start3A_43] : memref<4x19x512x512xf32, #tpu.memory_space<hbm>> -> memref<1x19x2x512xf32, #tpu.memory_space<hbm>>
    %dma_start3A_45 = tpu.memref_squeeze %dma_start3A_44 : memref<1x19x2x512xf32, #tpu.memory_space<hbm>> -> memref<19x2x512xf32, #tpu.memory_space<hbm>>
    %dma_start3A_46 = arith.constant 0 : i32
    %dma_start3A_47 = arith.constant 0 : i32
    %dma_start3A_48 = arith.constant 0 : i32
    %dma_start3A_49 = tpu.memref_slice %arg5[%dma_start3A, %dma_start3A_46, %dma_start3A_47, %dma_start3A_48] : memref<2x19x2x512xf32, #tpu.memory_space<vmem>> -> memref<1x19x2x512xf32, #tpu.memory_space<vmem>>
    %dma_start3A_50 = tpu.memref_squeeze %dma_start3A_49 : memref<1x19x2x512xf32, #tpu.memory_space<vmem>> -> memref<19x2x512xf32, #tpu.memory_space<vmem>>
    %dma_start3A_51 = arith.constant 0 : i32
    %dma_start3A_52 = arith.constant 0 : i32
    %dma_start3A_53 = tpu.memref_slice %arg2[%select_n3A, %dma_start3A_51, %add3A_36, %dma_start3A_52] : memref<4x19x512x512xf32, #tpu.memory_space<hbm>> -> memref<1x19x2x512xf32, #tpu.memory_space<hbm>>
    %dma_start3A_54 = tpu.memref_squeeze %dma_start3A_53 : memref<1x19x2x512xf32, #tpu.memory_space<hbm>> -> memref<19x2x512xf32, #tpu.memory_space<hbm>>
    tpu.enqueue_dma source(%dma_start3A_54 : memref<19x2x512xf32, #tpu.memory_space<hbm>>) target(%dma_start3A_50 : memref<19x2x512xf32, #tpu.memory_space<vmem>>) target_semaphore(%arg8 : memref<!tpu.dma_semaphore, #tpu.memory_space<semaphore_mem>>)
    %dma_start3A_55 = arith.constant 0 : i32
    %dma_start3A_56 = arith.constant 0 : i32
    %dma_start3A_57 = arith.constant 0 : i32
    %dma_start3A_58 = tpu.memref_slice %arg6[%dma_start3A_55, %dma_start3A_56, %dma_start3A_57] : memref<2x2x512xi32, #tpu.memory_space<vmem>> -> memref<1x2x512xi32, #tpu.memory_space<vmem>>
    %dma_start3A_59 = tpu.memref_squeeze %dma_start3A_58 : memref<1x2x512xi32, #tpu.memory_space<vmem>> -> memref<2x512xi32, #tpu.memory_space<vmem>>
    %dma_start3A_60 = arith.constant 0 : i32
    %dma_start3A_61 = tpu.memref_slice %arg3[%select_n3A, %add3A_36, %dma_start3A_60] : memref<4x512x512xi32, #tpu.memory_space<hbm>> -> memref<1x2x512xi32, #tpu.memory_space<hbm>>
    %dma_start3A_62 = tpu.memref_squeeze %dma_start3A_61 : memref<1x2x512xi32, #tpu.memory_space<hbm>> -> memref<2x512xi32, #tpu.memory_space<hbm>>
    %dma_start3A_63 = arith.constant 0 : i32
    %dma_start3A_64 = arith.constant 0 : i32
    %dma_start3A_65 = tpu.memref_slice %arg6[%dma_start3A_55, %dma_start3A_63, %dma_start3A_64] : memref<2x2x512xi32, #tpu.memory_space<vmem>> -> memref<1x2x512xi32, #tpu.memory_space<vmem>>
    %dma_start3A_66 = tpu.memref_squeeze %dma_start3A_65 : memref<1x2x512xi32, #tpu.memory_space<vmem>> -> memref<2x512xi32, #tpu.memory_space<vmem>>
    %dma_start3A_67 = arith.constant 0 : i32
    %dma_start3A_68 = tpu.memref_slice %arg3[%select_n3A, %add3A_36, %dma_start3A_67] : memref<4x512x512xi32, #tpu.memory_space<hbm>> -> memref<1x2x512xi32, #tpu.memory_space<hbm>>
    %dma_start3A_69 = tpu.memref_squeeze %dma_start3A_68 : memref<1x2x512xi32, #tpu.memory_space<hbm>> -> memref<2x512xi32, #tpu.memory_space<hbm>>
    tpu.enqueue_dma source(%dma_start3A_69 : memref<2x512xi32, #tpu.memory_space<hbm>>) target(%dma_start3A_66 : memref<2x512xi32, #tpu.memory_space<vmem>>) target_semaphore(%arg10 : memref<!tpu.dma_semaphore, #tpu.memory_space<semaphore_mem>>)
    %add3A_70 = arith.constant 2 : i32
    %add3A_71 = arith.addi %add3A_34, %add3A_70 : i32
    %dma_start3A_72 = arith.constant 1 : i32
    %dma_start3A_73 = arith.constant 0 : i32
    %dma_start3A_74 = arith.constant 0 : i32
    %dma_start3A_75 = arith.constant 0 : i32
    %dma_start3A_76 = tpu.memref_slice %arg5[%dma_start3A_72, %dma_start3A_73, %dma_start3A_74, %dma_start3A_75] : memref<2x19x2x512xf32, #tpu.memory_space<vmem>> -> memref<1x19x2x512xf32, #tpu.memory_space<vmem>>
    %dma_start3A_77 = tpu.memref_squeeze %dma_start3A_76 : memref<1x19x2x512xf32, #tpu.memory_space<vmem>> -> memref<19x2x512xf32, #tpu.memory_space<vmem>>
    %dma_start3A_78 = arith.constant 0 : i32
    %dma_start3A_79 = arith.constant 0 : i32
    %dma_start3A_80 = tpu.memref_slice %arg2[%select_n3A, %dma_start3A_78, %add3A_71, %dma_start3A_79] : memref<4x19x512x512xf32, #tpu.memory_space<hbm>> -> memref<1x19x2x512xf32, #tpu.memory_space<hbm>>
    %dma_start3A_81 = tpu.memref_squeeze %dma_start3A_80 : memref<1x19x2x512xf32, #tpu.memory_space<hbm>> -> memref<19x2x512xf32, #tpu.memory_space<hbm>>
    %dma_start3A_82 = arith.constant 0 : i32
    %dma_start3A_83 = arith.constant 0 : i32
    %dma_start3A_84 = arith.constant 0 : i32
    %dma_start3A_85 = tpu.memref_slice %arg5[%dma_start3A_72, %dma_start3A_82, %dma_start3A_83, %dma_start3A_84] : memref<2x19x2x512xf32, #tpu.memory_space<vmem>> -> memref<1x19x2x512xf32, #tpu.memory_space<vmem>>
    %dma_start3A_86 = tpu.memref_squeeze %dma_start3A_85 : memref<1x19x2x512xf32, #tpu.memory_space<vmem>> -> memref<19x2x512xf32, #tpu.memory_space<vmem>>
    %dma_start3A_87 = arith.constant 0 : i32
    %dma_start3A_88 = arith.constant 0 : i32
    %dma_start3A_89 = tpu.memref_slice %arg2[%select_n3A, %dma_start3A_87, %add3A_71, %dma_start3A_88] : memref<4x19x512x512xf32, #tpu.memory_space<hbm>> -> memref<1x19x2x512xf32, #tpu.memory_space<hbm>>
    %dma_start3A_90 = tpu.memref_squeeze %dma_start3A_89 : memref<1x19x2x512xf32, #tpu.memory_space<hbm>> -> memref<19x2x512xf32, #tpu.memory_space<hbm>>
    tpu.enqueue_dma source(%dma_start3A_90 : memref<19x2x512xf32, #tpu.memory_space<hbm>>) target(%dma_start3A_86 : memref<19x2x512xf32, #tpu.memory_space<vmem>>) target_semaphore(%arg9 : memref<!tpu.dma_semaphore, #tpu.memory_space<semaphore_mem>>)
    %dma_start3A_91 = arith.constant 1 : i32
    %dma_start3A_92 = arith.constant 0 : i32
    %dma_start3A_93 = arith.constant 0 : i32
    %dma_start3A_94 = tpu.memref_slice %arg6[%dma_start3A_91, %dma_start3A_92, %dma_start3A_93] : memref<2x2x512xi32, #tpu.memory_space<vmem>> -> memref<1x2x512xi32, #tpu.memory_space<vmem>>
    %dma_start3A_95 = tpu.memref_squeeze %dma_start3A_94 : memref<1x2x512xi32, #tpu.memory_space<vmem>> -> memref<2x512xi32, #tpu.memory_space<vmem>>
    %dma_start3A_96 = arith.constant 0 : i32
    %dma_start3A_97 = tpu.memref_slice %arg3[%select_n3A, %add3A_71, %dma_start3A_96] : memref<4x512x512xi32, #tpu.memory_space<hbm>> -> memref<1x2x512xi32, #tpu.memory_space<hbm>>
    %dma_start3A_98 = tpu.memref_squeeze %dma_start3A_97 : memref<1x2x512xi32, #tpu.memory_space<hbm>> -> memref<2x512xi32, #tpu.memory_space<hbm>>
    %dma_start3A_99 = arith.constant 0 : i32
    %dma_start3A_100 = arith.constant 0 : i32
    %dma_start3A_101 = tpu.memref_slice %arg6[%dma_start3A_91, %dma_start3A_99, %dma_start3A_100] : memref<2x2x512xi32, #tpu.memory_space<vmem>> -> memref<1x2x512xi32, #tpu.memory_space<vmem>>
    %dma_start3A_102 = tpu.memref_squeeze %dma_start3A_101 : memref<1x2x512xi32, #tpu.memory_space<vmem>> -> memref<2x512xi32, #tpu.memory_space<vmem>>
    %dma_start3A_103 = arith.constant 0 : i32
    %dma_start3A_104 = tpu.memref_slice %arg3[%select_n3A, %add3A_71, %dma_start3A_103] : memref<4x512x512xi32, #tpu.memory_space<hbm>> -> memref<1x2x512xi32, #tpu.memory_space<hbm>>
    %dma_start3A_105 = tpu.memref_squeeze %dma_start3A_104 : memref<1x2x512xi32, #tpu.memory_space<hbm>> -> memref<2x512xi32, #tpu.memory_space<hbm>>
    tpu.enqueue_dma source(%dma_start3A_105 : memref<2x512xi32, #tpu.memory_space<hbm>>) target(%dma_start3A_102 : memref<2x512xi32, #tpu.memory_space<vmem>>) target_semaphore(%arg11 : memref<!tpu.dma_semaphore, #tpu.memory_space<semaphore_mem>>)
    %broadcast_in_dim3A = arith.constant 0.000000e+00 : f32
    %broadcast_in_dim3A_106 = vector.broadcast %broadcast_in_dim3A : f32 to vector<16xf32>
    %scan3A = arith.constant 0 : i32
    %scan3A_107 = arith.constant 6 : i32
    %scan3A_108 = arith.addi %scan3A, %scan3A_107 : i32
    %scan3A_109 = arith.constant 1 : i32
    %scan3A_110:5 = scf.for %scan3A_198 = %scan3A to %scan3A_108 step %scan3A_109 iter_args(%scan3A_199 = %broadcast_in_dim3A_106, %scan3A_200 = %broadcast_in_dim3A_106, %scan3A_201 = %broadcast_in_dim3A_106, %scan3A_202 = %broadcast_in_dim3A_106, %scan3A_203 = %broadcast_in_dim3A_106) -> (vector<16xf32>, vector<16xf32>, vector<16xf32>, vector<16xf32>, vector<16xf32>)  : i32 {
      %mul3A_204 = arith.constant 2 : i32
      %mul3A_205 = arith.muli %scan3A_198, %mul3A_204 : i32
      %add3A_206 = arith.constant 0 : i32
      %add3A_207 = arith.addi %mul3A_205, %add3A_206 : i32
      %dma_wait3A_208 = arith.constant 0 : i32
      %dma_wait3A_209 = arith.constant 0 : i32
      %dma_wait3A_210 = arith.constant 0 : i32
      %dma_wait3A_211 = arith.constant 0 : i32
      %dma_wait3A_212 = tpu.memref_slice %arg5[%dma_wait3A_208, %dma_wait3A_209, %dma_wait3A_210, %dma_wait3A_211] : memref<2x19x2x512xf32, #tpu.memory_space<vmem>> -> memref<1x19x2x512xf32, #tpu.memory_space<vmem>>
      %dma_wait3A_213 = tpu.memref_squeeze %dma_wait3A_212 : memref<1x19x2x512xf32, #tpu.memory_space<vmem>> -> memref<19x2x512xf32, #tpu.memory_space<vmem>>
      %dma_wait3A_214 = arith.constant 0 : i32
      %dma_wait3A_215 = arith.constant 0 : i32
      %dma_wait3A_216 = tpu.memref_slice %arg2[%select_n3A, %dma_wait3A_214, %add3A_34, %dma_wait3A_215] : memref<4x19x512x512xf32, #tpu.memory_space<hbm>> -> memref<1x19x2x512xf32, #tpu.memory_space<hbm>>
      %dma_wait3A_217 = tpu.memref_squeeze %dma_wait3A_216 : memref<1x19x2x512xf32, #tpu.memory_space<hbm>> -> memref<19x2x512xf32, #tpu.memory_space<hbm>>
      %dma_wait3A_218 = arith.constant 0 : i32
      %dma_wait3A_219 = arith.constant 0 : i32
      %dma_wait3A_220 = arith.constant 0 : i32
      %dma_wait3A_221 = tpu.memref_slice %arg5[%dma_wait3A_208, %dma_wait3A_218, %dma_wait3A_219, %dma_wait3A_220] : memref<2x19x2x512xf32, #tpu.memory_space<vmem>> -> memref<1x19x2x512xf32, #tpu.memory_space<vmem>>
      %dma_wait3A_222 = tpu.memref_squeeze %dma_wait3A_221 : memref<1x19x2x512xf32, #tpu.memory_space<vmem>> -> memref<19x2x512xf32, #tpu.memory_space<vmem>>
      %dma_wait3A_223 = arith.constant 0 : i32
      %dma_wait3A_224 = arith.constant 0 : i32
      %dma_wait3A_225 = tpu.memref_slice %arg2[%select_n3A, %dma_wait3A_223, %add3A_34, %dma_wait3A_224] : memref<4x19x512x512xf32, #tpu.memory_space<hbm>> -> memref<1x19x2x512xf32, #tpu.memory_space<hbm>>
      %dma_wait3A_226 = tpu.memref_squeeze %dma_wait3A_225 : memref<1x19x2x512xf32, #tpu.memory_space<hbm>> -> memref<19x2x512xf32, #tpu.memory_space<hbm>>
      tpu.wait_dma2 semaphore(%arg8 : memref<!tpu.dma_semaphore, #tpu.memory_space<semaphore_mem>>) src(%dma_wait3A_226 : memref<19x2x512xf32, #tpu.memory_space<hbm>>) dst(%dma_wait3A_222 : memref<19x2x512xf32, #tpu.memory_space<vmem>>)
      %dma_wait3A_227 = arith.constant 0 : i32
      %dma_wait3A_228 = arith.constant 0 : i32
      %dma_wait3A_229 = arith.constant 0 : i32
      %dma_wait3A_230 = tpu.memref_slice %arg6[%dma_wait3A_227, %dma_wait3A_228, %dma_wait3A_229] : memref<2x2x512xi32, #tpu.memory_space<vmem>> -> memref<1x2x512xi32, #tpu.memory_space<vmem>>
      %dma_wait3A_231 = tpu.memref_squeeze %dma_wait3A_230 : memref<1x2x512xi32, #tpu.memory_space<vmem>> -> memref<2x512xi32, #tpu.memory_space<vmem>>
      %dma_wait3A_232 = arith.constant 0 : i32
      %dma_wait3A_233 = tpu.memref_slice %arg3[%select_n3A, %add3A_34, %dma_wait3A_232] : memref<4x512x512xi32, #tpu.memory_space<hbm>> -> memref<1x2x512xi32, #tpu.memory_space<hbm>>
      %dma_wait3A_234 = tpu.memref_squeeze %dma_wait3A_233 : memref<1x2x512xi32, #tpu.memory_space<hbm>> -> memref<2x512xi32, #tpu.memory_space<hbm>>
      %dma_wait3A_235 = arith.constant 0 : i32
      %dma_wait3A_236 = arith.constant 0 : i32
      %dma_wait3A_237 = tpu.memref_slice %arg6[%dma_wait3A_227, %dma_wait3A_235, %dma_wait3A_236] : memref<2x2x512xi32, #tpu.memory_space<vmem>> -> memref<1x2x512xi32, #tpu.memory_space<vmem>>
      %dma_wait3A_238 = tpu.memref_squeeze %dma_wait3A_237 : memref<1x2x512xi32, #tpu.memory_space<vmem>> -> memref<2x512xi32, #tpu.memory_space<vmem>>
      %dma_wait3A_239 = arith.constant 0 : i32
      %dma_wait3A_240 = tpu.memref_slice %arg3[%select_n3A, %add3A_34, %dma_wait3A_239] : memref<4x512x512xi32, #tpu.memory_space<hbm>> -> memref<1x2x512xi32, #tpu.memory_space<hbm>>
      %dma_wait3A_241 = tpu.memref_squeeze %dma_wait3A_240 : memref<1x2x512xi32, #tpu.memory_space<hbm>> -> memref<2x512xi32, #tpu.memory_space<hbm>>
      tpu.wait_dma2 semaphore(%arg10 : memref<!tpu.dma_semaphore, #tpu.memory_space<semaphore_mem>>) src(%dma_wait3A_241 : memref<2x512xi32, #tpu.memory_space<hbm>>) dst(%dma_wait3A_238 : memref<2x512xi32, #tpu.memory_space<vmem>>)
      %scan3A_242 = arith.constant 0 : i32
      %scan3A_243 = arith.constant 0 : i32
      %scan3A_244 = arith.constant 64 : i32
      %scan3A_245 = arith.addi %scan3A_243, %scan3A_244 : i32
      %scan3A_246 = arith.constant 1 : i32
      %scan3A_247:5 = scf.for %scan3A_373 = %scan3A_243 to %scan3A_245 step %scan3A_246 iter_args(%scan3A_374 = %scan3A_199, %scan3A_375 = %scan3A_200, %scan3A_376 = %scan3A_201, %scan3A_377 = %scan3A_202, %scan3A_378 = %scan3A_203) -> (vector<16xf32>, vector<16xf32>, vector<16xf32>, vector<16xf32>, vector<16xf32>)  : i32 {
        %shift_right_logical3A = arith.constant 5 : i32
        %shift_right_logical3A_379 = arith.shrui %scan3A_373, %shift_right_logical3A : i32
        %and3A_380 = arith.constant 31 : i32
        %and3A_381 = arith.andi %scan3A_373, %and3A_380 : i32
        %shift_left3A = arith.constant 4 : i32
        %shift_left3A_382 = arith.shli %and3A_381, %shift_left3A : i32
        %get3A = arith.constant 0 : i32
        %get3A_383 = arith.index_cast %get3A : i32 to index
        %get3A_384 = arith.index_cast %shift_right_logical3A_379 : i32 to index
        %get3A_385 = arith.index_cast %shift_left3A_382 : i32 to index
        %get3A_386 = tpu.vector_load %arg6[%get3A_383, %get3A_384, %get3A_385] {strides = array<i32>} : memref<2x2x512xi32, #tpu.memory_space<vmem>>, vector<16xi32>,
        %get3A_387 = arith.constant 0 : i32
        %get3A_388 = arith.constant 0 : i32
        %get3A_389 = arith.index_cast %get3A_387 : i32 to index
        %get3A_390 = arith.index_cast %get3A_388 : i32 to index
        %get3A_391 = arith.index_cast %shift_right_logical3A_379 : i32 to index
        %get3A_392 = arith.index_cast %shift_left3A_382 : i32 to index
        %get3A_393 = tpu.vector_load %arg5[%get3A_389, %get3A_390, %get3A_391, %get3A_392] {strides = array<i32>} : memref<2x19x2x512xf32, #tpu.memory_space<vmem>>, vector<16xf32>,
        %broadcast_in_dim3A_394 = arith.constant 0.000000e+00 : f32
        %broadcast_in_dim3A_395 = vector.broadcast %broadcast_in_dim3A_394 : f32 to vector<16xf32>
        %get3A_396 = arith.constant 0 : i32
        %get3A_397 = arith.constant 9 : i32
        %get3A_398 = arith.index_cast %get3A_396 : i32 to index
        %get3A_399 = arith.index_cast %get3A_397 : i32 to index
        %get3A_400 = arith.index_cast %shift_right_logical3A_379 : i32 to index
        %get3A_401 = arith.index_cast %shift_left3A_382 : i32 to index
        %get3A_402 = tpu.vector_load %arg5[%get3A_398, %get3A_399, %get3A_400, %get3A_401] {strides = array<i32>} : memref<2x19x2x512xf32, #tpu.memory_space<vmem>>, vector<16xf32>,
        %broadcast_in_dim3A_403 = arith.constant 9.000000e+00 : f32
        %broadcast_in_dim3A_404 = vector.broadcast %broadcast_in_dim3A_403 : f32 to vector<16xf32>
        %get3A_405 = arith.constant 0 : i32
        %get3A_406 = arith.constant 1 : i32
        %get3A_407 = arith.index_cast %get3A_405 : i32 to index
        %get3A_408 = arith.index_cast %get3A_406 : i32 to index
        %get3A_409 = arith.index_cast %shift_right_logical3A_379 : i32 to index
        %get3A_410 = arith.index_cast %shift_left3A_382 : i32 to index
        %get3A_411 = tpu.vector_load %arg5[%get3A_407, %get3A_408, %get3A_409, %get3A_410] {strides = array<i32>} : memref<2x19x2x512xf32, #tpu.memory_space<vmem>>, vector<16xf32>,
        %gt3A = arith.cmpf ogt, %get3A_411, %get3A_393 : vector<16xf32>
        %select_n3A_412 = arith.select %gt3A, %get3A_411, %get3A_393 : vector<16xi1>, vector<16xf32>
        %jit3A_413 = arith.constant 1.000000e+00 : f32
        %broadcast_in_dim3A_414 = vector.broadcast %jit3A_413 : f32 to vector<16xf32>
        %select_n3A_415 = arith.select %gt3A, %broadcast_in_dim3A_414, %broadcast_in_dim3A_395 : vector<16xi1>, vector<16xf32>
        %get3A_416 = arith.constant 0 : i32
        %get3A_417 = arith.constant 10 : i32
        %get3A_418 = arith.index_cast %get3A_416 : i32 to index
        %get3A_419 = arith.index_cast %get3A_417 : i32 to index
        %get3A_420 = arith.index_cast %shift_right_logical3A_379 : i32 to index
        %get3A_421 = arith.index_cast %shift_left3A_382 : i32 to index
        %get3A_422 = tpu.vector_load %arg5[%get3A_418, %get3A_419, %get3A_420, %get3A_421] {strides = array<i32>} : memref<2x19x2x512xf32, #tpu.memory_space<vmem>>, vector<16xf32>,
        %gt3A_423 = arith.cmpf ogt, %get3A_422, %get3A_402 : vector<16xf32>
        %select_n3A_424 = arith.select %gt3A_423, %get3A_422, %get3A_402 : vector<16xi1>, vector<16xf32>
        %jit3A_425 = arith.constant 1.000000e+01 : f32
        %broadcast_in_dim3A_426 = vector.broadcast %jit3A_425 : f32 to vector<16xf32>
        %select_n3A_427 = arith.select %gt3A_423, %broadcast_in_dim3A_426, %broadcast_in_dim3A_404 : vector<16xi1>, vector<16xf32>
        %get3A_428 = arith.constant 0 : i32
        %get3A_429 = arith.constant 2 : i32
        %get3A_430 = arith.index_cast %get3A_428 : i32 to index
        %get3A_431 = arith.index_cast %get3A_429 : i32 to index
        %get3A_432 = arith.index_cast %shift_right_logical3A_379 : i32 to index
        %get3A_433 = arith.index_cast %shift_left3A_382 : i32 to index
        %get3A_434 = tpu.vector_load %arg5[%get3A_430, %get3A_431, %get3A_432, %get3A_433] {strides = array<i32>} : memref<2x19x2x512xf32, #tpu.memory_space<vmem>>, vector<16xf32>,
        %gt3A_435 = arith.cmpf ogt, %get3A_434, %select_n3A_412 : vector<16xf32>
        %select_n3A_436 = arith.select %gt3A_435, %get3A_434, %select_n3A_412 : vector<16xi1>, vector<16xf32>
        %jit3A_437 = arith.constant 2.000000e+00 : f32
        %broadcast_in_dim3A_438 = vector.broadcast %jit3A_437 : f32 to vector<16xf32>
        %select_n3A_439 = arith.select %gt3A_435, %broadcast_in_dim3A_438, %select_n3A_415 : vector<16xi1>, vector<16xf32>
        %get3A_440 = arith.constant 0 : i32
        %get3A_441 = arith.constant 11 : i32
        %get3A_442 = arith.index_cast %get3A_440 : i32 to index
        %get3A_443 = arith.index_cast %get3A_441 : i32 to index
        %get3A_444 = arith.index_cast %shift_right_logical3A_379 : i32 to index
        %get3A_445 = arith.index_cast %shift_left3A_382 : i32 to index
        %get3A_446 = tpu.vector_load %arg5[%get3A_442, %get3A_443, %get3A_444, %get3A_445] {strides = array<i32>} : memref<2x19x2x512xf32, #tpu.memory_space<vmem>>, vector<16xf32>,
        %gt3A_447 = arith.cmpf ogt, %get3A_446, %select_n3A_424 : vector<16xf32>
        %select_n3A_448 = arith.select %gt3A_447, %get3A_446, %select_n3A_424 : vector<16xi1>, vector<16xf32>
        %jit3A_449 = arith.constant 1.100000e+01 : f32
        %broadcast_in_dim3A_450 = vector.broadcast %jit3A_449 : f32 to vector<16xf32>
        %select_n3A_451 = arith.select %gt3A_447, %broadcast_in_dim3A_450, %select_n3A_427 : vector<16xi1>, vector<16xf32>
        %get3A_452 = arith.constant 0 : i32
        %get3A_453 = arith.constant 3 : i32
        %get3A_454 = arith.index_cast %get3A_452 : i32 to index
        %get3A_455 = arith.index_cast %get3A_453 : i32 to index
        %get3A_456 = arith.index_cast %shift_right_logical3A_379 : i32 to index
        %get3A_457 = arith.index_cast %shift_left3A_382 : i32 to index
        %get3A_458 = tpu.vector_load %arg5[%get3A_454, %get3A_455, %get3A_456, %get3A_457] {strides = array<i32>} : memref<2x19x2x512xf32, #tpu.memory_space<vmem>>, vector<16xf32>,
        %gt3A_459 = arith.cmpf ogt, %get3A_458, %select_n3A_436 : vector<16xf32>
        %select_n3A_460 = arith.select %gt3A_459, %get3A_458, %select_n3A_436 : vector<16xi1>, vector<16xf32>
        %jit3A_461 = arith.constant 3.000000e+00 : f32
        %broadcast_in_dim3A_462 = vector.broadcast %jit3A_461 : f32 to vector<16xf32>
        %select_n3A_463 = arith.select %gt3A_459, %broadcast_in_dim3A_462, %select_n3A_439 : vector<16xi1>, vector<16xf32>
        %get3A_464 = arith.constant 0 : i32
        %get3A_465 = arith.constant 12 : i32
        %get3A_466 = arith.index_cast %get3A_464 : i32 to index
        %get3A_467 = arith.index_cast %get3A_465 : i32 to index
        %get3A_468 = arith.index_cast %shift_right_logical3A_379 : i32 to index
        %get3A_469 = arith.index_cast %shift_left3A_382 : i32 to index
        %get3A_470 = tpu.vector_load %arg5[%get3A_466, %get3A_467, %get3A_468, %get3A_469] {strides = array<i32>} : memref<2x19x2x512xf32, #tpu.memory_space<vmem>>, vector<16xf32>,
        %gt3A_471 = arith.cmpf ogt, %get3A_470, %select_n3A_448 : vector<16xf32>
        %select_n3A_472 = arith.select %gt3A_471, %get3A_470, %select_n3A_448 : vector<16xi1>, vector<16xf32>
        %jit3A_473 = arith.constant 1.200000e+01 : f32
        %broadcast_in_dim3A_474 = vector.broadcast %jit3A_473 : f32 to vector<16xf32>
        %select_n3A_475 = arith.select %gt3A_471, %broadcast_in_dim3A_474, %select_n3A_451 : vector<16xi1>, vector<16xf32>
        %get3A_476 = arith.constant 0 : i32
        %get3A_477 = arith.constant 4 : i32
        %get3A_478 = arith.index_cast %get3A_476 : i32 to index
        %get3A_479 = arith.index_cast %get3A_477 : i32 to index
        %get3A_480 = arith.index_cast %shift_right_logical3A_379 : i32 to index
        %get3A_481 = arith.index_cast %shift_left3A_382 : i32 to index
        %get3A_482 = tpu.vector_load %arg5[%get3A_478, %get3A_479, %get3A_480, %get3A_481] {strides = array<i32>} : memref<2x19x2x512xf32, #tpu.memory_space<vmem>>, vector<16xf32>,
        %gt3A_483 = arith.cmpf ogt, %get3A_482, %select_n3A_460 : vector<16xf32>
        %select_n3A_484 = arith.select %gt3A_483, %get3A_482, %select_n3A_460 : vector<16xi1>, vector<16xf32>
        %jit3A_485 = arith.constant 4.000000e+00 : f32
        %broadcast_in_dim3A_486 = vector.broadcast %jit3A_485 : f32 to vector<16xf32>
        %select_n3A_487 = arith.select %gt3A_483, %broadcast_in_dim3A_486, %select_n3A_463 : vector<16xi1>, vector<16xf32>
        %get3A_488 = arith.constant 0 : i32
        %get3A_489 = arith.constant 13 : i32
        %get3A_490 = arith.index_cast %get3A_488 : i32 to index
        %get3A_491 = arith.index_cast %get3A_489 : i32 to index
        %get3A_492 = arith.index_cast %shift_right_logical3A_379 : i32 to index
        %get3A_493 = arith.index_cast %shift_left3A_382 : i32 to index
        %get3A_494 = tpu.vector_load %arg5[%get3A_490, %get3A_491, %get3A_492, %get3A_493] {strides = array<i32>} : memref<2x19x2x512xf32, #tpu.memory_space<vmem>>, vector<16xf32>,
        %gt3A_495 = arith.cmpf ogt, %get3A_494, %select_n3A_472 : vector<16xf32>
        %select_n3A_496 = arith.select %gt3A_495, %get3A_494, %select_n3A_472 : vector<16xi1>, vector<16xf32>
        %jit3A_497 = arith.constant 1.300000e+01 : f32
        %broadcast_in_dim3A_498 = vector.broadcast %jit3A_497 : f32 to vector<16xf32>
        %select_n3A_499 = arith.select %gt3A_495, %broadcast_in_dim3A_498, %select_n3A_475 : vector<16xi1>, vector<16xf32>
        %get3A_500 = arith.constant 0 : i32
        %get3A_501 = arith.constant 5 : i32
        %get3A_502 = arith.index_cast %get3A_500 : i32 to index
        %get3A_503 = arith.index_cast %get3A_501 : i32 to index
        %get3A_504 = arith.index_cast %shift_right_logical3A_379 : i32 to index
        %get3A_505 = arith.index_cast %shift_left3A_382 : i32 to index
        %get3A_506 = tpu.vector_load %arg5[%get3A_502, %get3A_503, %get3A_504, %get3A_505] {strides = array<i32>} : memref<2x19x2x512xf32, #tpu.memory_space<vmem>>, vector<16xf32>,
        %gt3A_507 = arith.cmpf ogt, %get3A_506, %select_n3A_484 : vector<16xf32>
        %select_n3A_508 = arith.select %gt3A_507, %get3A_506, %select_n3A_484 : vector<16xi1>, vector<16xf32>
        %jit3A_509 = arith.constant 5.000000e+00 : f32
        %broadcast_in_dim3A_510 = vector.broadcast %jit3A_509 : f32 to vector<16xf32>
        %select_n3A_511 = arith.select %gt3A_507, %broadcast_in_dim3A_510, %select_n3A_487 : vector<16xi1>, vector<16xf32>
        %get3A_512 = arith.constant 0 : i32
        %get3A_513 = arith.constant 14 : i32
        %get3A_514 = arith.index_cast %get3A_512 : i32 to index
        %get3A_515 = arith.index_cast %get3A_513 : i32 to index
        %get3A_516 = arith.index_cast %shift_right_logical3A_379 : i32 to index
        %get3A_517 = arith.index_cast %shift_left3A_382 : i32 to index
        %get3A_518 = tpu.vector_load %arg5[%get3A_514, %get3A_515, %get3A_516, %get3A_517] {strides = array<i32>} : memref<2x19x2x512xf32, #tpu.memory_space<vmem>>, vector<16xf32>,
        %gt3A_519 = arith.cmpf ogt, %get3A_518, %select_n3A_496 : vector<16xf32>
        %select_n3A_520 = arith.select %gt3A_519, %get3A_518, %select_n3A_496 : vector<16xi1>, vector<16xf32>
        %jit3A_521 = arith.constant 1.400000e+01 : f32
        %broadcast_in_dim3A_522 = vector.broadcast %jit3A_521 : f32 to vector<16xf32>
        %select_n3A_523 = arith.select %gt3A_519, %broadcast_in_dim3A_522, %select_n3A_499 : vector<16xi1>, vector<16xf32>
        %get3A_524 = arith.constant 0 : i32
        %get3A_525 = arith.constant 6 : i32
        %get3A_526 = arith.index_cast %get3A_524 : i32 to index
        %get3A_527 = arith.index_cast %get3A_525 : i32 to index
        %get3A_528 = arith.index_cast %shift_right_logical3A_379 : i32 to index
        %get3A_529 = arith.index_cast %shift_left3A_382 : i32 to index
        %get3A_530 = tpu.vector_load %arg5[%get3A_526, %get3A_527, %get3A_528, %get3A_529] {strides = array<i32>} : memref<2x19x2x512xf32, #tpu.memory_space<vmem>>, vector<16xf32>,
        %gt3A_531 = arith.cmpf ogt, %get3A_530, %select_n3A_508 : vector<16xf32>
        %select_n3A_532 = arith.select %gt3A_531, %get3A_530, %select_n3A_508 : vector<16xi1>, vector<16xf32>
        %jit3A_533 = arith.constant 6.000000e+00 : f32
        %broadcast_in_dim3A_534 = vector.broadcast %jit3A_533 : f32 to vector<16xf32>
        %select_n3A_535 = arith.select %gt3A_531, %broadcast_in_dim3A_534, %select_n3A_511 : vector<16xi1>, vector<16xf32>
        %get3A_536 = arith.constant 0 : i32
        %get3A_537 = arith.constant 15 : i32
        %get3A_538 = arith.index_cast %get3A_536 : i32 to index
        %get3A_539 = arith.index_cast %get3A_537 : i32 to index
        %get3A_540 = arith.index_cast %shift_right_logical3A_379 : i32 to index
        %get3A_541 = arith.index_cast %shift_left3A_382 : i32 to index
        %get3A_542 = tpu.vector_load %arg5[%get3A_538, %get3A_539, %get3A_540, %get3A_541] {strides = array<i32>} : memref<2x19x2x512xf32, #tpu.memory_space<vmem>>, vector<16xf32>,
        %gt3A_543 = arith.cmpf ogt, %get3A_542, %select_n3A_520 : vector<16xf32>
        %select_n3A_544 = arith.select %gt3A_543, %get3A_542, %select_n3A_520 : vector<16xi1>, vector<16xf32>
        %jit3A_545 = arith.constant 1.500000e+01 : f32
        %broadcast_in_dim3A_546 = vector.broadcast %jit3A_545 : f32 to vector<16xf32>
        %select_n3A_547 = arith.select %gt3A_543, %broadcast_in_dim3A_546, %select_n3A_523 : vector<16xi1>, vector<16xf32>
        %get3A_548 = arith.constant 0 : i32
        %get3A_549 = arith.constant 7 : i32
        %get3A_550 = arith.index_cast %get3A_548 : i32 to index
        %get3A_551 = arith.index_cast %get3A_549 : i32 to index
        %get3A_552 = arith.index_cast %shift_right_logical3A_379 : i32 to index
        %get3A_553 = arith.index_cast %shift_left3A_382 : i32 to index
        %get3A_554 = tpu.vector_load %arg5[%get3A_550, %get3A_551, %get3A_552, %get3A_553] {strides = array<i32>} : memref<2x19x2x512xf32, #tpu.memory_space<vmem>>, vector<16xf32>,
        %gt3A_555 = arith.cmpf ogt, %get3A_554, %select_n3A_532 : vector<16xf32>
        %select_n3A_556 = arith.select %gt3A_555, %get3A_554, %select_n3A_532 : vector<16xi1>, vector<16xf32>
        %jit3A_557 = arith.constant 7.000000e+00 : f32
        %broadcast_in_dim3A_558 = vector.broadcast %jit3A_557 : f32 to vector<16xf32>
        %select_n3A_559 = arith.select %gt3A_555, %broadcast_in_dim3A_558, %select_n3A_535 : vector<16xi1>, vector<16xf32>
        %get3A_560 = arith.constant 0 : i32
        %get3A_561 = arith.constant 16 : i32
        %get3A_562 = arith.index_cast %get3A_560 : i32 to index
        %get3A_563 = arith.index_cast %get3A_561 : i32 to index
        %get3A_564 = arith.index_cast %shift_right_logical3A_379 : i32 to index
        %get3A_565 = arith.index_cast %shift_left3A_382 : i32 to index
        %get3A_566 = tpu.vector_load %arg5[%get3A_562, %get3A_563, %get3A_564, %get3A_565] {strides = array<i32>} : memref<2x19x2x512xf32, #tpu.memory_space<vmem>>, vector<16xf32>,
        %gt3A_567 = arith.cmpf ogt, %get3A_566, %select_n3A_544 : vector<16xf32>
        %select_n3A_568 = arith.select %gt3A_567, %get3A_566, %select_n3A_544 : vector<16xi1>, vector<16xf32>
        %jit3A_569 = arith.constant 1.600000e+01 : f32
        %broadcast_in_dim3A_570 = vector.broadcast %jit3A_569 : f32 to vector<16xf32>
        %select_n3A_571 = arith.select %gt3A_567, %broadcast_in_dim3A_570, %select_n3A_547 : vector<16xi1>, vector<16xf32>
        %get3A_572 = arith.constant 0 : i32
        %get3A_573 = arith.constant 8 : i32
        %get3A_574 = arith.index_cast %get3A_572 : i32 to index
        %get3A_575 = arith.index_cast %get3A_573 : i32 to index
        %get3A_576 = arith.index_cast %shift_right_logical3A_379 : i32 to index
        %get3A_577 = arith.index_cast %shift_left3A_382 : i32 to index
        %get3A_578 = tpu.vector_load %arg5[%get3A_574, %get3A_575, %get3A_576, %get3A_577] {strides = array<i32>} : memref<2x19x2x512xf32, #tpu.memory_space<vmem>>, vector<16xf32>,
        %gt3A_579 = arith.cmpf ogt, %get3A_578, %select_n3A_556 : vector<16xf32>
        %select_n3A_580 = arith.select %gt3A_579, %get3A_578, %select_n3A_556 : vector<16xi1>, vector<16xf32>
        %jit3A_581 = arith.constant 8.000000e+00 : f32
        %broadcast_in_dim3A_582 = vector.broadcast %jit3A_581 : f32 to vector<16xf32>
        %select_n3A_583 = arith.select %gt3A_579, %broadcast_in_dim3A_582, %select_n3A_559 : vector<16xi1>, vector<16xf32>
        %get3A_584 = arith.constant 0 : i32
        %get3A_585 = arith.constant 17 : i32
        %get3A_586 = arith.index_cast %get3A_584 : i32 to index
        %get3A_587 = arith.index_cast %get3A_585 : i32 to index
        %get3A_588 = arith.index_cast %shift_right_logical3A_379 : i32 to index
        %get3A_589 = arith.index_cast %shift_left3A_382 : i32 to index
        %get3A_590 = tpu.vector_load %arg5[%get3A_586, %get3A_587, %get3A_588, %get3A_589] {strides = array<i32>} : memref<2x19x2x512xf32, #tpu.memory_space<vmem>>, vector<16xf32>,
        %gt3A_591 = arith.cmpf ogt, %get3A_590, %select_n3A_568 : vector<16xf32>
        %select_n3A_592 = arith.select %gt3A_591, %get3A_590, %select_n3A_568 : vector<16xi1>, vector<16xf32>
        %jit3A_593 = arith.constant 1.700000e+01 : f32
        %broadcast_in_dim3A_594 = vector.broadcast %jit3A_593 : f32 to vector<16xf32>
        %select_n3A_595 = arith.select %gt3A_591, %broadcast_in_dim3A_594, %select_n3A_571 : vector<16xi1>, vector<16xf32>
        %get3A_596 = arith.constant 0 : i32
        %get3A_597 = arith.constant 18 : i32
        %get3A_598 = arith.index_cast %get3A_596 : i32 to index
        %get3A_599 = arith.index_cast %get3A_597 : i32 to index
        %get3A_600 = arith.index_cast %shift_right_logical3A_379 : i32 to index
        %get3A_601 = arith.index_cast %shift_left3A_382 : i32 to index
        %get3A_602 = tpu.vector_load %arg5[%get3A_598, %get3A_599, %get3A_600, %get3A_601] {strides = array<i32>} : memref<2x19x2x512xf32, #tpu.memory_space<vmem>>, vector<16xf32>,
        %gt3A_603 = arith.cmpf ogt, %get3A_602, %select_n3A_592 : vector<16xf32>
        %select_n3A_604 = arith.select %gt3A_603, %get3A_602, %select_n3A_592 : vector<16xi1>, vector<16xf32>
        %jit3A_605 = arith.constant 1.800000e+01 : f32
        %broadcast_in_dim3A_606 = vector.broadcast %jit3A_605 : f32 to vector<16xf32>
        %select_n3A_607 = arith.select %gt3A_603, %broadcast_in_dim3A_606, %select_n3A_595 : vector<16xi1>, vector<16xf32>
        %gt3A_608 = arith.cmpf ogt, %select_n3A_604, %select_n3A_580 : vector<16xf32>
        %select_n3A_609 = arith.select %gt3A_608, %select_n3A_604, %select_n3A_580 : vector<16xi1>, vector<16xf32>
        %select_n3A_610 = arith.select %gt3A_608, %select_n3A_607, %select_n3A_583 : vector<16xi1>, vector<16xf32>
        %get3A_611 = arith.constant 0 : i32
        %get3A_612 = arith.constant 0 : i32
        %get3A_613 = arith.index_cast %get3A_611 : i32 to index
        %get3A_614 = arith.index_cast %get3A_612 : i32 to index
        %get3A_615 = arith.index_cast %shift_right_logical3A_379 : i32 to index
        %get3A_616 = arith.index_cast %shift_left3A_382 : i32 to index
        %get3A_617 = tpu.vector_load %arg5[%get3A_613, %get3A_614, %get3A_615, %get3A_616] {strides = array<i32>} : memref<2x19x2x512xf32, #tpu.memory_space<vmem>>, vector<16xf32>,
        %sub3A_618 = arith.subf %get3A_617, %select_n3A_609 : vector<16xf32>
        %exp3A = math.exp %sub3A_618 : vector<16xf32>
        %get3A_619 = arith.constant 0 : i32
        %get3A_620 = arith.constant 1 : i32
        %get3A_621 = arith.index_cast %get3A_619 : i32 to index
        %get3A_622 = arith.index_cast %get3A_620 : i32 to index
        %get3A_623 = arith.index_cast %shift_right_logical3A_379 : i32 to index
        %get3A_624 = arith.index_cast %shift_left3A_382 : i32 to index
        %get3A_625 = tpu.vector_load %arg5[%get3A_621, %get3A_622, %get3A_623, %get3A_624] {strides = array<i32>} : memref<2x19x2x512xf32, #tpu.memory_space<vmem>>, vector<16xf32>,
        %sub3A_626 = arith.subf %get3A_625, %select_n3A_609 : vector<16xf32>
        %exp3A_627 = math.exp %sub3A_626 : vector<16xf32>
        %get3A_628 = arith.constant 0 : i32
        %get3A_629 = arith.constant 2 : i32
        %get3A_630 = arith.index_cast %get3A_628 : i32 to index
        %get3A_631 = arith.index_cast %get3A_629 : i32 to index
        %get3A_632 = arith.index_cast %shift_right_logical3A_379 : i32 to index
        %get3A_633 = arith.index_cast %shift_left3A_382 : i32 to index
        %get3A_634 = tpu.vector_load %arg5[%get3A_630, %get3A_631, %get3A_632, %get3A_633] {strides = array<i32>} : memref<2x19x2x512xf32, #tpu.memory_space<vmem>>, vector<16xf32>,
        %sub3A_635 = arith.subf %get3A_634, %select_n3A_609 : vector<16xf32>
        %exp3A_636 = math.exp %sub3A_635 : vector<16xf32>
        %add3A_637 = arith.addf %exp3A, %exp3A_636 : vector<16xf32>
        %get3A_638 = arith.constant 0 : i32
        %get3A_639 = arith.constant 3 : i32
        %get3A_640 = arith.index_cast %get3A_638 : i32 to index
        %get3A_641 = arith.index_cast %get3A_639 : i32 to index
        %get3A_642 = arith.index_cast %shift_right_logical3A_379 : i32 to index
        %get3A_643 = arith.index_cast %shift_left3A_382 : i32 to index
        %get3A_644 = tpu.vector_load %arg5[%get3A_640, %get3A_641, %get3A_642, %get3A_643] {strides = array<i32>} : memref<2x19x2x512xf32, #tpu.memory_space<vmem>>, vector<16xf32>,
        %sub3A_645 = arith.subf %get3A_644, %select_n3A_609 : vector<16xf32>
        %exp3A_646 = math.exp %sub3A_645 : vector<16xf32>
        %add3A_647 = arith.addf %exp3A_627, %exp3A_646 : vector<16xf32>
        %get3A_648 = arith.constant 0 : i32
        %get3A_649 = arith.constant 4 : i32
        %get3A_650 = arith.index_cast %get3A_648 : i32 to index
        %get3A_651 = arith.index_cast %get3A_649 : i32 to index
        %get3A_652 = arith.index_cast %shift_right_logical3A_379 : i32 to index
        %get3A_653 = arith.index_cast %shift_left3A_382 : i32 to index
        %get3A_654 = tpu.vector_load %arg5[%get3A_650, %get3A_651, %get3A_652, %get3A_653] {strides = array<i32>} : memref<2x19x2x512xf32, #tpu.memory_space<vmem>>, vector<16xf32>,
        %sub3A_655 = arith.subf %get3A_654, %select_n3A_609 : vector<16xf32>
        %exp3A_656 = math.exp %sub3A_655 : vector<16xf32>
        %add3A_657 = arith.addf %add3A_637, %exp3A_656 : vector<16xf32>
        %get3A_658 = arith.constant 0 : i32
        %get3A_659 = arith.constant 5 : i32
        %get3A_660 = arith.index_cast %get3A_658 : i32 to index
        %get3A_661 = arith.index_cast %get3A_659 : i32 to index
        %get3A_662 = arith.index_cast %shift_right_logical3A_379 : i32 to index
        %get3A_663 = arith.index_cast %shift_left3A_382 : i32 to index
        %get3A_664 = tpu.vector_load %arg5[%get3A_660, %get3A_661, %get3A_662, %get3A_663] {strides = array<i32>} : memref<2x19x2x512xf32, #tpu.memory_space<vmem>>, vector<16xf32>,
        %sub3A_665 = arith.subf %get3A_664, %select_n3A_609 : vector<16xf32>
        %exp3A_666 = math.exp %sub3A_665 : vector<16xf32>
        %add3A_667 = arith.addf %add3A_647, %exp3A_666 : vector<16xf32>
        %get3A_668 = arith.constant 0 : i32
        %get3A_669 = arith.constant 6 : i32
        %get3A_670 = arith.index_cast %get3A_668 : i32 to index
        %get3A_671 = arith.index_cast %get3A_669 : i32 to index
        %get3A_672 = arith.index_cast %shift_right_logical3A_379 : i32 to index
        %get3A_673 = arith.index_cast %shift_left3A_382 : i32 to index
        %get3A_674 = tpu.vector_load %arg5[%get3A_670, %get3A_671, %get3A_672, %get3A_673] {strides = array<i32>} : memref<2x19x2x512xf32, #tpu.memory_space<vmem>>, vector<16xf32>,
        %sub3A_675 = arith.subf %get3A_674, %select_n3A_609 : vector<16xf32>
        %exp3A_676 = math.exp %sub3A_675 : vector<16xf32>
        %add3A_677 = arith.addf %add3A_657, %exp3A_676 : vector<16xf32>
        %get3A_678 = arith.constant 0 : i32
        %get3A_679 = arith.constant 7 : i32
        %get3A_680 = arith.index_cast %get3A_678 : i32 to index
        %get3A_681 = arith.index_cast %get3A_679 : i32 to index
        %get3A_682 = arith.index_cast %shift_right_logical3A_379 : i32 to index
        %get3A_683 = arith.index_cast %shift_left3A_382 : i32 to index
        %get3A_684 = tpu.vector_load %arg5[%get3A_680, %get3A_681, %get3A_682, %get3A_683] {strides = array<i32>} : memref<2x19x2x512xf32, #tpu.memory_space<vmem>>, vector<16xf32>,
        %sub3A_685 = arith.subf %get3A_684, %select_n3A_609 : vector<16xf32>
        %exp3A_686 = math.exp %sub3A_685 : vector<16xf32>
        %add3A_687 = arith.addf %add3A_667, %exp3A_686 : vector<16xf32>
        %get3A_688 = arith.constant 0 : i32
        %get3A_689 = arith.constant 8 : i32
        %get3A_690 = arith.index_cast %get3A_688 : i32 to index
        %get3A_691 = arith.index_cast %get3A_689 : i32 to index
        %get3A_692 = arith.index_cast %shift_right_logical3A_379 : i32 to index
        %get3A_693 = arith.index_cast %shift_left3A_382 : i32 to index
        %get3A_694 = tpu.vector_load %arg5[%get3A_690, %get3A_691, %get3A_692, %get3A_693] {strides = array<i32>} : memref<2x19x2x512xf32, #tpu.memory_space<vmem>>, vector<16xf32>,
        %sub3A_695 = arith.subf %get3A_694, %select_n3A_609 : vector<16xf32>
        %exp3A_696 = math.exp %sub3A_695 : vector<16xf32>
        %add3A_697 = arith.addf %add3A_677, %exp3A_696 : vector<16xf32>
        %get3A_698 = arith.constant 0 : i32
        %get3A_699 = arith.constant 9 : i32
        %get3A_700 = arith.index_cast %get3A_698 : i32 to index
        %get3A_701 = arith.index_cast %get3A_699 : i32 to index
        %get3A_702 = arith.index_cast %shift_right_logical3A_379 : i32 to index
        %get3A_703 = arith.index_cast %shift_left3A_382 : i32 to index
        %get3A_704 = tpu.vector_load %arg5[%get3A_700, %get3A_701, %get3A_702, %get3A_703] {strides = array<i32>} : memref<2x19x2x512xf32, #tpu.memory_space<vmem>>, vector<16xf32>,
        %sub3A_705 = arith.subf %get3A_704, %select_n3A_609 : vector<16xf32>
        %exp3A_706 = math.exp %sub3A_705 : vector<16xf32>
        %add3A_707 = arith.addf %add3A_687, %exp3A_706 : vector<16xf32>
        %get3A_708 = arith.constant 0 : i32
        %get3A_709 = arith.constant 10 : i32
        %get3A_710 = arith.index_cast %get3A_708 : i32 to index
        %get3A_711 = arith.index_cast %get3A_709 : i32 to index
        %get3A_712 = arith.index_cast %shift_right_logical3A_379 : i32 to index
        %get3A_713 = arith.index_cast %shift_left3A_382 : i32 to index
        %get3A_714 = tpu.vector_load %arg5[%get3A_710, %get3A_711, %get3A_712, %get3A_713] {strides = array<i32>} : memref<2x19x2x512xf32, #tpu.memory_space<vmem>>, vector<16xf32>,
        %sub3A_715 = arith.subf %get3A_714, %select_n3A_609 : vector<16xf32>
        %exp3A_716 = math.exp %sub3A_715 : vector<16xf32>
        %add3A_717 = arith.addf %add3A_697, %exp3A_716 : vector<16xf32>
        %get3A_718 = arith.constant 0 : i32
        %get3A_719 = arith.constant 11 : i32
        %get3A_720 = arith.index_cast %get3A_718 : i32 to index
        %get3A_721 = arith.index_cast %get3A_719 : i32 to index
        %get3A_722 = arith.index_cast %shift_right_logical3A_379 : i32 to index
        %get3A_723 = arith.index_cast %shift_left3A_382 : i32 to index
        %get3A_724 = tpu.vector_load %arg5[%get3A_720, %get3A_721, %get3A_722, %get3A_723] {strides = array<i32>} : memref<2x19x2x512xf32, #tpu.memory_space<vmem>>, vector<16xf32>,
        %sub3A_725 = arith.subf %get3A_724, %select_n3A_609 : vector<16xf32>
        %exp3A_726 = math.exp %sub3A_725 : vector<16xf32>
        %add3A_727 = arith.addf %add3A_707, %exp3A_726 : vector<16xf32>
        %get3A_728 = arith.constant 0 : i32
        %get3A_729 = arith.constant 12 : i32
        %get3A_730 = arith.index_cast %get3A_728 : i32 to index
        %get3A_731 = arith.index_cast %get3A_729 : i32 to index
        %get3A_732 = arith.index_cast %shift_right_logical3A_379 : i32 to index
        %get3A_733 = arith.index_cast %shift_left3A_382 : i32 to index
        %get3A_734 = tpu.vector_load %arg5[%get3A_730, %get3A_731, %get3A_732, %get3A_733] {strides = array<i32>} : memref<2x19x2x512xf32, #tpu.memory_space<vmem>>, vector<16xf32>,
        %sub3A_735 = arith.subf %get3A_734, %select_n3A_609 : vector<16xf32>
        %exp3A_736 = math.exp %sub3A_735 : vector<16xf32>
        %add3A_737 = arith.addf %add3A_717, %exp3A_736 : vector<16xf32>
        %get3A_738 = arith.constant 0 : i32
        %get3A_739 = arith.constant 13 : i32
        %get3A_740 = arith.index_cast %get3A_738 : i32 to index
        %get3A_741 = arith.index_cast %get3A_739 : i32 to index
        %get3A_742 = arith.index_cast %shift_right_logical3A_379 : i32 to index
        %get3A_743 = arith.index_cast %shift_left3A_382 : i32 to index
        %get3A_744 = tpu.vector_load %arg5[%get3A_740, %get3A_741, %get3A_742, %get3A_743] {strides = array<i32>} : memref<2x19x2x512xf32, #tpu.memory_space<vmem>>, vector<16xf32>,
        %sub3A_745 = arith.subf %get3A_744, %select_n3A_609 : vector<16xf32>
        %exp3A_746 = math.exp %sub3A_745 : vector<16xf32>
        %add3A_747 = arith.addf %add3A_727, %exp3A_746 : vector<16xf32>
        %get3A_748 = arith.constant 0 : i32
        %get3A_749 = arith.constant 14 : i32
        %get3A_750 = arith.index_cast %get3A_748 : i32 to index
        %get3A_751 = arith.index_cast %get3A_749 : i32 to index
        %get3A_752 = arith.index_cast %shift_right_logical3A_379 : i32 to index
        %get3A_753 = arith.index_cast %shift_left3A_382 : i32 to index
        %get3A_754 = tpu.vector_load %arg5[%get3A_750, %get3A_751, %get3A_752, %get3A_753] {strides = array<i32>} : memref<2x19x2x512xf32, #tpu.memory_space<vmem>>, vector<16xf32>,
        %sub3A_755 = arith.subf %get3A_754, %select_n3A_609 : vector<16xf32>
        %exp3A_756 = math.exp %sub3A_755 : vector<16xf32>
        %add3A_757 = arith.addf %add3A_737, %exp3A_756 : vector<16xf32>
        %get3A_758 = arith.constant 0 : i32
        %get3A_759 = arith.constant 15 : i32
        %get3A_760 = arith.index_cast %get3A_758 : i32 to index
        %get3A_761 = arith.index_cast %get3A_759 : i32 to index
        %get3A_762 = arith.index_cast %shift_right_logical3A_379 : i32 to index
        %get3A_763 = arith.index_cast %shift_left3A_382 : i32 to index
        %get3A_764 = tpu.vector_load %arg5[%get3A_760, %get3A_761, %get3A_762, %get3A_763] {strides = array<i32>} : memref<2x19x2x512xf32, #tpu.memory_space<vmem>>, vector<16xf32>,
        %sub3A_765 = arith.subf %get3A_764, %select_n3A_609 : vector<16xf32>
        %exp3A_766 = math.exp %sub3A_765 : vector<16xf32>
        %add3A_767 = arith.addf %add3A_747, %exp3A_766 : vector<16xf32>
        %get3A_768 = arith.constant 0 : i32
        %get3A_769 = arith.constant 16 : i32
        %get3A_770 = arith.index_cast %get3A_768 : i32 to index
        %get3A_771 = arith.index_cast %get3A_769 : i32 to index
        %get3A_772 = arith.index_cast %shift_right_logical3A_379 : i32 to index
        %get3A_773 = arith.index_cast %shift_left3A_382 : i32 to index
        %get3A_774 = tpu.vector_load %arg5[%get3A_770, %get3A_771, %get3A_772, %get3A_773] {strides = array<i32>} : memref<2x19x2x512xf32, #tpu.memory_space<vmem>>, vector<16xf32>,
        %sub3A_775 = arith.subf %get3A_774, %select_n3A_609 : vector<16xf32>
        %exp3A_776 = math.exp %sub3A_775 : vector<16xf32>
        %add3A_777 = arith.addf %add3A_757, %exp3A_776 : vector<16xf32>
        %get3A_778 = arith.constant 0 : i32
        %get3A_779 = arith.constant 17 : i32
        %get3A_780 = arith.index_cast %get3A_778 : i32 to index
        %get3A_781 = arith.index_cast %get3A_779 : i32 to index
        %get3A_782 = arith.index_cast %shift_right_logical3A_379 : i32 to index
        %get3A_783 = arith.index_cast %shift_left3A_382 : i32 to index
        %get3A_784 = tpu.vector_load %arg5[%get3A_780, %get3A_781, %get3A_782, %get3A_783] {strides = array<i32>} : memref<2x19x2x512xf32, #tpu.memory_space<vmem>>, vector<16xf32>,
        %sub3A_785 = arith.subf %get3A_784, %select_n3A_609 : vector<16xf32>
        %exp3A_786 = math.exp %sub3A_785 : vector<16xf32>
        %add3A_787 = arith.addf %add3A_767, %exp3A_786 : vector<16xf32>
        %get3A_788 = arith.constant 0 : i32
        %get3A_789 = arith.constant 18 : i32
        %get3A_790 = arith.index_cast %get3A_788 : i32 to index
        %get3A_791 = arith.index_cast %get3A_789 : i32 to index
        %get3A_792 = arith.index_cast %shift_right_logical3A_379 : i32 to index
        %get3A_793 = arith.index_cast %shift_left3A_382 : i32 to index
        %get3A_794 = tpu.vector_load %arg5[%get3A_790, %get3A_791, %get3A_792, %get3A_793] {strides = array<i32>} : memref<2x19x2x512xf32, #tpu.memory_space<vmem>>, vector<16xf32>,
        %sub3A_795 = arith.subf %get3A_794, %select_n3A_609 : vector<16xf32>
        %exp3A_796 = math.exp %sub3A_795 : vector<16xf32>
        %add3A_797 = arith.addf %add3A_777, %exp3A_796 : vector<16xf32>
        %add3A_798 = arith.addf %add3A_797, %add3A_787 : vector<16xf32>
        %broadcast_in_dim3A_799 = vector.broadcast %shift_right_logical3A_379 : i32 to vector<16xi32>
        %iota3A = tpu.iota {dimensions = array<i32: 0>} : vector<16xi32>
        %add3A_800 = vector.broadcast %shift_left3A_382 : i32 to vector<16xi32>
        %add3A_801 = arith.addi %add3A_800, %iota3A : vector<16xi32>
        %max3A = arith.constant 0 : i32
        %max3A_802 = vector.broadcast %max3A : i32 to vector<16xi32>
        %max3A_803 = arith.maxsi %get3A_386, %max3A_802 : vector<16xi32>
        %gather3A = arith.constant 0 : i32
        %gather3A_804 = arith.constant 0 : i32
        %gather3A_805 = arith.constant 0 : i32
        %gather3A_806 = tpu.memref_slice %arg5[%scan3A_242, %gather3A, %gather3A_804, %gather3A_805] : memref<2x19x2x512xf32, #tpu.memory_space<vmem>> -> memref<1x19x2x512xf32, #tpu.memory_space<vmem>>
        %gather3A_807 = tpu.memref_squeeze %gather3A_806 : memref<1x19x2x512xf32, #tpu.memory_space<vmem>> -> memref<19x2x512xf32, #tpu.memory_space<vmem>>
        %gather3A_808 = tpu.vector_load_idx %gather3A_807[%max3A_803, %broadcast_in_dim3A_799, %add3A_801] : memref<19x2x512xf32, #tpu.memory_space<vmem>>[vector<16xi32>, vector<16xi32>, vector<16xi32>], vector<16xf32>,
        %bitcast_convert_type3A = tpu.bitcast %add3A_798 : vector<16xf32> -> vector<16xi32>
        %convert_element_type3A = arith.sitofp %bitcast_convert_type3A : vector<16xi32> to vector<16xf32>
        %mul3A_809 = arith.constant 8.26295832E-8 : f32
        %mul3A_810 = vector.broadcast %mul3A_809 : f32 to vector<16xf32>
        %mul3A_811 = arith.mulf %convert_element_type3A, %mul3A_810 : vector<16xf32>
        %sub3A_812 = arith.constant 87.9984665 : f32
        %sub3A_813 = vector.broadcast %sub3A_812 : f32 to vector<16xf32>
        %sub3A_814 = arith.subf %mul3A_811, %sub3A_813 : vector<16xf32>
        %neg3A = arith.constant 0.000000e+00 : f32
        %neg3A_815 = vector.broadcast %neg3A : f32 to vector<16xf32>
        %neg3A_816 = arith.subf %neg3A_815, %sub3A_814 : vector<16xf32>
        %exp3A_817 = math.exp %neg3A_816 : vector<16xf32>
        %mul3A_818 = arith.mulf %add3A_798, %exp3A_817 : vector<16xf32>
        %add3A_819 = arith.addf %sub3A_814, %mul3A_818 : vector<16xf32>
        %sub3A_820 = arith.constant 1.000000e+00 : f32
        %sub3A_821 = vector.broadcast %sub3A_820 : f32 to vector<16xf32>
        %sub3A_822 = arith.subf %add3A_819, %sub3A_821 : vector<16xf32>
        %neg3A_823 = arith.constant 0.000000e+00 : f32
        %neg3A_824 = vector.broadcast %neg3A_823 : f32 to vector<16xf32>
        %neg3A_825 = arith.subf %neg3A_824, %sub3A_822 : vector<16xf32>
        %exp3A_826 = math.exp %neg3A_825 : vector<16xf32>
        %mul3A_827 = arith.mulf %add3A_798, %exp3A_826 : vector<16xf32>
        %add3A_828 = arith.addf %sub3A_822, %mul3A_827 : vector<16xf32>
        %sub3A_829 = arith.constant 1.000000e+00 : f32
        %sub3A_830 = vector.broadcast %sub3A_829 : f32 to vector<16xf32>
        %sub3A_831 = arith.subf %add3A_828, %sub3A_830 : vector<16xf32>
        %add3A_832 = arith.addf %sub3A_831, %select_n3A_609 : vector<16xf32>
        %ge3A = arith.constant 0 : i32
        %ge3A_833 = vector.broadcast %ge3A : i32 to vector<16xi32>
        %ge3A_834 = arith.cmpi sge, %get3A_386, %ge3A_833 : vector<16xi32>
        %jit3A_835 = arith.constant 1.000000e+00 : f32
        %jit3A_836 = arith.constant 0.000000e+00 : f32
        %broadcast_in_dim3A_837 = vector.broadcast %jit3A_835 : f32 to vector<16xf32>
        %broadcast_in_dim3A_838 = vector.broadcast %jit3A_836 : f32 to vector<16xf32>
        %select_n3A_839 = arith.select %ge3A_834, %broadcast_in_dim3A_837, %broadcast_in_dim3A_838 : vector<16xi1>, vector<16xf32>
        %convert_element_type3A_840 = arith.sitofp %get3A_386 : vector<16xi32> to vector<16xf32>
        %sub3A_841 = arith.subf %add3A_832, %gather3A_808 : vector<16xf32>
        %jit3A_842 = arith.constant 0.000000e+00 : f32
        %broadcast_in_dim3A_843 = vector.broadcast %jit3A_842 : f32 to vector<16xf32>
        %select_n3A_844 = arith.select %ge3A_834, %sub3A_841, %broadcast_in_dim3A_843 : vector<16xi1>, vector<16xf32>
        %add3A_845 = arith.addf %scan3A_374, %select_n3A_844 : vector<16xf32>
        %add3A_846 = arith.addf %scan3A_375, %select_n3A_839 : vector<16xf32>
        %mul3A_847 = arith.mulf %select_n3A_610, %convert_element_type3A_840 : vector<16xf32>
        %add3A_848 = arith.addf %scan3A_376, %mul3A_847 : vector<16xf32>
        %mul3A_849 = arith.mulf %select_n3A_610, %select_n3A_610 : vector<16xf32>
        %add3A_850 = arith.addf %scan3A_377, %mul3A_849 : vector<16xf32>
        %mul3A_851 = arith.mulf %convert_element_type3A_840, %convert_element_type3A_840 : vector<16xf32>
        %add3A_852 = arith.addf %scan3A_378, %mul3A_851 : vector<16xf32>
        scf.yield %add3A_845, %add3A_846, %add3A_848, %add3A_850, %add3A_852 : vector<16xf32>, vector<16xf32>, vector<16xf32>, vector<16xf32>, vector<16xf32>
      }
      %scan3A_248 = arith.constant 64 : i32
      %add3A_249 = arith.constant 2 : i32
      %add3A_250 = arith.addi %add3A_207, %add3A_249 : i32
      %min3A = arith.constant 11 : i32
      %min3A_251 = arith.minsi %add3A_250, %min3A : i32
      %mul3A_252 = arith.constant 2 : i32
      %mul3A_253 = arith.muli %min3A_251, %mul3A_252 : i32
      %add3A_254 = arith.addi %add3A_34, %mul3A_253 : i32
      %dma_start3A_255 = arith.constant 0 : i32
      %dma_start3A_256 = arith.constant 0 : i32
      %dma_start3A_257 = arith.constant 0 : i32
      %dma_start3A_258 = arith.constant 0 : i32
      %dma_start3A_259 = tpu.memref_slice %arg5[%dma_start3A_255, %dma_start3A_256, %dma_start3A_257, %dma_start3A_258] : memref<2x19x2x512xf32, #tpu.memory_space<vmem>> -> memref<1x19x2x512xf32, #tpu.memory_space<vmem>>
      %dma_start3A_260 = tpu.memref_squeeze %dma_start3A_259 : memref<1x19x2x512xf32, #tpu.memory_space<vmem>> -> memref<19x2x512xf32, #tpu.memory_space<vmem>>
      %dma_start3A_261 = arith.constant 0 : i32
      %dma_start3A_262 = arith.constant 0 : i32
      %dma_start3A_263 = tpu.memref_slice %arg2[%select_n3A, %dma_start3A_261, %add3A_254, %dma_start3A_262] : memref<4x19x512x512xf32, #tpu.memory_space<hbm>> -> memref<1x19x2x512xf32, #tpu.memory_space<hbm>>
      %dma_start3A_264 = tpu.memref_squeeze %dma_start3A_263 : memref<1x19x2x512xf32, #tpu.memory_space<hbm>> -> memref<19x2x512xf32, #tpu.memory_space<hbm>>
      %dma_start3A_265 = arith.constant 0 : i32
      %dma_start3A_266 = arith.constant 0 : i32
      %dma_start3A_267 = arith.constant 0 : i32
      %dma_start3A_268 = tpu.memref_slice %arg5[%dma_start3A_255, %dma_start3A_265, %dma_start3A_266, %dma_start3A_267] : memref<2x19x2x512xf32, #tpu.memory_space<vmem>> -> memref<1x19x2x512xf32, #tpu.memory_space<vmem>>
      %dma_start3A_269 = tpu.memref_squeeze %dma_start3A_268 : memref<1x19x2x512xf32, #tpu.memory_space<vmem>> -> memref<19x2x512xf32, #tpu.memory_space<vmem>>
      %dma_start3A_270 = arith.constant 0 : i32
      %dma_start3A_271 = arith.constant 0 : i32
      %dma_start3A_272 = tpu.memref_slice %arg2[%select_n3A, %dma_start3A_270, %add3A_254, %dma_start3A_271] : memref<4x19x512x512xf32, #tpu.memory_space<hbm>> -> memref<1x19x2x512xf32, #tpu.memory_space<hbm>>
      %dma_start3A_273 = tpu.memref_squeeze %dma_start3A_272 : memref<1x19x2x512xf32, #tpu.memory_space<hbm>> -> memref<19x2x512xf32, #tpu.memory_space<hbm>>
      tpu.enqueue_dma source(%dma_start3A_273 : memref<19x2x512xf32, #tpu.memory_space<hbm>>) target(%dma_start3A_269 : memref<19x2x512xf32, #tpu.memory_space<vmem>>) target_semaphore(%arg8 : memref<!tpu.dma_semaphore, #tpu.memory_space<semaphore_mem>>)
      %dma_start3A_274 = arith.constant 0 : i32
      %dma_start3A_275 = arith.constant 0 : i32
      %dma_start3A_276 = arith.constant 0 : i32
      %dma_start3A_277 = tpu.memref_slice %arg6[%dma_start3A_274, %dma_start3A_275, %dma_start3A_276] : memref<2x2x512xi32, #tpu.memory_space<vmem>> -> memref<1x2x512xi32, #tpu.memory_space<vmem>>
      %dma_start3A_278 = tpu.memref_squeeze %dma_start3A_277 : memref<1x2x512xi32, #tpu.memory_space<vmem>> -> memref<2x512xi32, #tpu.memory_space<vmem>>
      %dma_start3A_279 = arith.constant 0 : i32
      %dma_start3A_280 = tpu.memref_slice %arg3[%select_n3A, %add3A_254, %dma_start3A_279] : memref<4x512x512xi32, #tpu.memory_space<hbm>> -> memref<1x2x512xi32, #tpu.memory_space<hbm>>
      %dma_start3A_281 = tpu.memref_squeeze %dma_start3A_280 : memref<1x2x512xi32, #tpu.memory_space<hbm>> -> memref<2x512xi32, #tpu.memory_space<hbm>>
      %dma_start3A_282 = arith.constant 0 : i32
      %dma_start3A_283 = arith.constant 0 : i32
      %dma_start3A_284 = tpu.memref_slice %arg6[%dma_start3A_274, %dma_start3A_282, %dma_start3A_283] : memref<2x2x512xi32, #tpu.memory_space<vmem>> -> memref<1x2x512xi32, #tpu.memory_space<vmem>>
      %dma_start3A_285 = tpu.memref_squeeze %dma_start3A_284 : memref<1x2x512xi32, #tpu.memory_space<vmem>> -> memref<2x512xi32, #tpu.memory_space<vmem>>
      %dma_start3A_286 = arith.constant 0 : i32
      %dma_start3A_287 = tpu.memref_slice %arg3[%select_n3A, %add3A_254, %dma_start3A_286] : memref<4x512x512xi32, #tpu.memory_space<hbm>> -> memref<1x2x512xi32, #tpu.memory_space<hbm>>
      %dma_start3A_288 = tpu.memref_squeeze %dma_start3A_287 : memref<1x2x512xi32, #tpu.memory_space<hbm>> -> memref<2x512xi32, #tpu.memory_space<hbm>>
      tpu.enqueue_dma source(%dma_start3A_288 : memref<2x512xi32, #tpu.memory_space<hbm>>) target(%dma_start3A_285 : memref<2x512xi32, #tpu.memory_space<vmem>>) target_semaphore(%arg10 : memref<!tpu.dma_semaphore, #tpu.memory_space<semaphore_mem>>)
      %add3A_289 = arith.constant 1 : i32
      %add3A_290 = arith.addi %mul3A_205, %add3A_289 : i32
      %dma_wait3A_291 = arith.constant 1 : i32
      %dma_wait3A_292 = arith.constant 0 : i32
      %dma_wait3A_293 = arith.constant 0 : i32
      %dma_wait3A_294 = arith.constant 0 : i32
      %dma_wait3A_295 = tpu.memref_slice %arg5[%dma_wait3A_291, %dma_wait3A_292, %dma_wait3A_293, %dma_wait3A_294] : memref<2x19x2x512xf32, #tpu.memory_space<vmem>> -> memref<1x19x2x512xf32, #tpu.memory_space<vmem>>
      %dma_wait3A_296 = tpu.memref_squeeze %dma_wait3A_295 : memref<1x19x2x512xf32, #tpu.memory_space<vmem>> -> memref<19x2x512xf32, #tpu.memory_space<vmem>>
      %dma_wait3A_297 = arith.constant 0 : i32
      %dma_wait3A_298 = arith.constant 0 : i32
      %dma_wait3A_299 = tpu.memref_slice %arg2[%select_n3A, %dma_wait3A_297, %add3A_34, %dma_wait3A_298] : memref<4x19x512x512xf32, #tpu.memory_space<hbm>> -> memref<1x19x2x512xf32, #tpu.memory_space<hbm>>
      %dma_wait3A_300 = tpu.memref_squeeze %dma_wait3A_299 : memref<1x19x2x512xf32, #tpu.memory_space<hbm>> -> memref<19x2x512xf32, #tpu.memory_space<hbm>>
      %dma_wait3A_301 = arith.constant 0 : i32
      %dma_wait3A_302 = arith.constant 0 : i32
      %dma_wait3A_303 = arith.constant 0 : i32
      %dma_wait3A_304 = tpu.memref_slice %arg5[%dma_wait3A_291, %dma_wait3A_301, %dma_wait3A_302, %dma_wait3A_303] : memref<2x19x2x512xf32, #tpu.memory_space<vmem>> -> memref<1x19x2x512xf32, #tpu.memory_space<vmem>>
      %dma_wait3A_305 = tpu.memref_squeeze %dma_wait3A_304 : memref<1x19x2x512xf32, #tpu.memory_space<vmem>> -> memref<19x2x512xf32, #tpu.memory_space<vmem>>
      %dma_wait3A_306 = arith.constant 0 : i32
      %dma_wait3A_307 = arith.constant 0 : i32
      %dma_wait3A_308 = tpu.memref_slice %arg2[%select_n3A, %dma_wait3A_306, %add3A_34, %dma_wait3A_307] : memref<4x19x512x512xf32, #tpu.memory_space<hbm>> -> memref<1x19x2x512xf32, #tpu.memory_space<hbm>>
      %dma_wait3A_309 = tpu.memref_squeeze %dma_wait3A_308 : memref<1x19x2x512xf32, #tpu.memory_space<hbm>> -> memref<19x2x512xf32, #tpu.memory_space<hbm>>
      tpu.wait_dma2 semaphore(%arg9 : memref<!tpu.dma_semaphore, #tpu.memory_space<semaphore_mem>>) src(%dma_wait3A_309 : memref<19x2x512xf32, #tpu.memory_space<hbm>>) dst(%dma_wait3A_305 : memref<19x2x512xf32, #tpu.memory_space<vmem>>)
      %dma_wait3A_310 = arith.constant 1 : i32
      %dma_wait3A_311 = arith.constant 0 : i32
      %dma_wait3A_312 = arith.constant 0 : i32
      %dma_wait3A_313 = tpu.memref_slice %arg6[%dma_wait3A_310, %dma_wait3A_311, %dma_wait3A_312] : memref<2x2x512xi32, #tpu.memory_space<vmem>> -> memref<1x2x512xi32, #tpu.memory_space<vmem>>
      %dma_wait3A_314 = tpu.memref_squeeze %dma_wait3A_313 : memref<1x2x512xi32, #tpu.memory_space<vmem>> -> memref<2x512xi32, #tpu.memory_space<vmem>>
      %dma_wait3A_315 = arith.constant 0 : i32
      %dma_wait3A_316 = tpu.memref_slice %arg3[%select_n3A, %add3A_34, %dma_wait3A_315] : memref<4x512x512xi32, #tpu.memory_space<hbm>> -> memref<1x2x512xi32, #tpu.memory_space<hbm>>
      %dma_wait3A_317 = tpu.memref_squeeze %dma_wait3A_316 : memref<1x2x512xi32, #tpu.memory_space<hbm>> -> memref<2x512xi32, #tpu.memory_space<hbm>>
      %dma_wait3A_318 = arith.constant 0 : i32
      %dma_wait3A_319 = arith.constant 0 : i32
      %dma_wait3A_320 = tpu.memref_slice %arg6[%dma_wait3A_310, %dma_wait3A_318, %dma_wait3A_319] : memref<2x2x512xi32, #tpu.memory_space<vmem>> -> memref<1x2x512xi32, #tpu.memory_space<vmem>>
      %dma_wait3A_321 = tpu.memref_squeeze %dma_wait3A_320 : memref<1x2x512xi32, #tpu.memory_space<vmem>> -> memref<2x512xi32, #tpu.memory_space<vmem>>
      %dma_wait3A_322 = arith.constant 0 : i32
      %dma_wait3A_323 = tpu.memref_slice %arg3[%select_n3A, %add3A_34, %dma_wait3A_322] : memref<4x512x512xi32, #tpu.memory_space<hbm>> -> memref<1x2x512xi32, #tpu.memory_space<hbm>>
      %dma_wait3A_324 = tpu.memref_squeeze %dma_wait3A_323 : memref<1x2x512xi32, #tpu.memory_space<hbm>> -> memref<2x512xi32, #tpu.memory_space<hbm>>
      tpu.wait_dma2 semaphore(%arg11 : memref<!tpu.dma_semaphore, #tpu.memory_space<semaphore_mem>>) src(%dma_wait3A_324 : memref<2x512xi32, #tpu.memory_space<hbm>>) dst(%dma_wait3A_321 : memref<2x512xi32, #tpu.memory_space<vmem>>)
      %scan3A_325 = arith.constant 1 : i32
      %scan3A_326 = arith.constant 0 : i32
      %scan3A_327 = arith.constant 64 : i32
      %scan3A_328 = arith.addi %scan3A_326, %scan3A_327 : i32
      %scan3A_329 = arith.constant 1 : i32
      %scan3A_330:5 = scf.for %scan3A_373 = %scan3A_326 to %scan3A_328 step %scan3A_329 iter_args(%scan3A_374 = %scan3A_247#0, %scan3A_375 = %scan3A_247#1, %scan3A_376 = %scan3A_247#2, %scan3A_377 = %scan3A_247#3, %scan3A_378 = %scan3A_247#4) -> (vector<16xf32>, vector<16xf32>, vector<16xf32>, vector<16xf32>, vector<16xf32>)  : i32 {
        %shift_right_logical3A = arith.constant 5 : i32
        %shift_right_logical3A_379 = arith.shrui %scan3A_373, %shift_right_logical3A : i32
        %and3A_380 = arith.constant 31 : i32
        %and3A_381 = arith.andi %scan3A_373, %and3A_380 : i32
        %shift_left3A = arith.constant 4 : i32
        %shift_left3A_382 = arith.shli %and3A_381, %shift_left3A : i32
        %get3A = arith.constant 1 : i32
        %get3A_383 = arith.index_cast %get3A : i32 to index
        %get3A_384 = arith.index_cast %shift_right_logical3A_379 : i32 to index
        %get3A_385 = arith.index_cast %shift_left3A_382 : i32 to index
        %get3A_386 = tpu.vector_load %arg6[%get3A_383, %get3A_384, %get3A_385] {strides = array<i32>} : memref<2x2x512xi32, #tpu.memory_space<vmem>>, vector<16xi32>,
        %get3A_387 = arith.constant 1 : i32
        %get3A_388 = arith.constant 0 : i32
        %get3A_389 = arith.index_cast %get3A_387 : i32 to index
        %get3A_390 = arith.index_cast %get3A_388 : i32 to index
        %get3A_391 = arith.index_cast %shift_right_logical3A_379 : i32 to index
        %get3A_392 = arith.index_cast %shift_left3A_382 : i32 to index
        %get3A_393 = tpu.vector_load %arg5[%get3A_389, %get3A_390, %get3A_391, %get3A_392] {strides = array<i32>} : memref<2x19x2x512xf32, #tpu.memory_space<vmem>>, vector<16xf32>,
        %broadcast_in_dim3A_394 = arith.constant 0.000000e+00 : f32
        %broadcast_in_dim3A_395 = vector.broadcast %broadcast_in_dim3A_394 : f32 to vector<16xf32>
        %get3A_396 = arith.constant 1 : i32
        %get3A_397 = arith.constant 9 : i32
        %get3A_398 = arith.index_cast %get3A_396 : i32 to index
        %get3A_399 = arith.index_cast %get3A_397 : i32 to index
        %get3A_400 = arith.index_cast %shift_right_logical3A_379 : i32 to index
        %get3A_401 = arith.index_cast %shift_left3A_382 : i32 to index
        %get3A_402 = tpu.vector_load %arg5[%get3A_398, %get3A_399, %get3A_400, %get3A_401] {strides = array<i32>} : memref<2x19x2x512xf32, #tpu.memory_space<vmem>>, vector<16xf32>,
        %broadcast_in_dim3A_403 = arith.constant 9.000000e+00 : f32
        %broadcast_in_dim3A_404 = vector.broadcast %broadcast_in_dim3A_403 : f32 to vector<16xf32>
        %get3A_405 = arith.constant 1 : i32
        %get3A_406 = arith.constant 1 : i32
        %get3A_407 = arith.index_cast %get3A_405 : i32 to index
        %get3A_408 = arith.index_cast %get3A_406 : i32 to index
        %get3A_409 = arith.index_cast %shift_right_logical3A_379 : i32 to index
        %get3A_410 = arith.index_cast %shift_left3A_382 : i32 to index
        %get3A_411 = tpu.vector_load %arg5[%get3A_407, %get3A_408, %get3A_409, %get3A_410] {strides = array<i32>} : memref<2x19x2x512xf32, #tpu.memory_space<vmem>>, vector<16xf32>,
        %gt3A = arith.cmpf ogt, %get3A_411, %get3A_393 : vector<16xf32>
        %select_n3A_412 = arith.select %gt3A, %get3A_411, %get3A_393 : vector<16xi1>, vector<16xf32>
        %jit3A_413 = arith.constant 1.000000e+00 : f32
        %broadcast_in_dim3A_414 = vector.broadcast %jit3A_413 : f32 to vector<16xf32>
        %select_n3A_415 = arith.select %gt3A, %broadcast_in_dim3A_414, %broadcast_in_dim3A_395 : vector<16xi1>, vector<16xf32>
        %get3A_416 = arith.constant 1 : i32
        %get3A_417 = arith.constant 10 : i32
        %get3A_418 = arith.index_cast %get3A_416 : i32 to index
        %get3A_419 = arith.index_cast %get3A_417 : i32 to index
        %get3A_420 = arith.index_cast %shift_right_logical3A_379 : i32 to index
        %get3A_421 = arith.index_cast %shift_left3A_382 : i32 to index
        %get3A_422 = tpu.vector_load %arg5[%get3A_418, %get3A_419, %get3A_420, %get3A_421] {strides = array<i32>} : memref<2x19x2x512xf32, #tpu.memory_space<vmem>>, vector<16xf32>,
        %gt3A_423 = arith.cmpf ogt, %get3A_422, %get3A_402 : vector<16xf32>
        %select_n3A_424 = arith.select %gt3A_423, %get3A_422, %get3A_402 : vector<16xi1>, vector<16xf32>
        %jit3A_425 = arith.constant 1.000000e+01 : f32
        %broadcast_in_dim3A_426 = vector.broadcast %jit3A_425 : f32 to vector<16xf32>
        %select_n3A_427 = arith.select %gt3A_423, %broadcast_in_dim3A_426, %broadcast_in_dim3A_404 : vector<16xi1>, vector<16xf32>
        %get3A_428 = arith.constant 1 : i32
        %get3A_429 = arith.constant 2 : i32
        %get3A_430 = arith.index_cast %get3A_428 : i32 to index
        %get3A_431 = arith.index_cast %get3A_429 : i32 to index
        %get3A_432 = arith.index_cast %shift_right_logical3A_379 : i32 to index
        %get3A_433 = arith.index_cast %shift_left3A_382 : i32 to index
        %get3A_434 = tpu.vector_load %arg5[%get3A_430, %get3A_431, %get3A_432, %get3A_433] {strides = array<i32>} : memref<2x19x2x512xf32, #tpu.memory_space<vmem>>, vector<16xf32>,
        %gt3A_435 = arith.cmpf ogt, %get3A_434, %select_n3A_412 : vector<16xf32>
        %select_n3A_436 = arith.select %gt3A_435, %get3A_434, %select_n3A_412 : vector<16xi1>, vector<16xf32>
        %jit3A_437 = arith.constant 2.000000e+00 : f32
        %broadcast_in_dim3A_438 = vector.broadcast %jit3A_437 : f32 to vector<16xf32>
        %select_n3A_439 = arith.select %gt3A_435, %broadcast_in_dim3A_438, %select_n3A_415 : vector<16xi1>, vector<16xf32>
        %get3A_440 = arith.constant 1 : i32
        %get3A_441 = arith.constant 11 : i32
        %get3A_442 = arith.index_cast %get3A_440 : i32 to index
        %get3A_443 = arith.index_cast %get3A_441 : i32 to index
        %get3A_444 = arith.index_cast %shift_right_logical3A_379 : i32 to index
        %get3A_445 = arith.index_cast %shift_left3A_382 : i32 to index
        %get3A_446 = tpu.vector_load %arg5[%get3A_442, %get3A_443, %get3A_444, %get3A_445] {strides = array<i32>} : memref<2x19x2x512xf32, #tpu.memory_space<vmem>>, vector<16xf32>,
        %gt3A_447 = arith.cmpf ogt, %get3A_446, %select_n3A_424 : vector<16xf32>
        %select_n3A_448 = arith.select %gt3A_447, %get3A_446, %select_n3A_424 : vector<16xi1>, vector<16xf32>
        %jit3A_449 = arith.constant 1.100000e+01 : f32
        %broadcast_in_dim3A_450 = vector.broadcast %jit3A_449 : f32 to vector<16xf32>
        %select_n3A_451 = arith.select %gt3A_447, %broadcast_in_dim3A_450, %select_n3A_427 : vector<16xi1>, vector<16xf32>
        %get3A_452 = arith.constant 1 : i32
        %get3A_453 = arith.constant 3 : i32
        %get3A_454 = arith.index_cast %get3A_452 : i32 to index
        %get3A_455 = arith.index_cast %get3A_453 : i32 to index
        %get3A_456 = arith.index_cast %shift_right_logical3A_379 : i32 to index
        %get3A_457 = arith.index_cast %shift_left3A_382 : i32 to index
        %get3A_458 = tpu.vector_load %arg5[%get3A_454, %get3A_455, %get3A_456, %get3A_457] {strides = array<i32>} : memref<2x19x2x512xf32, #tpu.memory_space<vmem>>, vector<16xf32>,
        %gt3A_459 = arith.cmpf ogt, %get3A_458, %select_n3A_436 : vector<16xf32>
        %select_n3A_460 = arith.select %gt3A_459, %get3A_458, %select_n3A_436 : vector<16xi1>, vector<16xf32>
        %jit3A_461 = arith.constant 3.000000e+00 : f32
        %broadcast_in_dim3A_462 = vector.broadcast %jit3A_461 : f32 to vector<16xf32>
        %select_n3A_463 = arith.select %gt3A_459, %broadcast_in_dim3A_462, %select_n3A_439 : vector<16xi1>, vector<16xf32>
        %get3A_464 = arith.constant 1 : i32
        %get3A_465 = arith.constant 12 : i32
        %get3A_466 = arith.index_cast %get3A_464 : i32 to index
        %get3A_467 = arith.index_cast %get3A_465 : i32 to index
        %get3A_468 = arith.index_cast %shift_right_logical3A_379 : i32 to index
        %get3A_469 = arith.index_cast %shift_left3A_382 : i32 to index
        %get3A_470 = tpu.vector_load %arg5[%get3A_466, %get3A_467, %get3A_468, %get3A_469] {strides = array<i32>} : memref<2x19x2x512xf32, #tpu.memory_space<vmem>>, vector<16xf32>,
        %gt3A_471 = arith.cmpf ogt, %get3A_470, %select_n3A_448 : vector<16xf32>
        %select_n3A_472 = arith.select %gt3A_471, %get3A_470, %select_n3A_448 : vector<16xi1>, vector<16xf32>
        %jit3A_473 = arith.constant 1.200000e+01 : f32
        %broadcast_in_dim3A_474 = vector.broadcast %jit3A_473 : f32 to vector<16xf32>
        %select_n3A_475 = arith.select %gt3A_471, %broadcast_in_dim3A_474, %select_n3A_451 : vector<16xi1>, vector<16xf32>
        %get3A_476 = arith.constant 1 : i32
        %get3A_477 = arith.constant 4 : i32
        %get3A_478 = arith.index_cast %get3A_476 : i32 to index
        %get3A_479 = arith.index_cast %get3A_477 : i32 to index
        %get3A_480 = arith.index_cast %shift_right_logical3A_379 : i32 to index
        %get3A_481 = arith.index_cast %shift_left3A_382 : i32 to index
        %get3A_482 = tpu.vector_load %arg5[%get3A_478, %get3A_479, %get3A_480, %get3A_481] {strides = array<i32>} : memref<2x19x2x512xf32, #tpu.memory_space<vmem>>, vector<16xf32>,
        %gt3A_483 = arith.cmpf ogt, %get3A_482, %select_n3A_460 : vector<16xf32>
        %select_n3A_484 = arith.select %gt3A_483, %get3A_482, %select_n3A_460 : vector<16xi1>, vector<16xf32>
        %jit3A_485 = arith.constant 4.000000e+00 : f32
        %broadcast_in_dim3A_486 = vector.broadcast %jit3A_485 : f32 to vector<16xf32>
        %select_n3A_487 = arith.select %gt3A_483, %broadcast_in_dim3A_486, %select_n3A_463 : vector<16xi1>, vector<16xf32>
        %get3A_488 = arith.constant 1 : i32
        %get3A_489 = arith.constant 13 : i32
        %get3A_490 = arith.index_cast %get3A_488 : i32 to index
        %get3A_491 = arith.index_cast %get3A_489 : i32 to index
        %get3A_492 = arith.index_cast %shift_right_logical3A_379 : i32 to index
        %get3A_493 = arith.index_cast %shift_left3A_382 : i32 to index
        %get3A_494 = tpu.vector_load %arg5[%get3A_490, %get3A_491, %get3A_492, %get3A_493] {strides = array<i32>} : memref<2x19x2x512xf32, #tpu.memory_space<vmem>>, vector<16xf32>,
        %gt3A_495 = arith.cmpf ogt, %get3A_494, %select_n3A_472 : vector<16xf32>
        %select_n3A_496 = arith.select %gt3A_495, %get3A_494, %select_n3A_472 : vector<16xi1>, vector<16xf32>
        %jit3A_497 = arith.constant 1.300000e+01 : f32
        %broadcast_in_dim3A_498 = vector.broadcast %jit3A_497 : f32 to vector<16xf32>
        %select_n3A_499 = arith.select %gt3A_495, %broadcast_in_dim3A_498, %select_n3A_475 : vector<16xi1>, vector<16xf32>
        %get3A_500 = arith.constant 1 : i32
        %get3A_501 = arith.constant 5 : i32
        %get3A_502 = arith.index_cast %get3A_500 : i32 to index
        %get3A_503 = arith.index_cast %get3A_501 : i32 to index
        %get3A_504 = arith.index_cast %shift_right_logical3A_379 : i32 to index
        %get3A_505 = arith.index_cast %shift_left3A_382 : i32 to index
        %get3A_506 = tpu.vector_load %arg5[%get3A_502, %get3A_503, %get3A_504, %get3A_505] {strides = array<i32>} : memref<2x19x2x512xf32, #tpu.memory_space<vmem>>, vector<16xf32>,
        %gt3A_507 = arith.cmpf ogt, %get3A_506, %select_n3A_484 : vector<16xf32>
        %select_n3A_508 = arith.select %gt3A_507, %get3A_506, %select_n3A_484 : vector<16xi1>, vector<16xf32>
        %jit3A_509 = arith.constant 5.000000e+00 : f32
        %broadcast_in_dim3A_510 = vector.broadcast %jit3A_509 : f32 to vector<16xf32>
        %select_n3A_511 = arith.select %gt3A_507, %broadcast_in_dim3A_510, %select_n3A_487 : vector<16xi1>, vector<16xf32>
        %get3A_512 = arith.constant 1 : i32
        %get3A_513 = arith.constant 14 : i32
        %get3A_514 = arith.index_cast %get3A_512 : i32 to index
        %get3A_515 = arith.index_cast %get3A_513 : i32 to index
        %get3A_516 = arith.index_cast %shift_right_logical3A_379 : i32 to index
        %get3A_517 = arith.index_cast %shift_left3A_382 : i32 to index
        %get3A_518 = tpu.vector_load %arg5[%get3A_514, %get3A_515, %get3A_516, %get3A_517] {strides = array<i32>} : memref<2x19x2x512xf32, #tpu.memory_space<vmem>>, vector<16xf32>,
        %gt3A_519 = arith.cmpf ogt, %get3A_518, %select_n3A_496 : vector<16xf32>
        %select_n3A_520 = arith.select %gt3A_519, %get3A_518, %select_n3A_496 : vector<16xi1>, vector<16xf32>
        %jit3A_521 = arith.constant 1.400000e+01 : f32
        %broadcast_in_dim3A_522 = vector.broadcast %jit3A_521 : f32 to vector<16xf32>
        %select_n3A_523 = arith.select %gt3A_519, %broadcast_in_dim3A_522, %select_n3A_499 : vector<16xi1>, vector<16xf32>
        %get3A_524 = arith.constant 1 : i32
        %get3A_525 = arith.constant 6 : i32
        %get3A_526 = arith.index_cast %get3A_524 : i32 to index
        %get3A_527 = arith.index_cast %get3A_525 : i32 to index
        %get3A_528 = arith.index_cast %shift_right_logical3A_379 : i32 to index
        %get3A_529 = arith.index_cast %shift_left3A_382 : i32 to index
        %get3A_530 = tpu.vector_load %arg5[%get3A_526, %get3A_527, %get3A_528, %get3A_529] {strides = array<i32>} : memref<2x19x2x512xf32, #tpu.memory_space<vmem>>, vector<16xf32>,
        %gt3A_531 = arith.cmpf ogt, %get3A_530, %select_n3A_508 : vector<16xf32>
        %select_n3A_532 = arith.select %gt3A_531, %get3A_530, %select_n3A_508 : vector<16xi1>, vector<16xf32>
        %jit3A_533 = arith.constant 6.000000e+00 : f32
        %broadcast_in_dim3A_534 = vector.broadcast %jit3A_533 : f32 to vector<16xf32>
        %select_n3A_535 = arith.select %gt3A_531, %broadcast_in_dim3A_534, %select_n3A_511 : vector<16xi1>, vector<16xf32>
        %get3A_536 = arith.constant 1 : i32
        %get3A_537 = arith.constant 15 : i32
        %get3A_538 = arith.index_cast %get3A_536 : i32 to index
        %get3A_539 = arith.index_cast %get3A_537 : i32 to index
        %get3A_540 = arith.index_cast %shift_right_logical3A_379 : i32 to index
        %get3A_541 = arith.index_cast %shift_left3A_382 : i32 to index
        %get3A_542 = tpu.vector_load %arg5[%get3A_538, %get3A_539, %get3A_540, %get3A_541] {strides = array<i32>} : memref<2x19x2x512xf32, #tpu.memory_space<vmem>>, vector<16xf32>,
        %gt3A_543 = arith.cmpf ogt, %get3A_542, %select_n3A_520 : vector<16xf32>
        %select_n3A_544 = arith.select %gt3A_543, %get3A_542, %select_n3A_520 : vector<16xi1>, vector<16xf32>
        %jit3A_545 = arith.constant 1.500000e+01 : f32
        %broadcast_in_dim3A_546 = vector.broadcast %jit3A_545 : f32 to vector<16xf32>
        %select_n3A_547 = arith.select %gt3A_543, %broadcast_in_dim3A_546, %select_n3A_523 : vector<16xi1>, vector<16xf32>
        %get3A_548 = arith.constant 1 : i32
        %get3A_549 = arith.constant 7 : i32
        %get3A_550 = arith.index_cast %get3A_548 : i32 to index
        %get3A_551 = arith.index_cast %get3A_549 : i32 to index
        %get3A_552 = arith.index_cast %shift_right_logical3A_379 : i32 to index
        %get3A_553 = arith.index_cast %shift_left3A_382 : i32 to index
        %get3A_554 = tpu.vector_load %arg5[%get3A_550, %get3A_551, %get3A_552, %get3A_553] {strides = array<i32>} : memref<2x19x2x512xf32, #tpu.memory_space<vmem>>, vector<16xf32>,
        %gt3A_555 = arith.cmpf ogt, %get3A_554, %select_n3A_532 : vector<16xf32>
        %select_n3A_556 = arith.select %gt3A_555, %get3A_554, %select_n3A_532 : vector<16xi1>, vector<16xf32>
        %jit3A_557 = arith.constant 7.000000e+00 : f32
        %broadcast_in_dim3A_558 = vector.broadcast %jit3A_557 : f32 to vector<16xf32>
        %select_n3A_559 = arith.select %gt3A_555, %broadcast_in_dim3A_558, %select_n3A_535 : vector<16xi1>, vector<16xf32>
        %get3A_560 = arith.constant 1 : i32
        %get3A_561 = arith.constant 16 : i32
        %get3A_562 = arith.index_cast %get3A_560 : i32 to index
        %get3A_563 = arith.index_cast %get3A_561 : i32 to index
        %get3A_564 = arith.index_cast %shift_right_logical3A_379 : i32 to index
        %get3A_565 = arith.index_cast %shift_left3A_382 : i32 to index
        %get3A_566 = tpu.vector_load %arg5[%get3A_562, %get3A_563, %get3A_564, %get3A_565] {strides = array<i32>} : memref<2x19x2x512xf32, #tpu.memory_space<vmem>>, vector<16xf32>,
        %gt3A_567 = arith.cmpf ogt, %get3A_566, %select_n3A_544 : vector<16xf32>
        %select_n3A_568 = arith.select %gt3A_567, %get3A_566, %select_n3A_544 : vector<16xi1>, vector<16xf32>
        %jit3A_569 = arith.constant 1.600000e+01 : f32
        %broadcast_in_dim3A_570 = vector.broadcast %jit3A_569 : f32 to vector<16xf32>
        %select_n3A_571 = arith.select %gt3A_567, %broadcast_in_dim3A_570, %select_n3A_547 : vector<16xi1>, vector<16xf32>
        %get3A_572 = arith.constant 1 : i32
        %get3A_573 = arith.constant 8 : i32
        %get3A_574 = arith.index_cast %get3A_572 : i32 to index
        %get3A_575 = arith.index_cast %get3A_573 : i32 to index
        %get3A_576 = arith.index_cast %shift_right_logical3A_379 : i32 to index
        %get3A_577 = arith.index_cast %shift_left3A_382 : i32 to index
        %get3A_578 = tpu.vector_load %arg5[%get3A_574, %get3A_575, %get3A_576, %get3A_577] {strides = array<i32>} : memref<2x19x2x512xf32, #tpu.memory_space<vmem>>, vector<16xf32>,
        %gt3A_579 = arith.cmpf ogt, %get3A_578, %select_n3A_556 : vector<16xf32>
        %select_n3A_580 = arith.select %gt3A_579, %get3A_578, %select_n3A_556 : vector<16xi1>, vector<16xf32>
        %jit3A_581 = arith.constant 8.000000e+00 : f32
        %broadcast_in_dim3A_582 = vector.broadcast %jit3A_581 : f32 to vector<16xf32>
        %select_n3A_583 = arith.select %gt3A_579, %broadcast_in_dim3A_582, %select_n3A_559 : vector<16xi1>, vector<16xf32>
        %get3A_584 = arith.constant 1 : i32
        %get3A_585 = arith.constant 17 : i32
        %get3A_586 = arith.index_cast %get3A_584 : i32 to index
        %get3A_587 = arith.index_cast %get3A_585 : i32 to index
        %get3A_588 = arith.index_cast %shift_right_logical3A_379 : i32 to index
        %get3A_589 = arith.index_cast %shift_left3A_382 : i32 to index
        %get3A_590 = tpu.vector_load %arg5[%get3A_586, %get3A_587, %get3A_588, %get3A_589] {strides = array<i32>} : memref<2x19x2x512xf32, #tpu.memory_space<vmem>>, vector<16xf32>,
        %gt3A_591 = arith.cmpf ogt, %get3A_590, %select_n3A_568 : vector<16xf32>
        %select_n3A_592 = arith.select %gt3A_591, %get3A_590, %select_n3A_568 : vector<16xi1>, vector<16xf32>
        %jit3A_593 = arith.constant 1.700000e+01 : f32
        %broadcast_in_dim3A_594 = vector.broadcast %jit3A_593 : f32 to vector<16xf32>
        %select_n3A_595 = arith.select %gt3A_591, %broadcast_in_dim3A_594, %select_n3A_571 : vector<16xi1>, vector<16xf32>
        %get3A_596 = arith.constant 1 : i32
        %get3A_597 = arith.constant 18 : i32
        %get3A_598 = arith.index_cast %get3A_596 : i32 to index
        %get3A_599 = arith.index_cast %get3A_597 : i32 to index
        %get3A_600 = arith.index_cast %shift_right_logical3A_379 : i32 to index
        %get3A_601 = arith.index_cast %shift_left3A_382 : i32 to index
        %get3A_602 = tpu.vector_load %arg5[%get3A_598, %get3A_599, %get3A_600, %get3A_601] {strides = array<i32>} : memref<2x19x2x512xf32, #tpu.memory_space<vmem>>, vector<16xf32>,
        %gt3A_603 = arith.cmpf ogt, %get3A_602, %select_n3A_592 : vector<16xf32>
        %select_n3A_604 = arith.select %gt3A_603, %get3A_602, %select_n3A_592 : vector<16xi1>, vector<16xf32>
        %jit3A_605 = arith.constant 1.800000e+01 : f32
        %broadcast_in_dim3A_606 = vector.broadcast %jit3A_605 : f32 to vector<16xf32>
        %select_n3A_607 = arith.select %gt3A_603, %broadcast_in_dim3A_606, %select_n3A_595 : vector<16xi1>, vector<16xf32>
        %gt3A_608 = arith.cmpf ogt, %select_n3A_604, %select_n3A_580 : vector<16xf32>
        %select_n3A_609 = arith.select %gt3A_608, %select_n3A_604, %select_n3A_580 : vector<16xi1>, vector<16xf32>
        %select_n3A_610 = arith.select %gt3A_608, %select_n3A_607, %select_n3A_583 : vector<16xi1>, vector<16xf32>
        %get3A_611 = arith.constant 1 : i32
        %get3A_612 = arith.constant 0 : i32
        %get3A_613 = arith.index_cast %get3A_611 : i32 to index
        %get3A_614 = arith.index_cast %get3A_612 : i32 to index
        %get3A_615 = arith.index_cast %shift_right_logical3A_379 : i32 to index
        %get3A_616 = arith.index_cast %shift_left3A_382 : i32 to index
        %get3A_617 = tpu.vector_load %arg5[%get3A_613, %get3A_614, %get3A_615, %get3A_616] {strides = array<i32>} : memref<2x19x2x512xf32, #tpu.memory_space<vmem>>, vector<16xf32>,
        %sub3A_618 = arith.subf %get3A_617, %select_n3A_609 : vector<16xf32>
        %exp3A = math.exp %sub3A_618 : vector<16xf32>
        %get3A_619 = arith.constant 1 : i32
        %get3A_620 = arith.constant 1 : i32
        %get3A_621 = arith.index_cast %get3A_619 : i32 to index
        %get3A_622 = arith.index_cast %get3A_620 : i32 to index
        %get3A_623 = arith.index_cast %shift_right_logical3A_379 : i32 to index
        %get3A_624 = arith.index_cast %shift_left3A_382 : i32 to index
        %get3A_625 = tpu.vector_load %arg5[%get3A_621, %get3A_622, %get3A_623, %get3A_624] {strides = array<i32>} : memref<2x19x2x512xf32, #tpu.memory_space<vmem>>, vector<16xf32>,
        %sub3A_626 = arith.subf %get3A_625, %select_n3A_609 : vector<16xf32>
        %exp3A_627 = math.exp %sub3A_626 : vector<16xf32>
        %get3A_628 = arith.constant 1 : i32
        %get3A_629 = arith.constant 2 : i32
        %get3A_630 = arith.index_cast %get3A_628 : i32 to index
        %get3A_631 = arith.index_cast %get3A_629 : i32 to index
        %get3A_632 = arith.index_cast %shift_right_logical3A_379 : i32 to index
        %get3A_633 = arith.index_cast %shift_left3A_382 : i32 to index
        %get3A_634 = tpu.vector_load %arg5[%get3A_630, %get3A_631, %get3A_632, %get3A_633] {strides = array<i32>} : memref<2x19x2x512xf32, #tpu.memory_space<vmem>>, vector<16xf32>,
        %sub3A_635 = arith.subf %get3A_634, %select_n3A_609 : vector<16xf32>
        %exp3A_636 = math.exp %sub3A_635 : vector<16xf32>
        %add3A_637 = arith.addf %exp3A, %exp3A_636 : vector<16xf32>
        %get3A_638 = arith.constant 1 : i32
        %get3A_639 = arith.constant 3 : i32
        %get3A_640 = arith.index_cast %get3A_638 : i32 to index
        %get3A_641 = arith.index_cast %get3A_639 : i32 to index
        %get3A_642 = arith.index_cast %shift_right_logical3A_379 : i32 to index
        %get3A_643 = arith.index_cast %shift_left3A_382 : i32 to index
        %get3A_644 = tpu.vector_load %arg5[%get3A_640, %get3A_641, %get3A_642, %get3A_643] {strides = array<i32>} : memref<2x19x2x512xf32, #tpu.memory_space<vmem>>, vector<16xf32>,
        %sub3A_645 = arith.subf %get3A_644, %select_n3A_609 : vector<16xf32>
        %exp3A_646 = math.exp %sub3A_645 : vector<16xf32>
        %add3A_647 = arith.addf %exp3A_627, %exp3A_646 : vector<16xf32>
        %get3A_648 = arith.constant 1 : i32
        %get3A_649 = arith.constant 4 : i32
        %get3A_650 = arith.index_cast %get3A_648 : i32 to index
        %get3A_651 = arith.index_cast %get3A_649 : i32 to index
        %get3A_652 = arith.index_cast %shift_right_logical3A_379 : i32 to index
        %get3A_653 = arith.index_cast %shift_left3A_382 : i32 to index
        %get3A_654 = tpu.vector_load %arg5[%get3A_650, %get3A_651, %get3A_652, %get3A_653] {strides = array<i32>} : memref<2x19x2x512xf32, #tpu.memory_space<vmem>>, vector<16xf32>,
        %sub3A_655 = arith.subf %get3A_654, %select_n3A_609 : vector<16xf32>
        %exp3A_656 = math.exp %sub3A_655 : vector<16xf32>
        %add3A_657 = arith.addf %add3A_637, %exp3A_656 : vector<16xf32>
        %get3A_658 = arith.constant 1 : i32
        %get3A_659 = arith.constant 5 : i32
        %get3A_660 = arith.index_cast %get3A_658 : i32 to index
        %get3A_661 = arith.index_cast %get3A_659 : i32 to index
        %get3A_662 = arith.index_cast %shift_right_logical3A_379 : i32 to index
        %get3A_663 = arith.index_cast %shift_left3A_382 : i32 to index
        %get3A_664 = tpu.vector_load %arg5[%get3A_660, %get3A_661, %get3A_662, %get3A_663] {strides = array<i32>} : memref<2x19x2x512xf32, #tpu.memory_space<vmem>>, vector<16xf32>,
        %sub3A_665 = arith.subf %get3A_664, %select_n3A_609 : vector<16xf32>
        %exp3A_666 = math.exp %sub3A_665 : vector<16xf32>
        %add3A_667 = arith.addf %add3A_647, %exp3A_666 : vector<16xf32>
        %get3A_668 = arith.constant 1 : i32
        %get3A_669 = arith.constant 6 : i32
        %get3A_670 = arith.index_cast %get3A_668 : i32 to index
        %get3A_671 = arith.index_cast %get3A_669 : i32 to index
        %get3A_672 = arith.index_cast %shift_right_logical3A_379 : i32 to index
        %get3A_673 = arith.index_cast %shift_left3A_382 : i32 to index
        %get3A_674 = tpu.vector_load %arg5[%get3A_670, %get3A_671, %get3A_672, %get3A_673] {strides = array<i32>} : memref<2x19x2x512xf32, #tpu.memory_space<vmem>>, vector<16xf32>,
        %sub3A_675 = arith.subf %get3A_674, %select_n3A_609 : vector<16xf32>
        %exp3A_676 = math.exp %sub3A_675 : vector<16xf32>
        %add3A_677 = arith.addf %add3A_657, %exp3A_676 : vector<16xf32>
        %get3A_678 = arith.constant 1 : i32
        %get3A_679 = arith.constant 7 : i32
        %get3A_680 = arith.index_cast %get3A_678 : i32 to index
        %get3A_681 = arith.index_cast %get3A_679 : i32 to index
        %get3A_682 = arith.index_cast %shift_right_logical3A_379 : i32 to index
        %get3A_683 = arith.index_cast %shift_left3A_382 : i32 to index
        %get3A_684 = tpu.vector_load %arg5[%get3A_680, %get3A_681, %get3A_682, %get3A_683] {strides = array<i32>} : memref<2x19x2x512xf32, #tpu.memory_space<vmem>>, vector<16xf32>,
        %sub3A_685 = arith.subf %get3A_684, %select_n3A_609 : vector<16xf32>
        %exp3A_686 = math.exp %sub3A_685 : vector<16xf32>
        %add3A_687 = arith.addf %add3A_667, %exp3A_686 : vector<16xf32>
        %get3A_688 = arith.constant 1 : i32
        %get3A_689 = arith.constant 8 : i32
        %get3A_690 = arith.index_cast %get3A_688 : i32 to index
        %get3A_691 = arith.index_cast %get3A_689 : i32 to index
        %get3A_692 = arith.index_cast %shift_right_logical3A_379 : i32 to index
        %get3A_693 = arith.index_cast %shift_left3A_382 : i32 to index
        %get3A_694 = tpu.vector_load %arg5[%get3A_690, %get3A_691, %get3A_692, %get3A_693] {strides = array<i32>} : memref<2x19x2x512xf32, #tpu.memory_space<vmem>>, vector<16xf32>,
        %sub3A_695 = arith.subf %get3A_694, %select_n3A_609 : vector<16xf32>
        %exp3A_696 = math.exp %sub3A_695 : vector<16xf32>
        %add3A_697 = arith.addf %add3A_677, %exp3A_696 : vector<16xf32>
        %get3A_698 = arith.constant 1 : i32
        %get3A_699 = arith.constant 9 : i32
        %get3A_700 = arith.index_cast %get3A_698 : i32 to index
        %get3A_701 = arith.index_cast %get3A_699 : i32 to index
        %get3A_702 = arith.index_cast %shift_right_logical3A_379 : i32 to index
        %get3A_703 = arith.index_cast %shift_left3A_382 : i32 to index
        %get3A_704 = tpu.vector_load %arg5[%get3A_700, %get3A_701, %get3A_702, %get3A_703] {strides = array<i32>} : memref<2x19x2x512xf32, #tpu.memory_space<vmem>>, vector<16xf32>,
        %sub3A_705 = arith.subf %get3A_704, %select_n3A_609 : vector<16xf32>
        %exp3A_706 = math.exp %sub3A_705 : vector<16xf32>
        %add3A_707 = arith.addf %add3A_687, %exp3A_706 : vector<16xf32>
        %get3A_708 = arith.constant 1 : i32
        %get3A_709 = arith.constant 10 : i32
        %get3A_710 = arith.index_cast %get3A_708 : i32 to index
        %get3A_711 = arith.index_cast %get3A_709 : i32 to index
        %get3A_712 = arith.index_cast %shift_right_logical3A_379 : i32 to index
        %get3A_713 = arith.index_cast %shift_left3A_382 : i32 to index
        %get3A_714 = tpu.vector_load %arg5[%get3A_710, %get3A_711, %get3A_712, %get3A_713] {strides = array<i32>} : memref<2x19x2x512xf32, #tpu.memory_space<vmem>>, vector<16xf32>,
        %sub3A_715 = arith.subf %get3A_714, %select_n3A_609 : vector<16xf32>
        %exp3A_716 = math.exp %sub3A_715 : vector<16xf32>
        %add3A_717 = arith.addf %add3A_697, %exp3A_716 : vector<16xf32>
        %get3A_718 = arith.constant 1 : i32
        %get3A_719 = arith.constant 11 : i32
        %get3A_720 = arith.index_cast %get3A_718 : i32 to index
        %get3A_721 = arith.index_cast %get3A_719 : i32 to index
        %get3A_722 = arith.index_cast %shift_right_logical3A_379 : i32 to index
        %get3A_723 = arith.index_cast %shift_left3A_382 : i32 to index
        %get3A_724 = tpu.vector_load %arg5[%get3A_720, %get3A_721, %get3A_722, %get3A_723] {strides = array<i32>} : memref<2x19x2x512xf32, #tpu.memory_space<vmem>>, vector<16xf32>,
        %sub3A_725 = arith.subf %get3A_724, %select_n3A_609 : vector<16xf32>
        %exp3A_726 = math.exp %sub3A_725 : vector<16xf32>
        %add3A_727 = arith.addf %add3A_707, %exp3A_726 : vector<16xf32>
        %get3A_728 = arith.constant 1 : i32
        %get3A_729 = arith.constant 12 : i32
        %get3A_730 = arith.index_cast %get3A_728 : i32 to index
        %get3A_731 = arith.index_cast %get3A_729 : i32 to index
        %get3A_732 = arith.index_cast %shift_right_logical3A_379 : i32 to index
        %get3A_733 = arith.index_cast %shift_left3A_382 : i32 to index
        %get3A_734 = tpu.vector_load %arg5[%get3A_730, %get3A_731, %get3A_732, %get3A_733] {strides = array<i32>} : memref<2x19x2x512xf32, #tpu.memory_space<vmem>>, vector<16xf32>,
        %sub3A_735 = arith.subf %get3A_734, %select_n3A_609 : vector<16xf32>
        %exp3A_736 = math.exp %sub3A_735 : vector<16xf32>
        %add3A_737 = arith.addf %add3A_717, %exp3A_736 : vector<16xf32>
        %get3A_738 = arith.constant 1 : i32
        %get3A_739 = arith.constant 13 : i32
        %get3A_740 = arith.index_cast %get3A_738 : i32 to index
        %get3A_741 = arith.index_cast %get3A_739 : i32 to index
        %get3A_742 = arith.index_cast %shift_right_logical3A_379 : i32 to index
        %get3A_743 = arith.index_cast %shift_left3A_382 : i32 to index
        %get3A_744 = tpu.vector_load %arg5[%get3A_740, %get3A_741, %get3A_742, %get3A_743] {strides = array<i32>} : memref<2x19x2x512xf32, #tpu.memory_space<vmem>>, vector<16xf32>,
        %sub3A_745 = arith.subf %get3A_744, %select_n3A_609 : vector<16xf32>
        %exp3A_746 = math.exp %sub3A_745 : vector<16xf32>
        %add3A_747 = arith.addf %add3A_727, %exp3A_746 : vector<16xf32>
        %get3A_748 = arith.constant 1 : i32
        %get3A_749 = arith.constant 14 : i32
        %get3A_750 = arith.index_cast %get3A_748 : i32 to index
        %get3A_751 = arith.index_cast %get3A_749 : i32 to index
        %get3A_752 = arith.index_cast %shift_right_logical3A_379 : i32 to index
        %get3A_753 = arith.index_cast %shift_left3A_382 : i32 to index
        %get3A_754 = tpu.vector_load %arg5[%get3A_750, %get3A_751, %get3A_752, %get3A_753] {strides = array<i32>} : memref<2x19x2x512xf32, #tpu.memory_space<vmem>>, vector<16xf32>,
        %sub3A_755 = arith.subf %get3A_754, %select_n3A_609 : vector<16xf32>
        %exp3A_756 = math.exp %sub3A_755 : vector<16xf32>
        %add3A_757 = arith.addf %add3A_737, %exp3A_756 : vector<16xf32>
        %get3A_758 = arith.constant 1 : i32
        %get3A_759 = arith.constant 15 : i32
        %get3A_760 = arith.index_cast %get3A_758 : i32 to index
        %get3A_761 = arith.index_cast %get3A_759 : i32 to index
        %get3A_762 = arith.index_cast %shift_right_logical3A_379 : i32 to index
        %get3A_763 = arith.index_cast %shift_left3A_382 : i32 to index
        %get3A_764 = tpu.vector_load %arg5[%get3A_760, %get3A_761, %get3A_762, %get3A_763] {strides = array<i32>} : memref<2x19x2x512xf32, #tpu.memory_space<vmem>>, vector<16xf32>,
        %sub3A_765 = arith.subf %get3A_764, %select_n3A_609 : vector<16xf32>
        %exp3A_766 = math.exp %sub3A_765 : vector<16xf32>
        %add3A_767 = arith.addf %add3A_747, %exp3A_766 : vector<16xf32>
        %get3A_768 = arith.constant 1 : i32
        %get3A_769 = arith.constant 16 : i32
        %get3A_770 = arith.index_cast %get3A_768 : i32 to index
        %get3A_771 = arith.index_cast %get3A_769 : i32 to index
        %get3A_772 = arith.index_cast %shift_right_logical3A_379 : i32 to index
        %get3A_773 = arith.index_cast %shift_left3A_382 : i32 to index
        %get3A_774 = tpu.vector_load %arg5[%get3A_770, %get3A_771, %get3A_772, %get3A_773] {strides = array<i32>} : memref<2x19x2x512xf32, #tpu.memory_space<vmem>>, vector<16xf32>,
        %sub3A_775 = arith.subf %get3A_774, %select_n3A_609 : vector<16xf32>
        %exp3A_776 = math.exp %sub3A_775 : vector<16xf32>
        %add3A_777 = arith.addf %add3A_757, %exp3A_776 : vector<16xf32>
        %get3A_778 = arith.constant 1 : i32
        %get3A_779 = arith.constant 17 : i32
        %get3A_780 = arith.index_cast %get3A_778 : i32 to index
        %get3A_781 = arith.index_cast %get3A_779 : i32 to index
        %get3A_782 = arith.index_cast %shift_right_logical3A_379 : i32 to index
        %get3A_783 = arith.index_cast %shift_left3A_382 : i32 to index
        %get3A_784 = tpu.vector_load %arg5[%get3A_780, %get3A_781, %get3A_782, %get3A_783] {strides = array<i32>} : memref<2x19x2x512xf32, #tpu.memory_space<vmem>>, vector<16xf32>,
        %sub3A_785 = arith.subf %get3A_784, %select_n3A_609 : vector<16xf32>
        %exp3A_786 = math.exp %sub3A_785 : vector<16xf32>
        %add3A_787 = arith.addf %add3A_767, %exp3A_786 : vector<16xf32>
        %get3A_788 = arith.constant 1 : i32
        %get3A_789 = arith.constant 18 : i32
        %get3A_790 = arith.index_cast %get3A_788 : i32 to index
        %get3A_791 = arith.index_cast %get3A_789 : i32 to index
        %get3A_792 = arith.index_cast %shift_right_logical3A_379 : i32 to index
        %get3A_793 = arith.index_cast %shift_left3A_382 : i32 to index
        %get3A_794 = tpu.vector_load %arg5[%get3A_790, %get3A_791, %get3A_792, %get3A_793] {strides = array<i32>} : memref<2x19x2x512xf32, #tpu.memory_space<vmem>>, vector<16xf32>,
        %sub3A_795 = arith.subf %get3A_794, %select_n3A_609 : vector<16xf32>
        %exp3A_796 = math.exp %sub3A_795 : vector<16xf32>
        %add3A_797 = arith.addf %add3A_777, %exp3A_796 : vector<16xf32>
        %add3A_798 = arith.addf %add3A_797, %add3A_787 : vector<16xf32>
        %broadcast_in_dim3A_799 = vector.broadcast %shift_right_logical3A_379 : i32 to vector<16xi32>
        %iota3A = tpu.iota {dimensions = array<i32: 0>} : vector<16xi32>
        %add3A_800 = vector.broadcast %shift_left3A_382 : i32 to vector<16xi32>
        %add3A_801 = arith.addi %add3A_800, %iota3A : vector<16xi32>
        %max3A = arith.constant 0 : i32
        %max3A_802 = vector.broadcast %max3A : i32 to vector<16xi32>
        %max3A_803 = arith.maxsi %get3A_386, %max3A_802 : vector<16xi32>
        %gather3A = arith.constant 0 : i32
        %gather3A_804 = arith.constant 0 : i32
        %gather3A_805 = arith.constant 0 : i32
        %gather3A_806 = tpu.memref_slice %arg5[%scan3A_325, %gather3A, %gather3A_804, %gather3A_805] : memref<2x19x2x512xf32, #tpu.memory_space<vmem>> -> memref<1x19x2x512xf32, #tpu.memory_space<vmem>>
        %gather3A_807 = tpu.memref_squeeze %gather3A_806 : memref<1x19x2x512xf32, #tpu.memory_space<vmem>> -> memref<19x2x512xf32, #tpu.memory_space<vmem>>
        %gather3A_808 = tpu.vector_load_idx %gather3A_807[%max3A_803, %broadcast_in_dim3A_799, %add3A_801] : memref<19x2x512xf32, #tpu.memory_space<vmem>>[vector<16xi32>, vector<16xi32>, vector<16xi32>], vector<16xf32>,
        %bitcast_convert_type3A = tpu.bitcast %add3A_798 : vector<16xf32> -> vector<16xi32>
        %convert_element_type3A = arith.sitofp %bitcast_convert_type3A : vector<16xi32> to vector<16xf32>
        %mul3A_809 = arith.constant 8.26295832E-8 : f32
        %mul3A_810 = vector.broadcast %mul3A_809 : f32 to vector<16xf32>
        %mul3A_811 = arith.mulf %convert_element_type3A, %mul3A_810 : vector<16xf32>
        %sub3A_812 = arith.constant 87.9984665 : f32
        %sub3A_813 = vector.broadcast %sub3A_812 : f32 to vector<16xf32>
        %sub3A_814 = arith.subf %mul3A_811, %sub3A_813 : vector<16xf32>
        %neg3A = arith.constant 0.000000e+00 : f32
        %neg3A_815 = vector.broadcast %neg3A : f32 to vector<16xf32>
        %neg3A_816 = arith.subf %neg3A_815, %sub3A_814 : vector<16xf32>
        %exp3A_817 = math.exp %neg3A_816 : vector<16xf32>
        %mul3A_818 = arith.mulf %add3A_798, %exp3A_817 : vector<16xf32>
        %add3A_819 = arith.addf %sub3A_814, %mul3A_818 : vector<16xf32>
        %sub3A_820 = arith.constant 1.000000e+00 : f32
        %sub3A_821 = vector.broadcast %sub3A_820 : f32 to vector<16xf32>
        %sub3A_822 = arith.subf %add3A_819, %sub3A_821 : vector<16xf32>
        %neg3A_823 = arith.constant 0.000000e+00 : f32
        %neg3A_824 = vector.broadcast %neg3A_823 : f32 to vector<16xf32>
        %neg3A_825 = arith.subf %neg3A_824, %sub3A_822 : vector<16xf32>
        %exp3A_826 = math.exp %neg3A_825 : vector<16xf32>
        %mul3A_827 = arith.mulf %add3A_798, %exp3A_826 : vector<16xf32>
        %add3A_828 = arith.addf %sub3A_822, %mul3A_827 : vector<16xf32>
        %sub3A_829 = arith.constant 1.000000e+00 : f32
        %sub3A_830 = vector.broadcast %sub3A_829 : f32 to vector<16xf32>
        %sub3A_831 = arith.subf %add3A_828, %sub3A_830 : vector<16xf32>
        %add3A_832 = arith.addf %sub3A_831, %select_n3A_609 : vector<16xf32>
        %ge3A = arith.constant 0 : i32
        %ge3A_833 = vector.broadcast %ge3A : i32 to vector<16xi32>
        %ge3A_834 = arith.cmpi sge, %get3A_386, %ge3A_833 : vector<16xi32>
        %jit3A_835 = arith.constant 1.000000e+00 : f32
        %jit3A_836 = arith.constant 0.000000e+00 : f32
        %broadcast_in_dim3A_837 = vector.broadcast %jit3A_835 : f32 to vector<16xf32>
        %broadcast_in_dim3A_838 = vector.broadcast %jit3A_836 : f32 to vector<16xf32>
        %select_n3A_839 = arith.select %ge3A_834, %broadcast_in_dim3A_837, %broadcast_in_dim3A_838 : vector<16xi1>, vector<16xf32>
        %convert_element_type3A_840 = arith.sitofp %get3A_386 : vector<16xi32> to vector<16xf32>
        %sub3A_841 = arith.subf %add3A_832, %gather3A_808 : vector<16xf32>
        %jit3A_842 = arith.constant 0.000000e+00 : f32
        %broadcast_in_dim3A_843 = vector.broadcast %jit3A_842 : f32 to vector<16xf32>
        %select_n3A_844 = arith.select %ge3A_834, %sub3A_841, %broadcast_in_dim3A_843 : vector<16xi1>, vector<16xf32>
        %add3A_845 = arith.addf %scan3A_374, %select_n3A_844 : vector<16xf32>
        %add3A_846 = arith.addf %scan3A_375, %select_n3A_839 : vector<16xf32>
        %mul3A_847 = arith.mulf %select_n3A_610, %convert_element_type3A_840 : vector<16xf32>
        %add3A_848 = arith.addf %scan3A_376, %mul3A_847 : vector<16xf32>
        %mul3A_849 = arith.mulf %select_n3A_610, %select_n3A_610 : vector<16xf32>
        %add3A_850 = arith.addf %scan3A_377, %mul3A_849 : vector<16xf32>
        %mul3A_851 = arith.mulf %convert_element_type3A_840, %convert_element_type3A_840 : vector<16xf32>
        %add3A_852 = arith.addf %scan3A_378, %mul3A_851 : vector<16xf32>
        scf.yield %add3A_845, %add3A_846, %add3A_848, %add3A_850, %add3A_852 : vector<16xf32>, vector<16xf32>, vector<16xf32>, vector<16xf32>, vector<16xf32>
      }
      %scan3A_331 = arith.constant 64 : i32
      %add3A_332 = arith.constant 2 : i32
      %add3A_333 = arith.addi %add3A_290, %add3A_332 : i32
      %min3A_334 = arith.constant 11 : i32
      %min3A_335 = arith.minsi %add3A_333, %min3A_334 : i32
      %mul3A_336 = arith.constant 2 : i32
      %mul3A_337 = arith.muli %min3A_335, %mul3A_336 : i32
      %add3A_338 = arith.addi %add3A_34, %mul3A_337 : i32
      %dma_start3A_339 = arith.constant 1 : i32
      %dma_start3A_340 = arith.constant 0 : i32
      %dma_start3A_341 = arith.constant 0 : i32
      %dma_start3A_342 = arith.constant 0 : i32
      %dma_start3A_343 = tpu.memref_slice %arg5[%dma_start3A_339, %dma_start3A_340, %dma_start3A_341, %dma_start3A_342] : memref<2x19x2x512xf32, #tpu.memory_space<vmem>> -> memref<1x19x2x512xf32, #tpu.memory_space<vmem>>
      %dma_start3A_344 = tpu.memref_squeeze %dma_start3A_343 : memref<1x19x2x512xf32, #tpu.memory_space<vmem>> -> memref<19x2x512xf32, #tpu.memory_space<vmem>>
      %dma_start3A_345 = arith.constant 0 : i32
      %dma_start3A_346 = arith.constant 0 : i32
      %dma_start3A_347 = tpu.memref_slice %arg2[%select_n3A, %dma_start3A_345, %add3A_338, %dma_start3A_346] : memref<4x19x512x512xf32, #tpu.memory_space<hbm>> -> memref<1x19x2x512xf32, #tpu.memory_space<hbm>>
      %dma_start3A_348 = tpu.memref_squeeze %dma_start3A_347 : memref<1x19x2x512xf32, #tpu.memory_space<hbm>> -> memref<19x2x512xf32, #tpu.memory_space<hbm>>
      %dma_start3A_349 = arith.constant 0 : i32
      %dma_start3A_350 = arith.constant 0 : i32
      %dma_start3A_351 = arith.constant 0 : i32
      %dma_start3A_352 = tpu.memref_slice %arg5[%dma_start3A_339, %dma_start3A_349, %dma_start3A_350, %dma_start3A_351] : memref<2x19x2x512xf32, #tpu.memory_space<vmem>> -> memref<1x19x2x512xf32, #tpu.memory_space<vmem>>
      %dma_start3A_353 = tpu.memref_squeeze %dma_start3A_352 : memref<1x19x2x512xf32, #tpu.memory_space<vmem>> -> memref<19x2x512xf32, #tpu.memory_space<vmem>>
      %dma_start3A_354 = arith.constant 0 : i32
      %dma_start3A_355 = arith.constant 0 : i32
      %dma_start3A_356 = tpu.memref_slice %arg2[%select_n3A, %dma_start3A_354, %add3A_338, %dma_start3A_355] : memref<4x19x512x512xf32, #tpu.memory_space<hbm>> -> memref<1x19x2x512xf32, #tpu.memory_space<hbm>>
      %dma_start3A_357 = tpu.memref_squeeze %dma_start3A_356 : memref<1x19x2x512xf32, #tpu.memory_space<hbm>> -> memref<19x2x512xf32, #tpu.memory_space<hbm>>
      tpu.enqueue_dma source(%dma_start3A_357 : memref<19x2x512xf32, #tpu.memory_space<hbm>>) target(%dma_start3A_353 : memref<19x2x512xf32, #tpu.memory_space<vmem>>) target_semaphore(%arg9 : memref<!tpu.dma_semaphore, #tpu.memory_space<semaphore_mem>>)
      %dma_start3A_358 = arith.constant 1 : i32
      %dma_start3A_359 = arith.constant 0 : i32
      %dma_start3A_360 = arith.constant 0 : i32
      %dma_start3A_361 = tpu.memref_slice %arg6[%dma_start3A_358, %dma_start3A_359, %dma_start3A_360] : memref<2x2x512xi32, #tpu.memory_space<vmem>> -> memref<1x2x512xi32, #tpu.memory_space<vmem>>
      %dma_start3A_362 = tpu.memref_squeeze %dma_start3A_361 : memref<1x2x512xi32, #tpu.memory_space<vmem>> -> memref<2x512xi32, #tpu.memory_space<vmem>>
      %dma_start3A_363 = arith.constant 0 : i32
      %dma_start3A_364 = tpu.memref_slice %arg3[%select_n3A, %add3A_338, %dma_start3A_363] : memref<4x512x512xi32, #tpu.memory_space<hbm>> -> memref<1x2x512xi32, #tpu.memory_space<hbm>>
      %dma_start3A_365 = tpu.memref_squeeze %dma_start3A_364 : memref<1x2x512xi32, #tpu.memory_space<hbm>> -> memref<2x512xi32, #tpu.memory_space<hbm>>
      %dma_start3A_366 = arith.constant 0 : i32
      %dma_start3A_367 = arith.constant 0 : i32
      %dma_start3A_368 = tpu.memref_slice %arg6[%dma_start3A_358, %dma_start3A_366, %dma_start3A_367] : memref<2x2x512xi32, #tpu.memory_space<vmem>> -> memref<1x2x512xi32, #tpu.memory_space<vmem>>
      %dma_start3A_369 = tpu.memref_squeeze %dma_start3A_368 : memref<1x2x512xi32, #tpu.memory_space<vmem>> -> memref<2x512xi32, #tpu.memory_space<vmem>>
      %dma_start3A_370 = arith.constant 0 : i32
      %dma_start3A_371 = tpu.memref_slice %arg3[%select_n3A, %add3A_338, %dma_start3A_370] : memref<4x512x512xi32, #tpu.memory_space<hbm>> -> memref<1x2x512xi32, #tpu.memory_space<hbm>>
      %dma_start3A_372 = tpu.memref_squeeze %dma_start3A_371 : memref<1x2x512xi32, #tpu.memory_space<hbm>> -> memref<2x512xi32, #tpu.memory_space<hbm>>
      tpu.enqueue_dma source(%dma_start3A_372 : memref<2x512xi32, #tpu.memory_space<hbm>>) target(%dma_start3A_369 : memref<2x512xi32, #tpu.memory_space<vmem>>) target_semaphore(%arg11 : memref<!tpu.dma_semaphore, #tpu.memory_space<semaphore_mem>>)
      scf.yield %scan3A_330#0, %scan3A_330#1, %scan3A_330#2, %scan3A_330#3, %scan3A_330#4 : vector<16xf32>, vector<16xf32>, vector<16xf32>, vector<16xf32>, vector<16xf32>
    }
    %scan3A_111 = arith.constant 6 : i32
    %dma_wait3A = arith.constant 0 : i32
    %dma_wait3A_112 = arith.constant 0 : i32
    %dma_wait3A_113 = arith.constant 0 : i32
    %dma_wait3A_114 = arith.constant 0 : i32
    %dma_wait3A_115 = tpu.memref_slice %arg5[%dma_wait3A, %dma_wait3A_112, %dma_wait3A_113, %dma_wait3A_114] : memref<2x19x2x512xf32, #tpu.memory_space<vmem>> -> memref<1x19x2x512xf32, #tpu.memory_space<vmem>>
    %dma_wait3A_116 = tpu.memref_squeeze %dma_wait3A_115 : memref<1x19x2x512xf32, #tpu.memory_space<vmem>> -> memref<19x2x512xf32, #tpu.memory_space<vmem>>
    %dma_wait3A_117 = arith.constant 0 : i32
    %dma_wait3A_118 = arith.constant 0 : i32
    %dma_wait3A_119 = tpu.memref_slice %arg2[%select_n3A, %dma_wait3A_117, %add3A_34, %dma_wait3A_118] : memref<4x19x512x512xf32, #tpu.memory_space<hbm>> -> memref<1x19x2x512xf32, #tpu.memory_space<hbm>>
    %dma_wait3A_120 = tpu.memref_squeeze %dma_wait3A_119 : memref<1x19x2x512xf32, #tpu.memory_space<hbm>> -> memref<19x2x512xf32, #tpu.memory_space<hbm>>
    %dma_wait3A_121 = arith.constant 0 : i32
    %dma_wait3A_122 = arith.constant 0 : i32
    %dma_wait3A_123 = arith.constant 0 : i32
    %dma_wait3A_124 = tpu.memref_slice %arg5[%dma_wait3A, %dma_wait3A_121, %dma_wait3A_122, %dma_wait3A_123] : memref<2x19x2x512xf32, #tpu.memory_space<vmem>> -> memref<1x19x2x512xf32, #tpu.memory_space<vmem>>
    %dma_wait3A_125 = tpu.memref_squeeze %dma_wait3A_124 : memref<1x19x2x512xf32, #tpu.memory_space<vmem>> -> memref<19x2x512xf32, #tpu.memory_space<vmem>>
    %dma_wait3A_126 = arith.constant 0 : i32
    %dma_wait3A_127 = arith.constant 0 : i32
    %dma_wait3A_128 = tpu.memref_slice %arg2[%select_n3A, %dma_wait3A_126, %add3A_34, %dma_wait3A_127] : memref<4x19x512x512xf32, #tpu.memory_space<hbm>> -> memref<1x19x2x512xf32, #tpu.memory_space<hbm>>
    %dma_wait3A_129 = tpu.memref_squeeze %dma_wait3A_128 : memref<1x19x2x512xf32, #tpu.memory_space<hbm>> -> memref<19x2x512xf32, #tpu.memory_space<hbm>>
    tpu.wait_dma2 semaphore(%arg8 : memref<!tpu.dma_semaphore, #tpu.memory_space<semaphore_mem>>) src(%dma_wait3A_129 : memref<19x2x512xf32, #tpu.memory_space<hbm>>) dst(%dma_wait3A_125 : memref<19x2x512xf32, #tpu.memory_space<vmem>>)
    %dma_wait3A_130 = arith.constant 0 : i32
    %dma_wait3A_131 = arith.constant 0 : i32
    %dma_wait3A_132 = arith.constant 0 : i32
    %dma_wait3A_133 = tpu.memref_slice %arg6[%dma_wait3A_130, %dma_wait3A_131, %dma_wait3A_132] : memref<2x2x512xi32, #tpu.memory_space<vmem>> -> memref<1x2x512xi32, #tpu.memory_space<vmem>>
    %dma_wait3A_134 = tpu.memref_squeeze %dma_wait3A_133 : memref<1x2x512xi32, #tpu.memory_space<vmem>> -> memref<2x512xi32, #tpu.memory_space<vmem>>
    %dma_wait3A_135 = arith.constant 0 : i32
    %dma_wait3A_136 = tpu.memref_slice %arg3[%select_n3A, %add3A_34, %dma_wait3A_135] : memref<4x512x512xi32, #tpu.memory_space<hbm>> -> memref<1x2x512xi32, #tpu.memory_space<hbm>>
    %dma_wait3A_137 = tpu.memref_squeeze %dma_wait3A_136 : memref<1x2x512xi32, #tpu.memory_space<hbm>> -> memref<2x512xi32, #tpu.memory_space<hbm>>
    %dma_wait3A_138 = arith.constant 0 : i32
    %dma_wait3A_139 = arith.constant 0 : i32
    %dma_wait3A_140 = tpu.memref_slice %arg6[%dma_wait3A_130, %dma_wait3A_138, %dma_wait3A_139] : memref<2x2x512xi32, #tpu.memory_space<vmem>> -> memref<1x2x512xi32, #tpu.memory_space<vmem>>
    %dma_wait3A_141 = tpu.memref_squeeze %dma_wait3A_140 : memref<1x2x512xi32, #tpu.memory_space<vmem>> -> memref<2x512xi32, #tpu.memory_space<vmem>>
    %dma_wait3A_142 = arith.constant 0 : i32
    %dma_wait3A_143 = tpu.memref_slice %arg3[%select_n3A, %add3A_34, %dma_wait3A_142] : memref<4x512x512xi32, #tpu.memory_space<hbm>> -> memref<1x2x512xi32, #tpu.memory_space<hbm>>
    %dma_wait3A_144 = tpu.memref_squeeze %dma_wait3A_143 : memref<1x2x512xi32, #tpu.memory_space<hbm>> -> memref<2x512xi32, #tpu.memory_space<hbm>>
    tpu.wait_dma2 semaphore(%arg10 : memref<!tpu.dma_semaphore, #tpu.memory_space<semaphore_mem>>) src(%dma_wait3A_144 : memref<2x512xi32, #tpu.memory_space<hbm>>) dst(%dma_wait3A_141 : memref<2x512xi32, #tpu.memory_space<vmem>>)
    %dma_wait3A_145 = arith.constant 1 : i32
    %dma_wait3A_146 = arith.constant 0 : i32
    %dma_wait3A_147 = arith.constant 0 : i32
    %dma_wait3A_148 = arith.constant 0 : i32
    %dma_wait3A_149 = tpu.memref_slice %arg5[%dma_wait3A_145, %dma_wait3A_146, %dma_wait3A_147, %dma_wait3A_148] : memref<2x19x2x512xf32, #tpu.memory_space<vmem>> -> memref<1x19x2x512xf32, #tpu.memory_space<vmem>>
    %dma_wait3A_150 = tpu.memref_squeeze %dma_wait3A_149 : memref<1x19x2x512xf32, #tpu.memory_space<vmem>> -> memref<19x2x512xf32, #tpu.memory_space<vmem>>
    %dma_wait3A_151 = arith.constant 0 : i32
    %dma_wait3A_152 = arith.constant 0 : i32
    %dma_wait3A_153 = tpu.memref_slice %arg2[%select_n3A, %dma_wait3A_151, %add3A_34, %dma_wait3A_152] : memref<4x19x512x512xf32, #tpu.memory_space<hbm>> -> memref<1x19x2x512xf32, #tpu.memory_space<hbm>>
    %dma_wait3A_154 = tpu.memref_squeeze %dma_wait3A_153 : memref<1x19x2x512xf32, #tpu.memory_space<hbm>> -> memref<19x2x512xf32, #tpu.memory_space<hbm>>
    %dma_wait3A_155 = arith.constant 0 : i32
    %dma_wait3A_156 = arith.constant 0 : i32
    %dma_wait3A_157 = arith.constant 0 : i32
    %dma_wait3A_158 = tpu.memref_slice %arg5[%dma_wait3A_145, %dma_wait3A_155, %dma_wait3A_156, %dma_wait3A_157] : memref<2x19x2x512xf32, #tpu.memory_space<vmem>> -> memref<1x19x2x512xf32, #tpu.memory_space<vmem>>
    %dma_wait3A_159 = tpu.memref_squeeze %dma_wait3A_158 : memref<1x19x2x512xf32, #tpu.memory_space<vmem>> -> memref<19x2x512xf32, #tpu.memory_space<vmem>>
    %dma_wait3A_160 = arith.constant 0 : i32
    %dma_wait3A_161 = arith.constant 0 : i32
    %dma_wait3A_162 = tpu.memref_slice %arg2[%select_n3A, %dma_wait3A_160, %add3A_34, %dma_wait3A_161] : memref<4x19x512x512xf32, #tpu.memory_space<hbm>> -> memref<1x19x2x512xf32, #tpu.memory_space<hbm>>
    %dma_wait3A_163 = tpu.memref_squeeze %dma_wait3A_162 : memref<1x19x2x512xf32, #tpu.memory_space<hbm>> -> memref<19x2x512xf32, #tpu.memory_space<hbm>>
    tpu.wait_dma2 semaphore(%arg9 : memref<!tpu.dma_semaphore, #tpu.memory_space<semaphore_mem>>) src(%dma_wait3A_163 : memref<19x2x512xf32, #tpu.memory_space<hbm>>) dst(%dma_wait3A_159 : memref<19x2x512xf32, #tpu.memory_space<vmem>>)
    %dma_wait3A_164 = arith.constant 1 : i32
    %dma_wait3A_165 = arith.constant 0 : i32
    %dma_wait3A_166 = arith.constant 0 : i32
    %dma_wait3A_167 = tpu.memref_slice %arg6[%dma_wait3A_164, %dma_wait3A_165, %dma_wait3A_166] : memref<2x2x512xi32, #tpu.memory_space<vmem>> -> memref<1x2x512xi32, #tpu.memory_space<vmem>>
    %dma_wait3A_168 = tpu.memref_squeeze %dma_wait3A_167 : memref<1x2x512xi32, #tpu.memory_space<vmem>> -> memref<2x512xi32, #tpu.memory_space<vmem>>
    %dma_wait3A_169 = arith.constant 0 : i32
    %dma_wait3A_170 = tpu.memref_slice %arg3[%select_n3A, %add3A_34, %dma_wait3A_169] : memref<4x512x512xi32, #tpu.memory_space<hbm>> -> memref<1x2x512xi32, #tpu.memory_space<hbm>>
    %dma_wait3A_171 = tpu.memref_squeeze %dma_wait3A_170 : memref<1x2x512xi32, #tpu.memory_space<hbm>> -> memref<2x512xi32, #tpu.memory_space<hbm>>
    %dma_wait3A_172 = arith.constant 0 : i32
    %dma_wait3A_173 = arith.constant 0 : i32
    %dma_wait3A_174 = tpu.memref_slice %arg6[%dma_wait3A_164, %dma_wait3A_172, %dma_wait3A_173] : memref<2x2x512xi32, #tpu.memory_space<vmem>> -> memref<1x2x512xi32, #tpu.memory_space<vmem>>
    %dma_wait3A_175 = tpu.memref_squeeze %dma_wait3A_174 : memref<1x2x512xi32, #tpu.memory_space<vmem>> -> memref<2x512xi32, #tpu.memory_space<vmem>>
    %dma_wait3A_176 = arith.constant 0 : i32
    %dma_wait3A_177 = tpu.memref_slice %arg3[%select_n3A, %add3A_34, %dma_wait3A_176] : memref<4x512x512xi32, #tpu.memory_space<hbm>> -> memref<1x2x512xi32, #tpu.memory_space<hbm>>
    %dma_wait3A_178 = tpu.memref_squeeze %dma_wait3A_177 : memref<1x2x512xi32, #tpu.memory_space<hbm>> -> memref<2x512xi32, #tpu.memory_space<hbm>>
    tpu.wait_dma2 semaphore(%arg11 : memref<!tpu.dma_semaphore, #tpu.memory_space<semaphore_mem>>) src(%dma_wait3A_178 : memref<2x512xi32, #tpu.memory_space<hbm>>) dst(%dma_wait3A_175 : memref<2x512xi32, #tpu.memory_space<vmem>>)
    %swap3A = arith.constant 0 : i32
    %swap3A_179 = arith.index_cast %swap3A : i32 to index
    %swap3A_180 = arith.constant 0 : index
    %swap3A_181 = tpu.vector_load %arg7[%swap3A_179, %swap3A_180] {strides = array<i32>} : memref<5x16xf32, #tpu.memory_space<vmem>>, vector<16xf32>,
    tpu.vector_store %arg7[%swap3A_179, %swap3A_180], %scan3A_110#0 {strides = array<i32>} : memref<5x16xf32, #tpu.memory_space<vmem>>, vector<16xf32>,
    %swap3A_182 = arith.constant 1 : i32
    %swap3A_183 = arith.index_cast %swap3A_182 : i32 to index
    %swap3A_184 = arith.constant 0 : index
    %swap3A_185 = tpu.vector_load %arg7[%swap3A_183, %swap3A_184] {strides = array<i32>} : memref<5x16xf32, #tpu.memory_space<vmem>>, vector<16xf32>,
    tpu.vector_store %arg7[%swap3A_183, %swap3A_184], %scan3A_110#1 {strides = array<i32>} : memref<5x16xf32, #tpu.memory_space<vmem>>, vector<16xf32>,
    %swap3A_186 = arith.constant 2 : i32
    %swap3A_187 = arith.index_cast %swap3A_186 : i32 to index
    %swap3A_188 = arith.constant 0 : index
    %swap3A_189 = tpu.vector_load %arg7[%swap3A_187, %swap3A_188] {strides = array<i32>} : memref<5x16xf32, #tpu.memory_space<vmem>>, vector<16xf32>,
    tpu.vector_store %arg7[%swap3A_187, %swap3A_188], %scan3A_110#2 {strides = array<i32>} : memref<5x16xf32, #tpu.memory_space<vmem>>, vector<16xf32>,
    %swap3A_190 = arith.constant 3 : i32
    %swap3A_191 = arith.index_cast %swap3A_190 : i32 to index
    %swap3A_192 = arith.constant 0 : index
    %swap3A_193 = tpu.vector_load %arg7[%swap3A_191, %swap3A_192] {strides = array<i32>} : memref<5x16xf32, #tpu.memory_space<vmem>>, vector<16xf32>,
    tpu.vector_store %arg7[%swap3A_191, %swap3A_192], %scan3A_110#3 {strides = array<i32>} : memref<5x16xf32, #tpu.memory_space<vmem>>, vector<16xf32>,
    %swap3A_194 = arith.constant 4 : i32
    %swap3A_195 = arith.index_cast %swap3A_194 : i32 to index
    %swap3A_196 = arith.constant 0 : index
    %swap3A_197 = tpu.vector_load %arg7[%swap3A_195, %swap3A_196] {strides = array<i32>} : memref<5x16xf32, #tpu.memory_space<vmem>>, vector<16xf32>,
    tpu.vector_store %arg7[%swap3A_195, %swap3A_196], %scan3A_110#4 {strides = array<i32>} : memref<5x16xf32, #tpu.memory_space<vmem>>, vector<16xf32>,
    "tpu.region"() ({
      %run_scoped3A = tpu.sem_alloc : memref<!tpu.dma_semaphore, #tpu.memory_space<semaphore_mem>>
      %dma_start3A_198 = arith.constant 0 : i32
      %dma_start3A_199 = arith.constant 0 : i32
      %dma_start3A_200 = tpu.memref_slice %arg4[%add3A, %dma_start3A_198, %dma_start3A_199] : memref<32x5x16xf32, #tpu.memory_space<hbm>> -> memref<1x5x16xf32, #tpu.memory_space<hbm>>
      %dma_start3A_201 = tpu.memref_squeeze %dma_start3A_200 : memref<1x5x16xf32, #tpu.memory_space<hbm>> -> memref<5x16xf32, #tpu.memory_space<hbm>>
      %dma_start3A_202 = arith.constant 0 : i32
      %dma_start3A_203 = arith.constant 0 : i32
      %dma_start3A_204 = tpu.memref_slice %arg4[%add3A, %dma_start3A_202, %dma_start3A_203] : memref<32x5x16xf32, #tpu.memory_space<hbm>> -> memref<1x5x16xf32, #tpu.memory_space<hbm>>
      %dma_start3A_205 = tpu.memref_squeeze %dma_start3A_204 : memref<1x5x16xf32, #tpu.memory_space<hbm>> -> memref<5x16xf32, #tpu.memory_space<hbm>>
      tpu.enqueue_dma source(%arg7 : memref<5x16xf32, #tpu.memory_space<vmem>>) target(%dma_start3A_205 : memref<5x16xf32, #tpu.memory_space<hbm>>) target_semaphore(%run_scoped3A : memref<!tpu.dma_semaphore, #tpu.memory_space<semaphore_mem>>)
      %dma_wait3A_206 = arith.constant 0 : i32
      %dma_wait3A_207 = arith.constant 0 : i32
      %dma_wait3A_208 = tpu.memref_slice %arg4[%add3A, %dma_wait3A_206, %dma_wait3A_207] : memref<32x5x16xf32, #tpu.memory_space<hbm>> -> memref<1x5x16xf32, #tpu.memory_space<hbm>>
      %dma_wait3A_209 = tpu.memref_squeeze %dma_wait3A_208 : memref<1x5x16xf32, #tpu.memory_space<hbm>> -> memref<5x16xf32, #tpu.memory_space<hbm>>
      %dma_wait3A_210 = arith.constant 0 : i32
      %dma_wait3A_211 = arith.constant 0 : i32
      %dma_wait3A_212 = tpu.memref_slice %arg4[%add3A, %dma_wait3A_210, %dma_wait3A_211] : memref<32x5x16xf32, #tpu.memory_space<hbm>> -> memref<1x5x16xf32, #tpu.memory_space<hbm>>
      %dma_wait3A_213 = tpu.memref_squeeze %dma_wait3A_212 : memref<1x5x16xf32, #tpu.memory_space<hbm>> -> memref<5x16xf32, #tpu.memory_space<hbm>>
      tpu.wait_dma2 semaphore(%run_scoped3A : memref<!tpu.dma_semaphore, #tpu.memory_space<semaphore_mem>>) src(%arg7 : memref<5x16xf32, #tpu.memory_space<vmem>>) dst(%dma_wait3A_213 : memref<5x16xf32, #tpu.memory_space<hbm>>)
      tpu.yield
    }) : () -> ()
    return
  }
}

module attributes {stable_mosaic.version = 14 : i64} {
  func.func @_tc_body(%arg0: i32, %arg1: i32, %arg2: memref<1x19x64x512xf32, #tpu.memory_space<vmem>>, %arg3: memref<1x64x512xi32, #tpu.memory_space<vmem>>, %arg4: memref<1x1x1x5xf32, #tpu.memory_space<smem>>) attributes {dimension_semantics = [#tpu.dimension_semantics<arbitrary>, #tpu.dimension_semantics<arbitrary>], iteration_bounds = array<i64: 4, 5>, scalar_prefetch = 0 : i64, scratch_operands = 0 : i64, tpu.core_type = #tpu.core_type<tc>, window_params = [{transform_indices = @transform_0, window_bounds = array<i64: 1, 19, 64, 512>}, {transform_indices = @transform_1, window_bounds = array<i64: 1, 64, 512>}, {transform_indices = @transform_2, window_bounds = array<i64: 1, 1, 1, 5>}]} {
    %broadcast_in_dim3A = arith.constant 0.000000e+00 : f32
    %broadcast_in_dim3A_0 = vector.broadcast %broadcast_in_dim3A : f32 to vector<8x512xf32>
    %broadcast_in_dim3A_1 = arith.constant 0.000000e+00 : f32
    %broadcast_in_dim3A_2 = vector.broadcast %broadcast_in_dim3A_1 : f32 to vector<8x512xf32>
    %broadcast_in_dim3A_3 = arith.constant 0.000000e+00 : f32
    %broadcast_in_dim3A_4 = vector.broadcast %broadcast_in_dim3A_3 : f32 to vector<8x512xf32>
    %broadcast_in_dim3A_5 = arith.constant 0.000000e+00 : f32
    %broadcast_in_dim3A_6 = vector.broadcast %broadcast_in_dim3A_5 : f32 to vector<8x512xf32>
    %broadcast_in_dim3A_7 = arith.constant 0.000000e+00 : f32
    %broadcast_in_dim3A_8 = vector.broadcast %broadcast_in_dim3A_7 : f32 to vector<8x512xf32>
    %get3A = arith.constant 0 : index
    %get3A_9 = arith.constant 0 : index
    %get3A_10 = arith.constant 0 : index
    %get3A_11 = vector.load %arg3[%get3A, %get3A_9, %get3A_10] : memref<1x64x512xi32, #tpu.memory_space<vmem>>, vector<1x8x512xi32>
    %get3A_12 = vector.shape_cast %get3A_11 : vector<1x8x512xi32> to vector<8x512xi32>
    %ge3A = arith.constant 0 : i32
    %ge3A_13 = vector.broadcast %ge3A : i32 to vector<8x512xi32>
    %ge3A_14 = arith.cmpi sge, %get3A_12, %ge3A_13 : vector<8x512xi32>
    %jit3A = arith.constant 0 : i32
    %broadcast_in_dim3A_15 = vector.broadcast %jit3A : i32 to vector<8x512xi32>
    %select_n3A = arith.select %ge3A_14, %get3A_12, %broadcast_in_dim3A_15 : vector<8x512xi1>, vector<8x512xi32>
    %get3A_16 = arith.constant 0 : index
    %get3A_17 = arith.constant 0 : index
    %get3A_18 = arith.constant 0 : index
    %get3A_19 = arith.constant 0 : index
    %get3A_20 = vector.load %arg2[%get3A_16, %get3A_17, %get3A_18, %get3A_19] : memref<1x19x64x512xf32, #tpu.memory_space<vmem>>, vector<1x1x8x512xf32>
    %get3A_21 = vector.shape_cast %get3A_20 : vector<1x1x8x512xf32> to vector<8x512xf32>
    %broadcast_in_dim3A_22 = arith.constant 0.000000e+00 : f32
    %broadcast_in_dim3A_23 = vector.broadcast %broadcast_in_dim3A_22 : f32 to vector<8x512xf32>
    %eq3A = arith.constant 0 : i32
    %eq3A_24 = vector.broadcast %eq3A : i32 to vector<8x512xi32>
    %eq3A_25 = arith.cmpi eq, %select_n3A, %eq3A_24 : vector<8x512xi32>
    %jit3A_26 = arith.constant 0.000000e+00 : f32
    %broadcast_in_dim3A_27 = vector.broadcast %jit3A_26 : f32 to vector<8x512xf32>
    %select_n3A_28 = arith.select %eq3A_25, %get3A_21, %broadcast_in_dim3A_27 : vector<8x512xi1>, vector<8x512xf32>
    %get3A_29 = arith.constant 0 : index
    %get3A_30 = arith.constant 1 : index
    %get3A_31 = arith.constant 0 : index
    %get3A_32 = arith.constant 0 : index
    %get3A_33 = vector.load %arg2[%get3A_29, %get3A_30, %get3A_31, %get3A_32] : memref<1x19x64x512xf32, #tpu.memory_space<vmem>>, vector<1x1x8x512xf32>
    %get3A_34 = vector.shape_cast %get3A_33 : vector<1x1x8x512xf32> to vector<8x512xf32>
    %gt3A = arith.cmpf ogt, %get3A_34, %get3A_21 : vector<8x512xf32>
    %select_n3A_35 = arith.select %gt3A, %get3A_34, %get3A_21 : vector<8x512xi1>, vector<8x512xf32>
    %jit3A_36 = arith.constant 1.000000e+00 : f32
    %broadcast_in_dim3A_37 = vector.broadcast %jit3A_36 : f32 to vector<8x512xf32>
    %select_n3A_38 = arith.select %gt3A, %broadcast_in_dim3A_37, %broadcast_in_dim3A_23 : vector<8x512xi1>, vector<8x512xf32>
    %eq3A_39 = arith.constant 1 : i32
    %eq3A_40 = vector.broadcast %eq3A_39 : i32 to vector<8x512xi32>
    %eq3A_41 = arith.cmpi eq, %select_n3A, %eq3A_40 : vector<8x512xi32>
    %select_n3A_42 = arith.select %eq3A_41, %get3A_34, %select_n3A_28 : vector<8x512xi1>, vector<8x512xf32>
    %get3A_43 = arith.constant 0 : index
    %get3A_44 = arith.constant 2 : index
    %get3A_45 = arith.constant 0 : index
    %get3A_46 = arith.constant 0 : index
    %get3A_47 = vector.load %arg2[%get3A_43, %get3A_44, %get3A_45, %get3A_46] : memref<1x19x64x512xf32, #tpu.memory_space<vmem>>, vector<1x1x8x512xf32>
    %get3A_48 = vector.shape_cast %get3A_47 : vector<1x1x8x512xf32> to vector<8x512xf32>
    %gt3A_49 = arith.cmpf ogt, %get3A_48, %select_n3A_35 : vector<8x512xf32>
    %select_n3A_50 = arith.select %gt3A_49, %get3A_48, %select_n3A_35 : vector<8x512xi1>, vector<8x512xf32>
    %jit3A_51 = arith.constant 2.000000e+00 : f32
    %broadcast_in_dim3A_52 = vector.broadcast %jit3A_51 : f32 to vector<8x512xf32>
    %select_n3A_53 = arith.select %gt3A_49, %broadcast_in_dim3A_52, %select_n3A_38 : vector<8x512xi1>, vector<8x512xf32>
    %eq3A_54 = arith.constant 2 : i32
    %eq3A_55 = vector.broadcast %eq3A_54 : i32 to vector<8x512xi32>
    %eq3A_56 = arith.cmpi eq, %select_n3A, %eq3A_55 : vector<8x512xi32>
    %select_n3A_57 = arith.select %eq3A_56, %get3A_48, %select_n3A_42 : vector<8x512xi1>, vector<8x512xf32>
    %get3A_58 = arith.constant 0 : index
    %get3A_59 = arith.constant 3 : index
    %get3A_60 = arith.constant 0 : index
    %get3A_61 = arith.constant 0 : index
    %get3A_62 = vector.load %arg2[%get3A_58, %get3A_59, %get3A_60, %get3A_61] : memref<1x19x64x512xf32, #tpu.memory_space<vmem>>, vector<1x1x8x512xf32>
    %get3A_63 = vector.shape_cast %get3A_62 : vector<1x1x8x512xf32> to vector<8x512xf32>
    %gt3A_64 = arith.cmpf ogt, %get3A_63, %select_n3A_50 : vector<8x512xf32>
    %select_n3A_65 = arith.select %gt3A_64, %get3A_63, %select_n3A_50 : vector<8x512xi1>, vector<8x512xf32>
    %jit3A_66 = arith.constant 3.000000e+00 : f32
    %broadcast_in_dim3A_67 = vector.broadcast %jit3A_66 : f32 to vector<8x512xf32>
    %select_n3A_68 = arith.select %gt3A_64, %broadcast_in_dim3A_67, %select_n3A_53 : vector<8x512xi1>, vector<8x512xf32>
    %eq3A_69 = arith.constant 3 : i32
    %eq3A_70 = vector.broadcast %eq3A_69 : i32 to vector<8x512xi32>
    %eq3A_71 = arith.cmpi eq, %select_n3A, %eq3A_70 : vector<8x512xi32>
    %select_n3A_72 = arith.select %eq3A_71, %get3A_63, %select_n3A_57 : vector<8x512xi1>, vector<8x512xf32>
    %get3A_73 = arith.constant 0 : index
    %get3A_74 = arith.constant 4 : index
    %get3A_75 = arith.constant 0 : index
    %get3A_76 = arith.constant 0 : index
    %get3A_77 = vector.load %arg2[%get3A_73, %get3A_74, %get3A_75, %get3A_76] : memref<1x19x64x512xf32, #tpu.memory_space<vmem>>, vector<1x1x8x512xf32>
    %get3A_78 = vector.shape_cast %get3A_77 : vector<1x1x8x512xf32> to vector<8x512xf32>
    %gt3A_79 = arith.cmpf ogt, %get3A_78, %select_n3A_65 : vector<8x512xf32>
    %select_n3A_80 = arith.select %gt3A_79, %get3A_78, %select_n3A_65 : vector<8x512xi1>, vector<8x512xf32>
    %jit3A_81 = arith.constant 4.000000e+00 : f32
    %broadcast_in_dim3A_82 = vector.broadcast %jit3A_81 : f32 to vector<8x512xf32>
    %select_n3A_83 = arith.select %gt3A_79, %broadcast_in_dim3A_82, %select_n3A_68 : vector<8x512xi1>, vector<8x512xf32>
    %eq3A_84 = arith.constant 4 : i32
    %eq3A_85 = vector.broadcast %eq3A_84 : i32 to vector<8x512xi32>
    %eq3A_86 = arith.cmpi eq, %select_n3A, %eq3A_85 : vector<8x512xi32>
    %select_n3A_87 = arith.select %eq3A_86, %get3A_78, %select_n3A_72 : vector<8x512xi1>, vector<8x512xf32>
    %get3A_88 = arith.constant 0 : index
    %get3A_89 = arith.constant 5 : index
    %get3A_90 = arith.constant 0 : index
    %get3A_91 = arith.constant 0 : index
    %get3A_92 = vector.load %arg2[%get3A_88, %get3A_89, %get3A_90, %get3A_91] : memref<1x19x64x512xf32, #tpu.memory_space<vmem>>, vector<1x1x8x512xf32>
    %get3A_93 = vector.shape_cast %get3A_92 : vector<1x1x8x512xf32> to vector<8x512xf32>
    %gt3A_94 = arith.cmpf ogt, %get3A_93, %select_n3A_80 : vector<8x512xf32>
    %select_n3A_95 = arith.select %gt3A_94, %get3A_93, %select_n3A_80 : vector<8x512xi1>, vector<8x512xf32>
    %jit3A_96 = arith.constant 5.000000e+00 : f32
    %broadcast_in_dim3A_97 = vector.broadcast %jit3A_96 : f32 to vector<8x512xf32>
    %select_n3A_98 = arith.select %gt3A_94, %broadcast_in_dim3A_97, %select_n3A_83 : vector<8x512xi1>, vector<8x512xf32>
    %eq3A_99 = arith.constant 5 : i32
    %eq3A_100 = vector.broadcast %eq3A_99 : i32 to vector<8x512xi32>
    %eq3A_101 = arith.cmpi eq, %select_n3A, %eq3A_100 : vector<8x512xi32>
    %select_n3A_102 = arith.select %eq3A_101, %get3A_93, %select_n3A_87 : vector<8x512xi1>, vector<8x512xf32>
    %get3A_103 = arith.constant 0 : index
    %get3A_104 = arith.constant 6 : index
    %get3A_105 = arith.constant 0 : index
    %get3A_106 = arith.constant 0 : index
    %get3A_107 = vector.load %arg2[%get3A_103, %get3A_104, %get3A_105, %get3A_106] : memref<1x19x64x512xf32, #tpu.memory_space<vmem>>, vector<1x1x8x512xf32>
    %get3A_108 = vector.shape_cast %get3A_107 : vector<1x1x8x512xf32> to vector<8x512xf32>
    %gt3A_109 = arith.cmpf ogt, %get3A_108, %select_n3A_95 : vector<8x512xf32>
    %select_n3A_110 = arith.select %gt3A_109, %get3A_108, %select_n3A_95 : vector<8x512xi1>, vector<8x512xf32>
    %jit3A_111 = arith.constant 6.000000e+00 : f32
    %broadcast_in_dim3A_112 = vector.broadcast %jit3A_111 : f32 to vector<8x512xf32>
    %select_n3A_113 = arith.select %gt3A_109, %broadcast_in_dim3A_112, %select_n3A_98 : vector<8x512xi1>, vector<8x512xf32>
    %eq3A_114 = arith.constant 6 : i32
    %eq3A_115 = vector.broadcast %eq3A_114 : i32 to vector<8x512xi32>
    %eq3A_116 = arith.cmpi eq, %select_n3A, %eq3A_115 : vector<8x512xi32>
    %select_n3A_117 = arith.select %eq3A_116, %get3A_108, %select_n3A_102 : vector<8x512xi1>, vector<8x512xf32>
    %get3A_118 = arith.constant 0 : index
    %get3A_119 = arith.constant 7 : index
    %get3A_120 = arith.constant 0 : index
    %get3A_121 = arith.constant 0 : index
    %get3A_122 = vector.load %arg2[%get3A_118, %get3A_119, %get3A_120, %get3A_121] : memref<1x19x64x512xf32, #tpu.memory_space<vmem>>, vector<1x1x8x512xf32>
    %get3A_123 = vector.shape_cast %get3A_122 : vector<1x1x8x512xf32> to vector<8x512xf32>
    %gt3A_124 = arith.cmpf ogt, %get3A_123, %select_n3A_110 : vector<8x512xf32>
    %select_n3A_125 = arith.select %gt3A_124, %get3A_123, %select_n3A_110 : vector<8x512xi1>, vector<8x512xf32>
    %jit3A_126 = arith.constant 7.000000e+00 : f32
    %broadcast_in_dim3A_127 = vector.broadcast %jit3A_126 : f32 to vector<8x512xf32>
    %select_n3A_128 = arith.select %gt3A_124, %broadcast_in_dim3A_127, %select_n3A_113 : vector<8x512xi1>, vector<8x512xf32>
    %eq3A_129 = arith.constant 7 : i32
    %eq3A_130 = vector.broadcast %eq3A_129 : i32 to vector<8x512xi32>
    %eq3A_131 = arith.cmpi eq, %select_n3A, %eq3A_130 : vector<8x512xi32>
    %select_n3A_132 = arith.select %eq3A_131, %get3A_123, %select_n3A_117 : vector<8x512xi1>, vector<8x512xf32>
    %get3A_133 = arith.constant 0 : index
    %get3A_134 = arith.constant 8 : index
    %get3A_135 = arith.constant 0 : index
    %get3A_136 = arith.constant 0 : index
    %get3A_137 = vector.load %arg2[%get3A_133, %get3A_134, %get3A_135, %get3A_136] : memref<1x19x64x512xf32, #tpu.memory_space<vmem>>, vector<1x1x8x512xf32>
    %get3A_138 = vector.shape_cast %get3A_137 : vector<1x1x8x512xf32> to vector<8x512xf32>
    %gt3A_139 = arith.cmpf ogt, %get3A_138, %select_n3A_125 : vector<8x512xf32>
    %select_n3A_140 = arith.select %gt3A_139, %get3A_138, %select_n3A_125 : vector<8x512xi1>, vector<8x512xf32>
    %jit3A_141 = arith.constant 8.000000e+00 : f32
    %broadcast_in_dim3A_142 = vector.broadcast %jit3A_141 : f32 to vector<8x512xf32>
    %select_n3A_143 = arith.select %gt3A_139, %broadcast_in_dim3A_142, %select_n3A_128 : vector<8x512xi1>, vector<8x512xf32>
    %eq3A_144 = arith.constant 8 : i32
    %eq3A_145 = vector.broadcast %eq3A_144 : i32 to vector<8x512xi32>
    %eq3A_146 = arith.cmpi eq, %select_n3A, %eq3A_145 : vector<8x512xi32>
    %select_n3A_147 = arith.select %eq3A_146, %get3A_138, %select_n3A_132 : vector<8x512xi1>, vector<8x512xf32>
    %get3A_148 = arith.constant 0 : index
    %get3A_149 = arith.constant 9 : index
    %get3A_150 = arith.constant 0 : index
    %get3A_151 = arith.constant 0 : index
    %get3A_152 = vector.load %arg2[%get3A_148, %get3A_149, %get3A_150, %get3A_151] : memref<1x19x64x512xf32, #tpu.memory_space<vmem>>, vector<1x1x8x512xf32>
    %get3A_153 = vector.shape_cast %get3A_152 : vector<1x1x8x512xf32> to vector<8x512xf32>
    %gt3A_154 = arith.cmpf ogt, %get3A_153, %select_n3A_140 : vector<8x512xf32>
    %select_n3A_155 = arith.select %gt3A_154, %get3A_153, %select_n3A_140 : vector<8x512xi1>, vector<8x512xf32>
    %jit3A_156 = arith.constant 9.000000e+00 : f32
    %broadcast_in_dim3A_157 = vector.broadcast %jit3A_156 : f32 to vector<8x512xf32>
    %select_n3A_158 = arith.select %gt3A_154, %broadcast_in_dim3A_157, %select_n3A_143 : vector<8x512xi1>, vector<8x512xf32>
    %eq3A_159 = arith.constant 9 : i32
    %eq3A_160 = vector.broadcast %eq3A_159 : i32 to vector<8x512xi32>
    %eq3A_161 = arith.cmpi eq, %select_n3A, %eq3A_160 : vector<8x512xi32>
    %select_n3A_162 = arith.select %eq3A_161, %get3A_153, %select_n3A_147 : vector<8x512xi1>, vector<8x512xf32>
    %get3A_163 = arith.constant 0 : index
    %get3A_164 = arith.constant 10 : index
    %get3A_165 = arith.constant 0 : index
    %get3A_166 = arith.constant 0 : index
    %get3A_167 = vector.load %arg2[%get3A_163, %get3A_164, %get3A_165, %get3A_166] : memref<1x19x64x512xf32, #tpu.memory_space<vmem>>, vector<1x1x8x512xf32>
    %get3A_168 = vector.shape_cast %get3A_167 : vector<1x1x8x512xf32> to vector<8x512xf32>
    %gt3A_169 = arith.cmpf ogt, %get3A_168, %select_n3A_155 : vector<8x512xf32>
    %select_n3A_170 = arith.select %gt3A_169, %get3A_168, %select_n3A_155 : vector<8x512xi1>, vector<8x512xf32>
    %jit3A_171 = arith.constant 1.000000e+01 : f32
    %broadcast_in_dim3A_172 = vector.broadcast %jit3A_171 : f32 to vector<8x512xf32>
    %select_n3A_173 = arith.select %gt3A_169, %broadcast_in_dim3A_172, %select_n3A_158 : vector<8x512xi1>, vector<8x512xf32>
    %eq3A_174 = arith.constant 10 : i32
    %eq3A_175 = vector.broadcast %eq3A_174 : i32 to vector<8x512xi32>
    %eq3A_176 = arith.cmpi eq, %select_n3A, %eq3A_175 : vector<8x512xi32>
    %select_n3A_177 = arith.select %eq3A_176, %get3A_168, %select_n3A_162 : vector<8x512xi1>, vector<8x512xf32>
    %get3A_178 = arith.constant 0 : index
    %get3A_179 = arith.constant 11 : index
    %get3A_180 = arith.constant 0 : index
    %get3A_181 = arith.constant 0 : index
    %get3A_182 = vector.load %arg2[%get3A_178, %get3A_179, %get3A_180, %get3A_181] : memref<1x19x64x512xf32, #tpu.memory_space<vmem>>, vector<1x1x8x512xf32>
    %get3A_183 = vector.shape_cast %get3A_182 : vector<1x1x8x512xf32> to vector<8x512xf32>
    %gt3A_184 = arith.cmpf ogt, %get3A_183, %select_n3A_170 : vector<8x512xf32>
    %select_n3A_185 = arith.select %gt3A_184, %get3A_183, %select_n3A_170 : vector<8x512xi1>, vector<8x512xf32>
    %jit3A_186 = arith.constant 1.100000e+01 : f32
    %broadcast_in_dim3A_187 = vector.broadcast %jit3A_186 : f32 to vector<8x512xf32>
    %select_n3A_188 = arith.select %gt3A_184, %broadcast_in_dim3A_187, %select_n3A_173 : vector<8x512xi1>, vector<8x512xf32>
    %eq3A_189 = arith.constant 11 : i32
    %eq3A_190 = vector.broadcast %eq3A_189 : i32 to vector<8x512xi32>
    %eq3A_191 = arith.cmpi eq, %select_n3A, %eq3A_190 : vector<8x512xi32>
    %select_n3A_192 = arith.select %eq3A_191, %get3A_183, %select_n3A_177 : vector<8x512xi1>, vector<8x512xf32>
    %get3A_193 = arith.constant 0 : index
    %get3A_194 = arith.constant 12 : index
    %get3A_195 = arith.constant 0 : index
    %get3A_196 = arith.constant 0 : index
    %get3A_197 = vector.load %arg2[%get3A_193, %get3A_194, %get3A_195, %get3A_196] : memref<1x19x64x512xf32, #tpu.memory_space<vmem>>, vector<1x1x8x512xf32>
    %get3A_198 = vector.shape_cast %get3A_197 : vector<1x1x8x512xf32> to vector<8x512xf32>
    %gt3A_199 = arith.cmpf ogt, %get3A_198, %select_n3A_185 : vector<8x512xf32>
    %select_n3A_200 = arith.select %gt3A_199, %get3A_198, %select_n3A_185 : vector<8x512xi1>, vector<8x512xf32>
    %jit3A_201 = arith.constant 1.200000e+01 : f32
    %broadcast_in_dim3A_202 = vector.broadcast %jit3A_201 : f32 to vector<8x512xf32>
    %select_n3A_203 = arith.select %gt3A_199, %broadcast_in_dim3A_202, %select_n3A_188 : vector<8x512xi1>, vector<8x512xf32>
    %eq3A_204 = arith.constant 12 : i32
    %eq3A_205 = vector.broadcast %eq3A_204 : i32 to vector<8x512xi32>
    %eq3A_206 = arith.cmpi eq, %select_n3A, %eq3A_205 : vector<8x512xi32>
    %select_n3A_207 = arith.select %eq3A_206, %get3A_198, %select_n3A_192 : vector<8x512xi1>, vector<8x512xf32>
    %get3A_208 = arith.constant 0 : index
    %get3A_209 = arith.constant 13 : index
    %get3A_210 = arith.constant 0 : index
    %get3A_211 = arith.constant 0 : index
    %get3A_212 = vector.load %arg2[%get3A_208, %get3A_209, %get3A_210, %get3A_211] : memref<1x19x64x512xf32, #tpu.memory_space<vmem>>, vector<1x1x8x512xf32>
    %get3A_213 = vector.shape_cast %get3A_212 : vector<1x1x8x512xf32> to vector<8x512xf32>
    %gt3A_214 = arith.cmpf ogt, %get3A_213, %select_n3A_200 : vector<8x512xf32>
    %select_n3A_215 = arith.select %gt3A_214, %get3A_213, %select_n3A_200 : vector<8x512xi1>, vector<8x512xf32>
    %jit3A_216 = arith.constant 1.300000e+01 : f32
    %broadcast_in_dim3A_217 = vector.broadcast %jit3A_216 : f32 to vector<8x512xf32>
    %select_n3A_218 = arith.select %gt3A_214, %broadcast_in_dim3A_217, %select_n3A_203 : vector<8x512xi1>, vector<8x512xf32>
    %eq3A_219 = arith.constant 13 : i32
    %eq3A_220 = vector.broadcast %eq3A_219 : i32 to vector<8x512xi32>
    %eq3A_221 = arith.cmpi eq, %select_n3A, %eq3A_220 : vector<8x512xi32>
    %select_n3A_222 = arith.select %eq3A_221, %get3A_213, %select_n3A_207 : vector<8x512xi1>, vector<8x512xf32>
    %get3A_223 = arith.constant 0 : index
    %get3A_224 = arith.constant 14 : index
    %get3A_225 = arith.constant 0 : index
    %get3A_226 = arith.constant 0 : index
    %get3A_227 = vector.load %arg2[%get3A_223, %get3A_224, %get3A_225, %get3A_226] : memref<1x19x64x512xf32, #tpu.memory_space<vmem>>, vector<1x1x8x512xf32>
    %get3A_228 = vector.shape_cast %get3A_227 : vector<1x1x8x512xf32> to vector<8x512xf32>
    %gt3A_229 = arith.cmpf ogt, %get3A_228, %select_n3A_215 : vector<8x512xf32>
    %select_n3A_230 = arith.select %gt3A_229, %get3A_228, %select_n3A_215 : vector<8x512xi1>, vector<8x512xf32>
    %jit3A_231 = arith.constant 1.400000e+01 : f32
    %broadcast_in_dim3A_232 = vector.broadcast %jit3A_231 : f32 to vector<8x512xf32>
    %select_n3A_233 = arith.select %gt3A_229, %broadcast_in_dim3A_232, %select_n3A_218 : vector<8x512xi1>, vector<8x512xf32>
    %eq3A_234 = arith.constant 14 : i32
    %eq3A_235 = vector.broadcast %eq3A_234 : i32 to vector<8x512xi32>
    %eq3A_236 = arith.cmpi eq, %select_n3A, %eq3A_235 : vector<8x512xi32>
    %select_n3A_237 = arith.select %eq3A_236, %get3A_228, %select_n3A_222 : vector<8x512xi1>, vector<8x512xf32>
    %get3A_238 = arith.constant 0 : index
    %get3A_239 = arith.constant 15 : index
    %get3A_240 = arith.constant 0 : index
    %get3A_241 = arith.constant 0 : index
    %get3A_242 = vector.load %arg2[%get3A_238, %get3A_239, %get3A_240, %get3A_241] : memref<1x19x64x512xf32, #tpu.memory_space<vmem>>, vector<1x1x8x512xf32>
    %get3A_243 = vector.shape_cast %get3A_242 : vector<1x1x8x512xf32> to vector<8x512xf32>
    %gt3A_244 = arith.cmpf ogt, %get3A_243, %select_n3A_230 : vector<8x512xf32>
    %select_n3A_245 = arith.select %gt3A_244, %get3A_243, %select_n3A_230 : vector<8x512xi1>, vector<8x512xf32>
    %jit3A_246 = arith.constant 1.500000e+01 : f32
    %broadcast_in_dim3A_247 = vector.broadcast %jit3A_246 : f32 to vector<8x512xf32>
    %select_n3A_248 = arith.select %gt3A_244, %broadcast_in_dim3A_247, %select_n3A_233 : vector<8x512xi1>, vector<8x512xf32>
    %eq3A_249 = arith.constant 15 : i32
    %eq3A_250 = vector.broadcast %eq3A_249 : i32 to vector<8x512xi32>
    %eq3A_251 = arith.cmpi eq, %select_n3A, %eq3A_250 : vector<8x512xi32>
    %select_n3A_252 = arith.select %eq3A_251, %get3A_243, %select_n3A_237 : vector<8x512xi1>, vector<8x512xf32>
    %get3A_253 = arith.constant 0 : index
    %get3A_254 = arith.constant 16 : index
    %get3A_255 = arith.constant 0 : index
    %get3A_256 = arith.constant 0 : index
    %get3A_257 = vector.load %arg2[%get3A_253, %get3A_254, %get3A_255, %get3A_256] : memref<1x19x64x512xf32, #tpu.memory_space<vmem>>, vector<1x1x8x512xf32>
    %get3A_258 = vector.shape_cast %get3A_257 : vector<1x1x8x512xf32> to vector<8x512xf32>
    %gt3A_259 = arith.cmpf ogt, %get3A_258, %select_n3A_245 : vector<8x512xf32>
    %select_n3A_260 = arith.select %gt3A_259, %get3A_258, %select_n3A_245 : vector<8x512xi1>, vector<8x512xf32>
    %jit3A_261 = arith.constant 1.600000e+01 : f32
    %broadcast_in_dim3A_262 = vector.broadcast %jit3A_261 : f32 to vector<8x512xf32>
    %select_n3A_263 = arith.select %gt3A_259, %broadcast_in_dim3A_262, %select_n3A_248 : vector<8x512xi1>, vector<8x512xf32>
    %eq3A_264 = arith.constant 16 : i32
    %eq3A_265 = vector.broadcast %eq3A_264 : i32 to vector<8x512xi32>
    %eq3A_266 = arith.cmpi eq, %select_n3A, %eq3A_265 : vector<8x512xi32>
    %select_n3A_267 = arith.select %eq3A_266, %get3A_258, %select_n3A_252 : vector<8x512xi1>, vector<8x512xf32>
    %get3A_268 = arith.constant 0 : index
    %get3A_269 = arith.constant 17 : index
    %get3A_270 = arith.constant 0 : index
    %get3A_271 = arith.constant 0 : index
    %get3A_272 = vector.load %arg2[%get3A_268, %get3A_269, %get3A_270, %get3A_271] : memref<1x19x64x512xf32, #tpu.memory_space<vmem>>, vector<1x1x8x512xf32>
    %get3A_273 = vector.shape_cast %get3A_272 : vector<1x1x8x512xf32> to vector<8x512xf32>
    %gt3A_274 = arith.cmpf ogt, %get3A_273, %select_n3A_260 : vector<8x512xf32>
    %select_n3A_275 = arith.select %gt3A_274, %get3A_273, %select_n3A_260 : vector<8x512xi1>, vector<8x512xf32>
    %jit3A_276 = arith.constant 1.700000e+01 : f32
    %broadcast_in_dim3A_277 = vector.broadcast %jit3A_276 : f32 to vector<8x512xf32>
    %select_n3A_278 = arith.select %gt3A_274, %broadcast_in_dim3A_277, %select_n3A_263 : vector<8x512xi1>, vector<8x512xf32>
    %eq3A_279 = arith.constant 17 : i32
    %eq3A_280 = vector.broadcast %eq3A_279 : i32 to vector<8x512xi32>
    %eq3A_281 = arith.cmpi eq, %select_n3A, %eq3A_280 : vector<8x512xi32>
    %select_n3A_282 = arith.select %eq3A_281, %get3A_273, %select_n3A_267 : vector<8x512xi1>, vector<8x512xf32>
    %get3A_283 = arith.constant 0 : index
    %get3A_284 = arith.constant 18 : index
    %get3A_285 = arith.constant 0 : index
    %get3A_286 = arith.constant 0 : index
    %get3A_287 = vector.load %arg2[%get3A_283, %get3A_284, %get3A_285, %get3A_286] : memref<1x19x64x512xf32, #tpu.memory_space<vmem>>, vector<1x1x8x512xf32>
    %get3A_288 = vector.shape_cast %get3A_287 : vector<1x1x8x512xf32> to vector<8x512xf32>
    %gt3A_289 = arith.cmpf ogt, %get3A_288, %select_n3A_275 : vector<8x512xf32>
    %select_n3A_290 = arith.select %gt3A_289, %get3A_288, %select_n3A_275 : vector<8x512xi1>, vector<8x512xf32>
    %jit3A_291 = arith.constant 1.800000e+01 : f32
    %broadcast_in_dim3A_292 = vector.broadcast %jit3A_291 : f32 to vector<8x512xf32>
    %select_n3A_293 = arith.select %gt3A_289, %broadcast_in_dim3A_292, %select_n3A_278 : vector<8x512xi1>, vector<8x512xf32>
    %eq3A_294 = arith.constant 18 : i32
    %eq3A_295 = vector.broadcast %eq3A_294 : i32 to vector<8x512xi32>
    %eq3A_296 = arith.cmpi eq, %select_n3A, %eq3A_295 : vector<8x512xi32>
    %select_n3A_297 = arith.select %eq3A_296, %get3A_288, %select_n3A_282 : vector<8x512xi1>, vector<8x512xf32>
    %sub3A = arith.subf %get3A_21, %select_n3A_290 : vector<8x512xf32>
    %exp3A = math.exp %sub3A : vector<8x512xf32>
    %get3A_298 = arith.constant 0 : index
    %get3A_299 = arith.constant 1 : index
    %get3A_300 = arith.constant 0 : index
    %get3A_301 = arith.constant 0 : index
    %get3A_302 = vector.load %arg2[%get3A_298, %get3A_299, %get3A_300, %get3A_301] : memref<1x19x64x512xf32, #tpu.memory_space<vmem>>, vector<1x1x8x512xf32>
    %get3A_303 = vector.shape_cast %get3A_302 : vector<1x1x8x512xf32> to vector<8x512xf32>
    %sub3A_304 = arith.subf %get3A_303, %select_n3A_290 : vector<8x512xf32>
    %exp3A_305 = math.exp %sub3A_304 : vector<8x512xf32>
    %add3A = arith.addf %exp3A, %exp3A_305 : vector<8x512xf32>
    %get3A_306 = arith.constant 0 : index
    %get3A_307 = arith.constant 2 : index
    %get3A_308 = arith.constant 0 : index
    %get3A_309 = arith.constant 0 : index
    %get3A_310 = vector.load %arg2[%get3A_306, %get3A_307, %get3A_308, %get3A_309] : memref<1x19x64x512xf32, #tpu.memory_space<vmem>>, vector<1x1x8x512xf32>
    %get3A_311 = vector.shape_cast %get3A_310 : vector<1x1x8x512xf32> to vector<8x512xf32>
    %sub3A_312 = arith.subf %get3A_311, %select_n3A_290 : vector<8x512xf32>
    %exp3A_313 = math.exp %sub3A_312 : vector<8x512xf32>
    %add3A_314 = arith.addf %add3A, %exp3A_313 : vector<8x512xf32>
    %get3A_315 = arith.constant 0 : index
    %get3A_316 = arith.constant 3 : index
    %get3A_317 = arith.constant 0 : index
    %get3A_318 = arith.constant 0 : index
    %get3A_319 = vector.load %arg2[%get3A_315, %get3A_316, %get3A_317, %get3A_318] : memref<1x19x64x512xf32, #tpu.memory_space<vmem>>, vector<1x1x8x512xf32>
    %get3A_320 = vector.shape_cast %get3A_319 : vector<1x1x8x512xf32> to vector<8x512xf32>
    %sub3A_321 = arith.subf %get3A_320, %select_n3A_290 : vector<8x512xf32>
    %exp3A_322 = math.exp %sub3A_321 : vector<8x512xf32>
    %add3A_323 = arith.addf %add3A_314, %exp3A_322 : vector<8x512xf32>
    %get3A_324 = arith.constant 0 : index
    %get3A_325 = arith.constant 4 : index
    %get3A_326 = arith.constant 0 : index
    %get3A_327 = arith.constant 0 : index
    %get3A_328 = vector.load %arg2[%get3A_324, %get3A_325, %get3A_326, %get3A_327] : memref<1x19x64x512xf32, #tpu.memory_space<vmem>>, vector<1x1x8x512xf32>
    %get3A_329 = vector.shape_cast %get3A_328 : vector<1x1x8x512xf32> to vector<8x512xf32>
    %sub3A_330 = arith.subf %get3A_329, %select_n3A_290 : vector<8x512xf32>
    %exp3A_331 = math.exp %sub3A_330 : vector<8x512xf32>
    %add3A_332 = arith.addf %add3A_323, %exp3A_331 : vector<8x512xf32>
    %get3A_333 = arith.constant 0 : index
    %get3A_334 = arith.constant 5 : index
    %get3A_335 = arith.constant 0 : index
    %get3A_336 = arith.constant 0 : index
    %get3A_337 = vector.load %arg2[%get3A_333, %get3A_334, %get3A_335, %get3A_336] : memref<1x19x64x512xf32, #tpu.memory_space<vmem>>, vector<1x1x8x512xf32>
    %get3A_338 = vector.shape_cast %get3A_337 : vector<1x1x8x512xf32> to vector<8x512xf32>
    %sub3A_339 = arith.subf %get3A_338, %select_n3A_290 : vector<8x512xf32>
    %exp3A_340 = math.exp %sub3A_339 : vector<8x512xf32>
    %add3A_341 = arith.addf %add3A_332, %exp3A_340 : vector<8x512xf32>
    %get3A_342 = arith.constant 0 : index
    %get3A_343 = arith.constant 6 : index
    %get3A_344 = arith.constant 0 : index
    %get3A_345 = arith.constant 0 : index
    %get3A_346 = vector.load %arg2[%get3A_342, %get3A_343, %get3A_344, %get3A_345] : memref<1x19x64x512xf32, #tpu.memory_space<vmem>>, vector<1x1x8x512xf32>
    %get3A_347 = vector.shape_cast %get3A_346 : vector<1x1x8x512xf32> to vector<8x512xf32>
    %sub3A_348 = arith.subf %get3A_347, %select_n3A_290 : vector<8x512xf32>
    %exp3A_349 = math.exp %sub3A_348 : vector<8x512xf32>
    %add3A_350 = arith.addf %add3A_341, %exp3A_349 : vector<8x512xf32>
    %get3A_351 = arith.constant 0 : index
    %get3A_352 = arith.constant 7 : index
    %get3A_353 = arith.constant 0 : index
    %get3A_354 = arith.constant 0 : index
    %get3A_355 = vector.load %arg2[%get3A_351, %get3A_352, %get3A_353, %get3A_354] : memref<1x19x64x512xf32, #tpu.memory_space<vmem>>, vector<1x1x8x512xf32>
    %get3A_356 = vector.shape_cast %get3A_355 : vector<1x1x8x512xf32> to vector<8x512xf32>
    %sub3A_357 = arith.subf %get3A_356, %select_n3A_290 : vector<8x512xf32>
    %exp3A_358 = math.exp %sub3A_357 : vector<8x512xf32>
    %add3A_359 = arith.addf %add3A_350, %exp3A_358 : vector<8x512xf32>
    %get3A_360 = arith.constant 0 : index
    %get3A_361 = arith.constant 8 : index
    %get3A_362 = arith.constant 0 : index
    %get3A_363 = arith.constant 0 : index
    %get3A_364 = vector.load %arg2[%get3A_360, %get3A_361, %get3A_362, %get3A_363] : memref<1x19x64x512xf32, #tpu.memory_space<vmem>>, vector<1x1x8x512xf32>
    %get3A_365 = vector.shape_cast %get3A_364 : vector<1x1x8x512xf32> to vector<8x512xf32>
    %sub3A_366 = arith.subf %get3A_365, %select_n3A_290 : vector<8x512xf32>
    %exp3A_367 = math.exp %sub3A_366 : vector<8x512xf32>
    %add3A_368 = arith.addf %add3A_359, %exp3A_367 : vector<8x512xf32>
    %get3A_369 = arith.constant 0 : index
    %get3A_370 = arith.constant 9 : index
    %get3A_371 = arith.constant 0 : index
    %get3A_372 = arith.constant 0 : index
    %get3A_373 = vector.load %arg2[%get3A_369, %get3A_370, %get3A_371, %get3A_372] : memref<1x19x64x512xf32, #tpu.memory_space<vmem>>, vector<1x1x8x512xf32>
    %get3A_374 = vector.shape_cast %get3A_373 : vector<1x1x8x512xf32> to vector<8x512xf32>
    %sub3A_375 = arith.subf %get3A_374, %select_n3A_290 : vector<8x512xf32>
    %exp3A_376 = math.exp %sub3A_375 : vector<8x512xf32>
    %add3A_377 = arith.addf %add3A_368, %exp3A_376 : vector<8x512xf32>
    %get3A_378 = arith.constant 0 : index
    %get3A_379 = arith.constant 10 : index
    %get3A_380 = arith.constant 0 : index
    %get3A_381 = arith.constant 0 : index
    %get3A_382 = vector.load %arg2[%get3A_378, %get3A_379, %get3A_380, %get3A_381] : memref<1x19x64x512xf32, #tpu.memory_space<vmem>>, vector<1x1x8x512xf32>
    %get3A_383 = vector.shape_cast %get3A_382 : vector<1x1x8x512xf32> to vector<8x512xf32>
    %sub3A_384 = arith.subf %get3A_383, %select_n3A_290 : vector<8x512xf32>
    %exp3A_385 = math.exp %sub3A_384 : vector<8x512xf32>
    %add3A_386 = arith.addf %add3A_377, %exp3A_385 : vector<8x512xf32>
    %get3A_387 = arith.constant 0 : index
    %get3A_388 = arith.constant 11 : index
    %get3A_389 = arith.constant 0 : index
    %get3A_390 = arith.constant 0 : index
    %get3A_391 = vector.load %arg2[%get3A_387, %get3A_388, %get3A_389, %get3A_390] : memref<1x19x64x512xf32, #tpu.memory_space<vmem>>, vector<1x1x8x512xf32>
    %get3A_392 = vector.shape_cast %get3A_391 : vector<1x1x8x512xf32> to vector<8x512xf32>
    %sub3A_393 = arith.subf %get3A_392, %select_n3A_290 : vector<8x512xf32>
    %exp3A_394 = math.exp %sub3A_393 : vector<8x512xf32>
    %add3A_395 = arith.addf %add3A_386, %exp3A_394 : vector<8x512xf32>
    %get3A_396 = arith.constant 0 : index
    %get3A_397 = arith.constant 12 : index
    %get3A_398 = arith.constant 0 : index
    %get3A_399 = arith.constant 0 : index
    %get3A_400 = vector.load %arg2[%get3A_396, %get3A_397, %get3A_398, %get3A_399] : memref<1x19x64x512xf32, #tpu.memory_space<vmem>>, vector<1x1x8x512xf32>
    %get3A_401 = vector.shape_cast %get3A_400 : vector<1x1x8x512xf32> to vector<8x512xf32>
    %sub3A_402 = arith.subf %get3A_401, %select_n3A_290 : vector<8x512xf32>
    %exp3A_403 = math.exp %sub3A_402 : vector<8x512xf32>
    %add3A_404 = arith.addf %add3A_395, %exp3A_403 : vector<8x512xf32>
    %get3A_405 = arith.constant 0 : index
    %get3A_406 = arith.constant 13 : index
    %get3A_407 = arith.constant 0 : index
    %get3A_408 = arith.constant 0 : index
    %get3A_409 = vector.load %arg2[%get3A_405, %get3A_406, %get3A_407, %get3A_408] : memref<1x19x64x512xf32, #tpu.memory_space<vmem>>, vector<1x1x8x512xf32>
    %get3A_410 = vector.shape_cast %get3A_409 : vector<1x1x8x512xf32> to vector<8x512xf32>
    %sub3A_411 = arith.subf %get3A_410, %select_n3A_290 : vector<8x512xf32>
    %exp3A_412 = math.exp %sub3A_411 : vector<8x512xf32>
    %add3A_413 = arith.addf %add3A_404, %exp3A_412 : vector<8x512xf32>
    %get3A_414 = arith.constant 0 : index
    %get3A_415 = arith.constant 14 : index
    %get3A_416 = arith.constant 0 : index
    %get3A_417 = arith.constant 0 : index
    %get3A_418 = vector.load %arg2[%get3A_414, %get3A_415, %get3A_416, %get3A_417] : memref<1x19x64x512xf32, #tpu.memory_space<vmem>>, vector<1x1x8x512xf32>
    %get3A_419 = vector.shape_cast %get3A_418 : vector<1x1x8x512xf32> to vector<8x512xf32>
    %sub3A_420 = arith.subf %get3A_419, %select_n3A_290 : vector<8x512xf32>
    %exp3A_421 = math.exp %sub3A_420 : vector<8x512xf32>
    %add3A_422 = arith.addf %add3A_413, %exp3A_421 : vector<8x512xf32>
    %get3A_423 = arith.constant 0 : index
    %get3A_424 = arith.constant 15 : index
    %get3A_425 = arith.constant 0 : index
    %get3A_426 = arith.constant 0 : index
    %get3A_427 = vector.load %arg2[%get3A_423, %get3A_424, %get3A_425, %get3A_426] : memref<1x19x64x512xf32, #tpu.memory_space<vmem>>, vector<1x1x8x512xf32>
    %get3A_428 = vector.shape_cast %get3A_427 : vector<1x1x8x512xf32> to vector<8x512xf32>
    %sub3A_429 = arith.subf %get3A_428, %select_n3A_290 : vector<8x512xf32>
    %exp3A_430 = math.exp %sub3A_429 : vector<8x512xf32>
    %add3A_431 = arith.addf %add3A_422, %exp3A_430 : vector<8x512xf32>
    %get3A_432 = arith.constant 0 : index
    %get3A_433 = arith.constant 16 : index
    %get3A_434 = arith.constant 0 : index
    %get3A_435 = arith.constant 0 : index
    %get3A_436 = vector.load %arg2[%get3A_432, %get3A_433, %get3A_434, %get3A_435] : memref<1x19x64x512xf32, #tpu.memory_space<vmem>>, vector<1x1x8x512xf32>
    %get3A_437 = vector.shape_cast %get3A_436 : vector<1x1x8x512xf32> to vector<8x512xf32>
    %sub3A_438 = arith.subf %get3A_437, %select_n3A_290 : vector<8x512xf32>
    %exp3A_439 = math.exp %sub3A_438 : vector<8x512xf32>
    %add3A_440 = arith.addf %add3A_431, %exp3A_439 : vector<8x512xf32>
    %get3A_441 = arith.constant 0 : index
    %get3A_442 = arith.constant 17 : index
    %get3A_443 = arith.constant 0 : index
    %get3A_444 = arith.constant 0 : index
    %get3A_445 = vector.load %arg2[%get3A_441, %get3A_442, %get3A_443, %get3A_444] : memref<1x19x64x512xf32, #tpu.memory_space<vmem>>, vector<1x1x8x512xf32>
    %get3A_446 = vector.shape_cast %get3A_445 : vector<1x1x8x512xf32> to vector<8x512xf32>
    %sub3A_447 = arith.subf %get3A_446, %select_n3A_290 : vector<8x512xf32>
    %exp3A_448 = math.exp %sub3A_447 : vector<8x512xf32>
    %add3A_449 = arith.addf %add3A_440, %exp3A_448 : vector<8x512xf32>
    %get3A_450 = arith.constant 0 : index
    %get3A_451 = arith.constant 18 : index
    %get3A_452 = arith.constant 0 : index
    %get3A_453 = arith.constant 0 : index
    %get3A_454 = vector.load %arg2[%get3A_450, %get3A_451, %get3A_452, %get3A_453] : memref<1x19x64x512xf32, #tpu.memory_space<vmem>>, vector<1x1x8x512xf32>
    %get3A_455 = vector.shape_cast %get3A_454 : vector<1x1x8x512xf32> to vector<8x512xf32>
    %sub3A_456 = arith.subf %get3A_455, %select_n3A_290 : vector<8x512xf32>
    %exp3A_457 = math.exp %sub3A_456 : vector<8x512xf32>
    %add3A_458 = arith.addf %add3A_449, %exp3A_457 : vector<8x512xf32>
    %log3A = math.log %add3A_458 : vector<8x512xf32>
    %add3A_459 = arith.addf %log3A, %select_n3A_290 : vector<8x512xf32>
    %convert_element_type3A = arith.extui %ge3A_14 : vector<8x512xi1> to vector<8x512xi32>
    %convert_element_type3A_460 = arith.sitofp %convert_element_type3A : vector<8x512xi32> to vector<8x512xf32>
    %convert_element_type3A_461 = arith.sitofp %get3A_12 : vector<8x512xi32> to vector<8x512xf32>
    %sub3A_462 = arith.subf %add3A_459, %select_n3A_297 : vector<8x512xf32>
    %jit3A_463 = arith.constant 0.000000e+00 : f32
    %broadcast_in_dim3A_464 = vector.broadcast %jit3A_463 : f32 to vector<8x512xf32>
    %select_n3A_465 = arith.select %ge3A_14, %sub3A_462, %broadcast_in_dim3A_464 : vector<8x512xi1>, vector<8x512xf32>
    %add3A_466 = arith.addf %broadcast_in_dim3A_0, %select_n3A_465 : vector<8x512xf32>
    %add3A_467 = arith.addf %broadcast_in_dim3A_2, %convert_element_type3A_460 : vector<8x512xf32>
    %mul3A = arith.mulf %select_n3A_293, %convert_element_type3A_461 : vector<8x512xf32>
    %add3A_468 = arith.addf %broadcast_in_dim3A_4, %mul3A : vector<8x512xf32>
    %mul3A_469 = arith.mulf %select_n3A_293, %select_n3A_293 : vector<8x512xf32>
    %add3A_470 = arith.addf %broadcast_in_dim3A_6, %mul3A_469 : vector<8x512xf32>
    %mul3A_471 = arith.mulf %convert_element_type3A_461, %convert_element_type3A_461 : vector<8x512xf32>
    %add3A_472 = arith.addf %broadcast_in_dim3A_8, %mul3A_471 : vector<8x512xf32>
    %get3A_473 = arith.constant 0 : index
    %get3A_474 = arith.constant 8 : index
    %get3A_475 = arith.constant 0 : index
    %get3A_476 = vector.load %arg3[%get3A_473, %get3A_474, %get3A_475] : memref<1x64x512xi32, #tpu.memory_space<vmem>>, vector<1x8x512xi32>
    %get3A_477 = vector.shape_cast %get3A_476 : vector<1x8x512xi32> to vector<8x512xi32>
    %ge3A_478 = arith.constant 0 : i32
    %ge3A_479 = vector.broadcast %ge3A_478 : i32 to vector<8x512xi32>
    %ge3A_480 = arith.cmpi sge, %get3A_477, %ge3A_479 : vector<8x512xi32>
    %jit3A_481 = arith.constant 0 : i32
    %broadcast_in_dim3A_482 = vector.broadcast %jit3A_481 : i32 to vector<8x512xi32>
    %select_n3A_483 = arith.select %ge3A_480, %get3A_477, %broadcast_in_dim3A_482 : vector<8x512xi1>, vector<8x512xi32>
    %get3A_484 = arith.constant 0 : index
    %get3A_485 = arith.constant 0 : index
    %get3A_486 = arith.constant 8 : index
    %get3A_487 = arith.constant 0 : index
    %get3A_488 = vector.load %arg2[%get3A_484, %get3A_485, %get3A_486, %get3A_487] : memref<1x19x64x512xf32, #tpu.memory_space<vmem>>, vector<1x1x8x512xf32>
    %get3A_489 = vector.shape_cast %get3A_488 : vector<1x1x8x512xf32> to vector<8x512xf32>
    %broadcast_in_dim3A_490 = arith.constant 0.000000e+00 : f32
    %broadcast_in_dim3A_491 = vector.broadcast %broadcast_in_dim3A_490 : f32 to vector<8x512xf32>
    %eq3A_492 = arith.constant 0 : i32
    %eq3A_493 = vector.broadcast %eq3A_492 : i32 to vector<8x512xi32>
    %eq3A_494 = arith.cmpi eq, %select_n3A_483, %eq3A_493 : vector<8x512xi32>
    %jit3A_495 = arith.constant 0.000000e+00 : f32
    %broadcast_in_dim3A_496 = vector.broadcast %jit3A_495 : f32 to vector<8x512xf32>
    %select_n3A_497 = arith.select %eq3A_494, %get3A_489, %broadcast_in_dim3A_496 : vector<8x512xi1>, vector<8x512xf32>
    %get3A_498 = arith.constant 0 : index
    %get3A_499 = arith.constant 1 : index
    %get3A_500 = arith.constant 8 : index
    %get3A_501 = arith.constant 0 : index
    %get3A_502 = vector.load %arg2[%get3A_498, %get3A_499, %get3A_500, %get3A_501] : memref<1x19x64x512xf32, #tpu.memory_space<vmem>>, vector<1x1x8x512xf32>
    %get3A_503 = vector.shape_cast %get3A_502 : vector<1x1x8x512xf32> to vector<8x512xf32>
    %gt3A_504 = arith.cmpf ogt, %get3A_503, %get3A_489 : vector<8x512xf32>
    %select_n3A_505 = arith.select %gt3A_504, %get3A_503, %get3A_489 : vector<8x512xi1>, vector<8x512xf32>
    %jit3A_506 = arith.constant 1.000000e+00 : f32
    %broadcast_in_dim3A_507 = vector.broadcast %jit3A_506 : f32 to vector<8x512xf32>
    %select_n3A_508 = arith.select %gt3A_504, %broadcast_in_dim3A_507, %broadcast_in_dim3A_491 : vector<8x512xi1>, vector<8x512xf32>
    %eq3A_509 = arith.constant 1 : i32
    %eq3A_510 = vector.broadcast %eq3A_509 : i32 to vector<8x512xi32>
    %eq3A_511 = arith.cmpi eq, %select_n3A_483, %eq3A_510 : vector<8x512xi32>
    %select_n3A_512 = arith.select %eq3A_511, %get3A_503, %select_n3A_497 : vector<8x512xi1>, vector<8x512xf32>
    %get3A_513 = arith.constant 0 : index
    %get3A_514 = arith.constant 2 : index
    %get3A_515 = arith.constant 8 : index
    %get3A_516 = arith.constant 0 : index
    %get3A_517 = vector.load %arg2[%get3A_513, %get3A_514, %get3A_515, %get3A_516] : memref<1x19x64x512xf32, #tpu.memory_space<vmem>>, vector<1x1x8x512xf32>
    %get3A_518 = vector.shape_cast %get3A_517 : vector<1x1x8x512xf32> to vector<8x512xf32>
    %gt3A_519 = arith.cmpf ogt, %get3A_518, %select_n3A_505 : vector<8x512xf32>
    %select_n3A_520 = arith.select %gt3A_519, %get3A_518, %select_n3A_505 : vector<8x512xi1>, vector<8x512xf32>
    %jit3A_521 = arith.constant 2.000000e+00 : f32
    %broadcast_in_dim3A_522 = vector.broadcast %jit3A_521 : f32 to vector<8x512xf32>
    %select_n3A_523 = arith.select %gt3A_519, %broadcast_in_dim3A_522, %select_n3A_508 : vector<8x512xi1>, vector<8x512xf32>
    %eq3A_524 = arith.constant 2 : i32
    %eq3A_525 = vector.broadcast %eq3A_524 : i32 to vector<8x512xi32>
    %eq3A_526 = arith.cmpi eq, %select_n3A_483, %eq3A_525 : vector<8x512xi32>
    %select_n3A_527 = arith.select %eq3A_526, %get3A_518, %select_n3A_512 : vector<8x512xi1>, vector<8x512xf32>
    %get3A_528 = arith.constant 0 : index
    %get3A_529 = arith.constant 3 : index
    %get3A_530 = arith.constant 8 : index
    %get3A_531 = arith.constant 0 : index
    %get3A_532 = vector.load %arg2[%get3A_528, %get3A_529, %get3A_530, %get3A_531] : memref<1x19x64x512xf32, #tpu.memory_space<vmem>>, vector<1x1x8x512xf32>
    %get3A_533 = vector.shape_cast %get3A_532 : vector<1x1x8x512xf32> to vector<8x512xf32>
    %gt3A_534 = arith.cmpf ogt, %get3A_533, %select_n3A_520 : vector<8x512xf32>
    %select_n3A_535 = arith.select %gt3A_534, %get3A_533, %select_n3A_520 : vector<8x512xi1>, vector<8x512xf32>
    %jit3A_536 = arith.constant 3.000000e+00 : f32
    %broadcast_in_dim3A_537 = vector.broadcast %jit3A_536 : f32 to vector<8x512xf32>
    %select_n3A_538 = arith.select %gt3A_534, %broadcast_in_dim3A_537, %select_n3A_523 : vector<8x512xi1>, vector<8x512xf32>
    %eq3A_539 = arith.constant 3 : i32
    %eq3A_540 = vector.broadcast %eq3A_539 : i32 to vector<8x512xi32>
    %eq3A_541 = arith.cmpi eq, %select_n3A_483, %eq3A_540 : vector<8x512xi32>
    %select_n3A_542 = arith.select %eq3A_541, %get3A_533, %select_n3A_527 : vector<8x512xi1>, vector<8x512xf32>
    %get3A_543 = arith.constant 0 : index
    %get3A_544 = arith.constant 4 : index
    %get3A_545 = arith.constant 8 : index
    %get3A_546 = arith.constant 0 : index
    %get3A_547 = vector.load %arg2[%get3A_543, %get3A_544, %get3A_545, %get3A_546] : memref<1x19x64x512xf32, #tpu.memory_space<vmem>>, vector<1x1x8x512xf32>
    %get3A_548 = vector.shape_cast %get3A_547 : vector<1x1x8x512xf32> to vector<8x512xf32>
    %gt3A_549 = arith.cmpf ogt, %get3A_548, %select_n3A_535 : vector<8x512xf32>
    %select_n3A_550 = arith.select %gt3A_549, %get3A_548, %select_n3A_535 : vector<8x512xi1>, vector<8x512xf32>
    %jit3A_551 = arith.constant 4.000000e+00 : f32
    %broadcast_in_dim3A_552 = vector.broadcast %jit3A_551 : f32 to vector<8x512xf32>
    %select_n3A_553 = arith.select %gt3A_549, %broadcast_in_dim3A_552, %select_n3A_538 : vector<8x512xi1>, vector<8x512xf32>
    %eq3A_554 = arith.constant 4 : i32
    %eq3A_555 = vector.broadcast %eq3A_554 : i32 to vector<8x512xi32>
    %eq3A_556 = arith.cmpi eq, %select_n3A_483, %eq3A_555 : vector<8x512xi32>
    %select_n3A_557 = arith.select %eq3A_556, %get3A_548, %select_n3A_542 : vector<8x512xi1>, vector<8x512xf32>
    %get3A_558 = arith.constant 0 : index
    %get3A_559 = arith.constant 5 : index
    %get3A_560 = arith.constant 8 : index
    %get3A_561 = arith.constant 0 : index
    %get3A_562 = vector.load %arg2[%get3A_558, %get3A_559, %get3A_560, %get3A_561] : memref<1x19x64x512xf32, #tpu.memory_space<vmem>>, vector<1x1x8x512xf32>
    %get3A_563 = vector.shape_cast %get3A_562 : vector<1x1x8x512xf32> to vector<8x512xf32>
    %gt3A_564 = arith.cmpf ogt, %get3A_563, %select_n3A_550 : vector<8x512xf32>
    %select_n3A_565 = arith.select %gt3A_564, %get3A_563, %select_n3A_550 : vector<8x512xi1>, vector<8x512xf32>
    %jit3A_566 = arith.constant 5.000000e+00 : f32
    %broadcast_in_dim3A_567 = vector.broadcast %jit3A_566 : f32 to vector<8x512xf32>
    %select_n3A_568 = arith.select %gt3A_564, %broadcast_in_dim3A_567, %select_n3A_553 : vector<8x512xi1>, vector<8x512xf32>
    %eq3A_569 = arith.constant 5 : i32
    %eq3A_570 = vector.broadcast %eq3A_569 : i32 to vector<8x512xi32>
    %eq3A_571 = arith.cmpi eq, %select_n3A_483, %eq3A_570 : vector<8x512xi32>
    %select_n3A_572 = arith.select %eq3A_571, %get3A_563, %select_n3A_557 : vector<8x512xi1>, vector<8x512xf32>
    %get3A_573 = arith.constant 0 : index
    %get3A_574 = arith.constant 6 : index
    %get3A_575 = arith.constant 8 : index
    %get3A_576 = arith.constant 0 : index
    %get3A_577 = vector.load %arg2[%get3A_573, %get3A_574, %get3A_575, %get3A_576] : memref<1x19x64x512xf32, #tpu.memory_space<vmem>>, vector<1x1x8x512xf32>
    %get3A_578 = vector.shape_cast %get3A_577 : vector<1x1x8x512xf32> to vector<8x512xf32>
    %gt3A_579 = arith.cmpf ogt, %get3A_578, %select_n3A_565 : vector<8x512xf32>
    %select_n3A_580 = arith.select %gt3A_579, %get3A_578, %select_n3A_565 : vector<8x512xi1>, vector<8x512xf32>
    %jit3A_581 = arith.constant 6.000000e+00 : f32
    %broadcast_in_dim3A_582 = vector.broadcast %jit3A_581 : f32 to vector<8x512xf32>
    %select_n3A_583 = arith.select %gt3A_579, %broadcast_in_dim3A_582, %select_n3A_568 : vector<8x512xi1>, vector<8x512xf32>
    %eq3A_584 = arith.constant 6 : i32
    %eq3A_585 = vector.broadcast %eq3A_584 : i32 to vector<8x512xi32>
    %eq3A_586 = arith.cmpi eq, %select_n3A_483, %eq3A_585 : vector<8x512xi32>
    %select_n3A_587 = arith.select %eq3A_586, %get3A_578, %select_n3A_572 : vector<8x512xi1>, vector<8x512xf32>
    %get3A_588 = arith.constant 0 : index
    %get3A_589 = arith.constant 7 : index
    %get3A_590 = arith.constant 8 : index
    %get3A_591 = arith.constant 0 : index
    %get3A_592 = vector.load %arg2[%get3A_588, %get3A_589, %get3A_590, %get3A_591] : memref<1x19x64x512xf32, #tpu.memory_space<vmem>>, vector<1x1x8x512xf32>
    %get3A_593 = vector.shape_cast %get3A_592 : vector<1x1x8x512xf32> to vector<8x512xf32>
    %gt3A_594 = arith.cmpf ogt, %get3A_593, %select_n3A_580 : vector<8x512xf32>
    %select_n3A_595 = arith.select %gt3A_594, %get3A_593, %select_n3A_580 : vector<8x512xi1>, vector<8x512xf32>
    %jit3A_596 = arith.constant 7.000000e+00 : f32
    %broadcast_in_dim3A_597 = vector.broadcast %jit3A_596 : f32 to vector<8x512xf32>
    %select_n3A_598 = arith.select %gt3A_594, %broadcast_in_dim3A_597, %select_n3A_583 : vector<8x512xi1>, vector<8x512xf32>
    %eq3A_599 = arith.constant 7 : i32
    %eq3A_600 = vector.broadcast %eq3A_599 : i32 to vector<8x512xi32>
    %eq3A_601 = arith.cmpi eq, %select_n3A_483, %eq3A_600 : vector<8x512xi32>
    %select_n3A_602 = arith.select %eq3A_601, %get3A_593, %select_n3A_587 : vector<8x512xi1>, vector<8x512xf32>
    %get3A_603 = arith.constant 0 : index
    %get3A_604 = arith.constant 8 : index
    %get3A_605 = arith.constant 8 : index
    %get3A_606 = arith.constant 0 : index
    %get3A_607 = vector.load %arg2[%get3A_603, %get3A_604, %get3A_605, %get3A_606] : memref<1x19x64x512xf32, #tpu.memory_space<vmem>>, vector<1x1x8x512xf32>
    %get3A_608 = vector.shape_cast %get3A_607 : vector<1x1x8x512xf32> to vector<8x512xf32>
    %gt3A_609 = arith.cmpf ogt, %get3A_608, %select_n3A_595 : vector<8x512xf32>
    %select_n3A_610 = arith.select %gt3A_609, %get3A_608, %select_n3A_595 : vector<8x512xi1>, vector<8x512xf32>
    %jit3A_611 = arith.constant 8.000000e+00 : f32
    %broadcast_in_dim3A_612 = vector.broadcast %jit3A_611 : f32 to vector<8x512xf32>
    %select_n3A_613 = arith.select %gt3A_609, %broadcast_in_dim3A_612, %select_n3A_598 : vector<8x512xi1>, vector<8x512xf32>
    %eq3A_614 = arith.constant 8 : i32
    %eq3A_615 = vector.broadcast %eq3A_614 : i32 to vector<8x512xi32>
    %eq3A_616 = arith.cmpi eq, %select_n3A_483, %eq3A_615 : vector<8x512xi32>
    %select_n3A_617 = arith.select %eq3A_616, %get3A_608, %select_n3A_602 : vector<8x512xi1>, vector<8x512xf32>
    %get3A_618 = arith.constant 0 : index
    %get3A_619 = arith.constant 9 : index
    %get3A_620 = arith.constant 8 : index
    %get3A_621 = arith.constant 0 : index
    %get3A_622 = vector.load %arg2[%get3A_618, %get3A_619, %get3A_620, %get3A_621] : memref<1x19x64x512xf32, #tpu.memory_space<vmem>>, vector<1x1x8x512xf32>
    %get3A_623 = vector.shape_cast %get3A_622 : vector<1x1x8x512xf32> to vector<8x512xf32>
    %gt3A_624 = arith.cmpf ogt, %get3A_623, %select_n3A_610 : vector<8x512xf32>
    %select_n3A_625 = arith.select %gt3A_624, %get3A_623, %select_n3A_610 : vector<8x512xi1>, vector<8x512xf32>
    %jit3A_626 = arith.constant 9.000000e+00 : f32
    %broadcast_in_dim3A_627 = vector.broadcast %jit3A_626 : f32 to vector<8x512xf32>
    %select_n3A_628 = arith.select %gt3A_624, %broadcast_in_dim3A_627, %select_n3A_613 : vector<8x512xi1>, vector<8x512xf32>
    %eq3A_629 = arith.constant 9 : i32
    %eq3A_630 = vector.broadcast %eq3A_629 : i32 to vector<8x512xi32>
    %eq3A_631 = arith.cmpi eq, %select_n3A_483, %eq3A_630 : vector<8x512xi32>
    %select_n3A_632 = arith.select %eq3A_631, %get3A_623, %select_n3A_617 : vector<8x512xi1>, vector<8x512xf32>
    %get3A_633 = arith.constant 0 : index
    %get3A_634 = arith.constant 10 : index
    %get3A_635 = arith.constant 8 : index
    %get3A_636 = arith.constant 0 : index
    %get3A_637 = vector.load %arg2[%get3A_633, %get3A_634, %get3A_635, %get3A_636] : memref<1x19x64x512xf32, #tpu.memory_space<vmem>>, vector<1x1x8x512xf32>
    %get3A_638 = vector.shape_cast %get3A_637 : vector<1x1x8x512xf32> to vector<8x512xf32>
    %gt3A_639 = arith.cmpf ogt, %get3A_638, %select_n3A_625 : vector<8x512xf32>
    %select_n3A_640 = arith.select %gt3A_639, %get3A_638, %select_n3A_625 : vector<8x512xi1>, vector<8x512xf32>
    %jit3A_641 = arith.constant 1.000000e+01 : f32
    %broadcast_in_dim3A_642 = vector.broadcast %jit3A_641 : f32 to vector<8x512xf32>
    %select_n3A_643 = arith.select %gt3A_639, %broadcast_in_dim3A_642, %select_n3A_628 : vector<8x512xi1>, vector<8x512xf32>
    %eq3A_644 = arith.constant 10 : i32
    %eq3A_645 = vector.broadcast %eq3A_644 : i32 to vector<8x512xi32>
    %eq3A_646 = arith.cmpi eq, %select_n3A_483, %eq3A_645 : vector<8x512xi32>
    %select_n3A_647 = arith.select %eq3A_646, %get3A_638, %select_n3A_632 : vector<8x512xi1>, vector<8x512xf32>
    %get3A_648 = arith.constant 0 : index
    %get3A_649 = arith.constant 11 : index
    %get3A_650 = arith.constant 8 : index
    %get3A_651 = arith.constant 0 : index
    %get3A_652 = vector.load %arg2[%get3A_648, %get3A_649, %get3A_650, %get3A_651] : memref<1x19x64x512xf32, #tpu.memory_space<vmem>>, vector<1x1x8x512xf32>
    %get3A_653 = vector.shape_cast %get3A_652 : vector<1x1x8x512xf32> to vector<8x512xf32>
    %gt3A_654 = arith.cmpf ogt, %get3A_653, %select_n3A_640 : vector<8x512xf32>
    %select_n3A_655 = arith.select %gt3A_654, %get3A_653, %select_n3A_640 : vector<8x512xi1>, vector<8x512xf32>
    %jit3A_656 = arith.constant 1.100000e+01 : f32
    %broadcast_in_dim3A_657 = vector.broadcast %jit3A_656 : f32 to vector<8x512xf32>
    %select_n3A_658 = arith.select %gt3A_654, %broadcast_in_dim3A_657, %select_n3A_643 : vector<8x512xi1>, vector<8x512xf32>
    %eq3A_659 = arith.constant 11 : i32
    %eq3A_660 = vector.broadcast %eq3A_659 : i32 to vector<8x512xi32>
    %eq3A_661 = arith.cmpi eq, %select_n3A_483, %eq3A_660 : vector<8x512xi32>
    %select_n3A_662 = arith.select %eq3A_661, %get3A_653, %select_n3A_647 : vector<8x512xi1>, vector<8x512xf32>
    %get3A_663 = arith.constant 0 : index
    %get3A_664 = arith.constant 12 : index
    %get3A_665 = arith.constant 8 : index
    %get3A_666 = arith.constant 0 : index
    %get3A_667 = vector.load %arg2[%get3A_663, %get3A_664, %get3A_665, %get3A_666] : memref<1x19x64x512xf32, #tpu.memory_space<vmem>>, vector<1x1x8x512xf32>
    %get3A_668 = vector.shape_cast %get3A_667 : vector<1x1x8x512xf32> to vector<8x512xf32>
    %gt3A_669 = arith.cmpf ogt, %get3A_668, %select_n3A_655 : vector<8x512xf32>
    %select_n3A_670 = arith.select %gt3A_669, %get3A_668, %select_n3A_655 : vector<8x512xi1>, vector<8x512xf32>
    %jit3A_671 = arith.constant 1.200000e+01 : f32
    %broadcast_in_dim3A_672 = vector.broadcast %jit3A_671 : f32 to vector<8x512xf32>
    %select_n3A_673 = arith.select %gt3A_669, %broadcast_in_dim3A_672, %select_n3A_658 : vector<8x512xi1>, vector<8x512xf32>
    %eq3A_674 = arith.constant 12 : i32
    %eq3A_675 = vector.broadcast %eq3A_674 : i32 to vector<8x512xi32>
    %eq3A_676 = arith.cmpi eq, %select_n3A_483, %eq3A_675 : vector<8x512xi32>
    %select_n3A_677 = arith.select %eq3A_676, %get3A_668, %select_n3A_662 : vector<8x512xi1>, vector<8x512xf32>
    %get3A_678 = arith.constant 0 : index
    %get3A_679 = arith.constant 13 : index
    %get3A_680 = arith.constant 8 : index
    %get3A_681 = arith.constant 0 : index
    %get3A_682 = vector.load %arg2[%get3A_678, %get3A_679, %get3A_680, %get3A_681] : memref<1x19x64x512xf32, #tpu.memory_space<vmem>>, vector<1x1x8x512xf32>
    %get3A_683 = vector.shape_cast %get3A_682 : vector<1x1x8x512xf32> to vector<8x512xf32>
    %gt3A_684 = arith.cmpf ogt, %get3A_683, %select_n3A_670 : vector<8x512xf32>
    %select_n3A_685 = arith.select %gt3A_684, %get3A_683, %select_n3A_670 : vector<8x512xi1>, vector<8x512xf32>
    %jit3A_686 = arith.constant 1.300000e+01 : f32
    %broadcast_in_dim3A_687 = vector.broadcast %jit3A_686 : f32 to vector<8x512xf32>
    %select_n3A_688 = arith.select %gt3A_684, %broadcast_in_dim3A_687, %select_n3A_673 : vector<8x512xi1>, vector<8x512xf32>
    %eq3A_689 = arith.constant 13 : i32
    %eq3A_690 = vector.broadcast %eq3A_689 : i32 to vector<8x512xi32>
    %eq3A_691 = arith.cmpi eq, %select_n3A_483, %eq3A_690 : vector<8x512xi32>
    %select_n3A_692 = arith.select %eq3A_691, %get3A_683, %select_n3A_677 : vector<8x512xi1>, vector<8x512xf32>
    %get3A_693 = arith.constant 0 : index
    %get3A_694 = arith.constant 14 : index
    %get3A_695 = arith.constant 8 : index
    %get3A_696 = arith.constant 0 : index
    %get3A_697 = vector.load %arg2[%get3A_693, %get3A_694, %get3A_695, %get3A_696] : memref<1x19x64x512xf32, #tpu.memory_space<vmem>>, vector<1x1x8x512xf32>
    %get3A_698 = vector.shape_cast %get3A_697 : vector<1x1x8x512xf32> to vector<8x512xf32>
    %gt3A_699 = arith.cmpf ogt, %get3A_698, %select_n3A_685 : vector<8x512xf32>
    %select_n3A_700 = arith.select %gt3A_699, %get3A_698, %select_n3A_685 : vector<8x512xi1>, vector<8x512xf32>
    %jit3A_701 = arith.constant 1.400000e+01 : f32
    %broadcast_in_dim3A_702 = vector.broadcast %jit3A_701 : f32 to vector<8x512xf32>
    %select_n3A_703 = arith.select %gt3A_699, %broadcast_in_dim3A_702, %select_n3A_688 : vector<8x512xi1>, vector<8x512xf32>
    %eq3A_704 = arith.constant 14 : i32
    %eq3A_705 = vector.broadcast %eq3A_704 : i32 to vector<8x512xi32>
    %eq3A_706 = arith.cmpi eq, %select_n3A_483, %eq3A_705 : vector<8x512xi32>
    %select_n3A_707 = arith.select %eq3A_706, %get3A_698, %select_n3A_692 : vector<8x512xi1>, vector<8x512xf32>
    %get3A_708 = arith.constant 0 : index
    %get3A_709 = arith.constant 15 : index
    %get3A_710 = arith.constant 8 : index
    %get3A_711 = arith.constant 0 : index
    %get3A_712 = vector.load %arg2[%get3A_708, %get3A_709, %get3A_710, %get3A_711] : memref<1x19x64x512xf32, #tpu.memory_space<vmem>>, vector<1x1x8x512xf32>
    %get3A_713 = vector.shape_cast %get3A_712 : vector<1x1x8x512xf32> to vector<8x512xf32>
    %gt3A_714 = arith.cmpf ogt, %get3A_713, %select_n3A_700 : vector<8x512xf32>
    %select_n3A_715 = arith.select %gt3A_714, %get3A_713, %select_n3A_700 : vector<8x512xi1>, vector<8x512xf32>
    %jit3A_716 = arith.constant 1.500000e+01 : f32
    %broadcast_in_dim3A_717 = vector.broadcast %jit3A_716 : f32 to vector<8x512xf32>
    %select_n3A_718 = arith.select %gt3A_714, %broadcast_in_dim3A_717, %select_n3A_703 : vector<8x512xi1>, vector<8x512xf32>
    %eq3A_719 = arith.constant 15 : i32
    %eq3A_720 = vector.broadcast %eq3A_719 : i32 to vector<8x512xi32>
    %eq3A_721 = arith.cmpi eq, %select_n3A_483, %eq3A_720 : vector<8x512xi32>
    %select_n3A_722 = arith.select %eq3A_721, %get3A_713, %select_n3A_707 : vector<8x512xi1>, vector<8x512xf32>
    %get3A_723 = arith.constant 0 : index
    %get3A_724 = arith.constant 16 : index
    %get3A_725 = arith.constant 8 : index
    %get3A_726 = arith.constant 0 : index
    %get3A_727 = vector.load %arg2[%get3A_723, %get3A_724, %get3A_725, %get3A_726] : memref<1x19x64x512xf32, #tpu.memory_space<vmem>>, vector<1x1x8x512xf32>
    %get3A_728 = vector.shape_cast %get3A_727 : vector<1x1x8x512xf32> to vector<8x512xf32>
    %gt3A_729 = arith.cmpf ogt, %get3A_728, %select_n3A_715 : vector<8x512xf32>
    %select_n3A_730 = arith.select %gt3A_729, %get3A_728, %select_n3A_715 : vector<8x512xi1>, vector<8x512xf32>
    %jit3A_731 = arith.constant 1.600000e+01 : f32
    %broadcast_in_dim3A_732 = vector.broadcast %jit3A_731 : f32 to vector<8x512xf32>
    %select_n3A_733 = arith.select %gt3A_729, %broadcast_in_dim3A_732, %select_n3A_718 : vector<8x512xi1>, vector<8x512xf32>
    %eq3A_734 = arith.constant 16 : i32
    %eq3A_735 = vector.broadcast %eq3A_734 : i32 to vector<8x512xi32>
    %eq3A_736 = arith.cmpi eq, %select_n3A_483, %eq3A_735 : vector<8x512xi32>
    %select_n3A_737 = arith.select %eq3A_736, %get3A_728, %select_n3A_722 : vector<8x512xi1>, vector<8x512xf32>
    %get3A_738 = arith.constant 0 : index
    %get3A_739 = arith.constant 17 : index
    %get3A_740 = arith.constant 8 : index
    %get3A_741 = arith.constant 0 : index
    %get3A_742 = vector.load %arg2[%get3A_738, %get3A_739, %get3A_740, %get3A_741] : memref<1x19x64x512xf32, #tpu.memory_space<vmem>>, vector<1x1x8x512xf32>
    %get3A_743 = vector.shape_cast %get3A_742 : vector<1x1x8x512xf32> to vector<8x512xf32>
    %gt3A_744 = arith.cmpf ogt, %get3A_743, %select_n3A_730 : vector<8x512xf32>
    %select_n3A_745 = arith.select %gt3A_744, %get3A_743, %select_n3A_730 : vector<8x512xi1>, vector<8x512xf32>
    %jit3A_746 = arith.constant 1.700000e+01 : f32
    %broadcast_in_dim3A_747 = vector.broadcast %jit3A_746 : f32 to vector<8x512xf32>
    %select_n3A_748 = arith.select %gt3A_744, %broadcast_in_dim3A_747, %select_n3A_733 : vector<8x512xi1>, vector<8x512xf32>
    %eq3A_749 = arith.constant 17 : i32
    %eq3A_750 = vector.broadcast %eq3A_749 : i32 to vector<8x512xi32>
    %eq3A_751 = arith.cmpi eq, %select_n3A_483, %eq3A_750 : vector<8x512xi32>
    %select_n3A_752 = arith.select %eq3A_751, %get3A_743, %select_n3A_737 : vector<8x512xi1>, vector<8x512xf32>
    %get3A_753 = arith.constant 0 : index
    %get3A_754 = arith.constant 18 : index
    %get3A_755 = arith.constant 8 : index
    %get3A_756 = arith.constant 0 : index
    %get3A_757 = vector.load %arg2[%get3A_753, %get3A_754, %get3A_755, %get3A_756] : memref<1x19x64x512xf32, #tpu.memory_space<vmem>>, vector<1x1x8x512xf32>
    %get3A_758 = vector.shape_cast %get3A_757 : vector<1x1x8x512xf32> to vector<8x512xf32>
    %gt3A_759 = arith.cmpf ogt, %get3A_758, %select_n3A_745 : vector<8x512xf32>
    %select_n3A_760 = arith.select %gt3A_759, %get3A_758, %select_n3A_745 : vector<8x512xi1>, vector<8x512xf32>
    %jit3A_761 = arith.constant 1.800000e+01 : f32
    %broadcast_in_dim3A_762 = vector.broadcast %jit3A_761 : f32 to vector<8x512xf32>
    %select_n3A_763 = arith.select %gt3A_759, %broadcast_in_dim3A_762, %select_n3A_748 : vector<8x512xi1>, vector<8x512xf32>
    %eq3A_764 = arith.constant 18 : i32
    %eq3A_765 = vector.broadcast %eq3A_764 : i32 to vector<8x512xi32>
    %eq3A_766 = arith.cmpi eq, %select_n3A_483, %eq3A_765 : vector<8x512xi32>
    %select_n3A_767 = arith.select %eq3A_766, %get3A_758, %select_n3A_752 : vector<8x512xi1>, vector<8x512xf32>
    %sub3A_768 = arith.subf %get3A_489, %select_n3A_760 : vector<8x512xf32>
    %exp3A_769 = math.exp %sub3A_768 : vector<8x512xf32>
    %get3A_770 = arith.constant 0 : index
    %get3A_771 = arith.constant 1 : index
    %get3A_772 = arith.constant 8 : index
    %get3A_773 = arith.constant 0 : index
    %get3A_774 = vector.load %arg2[%get3A_770, %get3A_771, %get3A_772, %get3A_773] : memref<1x19x64x512xf32, #tpu.memory_space<vmem>>, vector<1x1x8x512xf32>
    %get3A_775 = vector.shape_cast %get3A_774 : vector<1x1x8x512xf32> to vector<8x512xf32>
    %sub3A_776 = arith.subf %get3A_775, %select_n3A_760 : vector<8x512xf32>
    %exp3A_777 = math.exp %sub3A_776 : vector<8x512xf32>
    %add3A_778 = arith.addf %exp3A_769, %exp3A_777 : vector<8x512xf32>
    %get3A_779 = arith.constant 0 : index
    %get3A_780 = arith.constant 2 : index
    %get3A_781 = arith.constant 8 : index
    %get3A_782 = arith.constant 0 : index
    %get3A_783 = vector.load %arg2[%get3A_779, %get3A_780, %get3A_781, %get3A_782] : memref<1x19x64x512xf32, #tpu.memory_space<vmem>>, vector<1x1x8x512xf32>
    %get3A_784 = vector.shape_cast %get3A_783 : vector<1x1x8x512xf32> to vector<8x512xf32>
    %sub3A_785 = arith.subf %get3A_784, %select_n3A_760 : vector<8x512xf32>
    %exp3A_786 = math.exp %sub3A_785 : vector<8x512xf32>
    %add3A_787 = arith.addf %add3A_778, %exp3A_786 : vector<8x512xf32>
    %get3A_788 = arith.constant 0 : index
    %get3A_789 = arith.constant 3 : index
    %get3A_790 = arith.constant 8 : index
    %get3A_791 = arith.constant 0 : index
    %get3A_792 = vector.load %arg2[%get3A_788, %get3A_789, %get3A_790, %get3A_791] : memref<1x19x64x512xf32, #tpu.memory_space<vmem>>, vector<1x1x8x512xf32>
    %get3A_793 = vector.shape_cast %get3A_792 : vector<1x1x8x512xf32> to vector<8x512xf32>
    %sub3A_794 = arith.subf %get3A_793, %select_n3A_760 : vector<8x512xf32>
    %exp3A_795 = math.exp %sub3A_794 : vector<8x512xf32>
    %add3A_796 = arith.addf %add3A_787, %exp3A_795 : vector<8x512xf32>
    %get3A_797 = arith.constant 0 : index
    %get3A_798 = arith.constant 4 : index
    %get3A_799 = arith.constant 8 : index
    %get3A_800 = arith.constant 0 : index
    %get3A_801 = vector.load %arg2[%get3A_797, %get3A_798, %get3A_799, %get3A_800] : memref<1x19x64x512xf32, #tpu.memory_space<vmem>>, vector<1x1x8x512xf32>
    %get3A_802 = vector.shape_cast %get3A_801 : vector<1x1x8x512xf32> to vector<8x512xf32>
    %sub3A_803 = arith.subf %get3A_802, %select_n3A_760 : vector<8x512xf32>
    %exp3A_804 = math.exp %sub3A_803 : vector<8x512xf32>
    %add3A_805 = arith.addf %add3A_796, %exp3A_804 : vector<8x512xf32>
    %get3A_806 = arith.constant 0 : index
    %get3A_807 = arith.constant 5 : index
    %get3A_808 = arith.constant 8 : index
    %get3A_809 = arith.constant 0 : index
    %get3A_810 = vector.load %arg2[%get3A_806, %get3A_807, %get3A_808, %get3A_809] : memref<1x19x64x512xf32, #tpu.memory_space<vmem>>, vector<1x1x8x512xf32>
    %get3A_811 = vector.shape_cast %get3A_810 : vector<1x1x8x512xf32> to vector<8x512xf32>
    %sub3A_812 = arith.subf %get3A_811, %select_n3A_760 : vector<8x512xf32>
    %exp3A_813 = math.exp %sub3A_812 : vector<8x512xf32>
    %add3A_814 = arith.addf %add3A_805, %exp3A_813 : vector<8x512xf32>
    %get3A_815 = arith.constant 0 : index
    %get3A_816 = arith.constant 6 : index
    %get3A_817 = arith.constant 8 : index
    %get3A_818 = arith.constant 0 : index
    %get3A_819 = vector.load %arg2[%get3A_815, %get3A_816, %get3A_817, %get3A_818] : memref<1x19x64x512xf32, #tpu.memory_space<vmem>>, vector<1x1x8x512xf32>
    %get3A_820 = vector.shape_cast %get3A_819 : vector<1x1x8x512xf32> to vector<8x512xf32>
    %sub3A_821 = arith.subf %get3A_820, %select_n3A_760 : vector<8x512xf32>
    %exp3A_822 = math.exp %sub3A_821 : vector<8x512xf32>
    %add3A_823 = arith.addf %add3A_814, %exp3A_822 : vector<8x512xf32>
    %get3A_824 = arith.constant 0 : index
    %get3A_825 = arith.constant 7 : index
    %get3A_826 = arith.constant 8 : index
    %get3A_827 = arith.constant 0 : index
    %get3A_828 = vector.load %arg2[%get3A_824, %get3A_825, %get3A_826, %get3A_827] : memref<1x19x64x512xf32, #tpu.memory_space<vmem>>, vector<1x1x8x512xf32>
    %get3A_829 = vector.shape_cast %get3A_828 : vector<1x1x8x512xf32> to vector<8x512xf32>
    %sub3A_830 = arith.subf %get3A_829, %select_n3A_760 : vector<8x512xf32>
    %exp3A_831 = math.exp %sub3A_830 : vector<8x512xf32>
    %add3A_832 = arith.addf %add3A_823, %exp3A_831 : vector<8x512xf32>
    %get3A_833 = arith.constant 0 : index
    %get3A_834 = arith.constant 8 : index
    %get3A_835 = arith.constant 8 : index
    %get3A_836 = arith.constant 0 : index
    %get3A_837 = vector.load %arg2[%get3A_833, %get3A_834, %get3A_835, %get3A_836] : memref<1x19x64x512xf32, #tpu.memory_space<vmem>>, vector<1x1x8x512xf32>
    %get3A_838 = vector.shape_cast %get3A_837 : vector<1x1x8x512xf32> to vector<8x512xf32>
    %sub3A_839 = arith.subf %get3A_838, %select_n3A_760 : vector<8x512xf32>
    %exp3A_840 = math.exp %sub3A_839 : vector<8x512xf32>
    %add3A_841 = arith.addf %add3A_832, %exp3A_840 : vector<8x512xf32>
    %get3A_842 = arith.constant 0 : index
    %get3A_843 = arith.constant 9 : index
    %get3A_844 = arith.constant 8 : index
    %get3A_845 = arith.constant 0 : index
    %get3A_846 = vector.load %arg2[%get3A_842, %get3A_843, %get3A_844, %get3A_845] : memref<1x19x64x512xf32, #tpu.memory_space<vmem>>, vector<1x1x8x512xf32>
    %get3A_847 = vector.shape_cast %get3A_846 : vector<1x1x8x512xf32> to vector<8x512xf32>
    %sub3A_848 = arith.subf %get3A_847, %select_n3A_760 : vector<8x512xf32>
    %exp3A_849 = math.exp %sub3A_848 : vector<8x512xf32>
    %add3A_850 = arith.addf %add3A_841, %exp3A_849 : vector<8x512xf32>
    %get3A_851 = arith.constant 0 : index
    %get3A_852 = arith.constant 10 : index
    %get3A_853 = arith.constant 8 : index
    %get3A_854 = arith.constant 0 : index
    %get3A_855 = vector.load %arg2[%get3A_851, %get3A_852, %get3A_853, %get3A_854] : memref<1x19x64x512xf32, #tpu.memory_space<vmem>>, vector<1x1x8x512xf32>
    %get3A_856 = vector.shape_cast %get3A_855 : vector<1x1x8x512xf32> to vector<8x512xf32>
    %sub3A_857 = arith.subf %get3A_856, %select_n3A_760 : vector<8x512xf32>
    %exp3A_858 = math.exp %sub3A_857 : vector<8x512xf32>
    %add3A_859 = arith.addf %add3A_850, %exp3A_858 : vector<8x512xf32>
    %get3A_860 = arith.constant 0 : index
    %get3A_861 = arith.constant 11 : index
    %get3A_862 = arith.constant 8 : index
    %get3A_863 = arith.constant 0 : index
    %get3A_864 = vector.load %arg2[%get3A_860, %get3A_861, %get3A_862, %get3A_863] : memref<1x19x64x512xf32, #tpu.memory_space<vmem>>, vector<1x1x8x512xf32>
    %get3A_865 = vector.shape_cast %get3A_864 : vector<1x1x8x512xf32> to vector<8x512xf32>
    %sub3A_866 = arith.subf %get3A_865, %select_n3A_760 : vector<8x512xf32>
    %exp3A_867 = math.exp %sub3A_866 : vector<8x512xf32>
    %add3A_868 = arith.addf %add3A_859, %exp3A_867 : vector<8x512xf32>
    %get3A_869 = arith.constant 0 : index
    %get3A_870 = arith.constant 12 : index
    %get3A_871 = arith.constant 8 : index
    %get3A_872 = arith.constant 0 : index
    %get3A_873 = vector.load %arg2[%get3A_869, %get3A_870, %get3A_871, %get3A_872] : memref<1x19x64x512xf32, #tpu.memory_space<vmem>>, vector<1x1x8x512xf32>
    %get3A_874 = vector.shape_cast %get3A_873 : vector<1x1x8x512xf32> to vector<8x512xf32>
    %sub3A_875 = arith.subf %get3A_874, %select_n3A_760 : vector<8x512xf32>
    %exp3A_876 = math.exp %sub3A_875 : vector<8x512xf32>
    %add3A_877 = arith.addf %add3A_868, %exp3A_876 : vector<8x512xf32>
    %get3A_878 = arith.constant 0 : index
    %get3A_879 = arith.constant 13 : index
    %get3A_880 = arith.constant 8 : index
    %get3A_881 = arith.constant 0 : index
    %get3A_882 = vector.load %arg2[%get3A_878, %get3A_879, %get3A_880, %get3A_881] : memref<1x19x64x512xf32, #tpu.memory_space<vmem>>, vector<1x1x8x512xf32>
    %get3A_883 = vector.shape_cast %get3A_882 : vector<1x1x8x512xf32> to vector<8x512xf32>
    %sub3A_884 = arith.subf %get3A_883, %select_n3A_760 : vector<8x512xf32>
    %exp3A_885 = math.exp %sub3A_884 : vector<8x512xf32>
    %add3A_886 = arith.addf %add3A_877, %exp3A_885 : vector<8x512xf32>
    %get3A_887 = arith.constant 0 : index
    %get3A_888 = arith.constant 14 : index
    %get3A_889 = arith.constant 8 : index
    %get3A_890 = arith.constant 0 : index
    %get3A_891 = vector.load %arg2[%get3A_887, %get3A_888, %get3A_889, %get3A_890] : memref<1x19x64x512xf32, #tpu.memory_space<vmem>>, vector<1x1x8x512xf32>
    %get3A_892 = vector.shape_cast %get3A_891 : vector<1x1x8x512xf32> to vector<8x512xf32>
    %sub3A_893 = arith.subf %get3A_892, %select_n3A_760 : vector<8x512xf32>
    %exp3A_894 = math.exp %sub3A_893 : vector<8x512xf32>
    %add3A_895 = arith.addf %add3A_886, %exp3A_894 : vector<8x512xf32>
    %get3A_896 = arith.constant 0 : index
    %get3A_897 = arith.constant 15 : index
    %get3A_898 = arith.constant 8 : index
    %get3A_899 = arith.constant 0 : index
    %get3A_900 = vector.load %arg2[%get3A_896, %get3A_897, %get3A_898, %get3A_899] : memref<1x19x64x512xf32, #tpu.memory_space<vmem>>, vector<1x1x8x512xf32>
    %get3A_901 = vector.shape_cast %get3A_900 : vector<1x1x8x512xf32> to vector<8x512xf32>
    %sub3A_902 = arith.subf %get3A_901, %select_n3A_760 : vector<8x512xf32>
    %exp3A_903 = math.exp %sub3A_902 : vector<8x512xf32>
    %add3A_904 = arith.addf %add3A_895, %exp3A_903 : vector<8x512xf32>
    %get3A_905 = arith.constant 0 : index
    %get3A_906 = arith.constant 16 : index
    %get3A_907 = arith.constant 8 : index
    %get3A_908 = arith.constant 0 : index
    %get3A_909 = vector.load %arg2[%get3A_905, %get3A_906, %get3A_907, %get3A_908] : memref<1x19x64x512xf32, #tpu.memory_space<vmem>>, vector<1x1x8x512xf32>
    %get3A_910 = vector.shape_cast %get3A_909 : vector<1x1x8x512xf32> to vector<8x512xf32>
    %sub3A_911 = arith.subf %get3A_910, %select_n3A_760 : vector<8x512xf32>
    %exp3A_912 = math.exp %sub3A_911 : vector<8x512xf32>
    %add3A_913 = arith.addf %add3A_904, %exp3A_912 : vector<8x512xf32>
    %get3A_914 = arith.constant 0 : index
    %get3A_915 = arith.constant 17 : index
    %get3A_916 = arith.constant 8 : index
    %get3A_917 = arith.constant 0 : index
    %get3A_918 = vector.load %arg2[%get3A_914, %get3A_915, %get3A_916, %get3A_917] : memref<1x19x64x512xf32, #tpu.memory_space<vmem>>, vector<1x1x8x512xf32>
    %get3A_919 = vector.shape_cast %get3A_918 : vector<1x1x8x512xf32> to vector<8x512xf32>
    %sub3A_920 = arith.subf %get3A_919, %select_n3A_760 : vector<8x512xf32>
    %exp3A_921 = math.exp %sub3A_920 : vector<8x512xf32>
    %add3A_922 = arith.addf %add3A_913, %exp3A_921 : vector<8x512xf32>
    %get3A_923 = arith.constant 0 : index
    %get3A_924 = arith.constant 18 : index
    %get3A_925 = arith.constant 8 : index
    %get3A_926 = arith.constant 0 : index
    %get3A_927 = vector.load %arg2[%get3A_923, %get3A_924, %get3A_925, %get3A_926] : memref<1x19x64x512xf32, #tpu.memory_space<vmem>>, vector<1x1x8x512xf32>
    %get3A_928 = vector.shape_cast %get3A_927 : vector<1x1x8x512xf32> to vector<8x512xf32>
    %sub3A_929 = arith.subf %get3A_928, %select_n3A_760 : vector<8x512xf32>
    %exp3A_930 = math.exp %sub3A_929 : vector<8x512xf32>
    %add3A_931 = arith.addf %add3A_922, %exp3A_930 : vector<8x512xf32>
    %log3A_932 = math.log %add3A_931 : vector<8x512xf32>
    %add3A_933 = arith.addf %log3A_932, %select_n3A_760 : vector<8x512xf32>
    %convert_element_type3A_934 = arith.extui %ge3A_480 : vector<8x512xi1> to vector<8x512xi32>
    %convert_element_type3A_935 = arith.sitofp %convert_element_type3A_934 : vector<8x512xi32> to vector<8x512xf32>
    %convert_element_type3A_936 = arith.sitofp %get3A_477 : vector<8x512xi32> to vector<8x512xf32>
    %sub3A_937 = arith.subf %add3A_933, %select_n3A_767 : vector<8x512xf32>
    %jit3A_938 = arith.constant 0.000000e+00 : f32
    %broadcast_in_dim3A_939 = vector.broadcast %jit3A_938 : f32 to vector<8x512xf32>
    %select_n3A_940 = arith.select %ge3A_480, %sub3A_937, %broadcast_in_dim3A_939 : vector<8x512xi1>, vector<8x512xf32>
    %add3A_941 = arith.addf %add3A_466, %select_n3A_940 : vector<8x512xf32>
    %add3A_942 = arith.addf %add3A_467, %convert_element_type3A_935 : vector<8x512xf32>
    %mul3A_943 = arith.mulf %select_n3A_763, %convert_element_type3A_936 : vector<8x512xf32>
    %add3A_944 = arith.addf %add3A_468, %mul3A_943 : vector<8x512xf32>
    %mul3A_945 = arith.mulf %select_n3A_763, %select_n3A_763 : vector<8x512xf32>
    %add3A_946 = arith.addf %add3A_470, %mul3A_945 : vector<8x512xf32>
    %mul3A_947 = arith.mulf %convert_element_type3A_936, %convert_element_type3A_936 : vector<8x512xf32>
    %add3A_948 = arith.addf %add3A_472, %mul3A_947 : vector<8x512xf32>
    %get3A_949 = arith.constant 0 : index
    %get3A_950 = arith.constant 16 : index
    %get3A_951 = arith.constant 0 : index
    %get3A_952 = vector.load %arg3[%get3A_949, %get3A_950, %get3A_951] : memref<1x64x512xi32, #tpu.memory_space<vmem>>, vector<1x8x512xi32>
    %get3A_953 = vector.shape_cast %get3A_952 : vector<1x8x512xi32> to vector<8x512xi32>
    %ge3A_954 = arith.constant 0 : i32
    %ge3A_955 = vector.broadcast %ge3A_954 : i32 to vector<8x512xi32>
    %ge3A_956 = arith.cmpi sge, %get3A_953, %ge3A_955 : vector<8x512xi32>
    %jit3A_957 = arith.constant 0 : i32
    %broadcast_in_dim3A_958 = vector.broadcast %jit3A_957 : i32 to vector<8x512xi32>
    %select_n3A_959 = arith.select %ge3A_956, %get3A_953, %broadcast_in_dim3A_958 : vector<8x512xi1>, vector<8x512xi32>
    %get3A_960 = arith.constant 0 : index
    %get3A_961 = arith.constant 0 : index
    %get3A_962 = arith.constant 16 : index
    %get3A_963 = arith.constant 0 : index
    %get3A_964 = vector.load %arg2[%get3A_960, %get3A_961, %get3A_962, %get3A_963] : memref<1x19x64x512xf32, #tpu.memory_space<vmem>>, vector<1x1x8x512xf32>
    %get3A_965 = vector.shape_cast %get3A_964 : vector<1x1x8x512xf32> to vector<8x512xf32>
    %broadcast_in_dim3A_966 = arith.constant 0.000000e+00 : f32
    %broadcast_in_dim3A_967 = vector.broadcast %broadcast_in_dim3A_966 : f32 to vector<8x512xf32>
    %eq3A_968 = arith.constant 0 : i32
    %eq3A_969 = vector.broadcast %eq3A_968 : i32 to vector<8x512xi32>
    %eq3A_970 = arith.cmpi eq, %select_n3A_959, %eq3A_969 : vector<8x512xi32>
    %jit3A_971 = arith.constant 0.000000e+00 : f32
    %broadcast_in_dim3A_972 = vector.broadcast %jit3A_971 : f32 to vector<8x512xf32>
    %select_n3A_973 = arith.select %eq3A_970, %get3A_965, %broadcast_in_dim3A_972 : vector<8x512xi1>, vector<8x512xf32>
    %get3A_974 = arith.constant 0 : index
    %get3A_975 = arith.constant 1 : index
    %get3A_976 = arith.constant 16 : index
    %get3A_977 = arith.constant 0 : index
    %get3A_978 = vector.load %arg2[%get3A_974, %get3A_975, %get3A_976, %get3A_977] : memref<1x19x64x512xf32, #tpu.memory_space<vmem>>, vector<1x1x8x512xf32>
    %get3A_979 = vector.shape_cast %get3A_978 : vector<1x1x8x512xf32> to vector<8x512xf32>
    %gt3A_980 = arith.cmpf ogt, %get3A_979, %get3A_965 : vector<8x512xf32>
    %select_n3A_981 = arith.select %gt3A_980, %get3A_979, %get3A_965 : vector<8x512xi1>, vector<8x512xf32>
    %jit3A_982 = arith.constant 1.000000e+00 : f32
    %broadcast_in_dim3A_983 = vector.broadcast %jit3A_982 : f32 to vector<8x512xf32>
    %select_n3A_984 = arith.select %gt3A_980, %broadcast_in_dim3A_983, %broadcast_in_dim3A_967 : vector<8x512xi1>, vector<8x512xf32>
    %eq3A_985 = arith.constant 1 : i32
    %eq3A_986 = vector.broadcast %eq3A_985 : i32 to vector<8x512xi32>
    %eq3A_987 = arith.cmpi eq, %select_n3A_959, %eq3A_986 : vector<8x512xi32>
    %select_n3A_988 = arith.select %eq3A_987, %get3A_979, %select_n3A_973 : vector<8x512xi1>, vector<8x512xf32>
    %get3A_989 = arith.constant 0 : index
    %get3A_990 = arith.constant 2 : index
    %get3A_991 = arith.constant 16 : index
    %get3A_992 = arith.constant 0 : index
    %get3A_993 = vector.load %arg2[%get3A_989, %get3A_990, %get3A_991, %get3A_992] : memref<1x19x64x512xf32, #tpu.memory_space<vmem>>, vector<1x1x8x512xf32>
    %get3A_994 = vector.shape_cast %get3A_993 : vector<1x1x8x512xf32> to vector<8x512xf32>
    %gt3A_995 = arith.cmpf ogt, %get3A_994, %select_n3A_981 : vector<8x512xf32>
    %select_n3A_996 = arith.select %gt3A_995, %get3A_994, %select_n3A_981 : vector<8x512xi1>, vector<8x512xf32>
    %jit3A_997 = arith.constant 2.000000e+00 : f32
    %broadcast_in_dim3A_998 = vector.broadcast %jit3A_997 : f32 to vector<8x512xf32>
    %select_n3A_999 = arith.select %gt3A_995, %broadcast_in_dim3A_998, %select_n3A_984 : vector<8x512xi1>, vector<8x512xf32>
    %eq3A_1000 = arith.constant 2 : i32
    %eq3A_1001 = vector.broadcast %eq3A_1000 : i32 to vector<8x512xi32>
    %eq3A_1002 = arith.cmpi eq, %select_n3A_959, %eq3A_1001 : vector<8x512xi32>
    %select_n3A_1003 = arith.select %eq3A_1002, %get3A_994, %select_n3A_988 : vector<8x512xi1>, vector<8x512xf32>
    %get3A_1004 = arith.constant 0 : index
    %get3A_1005 = arith.constant 3 : index
    %get3A_1006 = arith.constant 16 : index
    %get3A_1007 = arith.constant 0 : index
    %get3A_1008 = vector.load %arg2[%get3A_1004, %get3A_1005, %get3A_1006, %get3A_1007] : memref<1x19x64x512xf32, #tpu.memory_space<vmem>>, vector<1x1x8x512xf32>
    %get3A_1009 = vector.shape_cast %get3A_1008 : vector<1x1x8x512xf32> to vector<8x512xf32>
    %gt3A_1010 = arith.cmpf ogt, %get3A_1009, %select_n3A_996 : vector<8x512xf32>
    %select_n3A_1011 = arith.select %gt3A_1010, %get3A_1009, %select_n3A_996 : vector<8x512xi1>, vector<8x512xf32>
    %jit3A_1012 = arith.constant 3.000000e+00 : f32
    %broadcast_in_dim3A_1013 = vector.broadcast %jit3A_1012 : f32 to vector<8x512xf32>
    %select_n3A_1014 = arith.select %gt3A_1010, %broadcast_in_dim3A_1013, %select_n3A_999 : vector<8x512xi1>, vector<8x512xf32>
    %eq3A_1015 = arith.constant 3 : i32
    %eq3A_1016 = vector.broadcast %eq3A_1015 : i32 to vector<8x512xi32>
    %eq3A_1017 = arith.cmpi eq, %select_n3A_959, %eq3A_1016 : vector<8x512xi32>
    %select_n3A_1018 = arith.select %eq3A_1017, %get3A_1009, %select_n3A_1003 : vector<8x512xi1>, vector<8x512xf32>
    %get3A_1019 = arith.constant 0 : index
    %get3A_1020 = arith.constant 4 : index
    %get3A_1021 = arith.constant 16 : index
    %get3A_1022 = arith.constant 0 : index
    %get3A_1023 = vector.load %arg2[%get3A_1019, %get3A_1020, %get3A_1021, %get3A_1022] : memref<1x19x64x512xf32, #tpu.memory_space<vmem>>, vector<1x1x8x512xf32>
    %get3A_1024 = vector.shape_cast %get3A_1023 : vector<1x1x8x512xf32> to vector<8x512xf32>
    %gt3A_1025 = arith.cmpf ogt, %get3A_1024, %select_n3A_1011 : vector<8x512xf32>
    %select_n3A_1026 = arith.select %gt3A_1025, %get3A_1024, %select_n3A_1011 : vector<8x512xi1>, vector<8x512xf32>
    %jit3A_1027 = arith.constant 4.000000e+00 : f32
    %broadcast_in_dim3A_1028 = vector.broadcast %jit3A_1027 : f32 to vector<8x512xf32>
    %select_n3A_1029 = arith.select %gt3A_1025, %broadcast_in_dim3A_1028, %select_n3A_1014 : vector<8x512xi1>, vector<8x512xf32>
    %eq3A_1030 = arith.constant 4 : i32
    %eq3A_1031 = vector.broadcast %eq3A_1030 : i32 to vector<8x512xi32>
    %eq3A_1032 = arith.cmpi eq, %select_n3A_959, %eq3A_1031 : vector<8x512xi32>
    %select_n3A_1033 = arith.select %eq3A_1032, %get3A_1024, %select_n3A_1018 : vector<8x512xi1>, vector<8x512xf32>
    %get3A_1034 = arith.constant 0 : index
    %get3A_1035 = arith.constant 5 : index
    %get3A_1036 = arith.constant 16 : index
    %get3A_1037 = arith.constant 0 : index
    %get3A_1038 = vector.load %arg2[%get3A_1034, %get3A_1035, %get3A_1036, %get3A_1037] : memref<1x19x64x512xf32, #tpu.memory_space<vmem>>, vector<1x1x8x512xf32>
    %get3A_1039 = vector.shape_cast %get3A_1038 : vector<1x1x8x512xf32> to vector<8x512xf32>
    %gt3A_1040 = arith.cmpf ogt, %get3A_1039, %select_n3A_1026 : vector<8x512xf32>
    %select_n3A_1041 = arith.select %gt3A_1040, %get3A_1039, %select_n3A_1026 : vector<8x512xi1>, vector<8x512xf32>
    %jit3A_1042 = arith.constant 5.000000e+00 : f32
    %broadcast_in_dim3A_1043 = vector.broadcast %jit3A_1042 : f32 to vector<8x512xf32>
    %select_n3A_1044 = arith.select %gt3A_1040, %broadcast_in_dim3A_1043, %select_n3A_1029 : vector<8x512xi1>, vector<8x512xf32>
    %eq3A_1045 = arith.constant 5 : i32
    %eq3A_1046 = vector.broadcast %eq3A_1045 : i32 to vector<8x512xi32>
    %eq3A_1047 = arith.cmpi eq, %select_n3A_959, %eq3A_1046 : vector<8x512xi32>
    %select_n3A_1048 = arith.select %eq3A_1047, %get3A_1039, %select_n3A_1033 : vector<8x512xi1>, vector<8x512xf32>
    %get3A_1049 = arith.constant 0 : index
    %get3A_1050 = arith.constant 6 : index
    %get3A_1051 = arith.constant 16 : index
    %get3A_1052 = arith.constant 0 : index
    %get3A_1053 = vector.load %arg2[%get3A_1049, %get3A_1050, %get3A_1051, %get3A_1052] : memref<1x19x64x512xf32, #tpu.memory_space<vmem>>, vector<1x1x8x512xf32>
    %get3A_1054 = vector.shape_cast %get3A_1053 : vector<1x1x8x512xf32> to vector<8x512xf32>
    %gt3A_1055 = arith.cmpf ogt, %get3A_1054, %select_n3A_1041 : vector<8x512xf32>
    %select_n3A_1056 = arith.select %gt3A_1055, %get3A_1054, %select_n3A_1041 : vector<8x512xi1>, vector<8x512xf32>
    %jit3A_1057 = arith.constant 6.000000e+00 : f32
    %broadcast_in_dim3A_1058 = vector.broadcast %jit3A_1057 : f32 to vector<8x512xf32>
    %select_n3A_1059 = arith.select %gt3A_1055, %broadcast_in_dim3A_1058, %select_n3A_1044 : vector<8x512xi1>, vector<8x512xf32>
    %eq3A_1060 = arith.constant 6 : i32
    %eq3A_1061 = vector.broadcast %eq3A_1060 : i32 to vector<8x512xi32>
    %eq3A_1062 = arith.cmpi eq, %select_n3A_959, %eq3A_1061 : vector<8x512xi32>
    %select_n3A_1063 = arith.select %eq3A_1062, %get3A_1054, %select_n3A_1048 : vector<8x512xi1>, vector<8x512xf32>
    %get3A_1064 = arith.constant 0 : index
    %get3A_1065 = arith.constant 7 : index
    %get3A_1066 = arith.constant 16 : index
    %get3A_1067 = arith.constant 0 : index
    %get3A_1068 = vector.load %arg2[%get3A_1064, %get3A_1065, %get3A_1066, %get3A_1067] : memref<1x19x64x512xf32, #tpu.memory_space<vmem>>, vector<1x1x8x512xf32>
    %get3A_1069 = vector.shape_cast %get3A_1068 : vector<1x1x8x512xf32> to vector<8x512xf32>
    %gt3A_1070 = arith.cmpf ogt, %get3A_1069, %select_n3A_1056 : vector<8x512xf32>
    %select_n3A_1071 = arith.select %gt3A_1070, %get3A_1069, %select_n3A_1056 : vector<8x512xi1>, vector<8x512xf32>
    %jit3A_1072 = arith.constant 7.000000e+00 : f32
    %broadcast_in_dim3A_1073 = vector.broadcast %jit3A_1072 : f32 to vector<8x512xf32>
    %select_n3A_1074 = arith.select %gt3A_1070, %broadcast_in_dim3A_1073, %select_n3A_1059 : vector<8x512xi1>, vector<8x512xf32>
    %eq3A_1075 = arith.constant 7 : i32
    %eq3A_1076 = vector.broadcast %eq3A_1075 : i32 to vector<8x512xi32>
    %eq3A_1077 = arith.cmpi eq, %select_n3A_959, %eq3A_1076 : vector<8x512xi32>
    %select_n3A_1078 = arith.select %eq3A_1077, %get3A_1069, %select_n3A_1063 : vector<8x512xi1>, vector<8x512xf32>
    %get3A_1079 = arith.constant 0 : index
    %get3A_1080 = arith.constant 8 : index
    %get3A_1081 = arith.constant 16 : index
    %get3A_1082 = arith.constant 0 : index
    %get3A_1083 = vector.load %arg2[%get3A_1079, %get3A_1080, %get3A_1081, %get3A_1082] : memref<1x19x64x512xf32, #tpu.memory_space<vmem>>, vector<1x1x8x512xf32>
    %get3A_1084 = vector.shape_cast %get3A_1083 : vector<1x1x8x512xf32> to vector<8x512xf32>
    %gt3A_1085 = arith.cmpf ogt, %get3A_1084, %select_n3A_1071 : vector<8x512xf32>
    %select_n3A_1086 = arith.select %gt3A_1085, %get3A_1084, %select_n3A_1071 : vector<8x512xi1>, vector<8x512xf32>
    %jit3A_1087 = arith.constant 8.000000e+00 : f32
    %broadcast_in_dim3A_1088 = vector.broadcast %jit3A_1087 : f32 to vector<8x512xf32>
    %select_n3A_1089 = arith.select %gt3A_1085, %broadcast_in_dim3A_1088, %select_n3A_1074 : vector<8x512xi1>, vector<8x512xf32>
    %eq3A_1090 = arith.constant 8 : i32
    %eq3A_1091 = vector.broadcast %eq3A_1090 : i32 to vector<8x512xi32>
    %eq3A_1092 = arith.cmpi eq, %select_n3A_959, %eq3A_1091 : vector<8x512xi32>
    %select_n3A_1093 = arith.select %eq3A_1092, %get3A_1084, %select_n3A_1078 : vector<8x512xi1>, vector<8x512xf32>
    %get3A_1094 = arith.constant 0 : index
    %get3A_1095 = arith.constant 9 : index
    %get3A_1096 = arith.constant 16 : index
    %get3A_1097 = arith.constant 0 : index
    %get3A_1098 = vector.load %arg2[%get3A_1094, %get3A_1095, %get3A_1096, %get3A_1097] : memref<1x19x64x512xf32, #tpu.memory_space<vmem>>, vector<1x1x8x512xf32>
    %get3A_1099 = vector.shape_cast %get3A_1098 : vector<1x1x8x512xf32> to vector<8x512xf32>
    %gt3A_1100 = arith.cmpf ogt, %get3A_1099, %select_n3A_1086 : vector<8x512xf32>
    %select_n3A_1101 = arith.select %gt3A_1100, %get3A_1099, %select_n3A_1086 : vector<8x512xi1>, vector<8x512xf32>
    %jit3A_1102 = arith.constant 9.000000e+00 : f32
    %broadcast_in_dim3A_1103 = vector.broadcast %jit3A_1102 : f32 to vector<8x512xf32>
    %select_n3A_1104 = arith.select %gt3A_1100, %broadcast_in_dim3A_1103, %select_n3A_1089 : vector<8x512xi1>, vector<8x512xf32>
    %eq3A_1105 = arith.constant 9 : i32
    %eq3A_1106 = vector.broadcast %eq3A_1105 : i32 to vector<8x512xi32>
    %eq3A_1107 = arith.cmpi eq, %select_n3A_959, %eq3A_1106 : vector<8x512xi32>
    %select_n3A_1108 = arith.select %eq3A_1107, %get3A_1099, %select_n3A_1093 : vector<8x512xi1>, vector<8x512xf32>
    %get3A_1109 = arith.constant 0 : index
    %get3A_1110 = arith.constant 10 : index
    %get3A_1111 = arith.constant 16 : index
    %get3A_1112 = arith.constant 0 : index
    %get3A_1113 = vector.load %arg2[%get3A_1109, %get3A_1110, %get3A_1111, %get3A_1112] : memref<1x19x64x512xf32, #tpu.memory_space<vmem>>, vector<1x1x8x512xf32>
    %get3A_1114 = vector.shape_cast %get3A_1113 : vector<1x1x8x512xf32> to vector<8x512xf32>
    %gt3A_1115 = arith.cmpf ogt, %get3A_1114, %select_n3A_1101 : vector<8x512xf32>
    %select_n3A_1116 = arith.select %gt3A_1115, %get3A_1114, %select_n3A_1101 : vector<8x512xi1>, vector<8x512xf32>
    %jit3A_1117 = arith.constant 1.000000e+01 : f32
    %broadcast_in_dim3A_1118 = vector.broadcast %jit3A_1117 : f32 to vector<8x512xf32>
    %select_n3A_1119 = arith.select %gt3A_1115, %broadcast_in_dim3A_1118, %select_n3A_1104 : vector<8x512xi1>, vector<8x512xf32>
    %eq3A_1120 = arith.constant 10 : i32
    %eq3A_1121 = vector.broadcast %eq3A_1120 : i32 to vector<8x512xi32>
    %eq3A_1122 = arith.cmpi eq, %select_n3A_959, %eq3A_1121 : vector<8x512xi32>
    %select_n3A_1123 = arith.select %eq3A_1122, %get3A_1114, %select_n3A_1108 : vector<8x512xi1>, vector<8x512xf32>
    %get3A_1124 = arith.constant 0 : index
    %get3A_1125 = arith.constant 11 : index
    %get3A_1126 = arith.constant 16 : index
    %get3A_1127 = arith.constant 0 : index
    %get3A_1128 = vector.load %arg2[%get3A_1124, %get3A_1125, %get3A_1126, %get3A_1127] : memref<1x19x64x512xf32, #tpu.memory_space<vmem>>, vector<1x1x8x512xf32>
    %get3A_1129 = vector.shape_cast %get3A_1128 : vector<1x1x8x512xf32> to vector<8x512xf32>
    %gt3A_1130 = arith.cmpf ogt, %get3A_1129, %select_n3A_1116 : vector<8x512xf32>
    %select_n3A_1131 = arith.select %gt3A_1130, %get3A_1129, %select_n3A_1116 : vector<8x512xi1>, vector<8x512xf32>
    %jit3A_1132 = arith.constant 1.100000e+01 : f32
    %broadcast_in_dim3A_1133 = vector.broadcast %jit3A_1132 : f32 to vector<8x512xf32>
    %select_n3A_1134 = arith.select %gt3A_1130, %broadcast_in_dim3A_1133, %select_n3A_1119 : vector<8x512xi1>, vector<8x512xf32>
    %eq3A_1135 = arith.constant 11 : i32
    %eq3A_1136 = vector.broadcast %eq3A_1135 : i32 to vector<8x512xi32>
    %eq3A_1137 = arith.cmpi eq, %select_n3A_959, %eq3A_1136 : vector<8x512xi32>
    %select_n3A_1138 = arith.select %eq3A_1137, %get3A_1129, %select_n3A_1123 : vector<8x512xi1>, vector<8x512xf32>
    %get3A_1139 = arith.constant 0 : index
    %get3A_1140 = arith.constant 12 : index
    %get3A_1141 = arith.constant 16 : index
    %get3A_1142 = arith.constant 0 : index
    %get3A_1143 = vector.load %arg2[%get3A_1139, %get3A_1140, %get3A_1141, %get3A_1142] : memref<1x19x64x512xf32, #tpu.memory_space<vmem>>, vector<1x1x8x512xf32>
    %get3A_1144 = vector.shape_cast %get3A_1143 : vector<1x1x8x512xf32> to vector<8x512xf32>
    %gt3A_1145 = arith.cmpf ogt, %get3A_1144, %select_n3A_1131 : vector<8x512xf32>
    %select_n3A_1146 = arith.select %gt3A_1145, %get3A_1144, %select_n3A_1131 : vector<8x512xi1>, vector<8x512xf32>
    %jit3A_1147 = arith.constant 1.200000e+01 : f32
    %broadcast_in_dim3A_1148 = vector.broadcast %jit3A_1147 : f32 to vector<8x512xf32>
    %select_n3A_1149 = arith.select %gt3A_1145, %broadcast_in_dim3A_1148, %select_n3A_1134 : vector<8x512xi1>, vector<8x512xf32>
    %eq3A_1150 = arith.constant 12 : i32
    %eq3A_1151 = vector.broadcast %eq3A_1150 : i32 to vector<8x512xi32>
    %eq3A_1152 = arith.cmpi eq, %select_n3A_959, %eq3A_1151 : vector<8x512xi32>
    %select_n3A_1153 = arith.select %eq3A_1152, %get3A_1144, %select_n3A_1138 : vector<8x512xi1>, vector<8x512xf32>
    %get3A_1154 = arith.constant 0 : index
    %get3A_1155 = arith.constant 13 : index
    %get3A_1156 = arith.constant 16 : index
    %get3A_1157 = arith.constant 0 : index
    %get3A_1158 = vector.load %arg2[%get3A_1154, %get3A_1155, %get3A_1156, %get3A_1157] : memref<1x19x64x512xf32, #tpu.memory_space<vmem>>, vector<1x1x8x512xf32>
    %get3A_1159 = vector.shape_cast %get3A_1158 : vector<1x1x8x512xf32> to vector<8x512xf32>
    %gt3A_1160 = arith.cmpf ogt, %get3A_1159, %select_n3A_1146 : vector<8x512xf32>
    %select_n3A_1161 = arith.select %gt3A_1160, %get3A_1159, %select_n3A_1146 : vector<8x512xi1>, vector<8x512xf32>
    %jit3A_1162 = arith.constant 1.300000e+01 : f32
    %broadcast_in_dim3A_1163 = vector.broadcast %jit3A_1162 : f32 to vector<8x512xf32>
    %select_n3A_1164 = arith.select %gt3A_1160, %broadcast_in_dim3A_1163, %select_n3A_1149 : vector<8x512xi1>, vector<8x512xf32>
    %eq3A_1165 = arith.constant 13 : i32
    %eq3A_1166 = vector.broadcast %eq3A_1165 : i32 to vector<8x512xi32>
    %eq3A_1167 = arith.cmpi eq, %select_n3A_959, %eq3A_1166 : vector<8x512xi32>
    %select_n3A_1168 = arith.select %eq3A_1167, %get3A_1159, %select_n3A_1153 : vector<8x512xi1>, vector<8x512xf32>
    %get3A_1169 = arith.constant 0 : index
    %get3A_1170 = arith.constant 14 : index
    %get3A_1171 = arith.constant 16 : index
    %get3A_1172 = arith.constant 0 : index
    %get3A_1173 = vector.load %arg2[%get3A_1169, %get3A_1170, %get3A_1171, %get3A_1172] : memref<1x19x64x512xf32, #tpu.memory_space<vmem>>, vector<1x1x8x512xf32>
    %get3A_1174 = vector.shape_cast %get3A_1173 : vector<1x1x8x512xf32> to vector<8x512xf32>
    %gt3A_1175 = arith.cmpf ogt, %get3A_1174, %select_n3A_1161 : vector<8x512xf32>
    %select_n3A_1176 = arith.select %gt3A_1175, %get3A_1174, %select_n3A_1161 : vector<8x512xi1>, vector<8x512xf32>
    %jit3A_1177 = arith.constant 1.400000e+01 : f32
    %broadcast_in_dim3A_1178 = vector.broadcast %jit3A_1177 : f32 to vector<8x512xf32>
    %select_n3A_1179 = arith.select %gt3A_1175, %broadcast_in_dim3A_1178, %select_n3A_1164 : vector<8x512xi1>, vector<8x512xf32>
    %eq3A_1180 = arith.constant 14 : i32
    %eq3A_1181 = vector.broadcast %eq3A_1180 : i32 to vector<8x512xi32>
    %eq3A_1182 = arith.cmpi eq, %select_n3A_959, %eq3A_1181 : vector<8x512xi32>
    %select_n3A_1183 = arith.select %eq3A_1182, %get3A_1174, %select_n3A_1168 : vector<8x512xi1>, vector<8x512xf32>
    %get3A_1184 = arith.constant 0 : index
    %get3A_1185 = arith.constant 15 : index
    %get3A_1186 = arith.constant 16 : index
    %get3A_1187 = arith.constant 0 : index
    %get3A_1188 = vector.load %arg2[%get3A_1184, %get3A_1185, %get3A_1186, %get3A_1187] : memref<1x19x64x512xf32, #tpu.memory_space<vmem>>, vector<1x1x8x512xf32>
    %get3A_1189 = vector.shape_cast %get3A_1188 : vector<1x1x8x512xf32> to vector<8x512xf32>
    %gt3A_1190 = arith.cmpf ogt, %get3A_1189, %select_n3A_1176 : vector<8x512xf32>
    %select_n3A_1191 = arith.select %gt3A_1190, %get3A_1189, %select_n3A_1176 : vector<8x512xi1>, vector<8x512xf32>
    %jit3A_1192 = arith.constant 1.500000e+01 : f32
    %broadcast_in_dim3A_1193 = vector.broadcast %jit3A_1192 : f32 to vector<8x512xf32>
    %select_n3A_1194 = arith.select %gt3A_1190, %broadcast_in_dim3A_1193, %select_n3A_1179 : vector<8x512xi1>, vector<8x512xf32>
    %eq3A_1195 = arith.constant 15 : i32
    %eq3A_1196 = vector.broadcast %eq3A_1195 : i32 to vector<8x512xi32>
    %eq3A_1197 = arith.cmpi eq, %select_n3A_959, %eq3A_1196 : vector<8x512xi32>
    %select_n3A_1198 = arith.select %eq3A_1197, %get3A_1189, %select_n3A_1183 : vector<8x512xi1>, vector<8x512xf32>
    %get3A_1199 = arith.constant 0 : index
    %get3A_1200 = arith.constant 16 : index
    %get3A_1201 = arith.constant 16 : index
    %get3A_1202 = arith.constant 0 : index
    %get3A_1203 = vector.load %arg2[%get3A_1199, %get3A_1200, %get3A_1201, %get3A_1202] : memref<1x19x64x512xf32, #tpu.memory_space<vmem>>, vector<1x1x8x512xf32>
    %get3A_1204 = vector.shape_cast %get3A_1203 : vector<1x1x8x512xf32> to vector<8x512xf32>
    %gt3A_1205 = arith.cmpf ogt, %get3A_1204, %select_n3A_1191 : vector<8x512xf32>
    %select_n3A_1206 = arith.select %gt3A_1205, %get3A_1204, %select_n3A_1191 : vector<8x512xi1>, vector<8x512xf32>
    %jit3A_1207 = arith.constant 1.600000e+01 : f32
    %broadcast_in_dim3A_1208 = vector.broadcast %jit3A_1207 : f32 to vector<8x512xf32>
    %select_n3A_1209 = arith.select %gt3A_1205, %broadcast_in_dim3A_1208, %select_n3A_1194 : vector<8x512xi1>, vector<8x512xf32>
    %eq3A_1210 = arith.constant 16 : i32
    %eq3A_1211 = vector.broadcast %eq3A_1210 : i32 to vector<8x512xi32>
    %eq3A_1212 = arith.cmpi eq, %select_n3A_959, %eq3A_1211 : vector<8x512xi32>
    %select_n3A_1213 = arith.select %eq3A_1212, %get3A_1204, %select_n3A_1198 : vector<8x512xi1>, vector<8x512xf32>
    %get3A_1214 = arith.constant 0 : index
    %get3A_1215 = arith.constant 17 : index
    %get3A_1216 = arith.constant 16 : index
    %get3A_1217 = arith.constant 0 : index
    %get3A_1218 = vector.load %arg2[%get3A_1214, %get3A_1215, %get3A_1216, %get3A_1217] : memref<1x19x64x512xf32, #tpu.memory_space<vmem>>, vector<1x1x8x512xf32>
    %get3A_1219 = vector.shape_cast %get3A_1218 : vector<1x1x8x512xf32> to vector<8x512xf32>
    %gt3A_1220 = arith.cmpf ogt, %get3A_1219, %select_n3A_1206 : vector<8x512xf32>
    %select_n3A_1221 = arith.select %gt3A_1220, %get3A_1219, %select_n3A_1206 : vector<8x512xi1>, vector<8x512xf32>
    %jit3A_1222 = arith.constant 1.700000e+01 : f32
    %broadcast_in_dim3A_1223 = vector.broadcast %jit3A_1222 : f32 to vector<8x512xf32>
    %select_n3A_1224 = arith.select %gt3A_1220, %broadcast_in_dim3A_1223, %select_n3A_1209 : vector<8x512xi1>, vector<8x512xf32>
    %eq3A_1225 = arith.constant 17 : i32
    %eq3A_1226 = vector.broadcast %eq3A_1225 : i32 to vector<8x512xi32>
    %eq3A_1227 = arith.cmpi eq, %select_n3A_959, %eq3A_1226 : vector<8x512xi32>
    %select_n3A_1228 = arith.select %eq3A_1227, %get3A_1219, %select_n3A_1213 : vector<8x512xi1>, vector<8x512xf32>
    %get3A_1229 = arith.constant 0 : index
    %get3A_1230 = arith.constant 18 : index
    %get3A_1231 = arith.constant 16 : index
    %get3A_1232 = arith.constant 0 : index
    %get3A_1233 = vector.load %arg2[%get3A_1229, %get3A_1230, %get3A_1231, %get3A_1232] : memref<1x19x64x512xf32, #tpu.memory_space<vmem>>, vector<1x1x8x512xf32>
    %get3A_1234 = vector.shape_cast %get3A_1233 : vector<1x1x8x512xf32> to vector<8x512xf32>
    %gt3A_1235 = arith.cmpf ogt, %get3A_1234, %select_n3A_1221 : vector<8x512xf32>
    %select_n3A_1236 = arith.select %gt3A_1235, %get3A_1234, %select_n3A_1221 : vector<8x512xi1>, vector<8x512xf32>
    %jit3A_1237 = arith.constant 1.800000e+01 : f32
    %broadcast_in_dim3A_1238 = vector.broadcast %jit3A_1237 : f32 to vector<8x512xf32>
    %select_n3A_1239 = arith.select %gt3A_1235, %broadcast_in_dim3A_1238, %select_n3A_1224 : vector<8x512xi1>, vector<8x512xf32>
    %eq3A_1240 = arith.constant 18 : i32
    %eq3A_1241 = vector.broadcast %eq3A_1240 : i32 to vector<8x512xi32>
    %eq3A_1242 = arith.cmpi eq, %select_n3A_959, %eq3A_1241 : vector<8x512xi32>
    %select_n3A_1243 = arith.select %eq3A_1242, %get3A_1234, %select_n3A_1228 : vector<8x512xi1>, vector<8x512xf32>
    %sub3A_1244 = arith.subf %get3A_965, %select_n3A_1236 : vector<8x512xf32>
    %exp3A_1245 = math.exp %sub3A_1244 : vector<8x512xf32>
    %get3A_1246 = arith.constant 0 : index
    %get3A_1247 = arith.constant 1 : index
    %get3A_1248 = arith.constant 16 : index
    %get3A_1249 = arith.constant 0 : index
    %get3A_1250 = vector.load %arg2[%get3A_1246, %get3A_1247, %get3A_1248, %get3A_1249] : memref<1x19x64x512xf32, #tpu.memory_space<vmem>>, vector<1x1x8x512xf32>
    %get3A_1251 = vector.shape_cast %get3A_1250 : vector<1x1x8x512xf32> to vector<8x512xf32>
    %sub3A_1252 = arith.subf %get3A_1251, %select_n3A_1236 : vector<8x512xf32>
    %exp3A_1253 = math.exp %sub3A_1252 : vector<8x512xf32>
    %add3A_1254 = arith.addf %exp3A_1245, %exp3A_1253 : vector<8x512xf32>
    %get3A_1255 = arith.constant 0 : index
    %get3A_1256 = arith.constant 2 : index
    %get3A_1257 = arith.constant 16 : index
    %get3A_1258 = arith.constant 0 : index
    %get3A_1259 = vector.load %arg2[%get3A_1255, %get3A_1256, %get3A_1257, %get3A_1258] : memref<1x19x64x512xf32, #tpu.memory_space<vmem>>, vector<1x1x8x512xf32>
    %get3A_1260 = vector.shape_cast %get3A_1259 : vector<1x1x8x512xf32> to vector<8x512xf32>
    %sub3A_1261 = arith.subf %get3A_1260, %select_n3A_1236 : vector<8x512xf32>
    %exp3A_1262 = math.exp %sub3A_1261 : vector<8x512xf32>
    %add3A_1263 = arith.addf %add3A_1254, %exp3A_1262 : vector<8x512xf32>
    %get3A_1264 = arith.constant 0 : index
    %get3A_1265 = arith.constant 3 : index
    %get3A_1266 = arith.constant 16 : index
    %get3A_1267 = arith.constant 0 : index
    %get3A_1268 = vector.load %arg2[%get3A_1264, %get3A_1265, %get3A_1266, %get3A_1267] : memref<1x19x64x512xf32, #tpu.memory_space<vmem>>, vector<1x1x8x512xf32>
    %get3A_1269 = vector.shape_cast %get3A_1268 : vector<1x1x8x512xf32> to vector<8x512xf32>
    %sub3A_1270 = arith.subf %get3A_1269, %select_n3A_1236 : vector<8x512xf32>
    %exp3A_1271 = math.exp %sub3A_1270 : vector<8x512xf32>
    %add3A_1272 = arith.addf %add3A_1263, %exp3A_1271 : vector<8x512xf32>
    %get3A_1273 = arith.constant 0 : index
    %get3A_1274 = arith.constant 4 : index
    %get3A_1275 = arith.constant 16 : index
    %get3A_1276 = arith.constant 0 : index
    %get3A_1277 = vector.load %arg2[%get3A_1273, %get3A_1274, %get3A_1275, %get3A_1276] : memref<1x19x64x512xf32, #tpu.memory_space<vmem>>, vector<1x1x8x512xf32>
    %get3A_1278 = vector.shape_cast %get3A_1277 : vector<1x1x8x512xf32> to vector<8x512xf32>
    %sub3A_1279 = arith.subf %get3A_1278, %select_n3A_1236 : vector<8x512xf32>
    %exp3A_1280 = math.exp %sub3A_1279 : vector<8x512xf32>
    %add3A_1281 = arith.addf %add3A_1272, %exp3A_1280 : vector<8x512xf32>
    %get3A_1282 = arith.constant 0 : index
    %get3A_1283 = arith.constant 5 : index
    %get3A_1284 = arith.constant 16 : index
    %get3A_1285 = arith.constant 0 : index
    %get3A_1286 = vector.load %arg2[%get3A_1282, %get3A_1283, %get3A_1284, %get3A_1285] : memref<1x19x64x512xf32, #tpu.memory_space<vmem>>, vector<1x1x8x512xf32>
    %get3A_1287 = vector.shape_cast %get3A_1286 : vector<1x1x8x512xf32> to vector<8x512xf32>
    %sub3A_1288 = arith.subf %get3A_1287, %select_n3A_1236 : vector<8x512xf32>
    %exp3A_1289 = math.exp %sub3A_1288 : vector<8x512xf32>
    %add3A_1290 = arith.addf %add3A_1281, %exp3A_1289 : vector<8x512xf32>
    %get3A_1291 = arith.constant 0 : index
    %get3A_1292 = arith.constant 6 : index
    %get3A_1293 = arith.constant 16 : index
    %get3A_1294 = arith.constant 0 : index
    %get3A_1295 = vector.load %arg2[%get3A_1291, %get3A_1292, %get3A_1293, %get3A_1294] : memref<1x19x64x512xf32, #tpu.memory_space<vmem>>, vector<1x1x8x512xf32>
    %get3A_1296 = vector.shape_cast %get3A_1295 : vector<1x1x8x512xf32> to vector<8x512xf32>
    %sub3A_1297 = arith.subf %get3A_1296, %select_n3A_1236 : vector<8x512xf32>
    %exp3A_1298 = math.exp %sub3A_1297 : vector<8x512xf32>
    %add3A_1299 = arith.addf %add3A_1290, %exp3A_1298 : vector<8x512xf32>
    %get3A_1300 = arith.constant 0 : index
    %get3A_1301 = arith.constant 7 : index
    %get3A_1302 = arith.constant 16 : index
    %get3A_1303 = arith.constant 0 : index
    %get3A_1304 = vector.load %arg2[%get3A_1300, %get3A_1301, %get3A_1302, %get3A_1303] : memref<1x19x64x512xf32, #tpu.memory_space<vmem>>, vector<1x1x8x512xf32>
    %get3A_1305 = vector.shape_cast %get3A_1304 : vector<1x1x8x512xf32> to vector<8x512xf32>
    %sub3A_1306 = arith.subf %get3A_1305, %select_n3A_1236 : vector<8x512xf32>
    %exp3A_1307 = math.exp %sub3A_1306 : vector<8x512xf32>
    %add3A_1308 = arith.addf %add3A_1299, %exp3A_1307 : vector<8x512xf32>
    %get3A_1309 = arith.constant 0 : index
    %get3A_1310 = arith.constant 8 : index
    %get3A_1311 = arith.constant 16 : index
    %get3A_1312 = arith.constant 0 : index
    %get3A_1313 = vector.load %arg2[%get3A_1309, %get3A_1310, %get3A_1311, %get3A_1312] : memref<1x19x64x512xf32, #tpu.memory_space<vmem>>, vector<1x1x8x512xf32>
    %get3A_1314 = vector.shape_cast %get3A_1313 : vector<1x1x8x512xf32> to vector<8x512xf32>
    %sub3A_1315 = arith.subf %get3A_1314, %select_n3A_1236 : vector<8x512xf32>
    %exp3A_1316 = math.exp %sub3A_1315 : vector<8x512xf32>
    %add3A_1317 = arith.addf %add3A_1308, %exp3A_1316 : vector<8x512xf32>
    %get3A_1318 = arith.constant 0 : index
    %get3A_1319 = arith.constant 9 : index
    %get3A_1320 = arith.constant 16 : index
    %get3A_1321 = arith.constant 0 : index
    %get3A_1322 = vector.load %arg2[%get3A_1318, %get3A_1319, %get3A_1320, %get3A_1321] : memref<1x19x64x512xf32, #tpu.memory_space<vmem>>, vector<1x1x8x512xf32>
    %get3A_1323 = vector.shape_cast %get3A_1322 : vector<1x1x8x512xf32> to vector<8x512xf32>
    %sub3A_1324 = arith.subf %get3A_1323, %select_n3A_1236 : vector<8x512xf32>
    %exp3A_1325 = math.exp %sub3A_1324 : vector<8x512xf32>
    %add3A_1326 = arith.addf %add3A_1317, %exp3A_1325 : vector<8x512xf32>
    %get3A_1327 = arith.constant 0 : index
    %get3A_1328 = arith.constant 10 : index
    %get3A_1329 = arith.constant 16 : index
    %get3A_1330 = arith.constant 0 : index
    %get3A_1331 = vector.load %arg2[%get3A_1327, %get3A_1328, %get3A_1329, %get3A_1330] : memref<1x19x64x512xf32, #tpu.memory_space<vmem>>, vector<1x1x8x512xf32>
    %get3A_1332 = vector.shape_cast %get3A_1331 : vector<1x1x8x512xf32> to vector<8x512xf32>
    %sub3A_1333 = arith.subf %get3A_1332, %select_n3A_1236 : vector<8x512xf32>
    %exp3A_1334 = math.exp %sub3A_1333 : vector<8x512xf32>
    %add3A_1335 = arith.addf %add3A_1326, %exp3A_1334 : vector<8x512xf32>
    %get3A_1336 = arith.constant 0 : index
    %get3A_1337 = arith.constant 11 : index
    %get3A_1338 = arith.constant 16 : index
    %get3A_1339 = arith.constant 0 : index
    %get3A_1340 = vector.load %arg2[%get3A_1336, %get3A_1337, %get3A_1338, %get3A_1339] : memref<1x19x64x512xf32, #tpu.memory_space<vmem>>, vector<1x1x8x512xf32>
    %get3A_1341 = vector.shape_cast %get3A_1340 : vector<1x1x8x512xf32> to vector<8x512xf32>
    %sub3A_1342 = arith.subf %get3A_1341, %select_n3A_1236 : vector<8x512xf32>
    %exp3A_1343 = math.exp %sub3A_1342 : vector<8x512xf32>
    %add3A_1344 = arith.addf %add3A_1335, %exp3A_1343 : vector<8x512xf32>
    %get3A_1345 = arith.constant 0 : index
    %get3A_1346 = arith.constant 12 : index
    %get3A_1347 = arith.constant 16 : index
    %get3A_1348 = arith.constant 0 : index
    %get3A_1349 = vector.load %arg2[%get3A_1345, %get3A_1346, %get3A_1347, %get3A_1348] : memref<1x19x64x512xf32, #tpu.memory_space<vmem>>, vector<1x1x8x512xf32>
    %get3A_1350 = vector.shape_cast %get3A_1349 : vector<1x1x8x512xf32> to vector<8x512xf32>
    %sub3A_1351 = arith.subf %get3A_1350, %select_n3A_1236 : vector<8x512xf32>
    %exp3A_1352 = math.exp %sub3A_1351 : vector<8x512xf32>
    %add3A_1353 = arith.addf %add3A_1344, %exp3A_1352 : vector<8x512xf32>
    %get3A_1354 = arith.constant 0 : index
    %get3A_1355 = arith.constant 13 : index
    %get3A_1356 = arith.constant 16 : index
    %get3A_1357 = arith.constant 0 : index
    %get3A_1358 = vector.load %arg2[%get3A_1354, %get3A_1355, %get3A_1356, %get3A_1357] : memref<1x19x64x512xf32, #tpu.memory_space<vmem>>, vector<1x1x8x512xf32>
    %get3A_1359 = vector.shape_cast %get3A_1358 : vector<1x1x8x512xf32> to vector<8x512xf32>
    %sub3A_1360 = arith.subf %get3A_1359, %select_n3A_1236 : vector<8x512xf32>
    %exp3A_1361 = math.exp %sub3A_1360 : vector<8x512xf32>
    %add3A_1362 = arith.addf %add3A_1353, %exp3A_1361 : vector<8x512xf32>
    %get3A_1363 = arith.constant 0 : index
    %get3A_1364 = arith.constant 14 : index
    %get3A_1365 = arith.constant 16 : index
    %get3A_1366 = arith.constant 0 : index
    %get3A_1367 = vector.load %arg2[%get3A_1363, %get3A_1364, %get3A_1365, %get3A_1366] : memref<1x19x64x512xf32, #tpu.memory_space<vmem>>, vector<1x1x8x512xf32>
    %get3A_1368 = vector.shape_cast %get3A_1367 : vector<1x1x8x512xf32> to vector<8x512xf32>
    %sub3A_1369 = arith.subf %get3A_1368, %select_n3A_1236 : vector<8x512xf32>
    %exp3A_1370 = math.exp %sub3A_1369 : vector<8x512xf32>
    %add3A_1371 = arith.addf %add3A_1362, %exp3A_1370 : vector<8x512xf32>
    %get3A_1372 = arith.constant 0 : index
    %get3A_1373 = arith.constant 15 : index
    %get3A_1374 = arith.constant 16 : index
    %get3A_1375 = arith.constant 0 : index
    %get3A_1376 = vector.load %arg2[%get3A_1372, %get3A_1373, %get3A_1374, %get3A_1375] : memref<1x19x64x512xf32, #tpu.memory_space<vmem>>, vector<1x1x8x512xf32>
    %get3A_1377 = vector.shape_cast %get3A_1376 : vector<1x1x8x512xf32> to vector<8x512xf32>
    %sub3A_1378 = arith.subf %get3A_1377, %select_n3A_1236 : vector<8x512xf32>
    %exp3A_1379 = math.exp %sub3A_1378 : vector<8x512xf32>
    %add3A_1380 = arith.addf %add3A_1371, %exp3A_1379 : vector<8x512xf32>
    %get3A_1381 = arith.constant 0 : index
    %get3A_1382 = arith.constant 16 : index
    %get3A_1383 = arith.constant 16 : index
    %get3A_1384 = arith.constant 0 : index
    %get3A_1385 = vector.load %arg2[%get3A_1381, %get3A_1382, %get3A_1383, %get3A_1384] : memref<1x19x64x512xf32, #tpu.memory_space<vmem>>, vector<1x1x8x512xf32>
    %get3A_1386 = vector.shape_cast %get3A_1385 : vector<1x1x8x512xf32> to vector<8x512xf32>
    %sub3A_1387 = arith.subf %get3A_1386, %select_n3A_1236 : vector<8x512xf32>
    %exp3A_1388 = math.exp %sub3A_1387 : vector<8x512xf32>
    %add3A_1389 = arith.addf %add3A_1380, %exp3A_1388 : vector<8x512xf32>
    %get3A_1390 = arith.constant 0 : index
    %get3A_1391 = arith.constant 17 : index
    %get3A_1392 = arith.constant 16 : index
    %get3A_1393 = arith.constant 0 : index
    %get3A_1394 = vector.load %arg2[%get3A_1390, %get3A_1391, %get3A_1392, %get3A_1393] : memref<1x19x64x512xf32, #tpu.memory_space<vmem>>, vector<1x1x8x512xf32>
    %get3A_1395 = vector.shape_cast %get3A_1394 : vector<1x1x8x512xf32> to vector<8x512xf32>
    %sub3A_1396 = arith.subf %get3A_1395, %select_n3A_1236 : vector<8x512xf32>
    %exp3A_1397 = math.exp %sub3A_1396 : vector<8x512xf32>
    %add3A_1398 = arith.addf %add3A_1389, %exp3A_1397 : vector<8x512xf32>
    %get3A_1399 = arith.constant 0 : index
    %get3A_1400 = arith.constant 18 : index
    %get3A_1401 = arith.constant 16 : index
    %get3A_1402 = arith.constant 0 : index
    %get3A_1403 = vector.load %arg2[%get3A_1399, %get3A_1400, %get3A_1401, %get3A_1402] : memref<1x19x64x512xf32, #tpu.memory_space<vmem>>, vector<1x1x8x512xf32>
    %get3A_1404 = vector.shape_cast %get3A_1403 : vector<1x1x8x512xf32> to vector<8x512xf32>
    %sub3A_1405 = arith.subf %get3A_1404, %select_n3A_1236 : vector<8x512xf32>
    %exp3A_1406 = math.exp %sub3A_1405 : vector<8x512xf32>
    %add3A_1407 = arith.addf %add3A_1398, %exp3A_1406 : vector<8x512xf32>
    %log3A_1408 = math.log %add3A_1407 : vector<8x512xf32>
    %add3A_1409 = arith.addf %log3A_1408, %select_n3A_1236 : vector<8x512xf32>
    %convert_element_type3A_1410 = arith.extui %ge3A_956 : vector<8x512xi1> to vector<8x512xi32>
    %convert_element_type3A_1411 = arith.sitofp %convert_element_type3A_1410 : vector<8x512xi32> to vector<8x512xf32>
    %convert_element_type3A_1412 = arith.sitofp %get3A_953 : vector<8x512xi32> to vector<8x512xf32>
    %sub3A_1413 = arith.subf %add3A_1409, %select_n3A_1243 : vector<8x512xf32>
    %jit3A_1414 = arith.constant 0.000000e+00 : f32
    %broadcast_in_dim3A_1415 = vector.broadcast %jit3A_1414 : f32 to vector<8x512xf32>
    %select_n3A_1416 = arith.select %ge3A_956, %sub3A_1413, %broadcast_in_dim3A_1415 : vector<8x512xi1>, vector<8x512xf32>
    %add3A_1417 = arith.addf %add3A_941, %select_n3A_1416 : vector<8x512xf32>
    %add3A_1418 = arith.addf %add3A_942, %convert_element_type3A_1411 : vector<8x512xf32>
    %mul3A_1419 = arith.mulf %select_n3A_1239, %convert_element_type3A_1412 : vector<8x512xf32>
    %add3A_1420 = arith.addf %add3A_944, %mul3A_1419 : vector<8x512xf32>
    %mul3A_1421 = arith.mulf %select_n3A_1239, %select_n3A_1239 : vector<8x512xf32>
    %add3A_1422 = arith.addf %add3A_946, %mul3A_1421 : vector<8x512xf32>
    %mul3A_1423 = arith.mulf %convert_element_type3A_1412, %convert_element_type3A_1412 : vector<8x512xf32>
    %add3A_1424 = arith.addf %add3A_948, %mul3A_1423 : vector<8x512xf32>
    %get3A_1425 = arith.constant 0 : index
    %get3A_1426 = arith.constant 24 : index
    %get3A_1427 = arith.constant 0 : index
    %get3A_1428 = vector.load %arg3[%get3A_1425, %get3A_1426, %get3A_1427] : memref<1x64x512xi32, #tpu.memory_space<vmem>>, vector<1x8x512xi32>
    %get3A_1429 = vector.shape_cast %get3A_1428 : vector<1x8x512xi32> to vector<8x512xi32>
    %ge3A_1430 = arith.constant 0 : i32
    %ge3A_1431 = vector.broadcast %ge3A_1430 : i32 to vector<8x512xi32>
    %ge3A_1432 = arith.cmpi sge, %get3A_1429, %ge3A_1431 : vector<8x512xi32>
    %jit3A_1433 = arith.constant 0 : i32
    %broadcast_in_dim3A_1434 = vector.broadcast %jit3A_1433 : i32 to vector<8x512xi32>
    %select_n3A_1435 = arith.select %ge3A_1432, %get3A_1429, %broadcast_in_dim3A_1434 : vector<8x512xi1>, vector<8x512xi32>
    %get3A_1436 = arith.constant 0 : index
    %get3A_1437 = arith.constant 0 : index
    %get3A_1438 = arith.constant 24 : index
    %get3A_1439 = arith.constant 0 : index
    %get3A_1440 = vector.load %arg2[%get3A_1436, %get3A_1437, %get3A_1438, %get3A_1439] : memref<1x19x64x512xf32, #tpu.memory_space<vmem>>, vector<1x1x8x512xf32>
    %get3A_1441 = vector.shape_cast %get3A_1440 : vector<1x1x8x512xf32> to vector<8x512xf32>
    %broadcast_in_dim3A_1442 = arith.constant 0.000000e+00 : f32
    %broadcast_in_dim3A_1443 = vector.broadcast %broadcast_in_dim3A_1442 : f32 to vector<8x512xf32>
    %eq3A_1444 = arith.constant 0 : i32
    %eq3A_1445 = vector.broadcast %eq3A_1444 : i32 to vector<8x512xi32>
    %eq3A_1446 = arith.cmpi eq, %select_n3A_1435, %eq3A_1445 : vector<8x512xi32>
    %jit3A_1447 = arith.constant 0.000000e+00 : f32
    %broadcast_in_dim3A_1448 = vector.broadcast %jit3A_1447 : f32 to vector<8x512xf32>
    %select_n3A_1449 = arith.select %eq3A_1446, %get3A_1441, %broadcast_in_dim3A_1448 : vector<8x512xi1>, vector<8x512xf32>
    %get3A_1450 = arith.constant 0 : index
    %get3A_1451 = arith.constant 1 : index
    %get3A_1452 = arith.constant 24 : index
    %get3A_1453 = arith.constant 0 : index
    %get3A_1454 = vector.load %arg2[%get3A_1450, %get3A_1451, %get3A_1452, %get3A_1453] : memref<1x19x64x512xf32, #tpu.memory_space<vmem>>, vector<1x1x8x512xf32>
    %get3A_1455 = vector.shape_cast %get3A_1454 : vector<1x1x8x512xf32> to vector<8x512xf32>
    %gt3A_1456 = arith.cmpf ogt, %get3A_1455, %get3A_1441 : vector<8x512xf32>
    %select_n3A_1457 = arith.select %gt3A_1456, %get3A_1455, %get3A_1441 : vector<8x512xi1>, vector<8x512xf32>
    %jit3A_1458 = arith.constant 1.000000e+00 : f32
    %broadcast_in_dim3A_1459 = vector.broadcast %jit3A_1458 : f32 to vector<8x512xf32>
    %select_n3A_1460 = arith.select %gt3A_1456, %broadcast_in_dim3A_1459, %broadcast_in_dim3A_1443 : vector<8x512xi1>, vector<8x512xf32>
    %eq3A_1461 = arith.constant 1 : i32
    %eq3A_1462 = vector.broadcast %eq3A_1461 : i32 to vector<8x512xi32>
    %eq3A_1463 = arith.cmpi eq, %select_n3A_1435, %eq3A_1462 : vector<8x512xi32>
    %select_n3A_1464 = arith.select %eq3A_1463, %get3A_1455, %select_n3A_1449 : vector<8x512xi1>, vector<8x512xf32>
    %get3A_1465 = arith.constant 0 : index
    %get3A_1466 = arith.constant 2 : index
    %get3A_1467 = arith.constant 24 : index
    %get3A_1468 = arith.constant 0 : index
    %get3A_1469 = vector.load %arg2[%get3A_1465, %get3A_1466, %get3A_1467, %get3A_1468] : memref<1x19x64x512xf32, #tpu.memory_space<vmem>>, vector<1x1x8x512xf32>
    %get3A_1470 = vector.shape_cast %get3A_1469 : vector<1x1x8x512xf32> to vector<8x512xf32>
    %gt3A_1471 = arith.cmpf ogt, %get3A_1470, %select_n3A_1457 : vector<8x512xf32>
    %select_n3A_1472 = arith.select %gt3A_1471, %get3A_1470, %select_n3A_1457 : vector<8x512xi1>, vector<8x512xf32>
    %jit3A_1473 = arith.constant 2.000000e+00 : f32
    %broadcast_in_dim3A_1474 = vector.broadcast %jit3A_1473 : f32 to vector<8x512xf32>
    %select_n3A_1475 = arith.select %gt3A_1471, %broadcast_in_dim3A_1474, %select_n3A_1460 : vector<8x512xi1>, vector<8x512xf32>
    %eq3A_1476 = arith.constant 2 : i32
    %eq3A_1477 = vector.broadcast %eq3A_1476 : i32 to vector<8x512xi32>
    %eq3A_1478 = arith.cmpi eq, %select_n3A_1435, %eq3A_1477 : vector<8x512xi32>
    %select_n3A_1479 = arith.select %eq3A_1478, %get3A_1470, %select_n3A_1464 : vector<8x512xi1>, vector<8x512xf32>
    %get3A_1480 = arith.constant 0 : index
    %get3A_1481 = arith.constant 3 : index
    %get3A_1482 = arith.constant 24 : index
    %get3A_1483 = arith.constant 0 : index
    %get3A_1484 = vector.load %arg2[%get3A_1480, %get3A_1481, %get3A_1482, %get3A_1483] : memref<1x19x64x512xf32, #tpu.memory_space<vmem>>, vector<1x1x8x512xf32>
    %get3A_1485 = vector.shape_cast %get3A_1484 : vector<1x1x8x512xf32> to vector<8x512xf32>
    %gt3A_1486 = arith.cmpf ogt, %get3A_1485, %select_n3A_1472 : vector<8x512xf32>
    %select_n3A_1487 = arith.select %gt3A_1486, %get3A_1485, %select_n3A_1472 : vector<8x512xi1>, vector<8x512xf32>
    %jit3A_1488 = arith.constant 3.000000e+00 : f32
    %broadcast_in_dim3A_1489 = vector.broadcast %jit3A_1488 : f32 to vector<8x512xf32>
    %select_n3A_1490 = arith.select %gt3A_1486, %broadcast_in_dim3A_1489, %select_n3A_1475 : vector<8x512xi1>, vector<8x512xf32>
    %eq3A_1491 = arith.constant 3 : i32
    %eq3A_1492 = vector.broadcast %eq3A_1491 : i32 to vector<8x512xi32>
    %eq3A_1493 = arith.cmpi eq, %select_n3A_1435, %eq3A_1492 : vector<8x512xi32>
    %select_n3A_1494 = arith.select %eq3A_1493, %get3A_1485, %select_n3A_1479 : vector<8x512xi1>, vector<8x512xf32>
    %get3A_1495 = arith.constant 0 : index
    %get3A_1496 = arith.constant 4 : index
    %get3A_1497 = arith.constant 24 : index
    %get3A_1498 = arith.constant 0 : index
    %get3A_1499 = vector.load %arg2[%get3A_1495, %get3A_1496, %get3A_1497, %get3A_1498] : memref<1x19x64x512xf32, #tpu.memory_space<vmem>>, vector<1x1x8x512xf32>
    %get3A_1500 = vector.shape_cast %get3A_1499 : vector<1x1x8x512xf32> to vector<8x512xf32>
    %gt3A_1501 = arith.cmpf ogt, %get3A_1500, %select_n3A_1487 : vector<8x512xf32>
    %select_n3A_1502 = arith.select %gt3A_1501, %get3A_1500, %select_n3A_1487 : vector<8x512xi1>, vector<8x512xf32>
    %jit3A_1503 = arith.constant 4.000000e+00 : f32
    %broadcast_in_dim3A_1504 = vector.broadcast %jit3A_1503 : f32 to vector<8x512xf32>
    %select_n3A_1505 = arith.select %gt3A_1501, %broadcast_in_dim3A_1504, %select_n3A_1490 : vector<8x512xi1>, vector<8x512xf32>
    %eq3A_1506 = arith.constant 4 : i32
    %eq3A_1507 = vector.broadcast %eq3A_1506 : i32 to vector<8x512xi32>
    %eq3A_1508 = arith.cmpi eq, %select_n3A_1435, %eq3A_1507 : vector<8x512xi32>
    %select_n3A_1509 = arith.select %eq3A_1508, %get3A_1500, %select_n3A_1494 : vector<8x512xi1>, vector<8x512xf32>
    %get3A_1510 = arith.constant 0 : index
    %get3A_1511 = arith.constant 5 : index
    %get3A_1512 = arith.constant 24 : index
    %get3A_1513 = arith.constant 0 : index
    %get3A_1514 = vector.load %arg2[%get3A_1510, %get3A_1511, %get3A_1512, %get3A_1513] : memref<1x19x64x512xf32, #tpu.memory_space<vmem>>, vector<1x1x8x512xf32>
    %get3A_1515 = vector.shape_cast %get3A_1514 : vector<1x1x8x512xf32> to vector<8x512xf32>
    %gt3A_1516 = arith.cmpf ogt, %get3A_1515, %select_n3A_1502 : vector<8x512xf32>
    %select_n3A_1517 = arith.select %gt3A_1516, %get3A_1515, %select_n3A_1502 : vector<8x512xi1>, vector<8x512xf32>
    %jit3A_1518 = arith.constant 5.000000e+00 : f32
    %broadcast_in_dim3A_1519 = vector.broadcast %jit3A_1518 : f32 to vector<8x512xf32>
    %select_n3A_1520 = arith.select %gt3A_1516, %broadcast_in_dim3A_1519, %select_n3A_1505 : vector<8x512xi1>, vector<8x512xf32>
    %eq3A_1521 = arith.constant 5 : i32
    %eq3A_1522 = vector.broadcast %eq3A_1521 : i32 to vector<8x512xi32>
    %eq3A_1523 = arith.cmpi eq, %select_n3A_1435, %eq3A_1522 : vector<8x512xi32>
    %select_n3A_1524 = arith.select %eq3A_1523, %get3A_1515, %select_n3A_1509 : vector<8x512xi1>, vector<8x512xf32>
    %get3A_1525 = arith.constant 0 : index
    %get3A_1526 = arith.constant 6 : index
    %get3A_1527 = arith.constant 24 : index
    %get3A_1528 = arith.constant 0 : index
    %get3A_1529 = vector.load %arg2[%get3A_1525, %get3A_1526, %get3A_1527, %get3A_1528] : memref<1x19x64x512xf32, #tpu.memory_space<vmem>>, vector<1x1x8x512xf32>
    %get3A_1530 = vector.shape_cast %get3A_1529 : vector<1x1x8x512xf32> to vector<8x512xf32>
    %gt3A_1531 = arith.cmpf ogt, %get3A_1530, %select_n3A_1517 : vector<8x512xf32>
    %select_n3A_1532 = arith.select %gt3A_1531, %get3A_1530, %select_n3A_1517 : vector<8x512xi1>, vector<8x512xf32>
    %jit3A_1533 = arith.constant 6.000000e+00 : f32
    %broadcast_in_dim3A_1534 = vector.broadcast %jit3A_1533 : f32 to vector<8x512xf32>
    %select_n3A_1535 = arith.select %gt3A_1531, %broadcast_in_dim3A_1534, %select_n3A_1520 : vector<8x512xi1>, vector<8x512xf32>
    %eq3A_1536 = arith.constant 6 : i32
    %eq3A_1537 = vector.broadcast %eq3A_1536 : i32 to vector<8x512xi32>
    %eq3A_1538 = arith.cmpi eq, %select_n3A_1435, %eq3A_1537 : vector<8x512xi32>
    %select_n3A_1539 = arith.select %eq3A_1538, %get3A_1530, %select_n3A_1524 : vector<8x512xi1>, vector<8x512xf32>
    %get3A_1540 = arith.constant 0 : index
    %get3A_1541 = arith.constant 7 : index
    %get3A_1542 = arith.constant 24 : index
    %get3A_1543 = arith.constant 0 : index
    %get3A_1544 = vector.load %arg2[%get3A_1540, %get3A_1541, %get3A_1542, %get3A_1543] : memref<1x19x64x512xf32, #tpu.memory_space<vmem>>, vector<1x1x8x512xf32>
    %get3A_1545 = vector.shape_cast %get3A_1544 : vector<1x1x8x512xf32> to vector<8x512xf32>
    %gt3A_1546 = arith.cmpf ogt, %get3A_1545, %select_n3A_1532 : vector<8x512xf32>
    %select_n3A_1547 = arith.select %gt3A_1546, %get3A_1545, %select_n3A_1532 : vector<8x512xi1>, vector<8x512xf32>
    %jit3A_1548 = arith.constant 7.000000e+00 : f32
    %broadcast_in_dim3A_1549 = vector.broadcast %jit3A_1548 : f32 to vector<8x512xf32>
    %select_n3A_1550 = arith.select %gt3A_1546, %broadcast_in_dim3A_1549, %select_n3A_1535 : vector<8x512xi1>, vector<8x512xf32>
    %eq3A_1551 = arith.constant 7 : i32
    %eq3A_1552 = vector.broadcast %eq3A_1551 : i32 to vector<8x512xi32>
    %eq3A_1553 = arith.cmpi eq, %select_n3A_1435, %eq3A_1552 : vector<8x512xi32>
    %select_n3A_1554 = arith.select %eq3A_1553, %get3A_1545, %select_n3A_1539 : vector<8x512xi1>, vector<8x512xf32>
    %get3A_1555 = arith.constant 0 : index
    %get3A_1556 = arith.constant 8 : index
    %get3A_1557 = arith.constant 24 : index
    %get3A_1558 = arith.constant 0 : index
    %get3A_1559 = vector.load %arg2[%get3A_1555, %get3A_1556, %get3A_1557, %get3A_1558] : memref<1x19x64x512xf32, #tpu.memory_space<vmem>>, vector<1x1x8x512xf32>
    %get3A_1560 = vector.shape_cast %get3A_1559 : vector<1x1x8x512xf32> to vector<8x512xf32>
    %gt3A_1561 = arith.cmpf ogt, %get3A_1560, %select_n3A_1547 : vector<8x512xf32>
    %select_n3A_1562 = arith.select %gt3A_1561, %get3A_1560, %select_n3A_1547 : vector<8x512xi1>, vector<8x512xf32>
    %jit3A_1563 = arith.constant 8.000000e+00 : f32
    %broadcast_in_dim3A_1564 = vector.broadcast %jit3A_1563 : f32 to vector<8x512xf32>
    %select_n3A_1565 = arith.select %gt3A_1561, %broadcast_in_dim3A_1564, %select_n3A_1550 : vector<8x512xi1>, vector<8x512xf32>
    %eq3A_1566 = arith.constant 8 : i32
    %eq3A_1567 = vector.broadcast %eq3A_1566 : i32 to vector<8x512xi32>
    %eq3A_1568 = arith.cmpi eq, %select_n3A_1435, %eq3A_1567 : vector<8x512xi32>
    %select_n3A_1569 = arith.select %eq3A_1568, %get3A_1560, %select_n3A_1554 : vector<8x512xi1>, vector<8x512xf32>
    %get3A_1570 = arith.constant 0 : index
    %get3A_1571 = arith.constant 9 : index
    %get3A_1572 = arith.constant 24 : index
    %get3A_1573 = arith.constant 0 : index
    %get3A_1574 = vector.load %arg2[%get3A_1570, %get3A_1571, %get3A_1572, %get3A_1573] : memref<1x19x64x512xf32, #tpu.memory_space<vmem>>, vector<1x1x8x512xf32>
    %get3A_1575 = vector.shape_cast %get3A_1574 : vector<1x1x8x512xf32> to vector<8x512xf32>
    %gt3A_1576 = arith.cmpf ogt, %get3A_1575, %select_n3A_1562 : vector<8x512xf32>
    %select_n3A_1577 = arith.select %gt3A_1576, %get3A_1575, %select_n3A_1562 : vector<8x512xi1>, vector<8x512xf32>
    %jit3A_1578 = arith.constant 9.000000e+00 : f32
    %broadcast_in_dim3A_1579 = vector.broadcast %jit3A_1578 : f32 to vector<8x512xf32>
    %select_n3A_1580 = arith.select %gt3A_1576, %broadcast_in_dim3A_1579, %select_n3A_1565 : vector<8x512xi1>, vector<8x512xf32>
    %eq3A_1581 = arith.constant 9 : i32
    %eq3A_1582 = vector.broadcast %eq3A_1581 : i32 to vector<8x512xi32>
    %eq3A_1583 = arith.cmpi eq, %select_n3A_1435, %eq3A_1582 : vector<8x512xi32>
    %select_n3A_1584 = arith.select %eq3A_1583, %get3A_1575, %select_n3A_1569 : vector<8x512xi1>, vector<8x512xf32>
    %get3A_1585 = arith.constant 0 : index
    %get3A_1586 = arith.constant 10 : index
    %get3A_1587 = arith.constant 24 : index
    %get3A_1588 = arith.constant 0 : index
    %get3A_1589 = vector.load %arg2[%get3A_1585, %get3A_1586, %get3A_1587, %get3A_1588] : memref<1x19x64x512xf32, #tpu.memory_space<vmem>>, vector<1x1x8x512xf32>
    %get3A_1590 = vector.shape_cast %get3A_1589 : vector<1x1x8x512xf32> to vector<8x512xf32>
    %gt3A_1591 = arith.cmpf ogt, %get3A_1590, %select_n3A_1577 : vector<8x512xf32>
    %select_n3A_1592 = arith.select %gt3A_1591, %get3A_1590, %select_n3A_1577 : vector<8x512xi1>, vector<8x512xf32>
    %jit3A_1593 = arith.constant 1.000000e+01 : f32
    %broadcast_in_dim3A_1594 = vector.broadcast %jit3A_1593 : f32 to vector<8x512xf32>
    %select_n3A_1595 = arith.select %gt3A_1591, %broadcast_in_dim3A_1594, %select_n3A_1580 : vector<8x512xi1>, vector<8x512xf32>
    %eq3A_1596 = arith.constant 10 : i32
    %eq3A_1597 = vector.broadcast %eq3A_1596 : i32 to vector<8x512xi32>
    %eq3A_1598 = arith.cmpi eq, %select_n3A_1435, %eq3A_1597 : vector<8x512xi32>
    %select_n3A_1599 = arith.select %eq3A_1598, %get3A_1590, %select_n3A_1584 : vector<8x512xi1>, vector<8x512xf32>
    %get3A_1600 = arith.constant 0 : index
    %get3A_1601 = arith.constant 11 : index
    %get3A_1602 = arith.constant 24 : index
    %get3A_1603 = arith.constant 0 : index
    %get3A_1604 = vector.load %arg2[%get3A_1600, %get3A_1601, %get3A_1602, %get3A_1603] : memref<1x19x64x512xf32, #tpu.memory_space<vmem>>, vector<1x1x8x512xf32>
    %get3A_1605 = vector.shape_cast %get3A_1604 : vector<1x1x8x512xf32> to vector<8x512xf32>
    %gt3A_1606 = arith.cmpf ogt, %get3A_1605, %select_n3A_1592 : vector<8x512xf32>
    %select_n3A_1607 = arith.select %gt3A_1606, %get3A_1605, %select_n3A_1592 : vector<8x512xi1>, vector<8x512xf32>
    %jit3A_1608 = arith.constant 1.100000e+01 : f32
    %broadcast_in_dim3A_1609 = vector.broadcast %jit3A_1608 : f32 to vector<8x512xf32>
    %select_n3A_1610 = arith.select %gt3A_1606, %broadcast_in_dim3A_1609, %select_n3A_1595 : vector<8x512xi1>, vector<8x512xf32>
    %eq3A_1611 = arith.constant 11 : i32
    %eq3A_1612 = vector.broadcast %eq3A_1611 : i32 to vector<8x512xi32>
    %eq3A_1613 = arith.cmpi eq, %select_n3A_1435, %eq3A_1612 : vector<8x512xi32>
    %select_n3A_1614 = arith.select %eq3A_1613, %get3A_1605, %select_n3A_1599 : vector<8x512xi1>, vector<8x512xf32>
    %get3A_1615 = arith.constant 0 : index
    %get3A_1616 = arith.constant 12 : index
    %get3A_1617 = arith.constant 24 : index
    %get3A_1618 = arith.constant 0 : index
    %get3A_1619 = vector.load %arg2[%get3A_1615, %get3A_1616, %get3A_1617, %get3A_1618] : memref<1x19x64x512xf32, #tpu.memory_space<vmem>>, vector<1x1x8x512xf32>
    %get3A_1620 = vector.shape_cast %get3A_1619 : vector<1x1x8x512xf32> to vector<8x512xf32>
    %gt3A_1621 = arith.cmpf ogt, %get3A_1620, %select_n3A_1607 : vector<8x512xf32>
    %select_n3A_1622 = arith.select %gt3A_1621, %get3A_1620, %select_n3A_1607 : vector<8x512xi1>, vector<8x512xf32>
    %jit3A_1623 = arith.constant 1.200000e+01 : f32
    %broadcast_in_dim3A_1624 = vector.broadcast %jit3A_1623 : f32 to vector<8x512xf32>
    %select_n3A_1625 = arith.select %gt3A_1621, %broadcast_in_dim3A_1624, %select_n3A_1610 : vector<8x512xi1>, vector<8x512xf32>
    %eq3A_1626 = arith.constant 12 : i32
    %eq3A_1627 = vector.broadcast %eq3A_1626 : i32 to vector<8x512xi32>
    %eq3A_1628 = arith.cmpi eq, %select_n3A_1435, %eq3A_1627 : vector<8x512xi32>
    %select_n3A_1629 = arith.select %eq3A_1628, %get3A_1620, %select_n3A_1614 : vector<8x512xi1>, vector<8x512xf32>
    %get3A_1630 = arith.constant 0 : index
    %get3A_1631 = arith.constant 13 : index
    %get3A_1632 = arith.constant 24 : index
    %get3A_1633 = arith.constant 0 : index
    %get3A_1634 = vector.load %arg2[%get3A_1630, %get3A_1631, %get3A_1632, %get3A_1633] : memref<1x19x64x512xf32, #tpu.memory_space<vmem>>, vector<1x1x8x512xf32>
    %get3A_1635 = vector.shape_cast %get3A_1634 : vector<1x1x8x512xf32> to vector<8x512xf32>
    %gt3A_1636 = arith.cmpf ogt, %get3A_1635, %select_n3A_1622 : vector<8x512xf32>
    %select_n3A_1637 = arith.select %gt3A_1636, %get3A_1635, %select_n3A_1622 : vector<8x512xi1>, vector<8x512xf32>
    %jit3A_1638 = arith.constant 1.300000e+01 : f32
    %broadcast_in_dim3A_1639 = vector.broadcast %jit3A_1638 : f32 to vector<8x512xf32>
    %select_n3A_1640 = arith.select %gt3A_1636, %broadcast_in_dim3A_1639, %select_n3A_1625 : vector<8x512xi1>, vector<8x512xf32>
    %eq3A_1641 = arith.constant 13 : i32
    %eq3A_1642 = vector.broadcast %eq3A_1641 : i32 to vector<8x512xi32>
    %eq3A_1643 = arith.cmpi eq, %select_n3A_1435, %eq3A_1642 : vector<8x512xi32>
    %select_n3A_1644 = arith.select %eq3A_1643, %get3A_1635, %select_n3A_1629 : vector<8x512xi1>, vector<8x512xf32>
    %get3A_1645 = arith.constant 0 : index
    %get3A_1646 = arith.constant 14 : index
    %get3A_1647 = arith.constant 24 : index
    %get3A_1648 = arith.constant 0 : index
    %get3A_1649 = vector.load %arg2[%get3A_1645, %get3A_1646, %get3A_1647, %get3A_1648] : memref<1x19x64x512xf32, #tpu.memory_space<vmem>>, vector<1x1x8x512xf32>
    %get3A_1650 = vector.shape_cast %get3A_1649 : vector<1x1x8x512xf32> to vector<8x512xf32>
    %gt3A_1651 = arith.cmpf ogt, %get3A_1650, %select_n3A_1637 : vector<8x512xf32>
    %select_n3A_1652 = arith.select %gt3A_1651, %get3A_1650, %select_n3A_1637 : vector<8x512xi1>, vector<8x512xf32>
    %jit3A_1653 = arith.constant 1.400000e+01 : f32
    %broadcast_in_dim3A_1654 = vector.broadcast %jit3A_1653 : f32 to vector<8x512xf32>
    %select_n3A_1655 = arith.select %gt3A_1651, %broadcast_in_dim3A_1654, %select_n3A_1640 : vector<8x512xi1>, vector<8x512xf32>
    %eq3A_1656 = arith.constant 14 : i32
    %eq3A_1657 = vector.broadcast %eq3A_1656 : i32 to vector<8x512xi32>
    %eq3A_1658 = arith.cmpi eq, %select_n3A_1435, %eq3A_1657 : vector<8x512xi32>
    %select_n3A_1659 = arith.select %eq3A_1658, %get3A_1650, %select_n3A_1644 : vector<8x512xi1>, vector<8x512xf32>
    %get3A_1660 = arith.constant 0 : index
    %get3A_1661 = arith.constant 15 : index
    %get3A_1662 = arith.constant 24 : index
    %get3A_1663 = arith.constant 0 : index
    %get3A_1664 = vector.load %arg2[%get3A_1660, %get3A_1661, %get3A_1662, %get3A_1663] : memref<1x19x64x512xf32, #tpu.memory_space<vmem>>, vector<1x1x8x512xf32>
    %get3A_1665 = vector.shape_cast %get3A_1664 : vector<1x1x8x512xf32> to vector<8x512xf32>
    %gt3A_1666 = arith.cmpf ogt, %get3A_1665, %select_n3A_1652 : vector<8x512xf32>
    %select_n3A_1667 = arith.select %gt3A_1666, %get3A_1665, %select_n3A_1652 : vector<8x512xi1>, vector<8x512xf32>
    %jit3A_1668 = arith.constant 1.500000e+01 : f32
    %broadcast_in_dim3A_1669 = vector.broadcast %jit3A_1668 : f32 to vector<8x512xf32>
    %select_n3A_1670 = arith.select %gt3A_1666, %broadcast_in_dim3A_1669, %select_n3A_1655 : vector<8x512xi1>, vector<8x512xf32>
    %eq3A_1671 = arith.constant 15 : i32
    %eq3A_1672 = vector.broadcast %eq3A_1671 : i32 to vector<8x512xi32>
    %eq3A_1673 = arith.cmpi eq, %select_n3A_1435, %eq3A_1672 : vector<8x512xi32>
    %select_n3A_1674 = arith.select %eq3A_1673, %get3A_1665, %select_n3A_1659 : vector<8x512xi1>, vector<8x512xf32>
    %get3A_1675 = arith.constant 0 : index
    %get3A_1676 = arith.constant 16 : index
    %get3A_1677 = arith.constant 24 : index
    %get3A_1678 = arith.constant 0 : index
    %get3A_1679 = vector.load %arg2[%get3A_1675, %get3A_1676, %get3A_1677, %get3A_1678] : memref<1x19x64x512xf32, #tpu.memory_space<vmem>>, vector<1x1x8x512xf32>
    %get3A_1680 = vector.shape_cast %get3A_1679 : vector<1x1x8x512xf32> to vector<8x512xf32>
    %gt3A_1681 = arith.cmpf ogt, %get3A_1680, %select_n3A_1667 : vector<8x512xf32>
    %select_n3A_1682 = arith.select %gt3A_1681, %get3A_1680, %select_n3A_1667 : vector<8x512xi1>, vector<8x512xf32>
    %jit3A_1683 = arith.constant 1.600000e+01 : f32
    %broadcast_in_dim3A_1684 = vector.broadcast %jit3A_1683 : f32 to vector<8x512xf32>
    %select_n3A_1685 = arith.select %gt3A_1681, %broadcast_in_dim3A_1684, %select_n3A_1670 : vector<8x512xi1>, vector<8x512xf32>
    %eq3A_1686 = arith.constant 16 : i32
    %eq3A_1687 = vector.broadcast %eq3A_1686 : i32 to vector<8x512xi32>
    %eq3A_1688 = arith.cmpi eq, %select_n3A_1435, %eq3A_1687 : vector<8x512xi32>
    %select_n3A_1689 = arith.select %eq3A_1688, %get3A_1680, %select_n3A_1674 : vector<8x512xi1>, vector<8x512xf32>
    %get3A_1690 = arith.constant 0 : index
    %get3A_1691 = arith.constant 17 : index
    %get3A_1692 = arith.constant 24 : index
    %get3A_1693 = arith.constant 0 : index
    %get3A_1694 = vector.load %arg2[%get3A_1690, %get3A_1691, %get3A_1692, %get3A_1693] : memref<1x19x64x512xf32, #tpu.memory_space<vmem>>, vector<1x1x8x512xf32>
    %get3A_1695 = vector.shape_cast %get3A_1694 : vector<1x1x8x512xf32> to vector<8x512xf32>
    %gt3A_1696 = arith.cmpf ogt, %get3A_1695, %select_n3A_1682 : vector<8x512xf32>
    %select_n3A_1697 = arith.select %gt3A_1696, %get3A_1695, %select_n3A_1682 : vector<8x512xi1>, vector<8x512xf32>
    %jit3A_1698 = arith.constant 1.700000e+01 : f32
    %broadcast_in_dim3A_1699 = vector.broadcast %jit3A_1698 : f32 to vector<8x512xf32>
    %select_n3A_1700 = arith.select %gt3A_1696, %broadcast_in_dim3A_1699, %select_n3A_1685 : vector<8x512xi1>, vector<8x512xf32>
    %eq3A_1701 = arith.constant 17 : i32
    %eq3A_1702 = vector.broadcast %eq3A_1701 : i32 to vector<8x512xi32>
    %eq3A_1703 = arith.cmpi eq, %select_n3A_1435, %eq3A_1702 : vector<8x512xi32>
    %select_n3A_1704 = arith.select %eq3A_1703, %get3A_1695, %select_n3A_1689 : vector<8x512xi1>, vector<8x512xf32>
    %get3A_1705 = arith.constant 0 : index
    %get3A_1706 = arith.constant 18 : index
    %get3A_1707 = arith.constant 24 : index
    %get3A_1708 = arith.constant 0 : index
    %get3A_1709 = vector.load %arg2[%get3A_1705, %get3A_1706, %get3A_1707, %get3A_1708] : memref<1x19x64x512xf32, #tpu.memory_space<vmem>>, vector<1x1x8x512xf32>
    %get3A_1710 = vector.shape_cast %get3A_1709 : vector<1x1x8x512xf32> to vector<8x512xf32>
    %gt3A_1711 = arith.cmpf ogt, %get3A_1710, %select_n3A_1697 : vector<8x512xf32>
    %select_n3A_1712 = arith.select %gt3A_1711, %get3A_1710, %select_n3A_1697 : vector<8x512xi1>, vector<8x512xf32>
    %jit3A_1713 = arith.constant 1.800000e+01 : f32
    %broadcast_in_dim3A_1714 = vector.broadcast %jit3A_1713 : f32 to vector<8x512xf32>
    %select_n3A_1715 = arith.select %gt3A_1711, %broadcast_in_dim3A_1714, %select_n3A_1700 : vector<8x512xi1>, vector<8x512xf32>
    %eq3A_1716 = arith.constant 18 : i32
    %eq3A_1717 = vector.broadcast %eq3A_1716 : i32 to vector<8x512xi32>
    %eq3A_1718 = arith.cmpi eq, %select_n3A_1435, %eq3A_1717 : vector<8x512xi32>
    %select_n3A_1719 = arith.select %eq3A_1718, %get3A_1710, %select_n3A_1704 : vector<8x512xi1>, vector<8x512xf32>
    %sub3A_1720 = arith.subf %get3A_1441, %select_n3A_1712 : vector<8x512xf32>
    %exp3A_1721 = math.exp %sub3A_1720 : vector<8x512xf32>
    %get3A_1722 = arith.constant 0 : index
    %get3A_1723 = arith.constant 1 : index
    %get3A_1724 = arith.constant 24 : index
    %get3A_1725 = arith.constant 0 : index
    %get3A_1726 = vector.load %arg2[%get3A_1722, %get3A_1723, %get3A_1724, %get3A_1725] : memref<1x19x64x512xf32, #tpu.memory_space<vmem>>, vector<1x1x8x512xf32>
    %get3A_1727 = vector.shape_cast %get3A_1726 : vector<1x1x8x512xf32> to vector<8x512xf32>
    %sub3A_1728 = arith.subf %get3A_1727, %select_n3A_1712 : vector<8x512xf32>
    %exp3A_1729 = math.exp %sub3A_1728 : vector<8x512xf32>
    %add3A_1730 = arith.addf %exp3A_1721, %exp3A_1729 : vector<8x512xf32>
    %get3A_1731 = arith.constant 0 : index
    %get3A_1732 = arith.constant 2 : index
    %get3A_1733 = arith.constant 24 : index
    %get3A_1734 = arith.constant 0 : index
    %get3A_1735 = vector.load %arg2[%get3A_1731, %get3A_1732, %get3A_1733, %get3A_1734] : memref<1x19x64x512xf32, #tpu.memory_space<vmem>>, vector<1x1x8x512xf32>
    %get3A_1736 = vector.shape_cast %get3A_1735 : vector<1x1x8x512xf32> to vector<8x512xf32>
    %sub3A_1737 = arith.subf %get3A_1736, %select_n3A_1712 : vector<8x512xf32>
    %exp3A_1738 = math.exp %sub3A_1737 : vector<8x512xf32>
    %add3A_1739 = arith.addf %add3A_1730, %exp3A_1738 : vector<8x512xf32>
    %get3A_1740 = arith.constant 0 : index
    %get3A_1741 = arith.constant 3 : index
    %get3A_1742 = arith.constant 24 : index
    %get3A_1743 = arith.constant 0 : index
    %get3A_1744 = vector.load %arg2[%get3A_1740, %get3A_1741, %get3A_1742, %get3A_1743] : memref<1x19x64x512xf32, #tpu.memory_space<vmem>>, vector<1x1x8x512xf32>
    %get3A_1745 = vector.shape_cast %get3A_1744 : vector<1x1x8x512xf32> to vector<8x512xf32>
    %sub3A_1746 = arith.subf %get3A_1745, %select_n3A_1712 : vector<8x512xf32>
    %exp3A_1747 = math.exp %sub3A_1746 : vector<8x512xf32>
    %add3A_1748 = arith.addf %add3A_1739, %exp3A_1747 : vector<8x512xf32>
    %get3A_1749 = arith.constant 0 : index
    %get3A_1750 = arith.constant 4 : index
    %get3A_1751 = arith.constant 24 : index
    %get3A_1752 = arith.constant 0 : index
    %get3A_1753 = vector.load %arg2[%get3A_1749, %get3A_1750, %get3A_1751, %get3A_1752] : memref<1x19x64x512xf32, #tpu.memory_space<vmem>>, vector<1x1x8x512xf32>
    %get3A_1754 = vector.shape_cast %get3A_1753 : vector<1x1x8x512xf32> to vector<8x512xf32>
    %sub3A_1755 = arith.subf %get3A_1754, %select_n3A_1712 : vector<8x512xf32>
    %exp3A_1756 = math.exp %sub3A_1755 : vector<8x512xf32>
    %add3A_1757 = arith.addf %add3A_1748, %exp3A_1756 : vector<8x512xf32>
    %get3A_1758 = arith.constant 0 : index
    %get3A_1759 = arith.constant 5 : index
    %get3A_1760 = arith.constant 24 : index
    %get3A_1761 = arith.constant 0 : index
    %get3A_1762 = vector.load %arg2[%get3A_1758, %get3A_1759, %get3A_1760, %get3A_1761] : memref<1x19x64x512xf32, #tpu.memory_space<vmem>>, vector<1x1x8x512xf32>
    %get3A_1763 = vector.shape_cast %get3A_1762 : vector<1x1x8x512xf32> to vector<8x512xf32>
    %sub3A_1764 = arith.subf %get3A_1763, %select_n3A_1712 : vector<8x512xf32>
    %exp3A_1765 = math.exp %sub3A_1764 : vector<8x512xf32>
    %add3A_1766 = arith.addf %add3A_1757, %exp3A_1765 : vector<8x512xf32>
    %get3A_1767 = arith.constant 0 : index
    %get3A_1768 = arith.constant 6 : index
    %get3A_1769 = arith.constant 24 : index
    %get3A_1770 = arith.constant 0 : index
    %get3A_1771 = vector.load %arg2[%get3A_1767, %get3A_1768, %get3A_1769, %get3A_1770] : memref<1x19x64x512xf32, #tpu.memory_space<vmem>>, vector<1x1x8x512xf32>
    %get3A_1772 = vector.shape_cast %get3A_1771 : vector<1x1x8x512xf32> to vector<8x512xf32>
    %sub3A_1773 = arith.subf %get3A_1772, %select_n3A_1712 : vector<8x512xf32>
    %exp3A_1774 = math.exp %sub3A_1773 : vector<8x512xf32>
    %add3A_1775 = arith.addf %add3A_1766, %exp3A_1774 : vector<8x512xf32>
    %get3A_1776 = arith.constant 0 : index
    %get3A_1777 = arith.constant 7 : index
    %get3A_1778 = arith.constant 24 : index
    %get3A_1779 = arith.constant 0 : index
    %get3A_1780 = vector.load %arg2[%get3A_1776, %get3A_1777, %get3A_1778, %get3A_1779] : memref<1x19x64x512xf32, #tpu.memory_space<vmem>>, vector<1x1x8x512xf32>
    %get3A_1781 = vector.shape_cast %get3A_1780 : vector<1x1x8x512xf32> to vector<8x512xf32>
    %sub3A_1782 = arith.subf %get3A_1781, %select_n3A_1712 : vector<8x512xf32>
    %exp3A_1783 = math.exp %sub3A_1782 : vector<8x512xf32>
    %add3A_1784 = arith.addf %add3A_1775, %exp3A_1783 : vector<8x512xf32>
    %get3A_1785 = arith.constant 0 : index
    %get3A_1786 = arith.constant 8 : index
    %get3A_1787 = arith.constant 24 : index
    %get3A_1788 = arith.constant 0 : index
    %get3A_1789 = vector.load %arg2[%get3A_1785, %get3A_1786, %get3A_1787, %get3A_1788] : memref<1x19x64x512xf32, #tpu.memory_space<vmem>>, vector<1x1x8x512xf32>
    %get3A_1790 = vector.shape_cast %get3A_1789 : vector<1x1x8x512xf32> to vector<8x512xf32>
    %sub3A_1791 = arith.subf %get3A_1790, %select_n3A_1712 : vector<8x512xf32>
    %exp3A_1792 = math.exp %sub3A_1791 : vector<8x512xf32>
    %add3A_1793 = arith.addf %add3A_1784, %exp3A_1792 : vector<8x512xf32>
    %get3A_1794 = arith.constant 0 : index
    %get3A_1795 = arith.constant 9 : index
    %get3A_1796 = arith.constant 24 : index
    %get3A_1797 = arith.constant 0 : index
    %get3A_1798 = vector.load %arg2[%get3A_1794, %get3A_1795, %get3A_1796, %get3A_1797] : memref<1x19x64x512xf32, #tpu.memory_space<vmem>>, vector<1x1x8x512xf32>
    %get3A_1799 = vector.shape_cast %get3A_1798 : vector<1x1x8x512xf32> to vector<8x512xf32>
    %sub3A_1800 = arith.subf %get3A_1799, %select_n3A_1712 : vector<8x512xf32>
    %exp3A_1801 = math.exp %sub3A_1800 : vector<8x512xf32>
    %add3A_1802 = arith.addf %add3A_1793, %exp3A_1801 : vector<8x512xf32>
    %get3A_1803 = arith.constant 0 : index
    %get3A_1804 = arith.constant 10 : index
    %get3A_1805 = arith.constant 24 : index
    %get3A_1806 = arith.constant 0 : index
    %get3A_1807 = vector.load %arg2[%get3A_1803, %get3A_1804, %get3A_1805, %get3A_1806] : memref<1x19x64x512xf32, #tpu.memory_space<vmem>>, vector<1x1x8x512xf32>
    %get3A_1808 = vector.shape_cast %get3A_1807 : vector<1x1x8x512xf32> to vector<8x512xf32>
    %sub3A_1809 = arith.subf %get3A_1808, %select_n3A_1712 : vector<8x512xf32>
    %exp3A_1810 = math.exp %sub3A_1809 : vector<8x512xf32>
    %add3A_1811 = arith.addf %add3A_1802, %exp3A_1810 : vector<8x512xf32>
    %get3A_1812 = arith.constant 0 : index
    %get3A_1813 = arith.constant 11 : index
    %get3A_1814 = arith.constant 24 : index
    %get3A_1815 = arith.constant 0 : index
    %get3A_1816 = vector.load %arg2[%get3A_1812, %get3A_1813, %get3A_1814, %get3A_1815] : memref<1x19x64x512xf32, #tpu.memory_space<vmem>>, vector<1x1x8x512xf32>
    %get3A_1817 = vector.shape_cast %get3A_1816 : vector<1x1x8x512xf32> to vector<8x512xf32>
    %sub3A_1818 = arith.subf %get3A_1817, %select_n3A_1712 : vector<8x512xf32>
    %exp3A_1819 = math.exp %sub3A_1818 : vector<8x512xf32>
    %add3A_1820 = arith.addf %add3A_1811, %exp3A_1819 : vector<8x512xf32>
    %get3A_1821 = arith.constant 0 : index
    %get3A_1822 = arith.constant 12 : index
    %get3A_1823 = arith.constant 24 : index
    %get3A_1824 = arith.constant 0 : index
    %get3A_1825 = vector.load %arg2[%get3A_1821, %get3A_1822, %get3A_1823, %get3A_1824] : memref<1x19x64x512xf32, #tpu.memory_space<vmem>>, vector<1x1x8x512xf32>
    %get3A_1826 = vector.shape_cast %get3A_1825 : vector<1x1x8x512xf32> to vector<8x512xf32>
    %sub3A_1827 = arith.subf %get3A_1826, %select_n3A_1712 : vector<8x512xf32>
    %exp3A_1828 = math.exp %sub3A_1827 : vector<8x512xf32>
    %add3A_1829 = arith.addf %add3A_1820, %exp3A_1828 : vector<8x512xf32>
    %get3A_1830 = arith.constant 0 : index
    %get3A_1831 = arith.constant 13 : index
    %get3A_1832 = arith.constant 24 : index
    %get3A_1833 = arith.constant 0 : index
    %get3A_1834 = vector.load %arg2[%get3A_1830, %get3A_1831, %get3A_1832, %get3A_1833] : memref<1x19x64x512xf32, #tpu.memory_space<vmem>>, vector<1x1x8x512xf32>
    %get3A_1835 = vector.shape_cast %get3A_1834 : vector<1x1x8x512xf32> to vector<8x512xf32>
    %sub3A_1836 = arith.subf %get3A_1835, %select_n3A_1712 : vector<8x512xf32>
    %exp3A_1837 = math.exp %sub3A_1836 : vector<8x512xf32>
    %add3A_1838 = arith.addf %add3A_1829, %exp3A_1837 : vector<8x512xf32>
    %get3A_1839 = arith.constant 0 : index
    %get3A_1840 = arith.constant 14 : index
    %get3A_1841 = arith.constant 24 : index
    %get3A_1842 = arith.constant 0 : index
    %get3A_1843 = vector.load %arg2[%get3A_1839, %get3A_1840, %get3A_1841, %get3A_1842] : memref<1x19x64x512xf32, #tpu.memory_space<vmem>>, vector<1x1x8x512xf32>
    %get3A_1844 = vector.shape_cast %get3A_1843 : vector<1x1x8x512xf32> to vector<8x512xf32>
    %sub3A_1845 = arith.subf %get3A_1844, %select_n3A_1712 : vector<8x512xf32>
    %exp3A_1846 = math.exp %sub3A_1845 : vector<8x512xf32>
    %add3A_1847 = arith.addf %add3A_1838, %exp3A_1846 : vector<8x512xf32>
    %get3A_1848 = arith.constant 0 : index
    %get3A_1849 = arith.constant 15 : index
    %get3A_1850 = arith.constant 24 : index
    %get3A_1851 = arith.constant 0 : index
    %get3A_1852 = vector.load %arg2[%get3A_1848, %get3A_1849, %get3A_1850, %get3A_1851] : memref<1x19x64x512xf32, #tpu.memory_space<vmem>>, vector<1x1x8x512xf32>
    %get3A_1853 = vector.shape_cast %get3A_1852 : vector<1x1x8x512xf32> to vector<8x512xf32>
    %sub3A_1854 = arith.subf %get3A_1853, %select_n3A_1712 : vector<8x512xf32>
    %exp3A_1855 = math.exp %sub3A_1854 : vector<8x512xf32>
    %add3A_1856 = arith.addf %add3A_1847, %exp3A_1855 : vector<8x512xf32>
    %get3A_1857 = arith.constant 0 : index
    %get3A_1858 = arith.constant 16 : index
    %get3A_1859 = arith.constant 24 : index
    %get3A_1860 = arith.constant 0 : index
    %get3A_1861 = vector.load %arg2[%get3A_1857, %get3A_1858, %get3A_1859, %get3A_1860] : memref<1x19x64x512xf32, #tpu.memory_space<vmem>>, vector<1x1x8x512xf32>
    %get3A_1862 = vector.shape_cast %get3A_1861 : vector<1x1x8x512xf32> to vector<8x512xf32>
    %sub3A_1863 = arith.subf %get3A_1862, %select_n3A_1712 : vector<8x512xf32>
    %exp3A_1864 = math.exp %sub3A_1863 : vector<8x512xf32>
    %add3A_1865 = arith.addf %add3A_1856, %exp3A_1864 : vector<8x512xf32>
    %get3A_1866 = arith.constant 0 : index
    %get3A_1867 = arith.constant 17 : index
    %get3A_1868 = arith.constant 24 : index
    %get3A_1869 = arith.constant 0 : index
    %get3A_1870 = vector.load %arg2[%get3A_1866, %get3A_1867, %get3A_1868, %get3A_1869] : memref<1x19x64x512xf32, #tpu.memory_space<vmem>>, vector<1x1x8x512xf32>
    %get3A_1871 = vector.shape_cast %get3A_1870 : vector<1x1x8x512xf32> to vector<8x512xf32>
    %sub3A_1872 = arith.subf %get3A_1871, %select_n3A_1712 : vector<8x512xf32>
    %exp3A_1873 = math.exp %sub3A_1872 : vector<8x512xf32>
    %add3A_1874 = arith.addf %add3A_1865, %exp3A_1873 : vector<8x512xf32>
    %get3A_1875 = arith.constant 0 : index
    %get3A_1876 = arith.constant 18 : index
    %get3A_1877 = arith.constant 24 : index
    %get3A_1878 = arith.constant 0 : index
    %get3A_1879 = vector.load %arg2[%get3A_1875, %get3A_1876, %get3A_1877, %get3A_1878] : memref<1x19x64x512xf32, #tpu.memory_space<vmem>>, vector<1x1x8x512xf32>
    %get3A_1880 = vector.shape_cast %get3A_1879 : vector<1x1x8x512xf32> to vector<8x512xf32>
    %sub3A_1881 = arith.subf %get3A_1880, %select_n3A_1712 : vector<8x512xf32>
    %exp3A_1882 = math.exp %sub3A_1881 : vector<8x512xf32>
    %add3A_1883 = arith.addf %add3A_1874, %exp3A_1882 : vector<8x512xf32>
    %log3A_1884 = math.log %add3A_1883 : vector<8x512xf32>
    %add3A_1885 = arith.addf %log3A_1884, %select_n3A_1712 : vector<8x512xf32>
    %convert_element_type3A_1886 = arith.extui %ge3A_1432 : vector<8x512xi1> to vector<8x512xi32>
    %convert_element_type3A_1887 = arith.sitofp %convert_element_type3A_1886 : vector<8x512xi32> to vector<8x512xf32>
    %convert_element_type3A_1888 = arith.sitofp %get3A_1429 : vector<8x512xi32> to vector<8x512xf32>
    %sub3A_1889 = arith.subf %add3A_1885, %select_n3A_1719 : vector<8x512xf32>
    %jit3A_1890 = arith.constant 0.000000e+00 : f32
    %broadcast_in_dim3A_1891 = vector.broadcast %jit3A_1890 : f32 to vector<8x512xf32>
    %select_n3A_1892 = arith.select %ge3A_1432, %sub3A_1889, %broadcast_in_dim3A_1891 : vector<8x512xi1>, vector<8x512xf32>
    %add3A_1893 = arith.addf %add3A_1417, %select_n3A_1892 : vector<8x512xf32>
    %add3A_1894 = arith.addf %add3A_1418, %convert_element_type3A_1887 : vector<8x512xf32>
    %mul3A_1895 = arith.mulf %select_n3A_1715, %convert_element_type3A_1888 : vector<8x512xf32>
    %add3A_1896 = arith.addf %add3A_1420, %mul3A_1895 : vector<8x512xf32>
    %mul3A_1897 = arith.mulf %select_n3A_1715, %select_n3A_1715 : vector<8x512xf32>
    %add3A_1898 = arith.addf %add3A_1422, %mul3A_1897 : vector<8x512xf32>
    %mul3A_1899 = arith.mulf %convert_element_type3A_1888, %convert_element_type3A_1888 : vector<8x512xf32>
    %add3A_1900 = arith.addf %add3A_1424, %mul3A_1899 : vector<8x512xf32>
    %get3A_1901 = arith.constant 0 : index
    %get3A_1902 = arith.constant 32 : index
    %get3A_1903 = arith.constant 0 : index
    %get3A_1904 = vector.load %arg3[%get3A_1901, %get3A_1902, %get3A_1903] : memref<1x64x512xi32, #tpu.memory_space<vmem>>, vector<1x8x512xi32>
    %get3A_1905 = vector.shape_cast %get3A_1904 : vector<1x8x512xi32> to vector<8x512xi32>
    %ge3A_1906 = arith.constant 0 : i32
    %ge3A_1907 = vector.broadcast %ge3A_1906 : i32 to vector<8x512xi32>
    %ge3A_1908 = arith.cmpi sge, %get3A_1905, %ge3A_1907 : vector<8x512xi32>
    %jit3A_1909 = arith.constant 0 : i32
    %broadcast_in_dim3A_1910 = vector.broadcast %jit3A_1909 : i32 to vector<8x512xi32>
    %select_n3A_1911 = arith.select %ge3A_1908, %get3A_1905, %broadcast_in_dim3A_1910 : vector<8x512xi1>, vector<8x512xi32>
    %get3A_1912 = arith.constant 0 : index
    %get3A_1913 = arith.constant 0 : index
    %get3A_1914 = arith.constant 32 : index
    %get3A_1915 = arith.constant 0 : index
    %get3A_1916 = vector.load %arg2[%get3A_1912, %get3A_1913, %get3A_1914, %get3A_1915] : memref<1x19x64x512xf32, #tpu.memory_space<vmem>>, vector<1x1x8x512xf32>
    %get3A_1917 = vector.shape_cast %get3A_1916 : vector<1x1x8x512xf32> to vector<8x512xf32>
    %broadcast_in_dim3A_1918 = arith.constant 0.000000e+00 : f32
    %broadcast_in_dim3A_1919 = vector.broadcast %broadcast_in_dim3A_1918 : f32 to vector<8x512xf32>
    %eq3A_1920 = arith.constant 0 : i32
    %eq3A_1921 = vector.broadcast %eq3A_1920 : i32 to vector<8x512xi32>
    %eq3A_1922 = arith.cmpi eq, %select_n3A_1911, %eq3A_1921 : vector<8x512xi32>
    %jit3A_1923 = arith.constant 0.000000e+00 : f32
    %broadcast_in_dim3A_1924 = vector.broadcast %jit3A_1923 : f32 to vector<8x512xf32>
    %select_n3A_1925 = arith.select %eq3A_1922, %get3A_1917, %broadcast_in_dim3A_1924 : vector<8x512xi1>, vector<8x512xf32>
    %get3A_1926 = arith.constant 0 : index
    %get3A_1927 = arith.constant 1 : index
    %get3A_1928 = arith.constant 32 : index
    %get3A_1929 = arith.constant 0 : index
    %get3A_1930 = vector.load %arg2[%get3A_1926, %get3A_1927, %get3A_1928, %get3A_1929] : memref<1x19x64x512xf32, #tpu.memory_space<vmem>>, vector<1x1x8x512xf32>
    %get3A_1931 = vector.shape_cast %get3A_1930 : vector<1x1x8x512xf32> to vector<8x512xf32>
    %gt3A_1932 = arith.cmpf ogt, %get3A_1931, %get3A_1917 : vector<8x512xf32>
    %select_n3A_1933 = arith.select %gt3A_1932, %get3A_1931, %get3A_1917 : vector<8x512xi1>, vector<8x512xf32>
    %jit3A_1934 = arith.constant 1.000000e+00 : f32
    %broadcast_in_dim3A_1935 = vector.broadcast %jit3A_1934 : f32 to vector<8x512xf32>
    %select_n3A_1936 = arith.select %gt3A_1932, %broadcast_in_dim3A_1935, %broadcast_in_dim3A_1919 : vector<8x512xi1>, vector<8x512xf32>
    %eq3A_1937 = arith.constant 1 : i32
    %eq3A_1938 = vector.broadcast %eq3A_1937 : i32 to vector<8x512xi32>
    %eq3A_1939 = arith.cmpi eq, %select_n3A_1911, %eq3A_1938 : vector<8x512xi32>
    %select_n3A_1940 = arith.select %eq3A_1939, %get3A_1931, %select_n3A_1925 : vector<8x512xi1>, vector<8x512xf32>
    %get3A_1941 = arith.constant 0 : index
    %get3A_1942 = arith.constant 2 : index
    %get3A_1943 = arith.constant 32 : index
    %get3A_1944 = arith.constant 0 : index
    %get3A_1945 = vector.load %arg2[%get3A_1941, %get3A_1942, %get3A_1943, %get3A_1944] : memref<1x19x64x512xf32, #tpu.memory_space<vmem>>, vector<1x1x8x512xf32>
    %get3A_1946 = vector.shape_cast %get3A_1945 : vector<1x1x8x512xf32> to vector<8x512xf32>
    %gt3A_1947 = arith.cmpf ogt, %get3A_1946, %select_n3A_1933 : vector<8x512xf32>
    %select_n3A_1948 = arith.select %gt3A_1947, %get3A_1946, %select_n3A_1933 : vector<8x512xi1>, vector<8x512xf32>
    %jit3A_1949 = arith.constant 2.000000e+00 : f32
    %broadcast_in_dim3A_1950 = vector.broadcast %jit3A_1949 : f32 to vector<8x512xf32>
    %select_n3A_1951 = arith.select %gt3A_1947, %broadcast_in_dim3A_1950, %select_n3A_1936 : vector<8x512xi1>, vector<8x512xf32>
    %eq3A_1952 = arith.constant 2 : i32
    %eq3A_1953 = vector.broadcast %eq3A_1952 : i32 to vector<8x512xi32>
    %eq3A_1954 = arith.cmpi eq, %select_n3A_1911, %eq3A_1953 : vector<8x512xi32>
    %select_n3A_1955 = arith.select %eq3A_1954, %get3A_1946, %select_n3A_1940 : vector<8x512xi1>, vector<8x512xf32>
    %get3A_1956 = arith.constant 0 : index
    %get3A_1957 = arith.constant 3 : index
    %get3A_1958 = arith.constant 32 : index
    %get3A_1959 = arith.constant 0 : index
    %get3A_1960 = vector.load %arg2[%get3A_1956, %get3A_1957, %get3A_1958, %get3A_1959] : memref<1x19x64x512xf32, #tpu.memory_space<vmem>>, vector<1x1x8x512xf32>
    %get3A_1961 = vector.shape_cast %get3A_1960 : vector<1x1x8x512xf32> to vector<8x512xf32>
    %gt3A_1962 = arith.cmpf ogt, %get3A_1961, %select_n3A_1948 : vector<8x512xf32>
    %select_n3A_1963 = arith.select %gt3A_1962, %get3A_1961, %select_n3A_1948 : vector<8x512xi1>, vector<8x512xf32>
    %jit3A_1964 = arith.constant 3.000000e+00 : f32
    %broadcast_in_dim3A_1965 = vector.broadcast %jit3A_1964 : f32 to vector<8x512xf32>
    %select_n3A_1966 = arith.select %gt3A_1962, %broadcast_in_dim3A_1965, %select_n3A_1951 : vector<8x512xi1>, vector<8x512xf32>
    %eq3A_1967 = arith.constant 3 : i32
    %eq3A_1968 = vector.broadcast %eq3A_1967 : i32 to vector<8x512xi32>
    %eq3A_1969 = arith.cmpi eq, %select_n3A_1911, %eq3A_1968 : vector<8x512xi32>
    %select_n3A_1970 = arith.select %eq3A_1969, %get3A_1961, %select_n3A_1955 : vector<8x512xi1>, vector<8x512xf32>
    %get3A_1971 = arith.constant 0 : index
    %get3A_1972 = arith.constant 4 : index
    %get3A_1973 = arith.constant 32 : index
    %get3A_1974 = arith.constant 0 : index
    %get3A_1975 = vector.load %arg2[%get3A_1971, %get3A_1972, %get3A_1973, %get3A_1974] : memref<1x19x64x512xf32, #tpu.memory_space<vmem>>, vector<1x1x8x512xf32>
    %get3A_1976 = vector.shape_cast %get3A_1975 : vector<1x1x8x512xf32> to vector<8x512xf32>
    %gt3A_1977 = arith.cmpf ogt, %get3A_1976, %select_n3A_1963 : vector<8x512xf32>
    %select_n3A_1978 = arith.select %gt3A_1977, %get3A_1976, %select_n3A_1963 : vector<8x512xi1>, vector<8x512xf32>
    %jit3A_1979 = arith.constant 4.000000e+00 : f32
    %broadcast_in_dim3A_1980 = vector.broadcast %jit3A_1979 : f32 to vector<8x512xf32>
    %select_n3A_1981 = arith.select %gt3A_1977, %broadcast_in_dim3A_1980, %select_n3A_1966 : vector<8x512xi1>, vector<8x512xf32>
    %eq3A_1982 = arith.constant 4 : i32
    %eq3A_1983 = vector.broadcast %eq3A_1982 : i32 to vector<8x512xi32>
    %eq3A_1984 = arith.cmpi eq, %select_n3A_1911, %eq3A_1983 : vector<8x512xi32>
    %select_n3A_1985 = arith.select %eq3A_1984, %get3A_1976, %select_n3A_1970 : vector<8x512xi1>, vector<8x512xf32>
    %get3A_1986 = arith.constant 0 : index
    %get3A_1987 = arith.constant 5 : index
    %get3A_1988 = arith.constant 32 : index
    %get3A_1989 = arith.constant 0 : index
    %get3A_1990 = vector.load %arg2[%get3A_1986, %get3A_1987, %get3A_1988, %get3A_1989] : memref<1x19x64x512xf32, #tpu.memory_space<vmem>>, vector<1x1x8x512xf32>
    %get3A_1991 = vector.shape_cast %get3A_1990 : vector<1x1x8x512xf32> to vector<8x512xf32>
    %gt3A_1992 = arith.cmpf ogt, %get3A_1991, %select_n3A_1978 : vector<8x512xf32>
    %select_n3A_1993 = arith.select %gt3A_1992, %get3A_1991, %select_n3A_1978 : vector<8x512xi1>, vector<8x512xf32>
    %jit3A_1994 = arith.constant 5.000000e+00 : f32
    %broadcast_in_dim3A_1995 = vector.broadcast %jit3A_1994 : f32 to vector<8x512xf32>
    %select_n3A_1996 = arith.select %gt3A_1992, %broadcast_in_dim3A_1995, %select_n3A_1981 : vector<8x512xi1>, vector<8x512xf32>
    %eq3A_1997 = arith.constant 5 : i32
    %eq3A_1998 = vector.broadcast %eq3A_1997 : i32 to vector<8x512xi32>
    %eq3A_1999 = arith.cmpi eq, %select_n3A_1911, %eq3A_1998 : vector<8x512xi32>
    %select_n3A_2000 = arith.select %eq3A_1999, %get3A_1991, %select_n3A_1985 : vector<8x512xi1>, vector<8x512xf32>
    %get3A_2001 = arith.constant 0 : index
    %get3A_2002 = arith.constant 6 : index
    %get3A_2003 = arith.constant 32 : index
    %get3A_2004 = arith.constant 0 : index
    %get3A_2005 = vector.load %arg2[%get3A_2001, %get3A_2002, %get3A_2003, %get3A_2004] : memref<1x19x64x512xf32, #tpu.memory_space<vmem>>, vector<1x1x8x512xf32>
    %get3A_2006 = vector.shape_cast %get3A_2005 : vector<1x1x8x512xf32> to vector<8x512xf32>
    %gt3A_2007 = arith.cmpf ogt, %get3A_2006, %select_n3A_1993 : vector<8x512xf32>
    %select_n3A_2008 = arith.select %gt3A_2007, %get3A_2006, %select_n3A_1993 : vector<8x512xi1>, vector<8x512xf32>
    %jit3A_2009 = arith.constant 6.000000e+00 : f32
    %broadcast_in_dim3A_2010 = vector.broadcast %jit3A_2009 : f32 to vector<8x512xf32>
    %select_n3A_2011 = arith.select %gt3A_2007, %broadcast_in_dim3A_2010, %select_n3A_1996 : vector<8x512xi1>, vector<8x512xf32>
    %eq3A_2012 = arith.constant 6 : i32
    %eq3A_2013 = vector.broadcast %eq3A_2012 : i32 to vector<8x512xi32>
    %eq3A_2014 = arith.cmpi eq, %select_n3A_1911, %eq3A_2013 : vector<8x512xi32>
    %select_n3A_2015 = arith.select %eq3A_2014, %get3A_2006, %select_n3A_2000 : vector<8x512xi1>, vector<8x512xf32>
    %get3A_2016 = arith.constant 0 : index
    %get3A_2017 = arith.constant 7 : index
    %get3A_2018 = arith.constant 32 : index
    %get3A_2019 = arith.constant 0 : index
    %get3A_2020 = vector.load %arg2[%get3A_2016, %get3A_2017, %get3A_2018, %get3A_2019] : memref<1x19x64x512xf32, #tpu.memory_space<vmem>>, vector<1x1x8x512xf32>
    %get3A_2021 = vector.shape_cast %get3A_2020 : vector<1x1x8x512xf32> to vector<8x512xf32>
    %gt3A_2022 = arith.cmpf ogt, %get3A_2021, %select_n3A_2008 : vector<8x512xf32>
    %select_n3A_2023 = arith.select %gt3A_2022, %get3A_2021, %select_n3A_2008 : vector<8x512xi1>, vector<8x512xf32>
    %jit3A_2024 = arith.constant 7.000000e+00 : f32
    %broadcast_in_dim3A_2025 = vector.broadcast %jit3A_2024 : f32 to vector<8x512xf32>
    %select_n3A_2026 = arith.select %gt3A_2022, %broadcast_in_dim3A_2025, %select_n3A_2011 : vector<8x512xi1>, vector<8x512xf32>
    %eq3A_2027 = arith.constant 7 : i32
    %eq3A_2028 = vector.broadcast %eq3A_2027 : i32 to vector<8x512xi32>
    %eq3A_2029 = arith.cmpi eq, %select_n3A_1911, %eq3A_2028 : vector<8x512xi32>
    %select_n3A_2030 = arith.select %eq3A_2029, %get3A_2021, %select_n3A_2015 : vector<8x512xi1>, vector<8x512xf32>
    %get3A_2031 = arith.constant 0 : index
    %get3A_2032 = arith.constant 8 : index
    %get3A_2033 = arith.constant 32 : index
    %get3A_2034 = arith.constant 0 : index
    %get3A_2035 = vector.load %arg2[%get3A_2031, %get3A_2032, %get3A_2033, %get3A_2034] : memref<1x19x64x512xf32, #tpu.memory_space<vmem>>, vector<1x1x8x512xf32>
    %get3A_2036 = vector.shape_cast %get3A_2035 : vector<1x1x8x512xf32> to vector<8x512xf32>
    %gt3A_2037 = arith.cmpf ogt, %get3A_2036, %select_n3A_2023 : vector<8x512xf32>
    %select_n3A_2038 = arith.select %gt3A_2037, %get3A_2036, %select_n3A_2023 : vector<8x512xi1>, vector<8x512xf32>
    %jit3A_2039 = arith.constant 8.000000e+00 : f32
    %broadcast_in_dim3A_2040 = vector.broadcast %jit3A_2039 : f32 to vector<8x512xf32>
    %select_n3A_2041 = arith.select %gt3A_2037, %broadcast_in_dim3A_2040, %select_n3A_2026 : vector<8x512xi1>, vector<8x512xf32>
    %eq3A_2042 = arith.constant 8 : i32
    %eq3A_2043 = vector.broadcast %eq3A_2042 : i32 to vector<8x512xi32>
    %eq3A_2044 = arith.cmpi eq, %select_n3A_1911, %eq3A_2043 : vector<8x512xi32>
    %select_n3A_2045 = arith.select %eq3A_2044, %get3A_2036, %select_n3A_2030 : vector<8x512xi1>, vector<8x512xf32>
    %get3A_2046 = arith.constant 0 : index
    %get3A_2047 = arith.constant 9 : index
    %get3A_2048 = arith.constant 32 : index
    %get3A_2049 = arith.constant 0 : index
    %get3A_2050 = vector.load %arg2[%get3A_2046, %get3A_2047, %get3A_2048, %get3A_2049] : memref<1x19x64x512xf32, #tpu.memory_space<vmem>>, vector<1x1x8x512xf32>
    %get3A_2051 = vector.shape_cast %get3A_2050 : vector<1x1x8x512xf32> to vector<8x512xf32>
    %gt3A_2052 = arith.cmpf ogt, %get3A_2051, %select_n3A_2038 : vector<8x512xf32>
    %select_n3A_2053 = arith.select %gt3A_2052, %get3A_2051, %select_n3A_2038 : vector<8x512xi1>, vector<8x512xf32>
    %jit3A_2054 = arith.constant 9.000000e+00 : f32
    %broadcast_in_dim3A_2055 = vector.broadcast %jit3A_2054 : f32 to vector<8x512xf32>
    %select_n3A_2056 = arith.select %gt3A_2052, %broadcast_in_dim3A_2055, %select_n3A_2041 : vector<8x512xi1>, vector<8x512xf32>
    %eq3A_2057 = arith.constant 9 : i32
    %eq3A_2058 = vector.broadcast %eq3A_2057 : i32 to vector<8x512xi32>
    %eq3A_2059 = arith.cmpi eq, %select_n3A_1911, %eq3A_2058 : vector<8x512xi32>
    %select_n3A_2060 = arith.select %eq3A_2059, %get3A_2051, %select_n3A_2045 : vector<8x512xi1>, vector<8x512xf32>
    %get3A_2061 = arith.constant 0 : index
    %get3A_2062 = arith.constant 10 : index
    %get3A_2063 = arith.constant 32 : index
    %get3A_2064 = arith.constant 0 : index
    %get3A_2065 = vector.load %arg2[%get3A_2061, %get3A_2062, %get3A_2063, %get3A_2064] : memref<1x19x64x512xf32, #tpu.memory_space<vmem>>, vector<1x1x8x512xf32>
    %get3A_2066 = vector.shape_cast %get3A_2065 : vector<1x1x8x512xf32> to vector<8x512xf32>
    %gt3A_2067 = arith.cmpf ogt, %get3A_2066, %select_n3A_2053 : vector<8x512xf32>
    %select_n3A_2068 = arith.select %gt3A_2067, %get3A_2066, %select_n3A_2053 : vector<8x512xi1>, vector<8x512xf32>
    %jit3A_2069 = arith.constant 1.000000e+01 : f32
    %broadcast_in_dim3A_2070 = vector.broadcast %jit3A_2069 : f32 to vector<8x512xf32>
    %select_n3A_2071 = arith.select %gt3A_2067, %broadcast_in_dim3A_2070, %select_n3A_2056 : vector<8x512xi1>, vector<8x512xf32>
    %eq3A_2072 = arith.constant 10 : i32
    %eq3A_2073 = vector.broadcast %eq3A_2072 : i32 to vector<8x512xi32>
    %eq3A_2074 = arith.cmpi eq, %select_n3A_1911, %eq3A_2073 : vector<8x512xi32>
    %select_n3A_2075 = arith.select %eq3A_2074, %get3A_2066, %select_n3A_2060 : vector<8x512xi1>, vector<8x512xf32>
    %get3A_2076 = arith.constant 0 : index
    %get3A_2077 = arith.constant 11 : index
    %get3A_2078 = arith.constant 32 : index
    %get3A_2079 = arith.constant 0 : index
    %get3A_2080 = vector.load %arg2[%get3A_2076, %get3A_2077, %get3A_2078, %get3A_2079] : memref<1x19x64x512xf32, #tpu.memory_space<vmem>>, vector<1x1x8x512xf32>
    %get3A_2081 = vector.shape_cast %get3A_2080 : vector<1x1x8x512xf32> to vector<8x512xf32>
    %gt3A_2082 = arith.cmpf ogt, %get3A_2081, %select_n3A_2068 : vector<8x512xf32>
    %select_n3A_2083 = arith.select %gt3A_2082, %get3A_2081, %select_n3A_2068 : vector<8x512xi1>, vector<8x512xf32>
    %jit3A_2084 = arith.constant 1.100000e+01 : f32
    %broadcast_in_dim3A_2085 = vector.broadcast %jit3A_2084 : f32 to vector<8x512xf32>
    %select_n3A_2086 = arith.select %gt3A_2082, %broadcast_in_dim3A_2085, %select_n3A_2071 : vector<8x512xi1>, vector<8x512xf32>
    %eq3A_2087 = arith.constant 11 : i32
    %eq3A_2088 = vector.broadcast %eq3A_2087 : i32 to vector<8x512xi32>
    %eq3A_2089 = arith.cmpi eq, %select_n3A_1911, %eq3A_2088 : vector<8x512xi32>
    %select_n3A_2090 = arith.select %eq3A_2089, %get3A_2081, %select_n3A_2075 : vector<8x512xi1>, vector<8x512xf32>
    %get3A_2091 = arith.constant 0 : index
    %get3A_2092 = arith.constant 12 : index
    %get3A_2093 = arith.constant 32 : index
    %get3A_2094 = arith.constant 0 : index
    %get3A_2095 = vector.load %arg2[%get3A_2091, %get3A_2092, %get3A_2093, %get3A_2094] : memref<1x19x64x512xf32, #tpu.memory_space<vmem>>, vector<1x1x8x512xf32>
    %get3A_2096 = vector.shape_cast %get3A_2095 : vector<1x1x8x512xf32> to vector<8x512xf32>
    %gt3A_2097 = arith.cmpf ogt, %get3A_2096, %select_n3A_2083 : vector<8x512xf32>
    %select_n3A_2098 = arith.select %gt3A_2097, %get3A_2096, %select_n3A_2083 : vector<8x512xi1>, vector<8x512xf32>
    %jit3A_2099 = arith.constant 1.200000e+01 : f32
    %broadcast_in_dim3A_2100 = vector.broadcast %jit3A_2099 : f32 to vector<8x512xf32>
    %select_n3A_2101 = arith.select %gt3A_2097, %broadcast_in_dim3A_2100, %select_n3A_2086 : vector<8x512xi1>, vector<8x512xf32>
    %eq3A_2102 = arith.constant 12 : i32
    %eq3A_2103 = vector.broadcast %eq3A_2102 : i32 to vector<8x512xi32>
    %eq3A_2104 = arith.cmpi eq, %select_n3A_1911, %eq3A_2103 : vector<8x512xi32>
    %select_n3A_2105 = arith.select %eq3A_2104, %get3A_2096, %select_n3A_2090 : vector<8x512xi1>, vector<8x512xf32>
    %get3A_2106 = arith.constant 0 : index
    %get3A_2107 = arith.constant 13 : index
    %get3A_2108 = arith.constant 32 : index
    %get3A_2109 = arith.constant 0 : index
    %get3A_2110 = vector.load %arg2[%get3A_2106, %get3A_2107, %get3A_2108, %get3A_2109] : memref<1x19x64x512xf32, #tpu.memory_space<vmem>>, vector<1x1x8x512xf32>
    %get3A_2111 = vector.shape_cast %get3A_2110 : vector<1x1x8x512xf32> to vector<8x512xf32>
    %gt3A_2112 = arith.cmpf ogt, %get3A_2111, %select_n3A_2098 : vector<8x512xf32>
    %select_n3A_2113 = arith.select %gt3A_2112, %get3A_2111, %select_n3A_2098 : vector<8x512xi1>, vector<8x512xf32>
    %jit3A_2114 = arith.constant 1.300000e+01 : f32
    %broadcast_in_dim3A_2115 = vector.broadcast %jit3A_2114 : f32 to vector<8x512xf32>
    %select_n3A_2116 = arith.select %gt3A_2112, %broadcast_in_dim3A_2115, %select_n3A_2101 : vector<8x512xi1>, vector<8x512xf32>
    %eq3A_2117 = arith.constant 13 : i32
    %eq3A_2118 = vector.broadcast %eq3A_2117 : i32 to vector<8x512xi32>
    %eq3A_2119 = arith.cmpi eq, %select_n3A_1911, %eq3A_2118 : vector<8x512xi32>
    %select_n3A_2120 = arith.select %eq3A_2119, %get3A_2111, %select_n3A_2105 : vector<8x512xi1>, vector<8x512xf32>
    %get3A_2121 = arith.constant 0 : index
    %get3A_2122 = arith.constant 14 : index
    %get3A_2123 = arith.constant 32 : index
    %get3A_2124 = arith.constant 0 : index
    %get3A_2125 = vector.load %arg2[%get3A_2121, %get3A_2122, %get3A_2123, %get3A_2124] : memref<1x19x64x512xf32, #tpu.memory_space<vmem>>, vector<1x1x8x512xf32>
    %get3A_2126 = vector.shape_cast %get3A_2125 : vector<1x1x8x512xf32> to vector<8x512xf32>
    %gt3A_2127 = arith.cmpf ogt, %get3A_2126, %select_n3A_2113 : vector<8x512xf32>
    %select_n3A_2128 = arith.select %gt3A_2127, %get3A_2126, %select_n3A_2113 : vector<8x512xi1>, vector<8x512xf32>
    %jit3A_2129 = arith.constant 1.400000e+01 : f32
    %broadcast_in_dim3A_2130 = vector.broadcast %jit3A_2129 : f32 to vector<8x512xf32>
    %select_n3A_2131 = arith.select %gt3A_2127, %broadcast_in_dim3A_2130, %select_n3A_2116 : vector<8x512xi1>, vector<8x512xf32>
    %eq3A_2132 = arith.constant 14 : i32
    %eq3A_2133 = vector.broadcast %eq3A_2132 : i32 to vector<8x512xi32>
    %eq3A_2134 = arith.cmpi eq, %select_n3A_1911, %eq3A_2133 : vector<8x512xi32>
    %select_n3A_2135 = arith.select %eq3A_2134, %get3A_2126, %select_n3A_2120 : vector<8x512xi1>, vector<8x512xf32>
    %get3A_2136 = arith.constant 0 : index
    %get3A_2137 = arith.constant 15 : index
    %get3A_2138 = arith.constant 32 : index
    %get3A_2139 = arith.constant 0 : index
    %get3A_2140 = vector.load %arg2[%get3A_2136, %get3A_2137, %get3A_2138, %get3A_2139] : memref<1x19x64x512xf32, #tpu.memory_space<vmem>>, vector<1x1x8x512xf32>
    %get3A_2141 = vector.shape_cast %get3A_2140 : vector<1x1x8x512xf32> to vector<8x512xf32>
    %gt3A_2142 = arith.cmpf ogt, %get3A_2141, %select_n3A_2128 : vector<8x512xf32>
    %select_n3A_2143 = arith.select %gt3A_2142, %get3A_2141, %select_n3A_2128 : vector<8x512xi1>, vector<8x512xf32>
    %jit3A_2144 = arith.constant 1.500000e+01 : f32
    %broadcast_in_dim3A_2145 = vector.broadcast %jit3A_2144 : f32 to vector<8x512xf32>
    %select_n3A_2146 = arith.select %gt3A_2142, %broadcast_in_dim3A_2145, %select_n3A_2131 : vector<8x512xi1>, vector<8x512xf32>
    %eq3A_2147 = arith.constant 15 : i32
    %eq3A_2148 = vector.broadcast %eq3A_2147 : i32 to vector<8x512xi32>
    %eq3A_2149 = arith.cmpi eq, %select_n3A_1911, %eq3A_2148 : vector<8x512xi32>
    %select_n3A_2150 = arith.select %eq3A_2149, %get3A_2141, %select_n3A_2135 : vector<8x512xi1>, vector<8x512xf32>
    %get3A_2151 = arith.constant 0 : index
    %get3A_2152 = arith.constant 16 : index
    %get3A_2153 = arith.constant 32 : index
    %get3A_2154 = arith.constant 0 : index
    %get3A_2155 = vector.load %arg2[%get3A_2151, %get3A_2152, %get3A_2153, %get3A_2154] : memref<1x19x64x512xf32, #tpu.memory_space<vmem>>, vector<1x1x8x512xf32>
    %get3A_2156 = vector.shape_cast %get3A_2155 : vector<1x1x8x512xf32> to vector<8x512xf32>
    %gt3A_2157 = arith.cmpf ogt, %get3A_2156, %select_n3A_2143 : vector<8x512xf32>
    %select_n3A_2158 = arith.select %gt3A_2157, %get3A_2156, %select_n3A_2143 : vector<8x512xi1>, vector<8x512xf32>
    %jit3A_2159 = arith.constant 1.600000e+01 : f32
    %broadcast_in_dim3A_2160 = vector.broadcast %jit3A_2159 : f32 to vector<8x512xf32>
    %select_n3A_2161 = arith.select %gt3A_2157, %broadcast_in_dim3A_2160, %select_n3A_2146 : vector<8x512xi1>, vector<8x512xf32>
    %eq3A_2162 = arith.constant 16 : i32
    %eq3A_2163 = vector.broadcast %eq3A_2162 : i32 to vector<8x512xi32>
    %eq3A_2164 = arith.cmpi eq, %select_n3A_1911, %eq3A_2163 : vector<8x512xi32>
    %select_n3A_2165 = arith.select %eq3A_2164, %get3A_2156, %select_n3A_2150 : vector<8x512xi1>, vector<8x512xf32>
    %get3A_2166 = arith.constant 0 : index
    %get3A_2167 = arith.constant 17 : index
    %get3A_2168 = arith.constant 32 : index
    %get3A_2169 = arith.constant 0 : index
    %get3A_2170 = vector.load %arg2[%get3A_2166, %get3A_2167, %get3A_2168, %get3A_2169] : memref<1x19x64x512xf32, #tpu.memory_space<vmem>>, vector<1x1x8x512xf32>
    %get3A_2171 = vector.shape_cast %get3A_2170 : vector<1x1x8x512xf32> to vector<8x512xf32>
    %gt3A_2172 = arith.cmpf ogt, %get3A_2171, %select_n3A_2158 : vector<8x512xf32>
    %select_n3A_2173 = arith.select %gt3A_2172, %get3A_2171, %select_n3A_2158 : vector<8x512xi1>, vector<8x512xf32>
    %jit3A_2174 = arith.constant 1.700000e+01 : f32
    %broadcast_in_dim3A_2175 = vector.broadcast %jit3A_2174 : f32 to vector<8x512xf32>
    %select_n3A_2176 = arith.select %gt3A_2172, %broadcast_in_dim3A_2175, %select_n3A_2161 : vector<8x512xi1>, vector<8x512xf32>
    %eq3A_2177 = arith.constant 17 : i32
    %eq3A_2178 = vector.broadcast %eq3A_2177 : i32 to vector<8x512xi32>
    %eq3A_2179 = arith.cmpi eq, %select_n3A_1911, %eq3A_2178 : vector<8x512xi32>
    %select_n3A_2180 = arith.select %eq3A_2179, %get3A_2171, %select_n3A_2165 : vector<8x512xi1>, vector<8x512xf32>
    %get3A_2181 = arith.constant 0 : index
    %get3A_2182 = arith.constant 18 : index
    %get3A_2183 = arith.constant 32 : index
    %get3A_2184 = arith.constant 0 : index
    %get3A_2185 = vector.load %arg2[%get3A_2181, %get3A_2182, %get3A_2183, %get3A_2184] : memref<1x19x64x512xf32, #tpu.memory_space<vmem>>, vector<1x1x8x512xf32>
    %get3A_2186 = vector.shape_cast %get3A_2185 : vector<1x1x8x512xf32> to vector<8x512xf32>
    %gt3A_2187 = arith.cmpf ogt, %get3A_2186, %select_n3A_2173 : vector<8x512xf32>
    %select_n3A_2188 = arith.select %gt3A_2187, %get3A_2186, %select_n3A_2173 : vector<8x512xi1>, vector<8x512xf32>
    %jit3A_2189 = arith.constant 1.800000e+01 : f32
    %broadcast_in_dim3A_2190 = vector.broadcast %jit3A_2189 : f32 to vector<8x512xf32>
    %select_n3A_2191 = arith.select %gt3A_2187, %broadcast_in_dim3A_2190, %select_n3A_2176 : vector<8x512xi1>, vector<8x512xf32>
    %eq3A_2192 = arith.constant 18 : i32
    %eq3A_2193 = vector.broadcast %eq3A_2192 : i32 to vector<8x512xi32>
    %eq3A_2194 = arith.cmpi eq, %select_n3A_1911, %eq3A_2193 : vector<8x512xi32>
    %select_n3A_2195 = arith.select %eq3A_2194, %get3A_2186, %select_n3A_2180 : vector<8x512xi1>, vector<8x512xf32>
    %sub3A_2196 = arith.subf %get3A_1917, %select_n3A_2188 : vector<8x512xf32>
    %exp3A_2197 = math.exp %sub3A_2196 : vector<8x512xf32>
    %get3A_2198 = arith.constant 0 : index
    %get3A_2199 = arith.constant 1 : index
    %get3A_2200 = arith.constant 32 : index
    %get3A_2201 = arith.constant 0 : index
    %get3A_2202 = vector.load %arg2[%get3A_2198, %get3A_2199, %get3A_2200, %get3A_2201] : memref<1x19x64x512xf32, #tpu.memory_space<vmem>>, vector<1x1x8x512xf32>
    %get3A_2203 = vector.shape_cast %get3A_2202 : vector<1x1x8x512xf32> to vector<8x512xf32>
    %sub3A_2204 = arith.subf %get3A_2203, %select_n3A_2188 : vector<8x512xf32>
    %exp3A_2205 = math.exp %sub3A_2204 : vector<8x512xf32>
    %add3A_2206 = arith.addf %exp3A_2197, %exp3A_2205 : vector<8x512xf32>
    %get3A_2207 = arith.constant 0 : index
    %get3A_2208 = arith.constant 2 : index
    %get3A_2209 = arith.constant 32 : index
    %get3A_2210 = arith.constant 0 : index
    %get3A_2211 = vector.load %arg2[%get3A_2207, %get3A_2208, %get3A_2209, %get3A_2210] : memref<1x19x64x512xf32, #tpu.memory_space<vmem>>, vector<1x1x8x512xf32>
    %get3A_2212 = vector.shape_cast %get3A_2211 : vector<1x1x8x512xf32> to vector<8x512xf32>
    %sub3A_2213 = arith.subf %get3A_2212, %select_n3A_2188 : vector<8x512xf32>
    %exp3A_2214 = math.exp %sub3A_2213 : vector<8x512xf32>
    %add3A_2215 = arith.addf %add3A_2206, %exp3A_2214 : vector<8x512xf32>
    %get3A_2216 = arith.constant 0 : index
    %get3A_2217 = arith.constant 3 : index
    %get3A_2218 = arith.constant 32 : index
    %get3A_2219 = arith.constant 0 : index
    %get3A_2220 = vector.load %arg2[%get3A_2216, %get3A_2217, %get3A_2218, %get3A_2219] : memref<1x19x64x512xf32, #tpu.memory_space<vmem>>, vector<1x1x8x512xf32>
    %get3A_2221 = vector.shape_cast %get3A_2220 : vector<1x1x8x512xf32> to vector<8x512xf32>
    %sub3A_2222 = arith.subf %get3A_2221, %select_n3A_2188 : vector<8x512xf32>
    %exp3A_2223 = math.exp %sub3A_2222 : vector<8x512xf32>
    %add3A_2224 = arith.addf %add3A_2215, %exp3A_2223 : vector<8x512xf32>
    %get3A_2225 = arith.constant 0 : index
    %get3A_2226 = arith.constant 4 : index
    %get3A_2227 = arith.constant 32 : index
    %get3A_2228 = arith.constant 0 : index
    %get3A_2229 = vector.load %arg2[%get3A_2225, %get3A_2226, %get3A_2227, %get3A_2228] : memref<1x19x64x512xf32, #tpu.memory_space<vmem>>, vector<1x1x8x512xf32>
    %get3A_2230 = vector.shape_cast %get3A_2229 : vector<1x1x8x512xf32> to vector<8x512xf32>
    %sub3A_2231 = arith.subf %get3A_2230, %select_n3A_2188 : vector<8x512xf32>
    %exp3A_2232 = math.exp %sub3A_2231 : vector<8x512xf32>
    %add3A_2233 = arith.addf %add3A_2224, %exp3A_2232 : vector<8x512xf32>
    %get3A_2234 = arith.constant 0 : index
    %get3A_2235 = arith.constant 5 : index
    %get3A_2236 = arith.constant 32 : index
    %get3A_2237 = arith.constant 0 : index
    %get3A_2238 = vector.load %arg2[%get3A_2234, %get3A_2235, %get3A_2236, %get3A_2237] : memref<1x19x64x512xf32, #tpu.memory_space<vmem>>, vector<1x1x8x512xf32>
    %get3A_2239 = vector.shape_cast %get3A_2238 : vector<1x1x8x512xf32> to vector<8x512xf32>
    %sub3A_2240 = arith.subf %get3A_2239, %select_n3A_2188 : vector<8x512xf32>
    %exp3A_2241 = math.exp %sub3A_2240 : vector<8x512xf32>
    %add3A_2242 = arith.addf %add3A_2233, %exp3A_2241 : vector<8x512xf32>
    %get3A_2243 = arith.constant 0 : index
    %get3A_2244 = arith.constant 6 : index
    %get3A_2245 = arith.constant 32 : index
    %get3A_2246 = arith.constant 0 : index
    %get3A_2247 = vector.load %arg2[%get3A_2243, %get3A_2244, %get3A_2245, %get3A_2246] : memref<1x19x64x512xf32, #tpu.memory_space<vmem>>, vector<1x1x8x512xf32>
    %get3A_2248 = vector.shape_cast %get3A_2247 : vector<1x1x8x512xf32> to vector<8x512xf32>
    %sub3A_2249 = arith.subf %get3A_2248, %select_n3A_2188 : vector<8x512xf32>
    %exp3A_2250 = math.exp %sub3A_2249 : vector<8x512xf32>
    %add3A_2251 = arith.addf %add3A_2242, %exp3A_2250 : vector<8x512xf32>
    %get3A_2252 = arith.constant 0 : index
    %get3A_2253 = arith.constant 7 : index
    %get3A_2254 = arith.constant 32 : index
    %get3A_2255 = arith.constant 0 : index
    %get3A_2256 = vector.load %arg2[%get3A_2252, %get3A_2253, %get3A_2254, %get3A_2255] : memref<1x19x64x512xf32, #tpu.memory_space<vmem>>, vector<1x1x8x512xf32>
    %get3A_2257 = vector.shape_cast %get3A_2256 : vector<1x1x8x512xf32> to vector<8x512xf32>
    %sub3A_2258 = arith.subf %get3A_2257, %select_n3A_2188 : vector<8x512xf32>
    %exp3A_2259 = math.exp %sub3A_2258 : vector<8x512xf32>
    %add3A_2260 = arith.addf %add3A_2251, %exp3A_2259 : vector<8x512xf32>
    %get3A_2261 = arith.constant 0 : index
    %get3A_2262 = arith.constant 8 : index
    %get3A_2263 = arith.constant 32 : index
    %get3A_2264 = arith.constant 0 : index
    %get3A_2265 = vector.load %arg2[%get3A_2261, %get3A_2262, %get3A_2263, %get3A_2264] : memref<1x19x64x512xf32, #tpu.memory_space<vmem>>, vector<1x1x8x512xf32>
    %get3A_2266 = vector.shape_cast %get3A_2265 : vector<1x1x8x512xf32> to vector<8x512xf32>
    %sub3A_2267 = arith.subf %get3A_2266, %select_n3A_2188 : vector<8x512xf32>
    %exp3A_2268 = math.exp %sub3A_2267 : vector<8x512xf32>
    %add3A_2269 = arith.addf %add3A_2260, %exp3A_2268 : vector<8x512xf32>
    %get3A_2270 = arith.constant 0 : index
    %get3A_2271 = arith.constant 9 : index
    %get3A_2272 = arith.constant 32 : index
    %get3A_2273 = arith.constant 0 : index
    %get3A_2274 = vector.load %arg2[%get3A_2270, %get3A_2271, %get3A_2272, %get3A_2273] : memref<1x19x64x512xf32, #tpu.memory_space<vmem>>, vector<1x1x8x512xf32>
    %get3A_2275 = vector.shape_cast %get3A_2274 : vector<1x1x8x512xf32> to vector<8x512xf32>
    %sub3A_2276 = arith.subf %get3A_2275, %select_n3A_2188 : vector<8x512xf32>
    %exp3A_2277 = math.exp %sub3A_2276 : vector<8x512xf32>
    %add3A_2278 = arith.addf %add3A_2269, %exp3A_2277 : vector<8x512xf32>
    %get3A_2279 = arith.constant 0 : index
    %get3A_2280 = arith.constant 10 : index
    %get3A_2281 = arith.constant 32 : index
    %get3A_2282 = arith.constant 0 : index
    %get3A_2283 = vector.load %arg2[%get3A_2279, %get3A_2280, %get3A_2281, %get3A_2282] : memref<1x19x64x512xf32, #tpu.memory_space<vmem>>, vector<1x1x8x512xf32>
    %get3A_2284 = vector.shape_cast %get3A_2283 : vector<1x1x8x512xf32> to vector<8x512xf32>
    %sub3A_2285 = arith.subf %get3A_2284, %select_n3A_2188 : vector<8x512xf32>
    %exp3A_2286 = math.exp %sub3A_2285 : vector<8x512xf32>
    %add3A_2287 = arith.addf %add3A_2278, %exp3A_2286 : vector<8x512xf32>
    %get3A_2288 = arith.constant 0 : index
    %get3A_2289 = arith.constant 11 : index
    %get3A_2290 = arith.constant 32 : index
    %get3A_2291 = arith.constant 0 : index
    %get3A_2292 = vector.load %arg2[%get3A_2288, %get3A_2289, %get3A_2290, %get3A_2291] : memref<1x19x64x512xf32, #tpu.memory_space<vmem>>, vector<1x1x8x512xf32>
    %get3A_2293 = vector.shape_cast %get3A_2292 : vector<1x1x8x512xf32> to vector<8x512xf32>
    %sub3A_2294 = arith.subf %get3A_2293, %select_n3A_2188 : vector<8x512xf32>
    %exp3A_2295 = math.exp %sub3A_2294 : vector<8x512xf32>
    %add3A_2296 = arith.addf %add3A_2287, %exp3A_2295 : vector<8x512xf32>
    %get3A_2297 = arith.constant 0 : index
    %get3A_2298 = arith.constant 12 : index
    %get3A_2299 = arith.constant 32 : index
    %get3A_2300 = arith.constant 0 : index
    %get3A_2301 = vector.load %arg2[%get3A_2297, %get3A_2298, %get3A_2299, %get3A_2300] : memref<1x19x64x512xf32, #tpu.memory_space<vmem>>, vector<1x1x8x512xf32>
    %get3A_2302 = vector.shape_cast %get3A_2301 : vector<1x1x8x512xf32> to vector<8x512xf32>
    %sub3A_2303 = arith.subf %get3A_2302, %select_n3A_2188 : vector<8x512xf32>
    %exp3A_2304 = math.exp %sub3A_2303 : vector<8x512xf32>
    %add3A_2305 = arith.addf %add3A_2296, %exp3A_2304 : vector<8x512xf32>
    %get3A_2306 = arith.constant 0 : index
    %get3A_2307 = arith.constant 13 : index
    %get3A_2308 = arith.constant 32 : index
    %get3A_2309 = arith.constant 0 : index
    %get3A_2310 = vector.load %arg2[%get3A_2306, %get3A_2307, %get3A_2308, %get3A_2309] : memref<1x19x64x512xf32, #tpu.memory_space<vmem>>, vector<1x1x8x512xf32>
    %get3A_2311 = vector.shape_cast %get3A_2310 : vector<1x1x8x512xf32> to vector<8x512xf32>
    %sub3A_2312 = arith.subf %get3A_2311, %select_n3A_2188 : vector<8x512xf32>
    %exp3A_2313 = math.exp %sub3A_2312 : vector<8x512xf32>
    %add3A_2314 = arith.addf %add3A_2305, %exp3A_2313 : vector<8x512xf32>
    %get3A_2315 = arith.constant 0 : index
    %get3A_2316 = arith.constant 14 : index
    %get3A_2317 = arith.constant 32 : index
    %get3A_2318 = arith.constant 0 : index
    %get3A_2319 = vector.load %arg2[%get3A_2315, %get3A_2316, %get3A_2317, %get3A_2318] : memref<1x19x64x512xf32, #tpu.memory_space<vmem>>, vector<1x1x8x512xf32>
    %get3A_2320 = vector.shape_cast %get3A_2319 : vector<1x1x8x512xf32> to vector<8x512xf32>
    %sub3A_2321 = arith.subf %get3A_2320, %select_n3A_2188 : vector<8x512xf32>
    %exp3A_2322 = math.exp %sub3A_2321 : vector<8x512xf32>
    %add3A_2323 = arith.addf %add3A_2314, %exp3A_2322 : vector<8x512xf32>
    %get3A_2324 = arith.constant 0 : index
    %get3A_2325 = arith.constant 15 : index
    %get3A_2326 = arith.constant 32 : index
    %get3A_2327 = arith.constant 0 : index
    %get3A_2328 = vector.load %arg2[%get3A_2324, %get3A_2325, %get3A_2326, %get3A_2327] : memref<1x19x64x512xf32, #tpu.memory_space<vmem>>, vector<1x1x8x512xf32>
    %get3A_2329 = vector.shape_cast %get3A_2328 : vector<1x1x8x512xf32> to vector<8x512xf32>
    %sub3A_2330 = arith.subf %get3A_2329, %select_n3A_2188 : vector<8x512xf32>
    %exp3A_2331 = math.exp %sub3A_2330 : vector<8x512xf32>
    %add3A_2332 = arith.addf %add3A_2323, %exp3A_2331 : vector<8x512xf32>
    %get3A_2333 = arith.constant 0 : index
    %get3A_2334 = arith.constant 16 : index
    %get3A_2335 = arith.constant 32 : index
    %get3A_2336 = arith.constant 0 : index
    %get3A_2337 = vector.load %arg2[%get3A_2333, %get3A_2334, %get3A_2335, %get3A_2336] : memref<1x19x64x512xf32, #tpu.memory_space<vmem>>, vector<1x1x8x512xf32>
    %get3A_2338 = vector.shape_cast %get3A_2337 : vector<1x1x8x512xf32> to vector<8x512xf32>
    %sub3A_2339 = arith.subf %get3A_2338, %select_n3A_2188 : vector<8x512xf32>
    %exp3A_2340 = math.exp %sub3A_2339 : vector<8x512xf32>
    %add3A_2341 = arith.addf %add3A_2332, %exp3A_2340 : vector<8x512xf32>
    %get3A_2342 = arith.constant 0 : index
    %get3A_2343 = arith.constant 17 : index
    %get3A_2344 = arith.constant 32 : index
    %get3A_2345 = arith.constant 0 : index
    %get3A_2346 = vector.load %arg2[%get3A_2342, %get3A_2343, %get3A_2344, %get3A_2345] : memref<1x19x64x512xf32, #tpu.memory_space<vmem>>, vector<1x1x8x512xf32>
    %get3A_2347 = vector.shape_cast %get3A_2346 : vector<1x1x8x512xf32> to vector<8x512xf32>
    %sub3A_2348 = arith.subf %get3A_2347, %select_n3A_2188 : vector<8x512xf32>
    %exp3A_2349 = math.exp %sub3A_2348 : vector<8x512xf32>
    %add3A_2350 = arith.addf %add3A_2341, %exp3A_2349 : vector<8x512xf32>
    %get3A_2351 = arith.constant 0 : index
    %get3A_2352 = arith.constant 18 : index
    %get3A_2353 = arith.constant 32 : index
    %get3A_2354 = arith.constant 0 : index
    %get3A_2355 = vector.load %arg2[%get3A_2351, %get3A_2352, %get3A_2353, %get3A_2354] : memref<1x19x64x512xf32, #tpu.memory_space<vmem>>, vector<1x1x8x512xf32>
    %get3A_2356 = vector.shape_cast %get3A_2355 : vector<1x1x8x512xf32> to vector<8x512xf32>
    %sub3A_2357 = arith.subf %get3A_2356, %select_n3A_2188 : vector<8x512xf32>
    %exp3A_2358 = math.exp %sub3A_2357 : vector<8x512xf32>
    %add3A_2359 = arith.addf %add3A_2350, %exp3A_2358 : vector<8x512xf32>
    %log3A_2360 = math.log %add3A_2359 : vector<8x512xf32>
    %add3A_2361 = arith.addf %log3A_2360, %select_n3A_2188 : vector<8x512xf32>
    %convert_element_type3A_2362 = arith.extui %ge3A_1908 : vector<8x512xi1> to vector<8x512xi32>
    %convert_element_type3A_2363 = arith.sitofp %convert_element_type3A_2362 : vector<8x512xi32> to vector<8x512xf32>
    %convert_element_type3A_2364 = arith.sitofp %get3A_1905 : vector<8x512xi32> to vector<8x512xf32>
    %sub3A_2365 = arith.subf %add3A_2361, %select_n3A_2195 : vector<8x512xf32>
    %jit3A_2366 = arith.constant 0.000000e+00 : f32
    %broadcast_in_dim3A_2367 = vector.broadcast %jit3A_2366 : f32 to vector<8x512xf32>
    %select_n3A_2368 = arith.select %ge3A_1908, %sub3A_2365, %broadcast_in_dim3A_2367 : vector<8x512xi1>, vector<8x512xf32>
    %add3A_2369 = arith.addf %add3A_1893, %select_n3A_2368 : vector<8x512xf32>
    %add3A_2370 = arith.addf %add3A_1894, %convert_element_type3A_2363 : vector<8x512xf32>
    %mul3A_2371 = arith.mulf %select_n3A_2191, %convert_element_type3A_2364 : vector<8x512xf32>
    %add3A_2372 = arith.addf %add3A_1896, %mul3A_2371 : vector<8x512xf32>
    %mul3A_2373 = arith.mulf %select_n3A_2191, %select_n3A_2191 : vector<8x512xf32>
    %add3A_2374 = arith.addf %add3A_1898, %mul3A_2373 : vector<8x512xf32>
    %mul3A_2375 = arith.mulf %convert_element_type3A_2364, %convert_element_type3A_2364 : vector<8x512xf32>
    %add3A_2376 = arith.addf %add3A_1900, %mul3A_2375 : vector<8x512xf32>
    %get3A_2377 = arith.constant 0 : index
    %get3A_2378 = arith.constant 40 : index
    %get3A_2379 = arith.constant 0 : index
    %get3A_2380 = vector.load %arg3[%get3A_2377, %get3A_2378, %get3A_2379] : memref<1x64x512xi32, #tpu.memory_space<vmem>>, vector<1x8x512xi32>
    %get3A_2381 = vector.shape_cast %get3A_2380 : vector<1x8x512xi32> to vector<8x512xi32>
    %ge3A_2382 = arith.constant 0 : i32
    %ge3A_2383 = vector.broadcast %ge3A_2382 : i32 to vector<8x512xi32>
    %ge3A_2384 = arith.cmpi sge, %get3A_2381, %ge3A_2383 : vector<8x512xi32>
    %jit3A_2385 = arith.constant 0 : i32
    %broadcast_in_dim3A_2386 = vector.broadcast %jit3A_2385 : i32 to vector<8x512xi32>
    %select_n3A_2387 = arith.select %ge3A_2384, %get3A_2381, %broadcast_in_dim3A_2386 : vector<8x512xi1>, vector<8x512xi32>
    %get3A_2388 = arith.constant 0 : index
    %get3A_2389 = arith.constant 0 : index
    %get3A_2390 = arith.constant 40 : index
    %get3A_2391 = arith.constant 0 : index
    %get3A_2392 = vector.load %arg2[%get3A_2388, %get3A_2389, %get3A_2390, %get3A_2391] : memref<1x19x64x512xf32, #tpu.memory_space<vmem>>, vector<1x1x8x512xf32>
    %get3A_2393 = vector.shape_cast %get3A_2392 : vector<1x1x8x512xf32> to vector<8x512xf32>
    %broadcast_in_dim3A_2394 = arith.constant 0.000000e+00 : f32
    %broadcast_in_dim3A_2395 = vector.broadcast %broadcast_in_dim3A_2394 : f32 to vector<8x512xf32>
    %eq3A_2396 = arith.constant 0 : i32
    %eq3A_2397 = vector.broadcast %eq3A_2396 : i32 to vector<8x512xi32>
    %eq3A_2398 = arith.cmpi eq, %select_n3A_2387, %eq3A_2397 : vector<8x512xi32>
    %jit3A_2399 = arith.constant 0.000000e+00 : f32
    %broadcast_in_dim3A_2400 = vector.broadcast %jit3A_2399 : f32 to vector<8x512xf32>
    %select_n3A_2401 = arith.select %eq3A_2398, %get3A_2393, %broadcast_in_dim3A_2400 : vector<8x512xi1>, vector<8x512xf32>
    %get3A_2402 = arith.constant 0 : index
    %get3A_2403 = arith.constant 1 : index
    %get3A_2404 = arith.constant 40 : index
    %get3A_2405 = arith.constant 0 : index
    %get3A_2406 = vector.load %arg2[%get3A_2402, %get3A_2403, %get3A_2404, %get3A_2405] : memref<1x19x64x512xf32, #tpu.memory_space<vmem>>, vector<1x1x8x512xf32>
    %get3A_2407 = vector.shape_cast %get3A_2406 : vector<1x1x8x512xf32> to vector<8x512xf32>
    %gt3A_2408 = arith.cmpf ogt, %get3A_2407, %get3A_2393 : vector<8x512xf32>
    %select_n3A_2409 = arith.select %gt3A_2408, %get3A_2407, %get3A_2393 : vector<8x512xi1>, vector<8x512xf32>
    %jit3A_2410 = arith.constant 1.000000e+00 : f32
    %broadcast_in_dim3A_2411 = vector.broadcast %jit3A_2410 : f32 to vector<8x512xf32>
    %select_n3A_2412 = arith.select %gt3A_2408, %broadcast_in_dim3A_2411, %broadcast_in_dim3A_2395 : vector<8x512xi1>, vector<8x512xf32>
    %eq3A_2413 = arith.constant 1 : i32
    %eq3A_2414 = vector.broadcast %eq3A_2413 : i32 to vector<8x512xi32>
    %eq3A_2415 = arith.cmpi eq, %select_n3A_2387, %eq3A_2414 : vector<8x512xi32>
    %select_n3A_2416 = arith.select %eq3A_2415, %get3A_2407, %select_n3A_2401 : vector<8x512xi1>, vector<8x512xf32>
    %get3A_2417 = arith.constant 0 : index
    %get3A_2418 = arith.constant 2 : index
    %get3A_2419 = arith.constant 40 : index
    %get3A_2420 = arith.constant 0 : index
    %get3A_2421 = vector.load %arg2[%get3A_2417, %get3A_2418, %get3A_2419, %get3A_2420] : memref<1x19x64x512xf32, #tpu.memory_space<vmem>>, vector<1x1x8x512xf32>
    %get3A_2422 = vector.shape_cast %get3A_2421 : vector<1x1x8x512xf32> to vector<8x512xf32>
    %gt3A_2423 = arith.cmpf ogt, %get3A_2422, %select_n3A_2409 : vector<8x512xf32>
    %select_n3A_2424 = arith.select %gt3A_2423, %get3A_2422, %select_n3A_2409 : vector<8x512xi1>, vector<8x512xf32>
    %jit3A_2425 = arith.constant 2.000000e+00 : f32
    %broadcast_in_dim3A_2426 = vector.broadcast %jit3A_2425 : f32 to vector<8x512xf32>
    %select_n3A_2427 = arith.select %gt3A_2423, %broadcast_in_dim3A_2426, %select_n3A_2412 : vector<8x512xi1>, vector<8x512xf32>
    %eq3A_2428 = arith.constant 2 : i32
    %eq3A_2429 = vector.broadcast %eq3A_2428 : i32 to vector<8x512xi32>
    %eq3A_2430 = arith.cmpi eq, %select_n3A_2387, %eq3A_2429 : vector<8x512xi32>
    %select_n3A_2431 = arith.select %eq3A_2430, %get3A_2422, %select_n3A_2416 : vector<8x512xi1>, vector<8x512xf32>
    %get3A_2432 = arith.constant 0 : index
    %get3A_2433 = arith.constant 3 : index
    %get3A_2434 = arith.constant 40 : index
    %get3A_2435 = arith.constant 0 : index
    %get3A_2436 = vector.load %arg2[%get3A_2432, %get3A_2433, %get3A_2434, %get3A_2435] : memref<1x19x64x512xf32, #tpu.memory_space<vmem>>, vector<1x1x8x512xf32>
    %get3A_2437 = vector.shape_cast %get3A_2436 : vector<1x1x8x512xf32> to vector<8x512xf32>
    %gt3A_2438 = arith.cmpf ogt, %get3A_2437, %select_n3A_2424 : vector<8x512xf32>
    %select_n3A_2439 = arith.select %gt3A_2438, %get3A_2437, %select_n3A_2424 : vector<8x512xi1>, vector<8x512xf32>
    %jit3A_2440 = arith.constant 3.000000e+00 : f32
    %broadcast_in_dim3A_2441 = vector.broadcast %jit3A_2440 : f32 to vector<8x512xf32>
    %select_n3A_2442 = arith.select %gt3A_2438, %broadcast_in_dim3A_2441, %select_n3A_2427 : vector<8x512xi1>, vector<8x512xf32>
    %eq3A_2443 = arith.constant 3 : i32
    %eq3A_2444 = vector.broadcast %eq3A_2443 : i32 to vector<8x512xi32>
    %eq3A_2445 = arith.cmpi eq, %select_n3A_2387, %eq3A_2444 : vector<8x512xi32>
    %select_n3A_2446 = arith.select %eq3A_2445, %get3A_2437, %select_n3A_2431 : vector<8x512xi1>, vector<8x512xf32>
    %get3A_2447 = arith.constant 0 : index
    %get3A_2448 = arith.constant 4 : index
    %get3A_2449 = arith.constant 40 : index
    %get3A_2450 = arith.constant 0 : index
    %get3A_2451 = vector.load %arg2[%get3A_2447, %get3A_2448, %get3A_2449, %get3A_2450] : memref<1x19x64x512xf32, #tpu.memory_space<vmem>>, vector<1x1x8x512xf32>
    %get3A_2452 = vector.shape_cast %get3A_2451 : vector<1x1x8x512xf32> to vector<8x512xf32>
    %gt3A_2453 = arith.cmpf ogt, %get3A_2452, %select_n3A_2439 : vector<8x512xf32>
    %select_n3A_2454 = arith.select %gt3A_2453, %get3A_2452, %select_n3A_2439 : vector<8x512xi1>, vector<8x512xf32>
    %jit3A_2455 = arith.constant 4.000000e+00 : f32
    %broadcast_in_dim3A_2456 = vector.broadcast %jit3A_2455 : f32 to vector<8x512xf32>
    %select_n3A_2457 = arith.select %gt3A_2453, %broadcast_in_dim3A_2456, %select_n3A_2442 : vector<8x512xi1>, vector<8x512xf32>
    %eq3A_2458 = arith.constant 4 : i32
    %eq3A_2459 = vector.broadcast %eq3A_2458 : i32 to vector<8x512xi32>
    %eq3A_2460 = arith.cmpi eq, %select_n3A_2387, %eq3A_2459 : vector<8x512xi32>
    %select_n3A_2461 = arith.select %eq3A_2460, %get3A_2452, %select_n3A_2446 : vector<8x512xi1>, vector<8x512xf32>
    %get3A_2462 = arith.constant 0 : index
    %get3A_2463 = arith.constant 5 : index
    %get3A_2464 = arith.constant 40 : index
    %get3A_2465 = arith.constant 0 : index
    %get3A_2466 = vector.load %arg2[%get3A_2462, %get3A_2463, %get3A_2464, %get3A_2465] : memref<1x19x64x512xf32, #tpu.memory_space<vmem>>, vector<1x1x8x512xf32>
    %get3A_2467 = vector.shape_cast %get3A_2466 : vector<1x1x8x512xf32> to vector<8x512xf32>
    %gt3A_2468 = arith.cmpf ogt, %get3A_2467, %select_n3A_2454 : vector<8x512xf32>
    %select_n3A_2469 = arith.select %gt3A_2468, %get3A_2467, %select_n3A_2454 : vector<8x512xi1>, vector<8x512xf32>
    %jit3A_2470 = arith.constant 5.000000e+00 : f32
    %broadcast_in_dim3A_2471 = vector.broadcast %jit3A_2470 : f32 to vector<8x512xf32>
    %select_n3A_2472 = arith.select %gt3A_2468, %broadcast_in_dim3A_2471, %select_n3A_2457 : vector<8x512xi1>, vector<8x512xf32>
    %eq3A_2473 = arith.constant 5 : i32
    %eq3A_2474 = vector.broadcast %eq3A_2473 : i32 to vector<8x512xi32>
    %eq3A_2475 = arith.cmpi eq, %select_n3A_2387, %eq3A_2474 : vector<8x512xi32>
    %select_n3A_2476 = arith.select %eq3A_2475, %get3A_2467, %select_n3A_2461 : vector<8x512xi1>, vector<8x512xf32>
    %get3A_2477 = arith.constant 0 : index
    %get3A_2478 = arith.constant 6 : index
    %get3A_2479 = arith.constant 40 : index
    %get3A_2480 = arith.constant 0 : index
    %get3A_2481 = vector.load %arg2[%get3A_2477, %get3A_2478, %get3A_2479, %get3A_2480] : memref<1x19x64x512xf32, #tpu.memory_space<vmem>>, vector<1x1x8x512xf32>
    %get3A_2482 = vector.shape_cast %get3A_2481 : vector<1x1x8x512xf32> to vector<8x512xf32>
    %gt3A_2483 = arith.cmpf ogt, %get3A_2482, %select_n3A_2469 : vector<8x512xf32>
    %select_n3A_2484 = arith.select %gt3A_2483, %get3A_2482, %select_n3A_2469 : vector<8x512xi1>, vector<8x512xf32>
    %jit3A_2485 = arith.constant 6.000000e+00 : f32
    %broadcast_in_dim3A_2486 = vector.broadcast %jit3A_2485 : f32 to vector<8x512xf32>
    %select_n3A_2487 = arith.select %gt3A_2483, %broadcast_in_dim3A_2486, %select_n3A_2472 : vector<8x512xi1>, vector<8x512xf32>
    %eq3A_2488 = arith.constant 6 : i32
    %eq3A_2489 = vector.broadcast %eq3A_2488 : i32 to vector<8x512xi32>
    %eq3A_2490 = arith.cmpi eq, %select_n3A_2387, %eq3A_2489 : vector<8x512xi32>
    %select_n3A_2491 = arith.select %eq3A_2490, %get3A_2482, %select_n3A_2476 : vector<8x512xi1>, vector<8x512xf32>
    %get3A_2492 = arith.constant 0 : index
    %get3A_2493 = arith.constant 7 : index
    %get3A_2494 = arith.constant 40 : index
    %get3A_2495 = arith.constant 0 : index
    %get3A_2496 = vector.load %arg2[%get3A_2492, %get3A_2493, %get3A_2494, %get3A_2495] : memref<1x19x64x512xf32, #tpu.memory_space<vmem>>, vector<1x1x8x512xf32>
    %get3A_2497 = vector.shape_cast %get3A_2496 : vector<1x1x8x512xf32> to vector<8x512xf32>
    %gt3A_2498 = arith.cmpf ogt, %get3A_2497, %select_n3A_2484 : vector<8x512xf32>
    %select_n3A_2499 = arith.select %gt3A_2498, %get3A_2497, %select_n3A_2484 : vector<8x512xi1>, vector<8x512xf32>
    %jit3A_2500 = arith.constant 7.000000e+00 : f32
    %broadcast_in_dim3A_2501 = vector.broadcast %jit3A_2500 : f32 to vector<8x512xf32>
    %select_n3A_2502 = arith.select %gt3A_2498, %broadcast_in_dim3A_2501, %select_n3A_2487 : vector<8x512xi1>, vector<8x512xf32>
    %eq3A_2503 = arith.constant 7 : i32
    %eq3A_2504 = vector.broadcast %eq3A_2503 : i32 to vector<8x512xi32>
    %eq3A_2505 = arith.cmpi eq, %select_n3A_2387, %eq3A_2504 : vector<8x512xi32>
    %select_n3A_2506 = arith.select %eq3A_2505, %get3A_2497, %select_n3A_2491 : vector<8x512xi1>, vector<8x512xf32>
    %get3A_2507 = arith.constant 0 : index
    %get3A_2508 = arith.constant 8 : index
    %get3A_2509 = arith.constant 40 : index
    %get3A_2510 = arith.constant 0 : index
    %get3A_2511 = vector.load %arg2[%get3A_2507, %get3A_2508, %get3A_2509, %get3A_2510] : memref<1x19x64x512xf32, #tpu.memory_space<vmem>>, vector<1x1x8x512xf32>
    %get3A_2512 = vector.shape_cast %get3A_2511 : vector<1x1x8x512xf32> to vector<8x512xf32>
    %gt3A_2513 = arith.cmpf ogt, %get3A_2512, %select_n3A_2499 : vector<8x512xf32>
    %select_n3A_2514 = arith.select %gt3A_2513, %get3A_2512, %select_n3A_2499 : vector<8x512xi1>, vector<8x512xf32>
    %jit3A_2515 = arith.constant 8.000000e+00 : f32
    %broadcast_in_dim3A_2516 = vector.broadcast %jit3A_2515 : f32 to vector<8x512xf32>
    %select_n3A_2517 = arith.select %gt3A_2513, %broadcast_in_dim3A_2516, %select_n3A_2502 : vector<8x512xi1>, vector<8x512xf32>
    %eq3A_2518 = arith.constant 8 : i32
    %eq3A_2519 = vector.broadcast %eq3A_2518 : i32 to vector<8x512xi32>
    %eq3A_2520 = arith.cmpi eq, %select_n3A_2387, %eq3A_2519 : vector<8x512xi32>
    %select_n3A_2521 = arith.select %eq3A_2520, %get3A_2512, %select_n3A_2506 : vector<8x512xi1>, vector<8x512xf32>
    %get3A_2522 = arith.constant 0 : index
    %get3A_2523 = arith.constant 9 : index
    %get3A_2524 = arith.constant 40 : index
    %get3A_2525 = arith.constant 0 : index
    %get3A_2526 = vector.load %arg2[%get3A_2522, %get3A_2523, %get3A_2524, %get3A_2525] : memref<1x19x64x512xf32, #tpu.memory_space<vmem>>, vector<1x1x8x512xf32>
    %get3A_2527 = vector.shape_cast %get3A_2526 : vector<1x1x8x512xf32> to vector<8x512xf32>
    %gt3A_2528 = arith.cmpf ogt, %get3A_2527, %select_n3A_2514 : vector<8x512xf32>
    %select_n3A_2529 = arith.select %gt3A_2528, %get3A_2527, %select_n3A_2514 : vector<8x512xi1>, vector<8x512xf32>
    %jit3A_2530 = arith.constant 9.000000e+00 : f32
    %broadcast_in_dim3A_2531 = vector.broadcast %jit3A_2530 : f32 to vector<8x512xf32>
    %select_n3A_2532 = arith.select %gt3A_2528, %broadcast_in_dim3A_2531, %select_n3A_2517 : vector<8x512xi1>, vector<8x512xf32>
    %eq3A_2533 = arith.constant 9 : i32
    %eq3A_2534 = vector.broadcast %eq3A_2533 : i32 to vector<8x512xi32>
    %eq3A_2535 = arith.cmpi eq, %select_n3A_2387, %eq3A_2534 : vector<8x512xi32>
    %select_n3A_2536 = arith.select %eq3A_2535, %get3A_2527, %select_n3A_2521 : vector<8x512xi1>, vector<8x512xf32>
    %get3A_2537 = arith.constant 0 : index
    %get3A_2538 = arith.constant 10 : index
    %get3A_2539 = arith.constant 40 : index
    %get3A_2540 = arith.constant 0 : index
    %get3A_2541 = vector.load %arg2[%get3A_2537, %get3A_2538, %get3A_2539, %get3A_2540] : memref<1x19x64x512xf32, #tpu.memory_space<vmem>>, vector<1x1x8x512xf32>
    %get3A_2542 = vector.shape_cast %get3A_2541 : vector<1x1x8x512xf32> to vector<8x512xf32>
    %gt3A_2543 = arith.cmpf ogt, %get3A_2542, %select_n3A_2529 : vector<8x512xf32>
    %select_n3A_2544 = arith.select %gt3A_2543, %get3A_2542, %select_n3A_2529 : vector<8x512xi1>, vector<8x512xf32>
    %jit3A_2545 = arith.constant 1.000000e+01 : f32
    %broadcast_in_dim3A_2546 = vector.broadcast %jit3A_2545 : f32 to vector<8x512xf32>
    %select_n3A_2547 = arith.select %gt3A_2543, %broadcast_in_dim3A_2546, %select_n3A_2532 : vector<8x512xi1>, vector<8x512xf32>
    %eq3A_2548 = arith.constant 10 : i32
    %eq3A_2549 = vector.broadcast %eq3A_2548 : i32 to vector<8x512xi32>
    %eq3A_2550 = arith.cmpi eq, %select_n3A_2387, %eq3A_2549 : vector<8x512xi32>
    %select_n3A_2551 = arith.select %eq3A_2550, %get3A_2542, %select_n3A_2536 : vector<8x512xi1>, vector<8x512xf32>
    %get3A_2552 = arith.constant 0 : index
    %get3A_2553 = arith.constant 11 : index
    %get3A_2554 = arith.constant 40 : index
    %get3A_2555 = arith.constant 0 : index
    %get3A_2556 = vector.load %arg2[%get3A_2552, %get3A_2553, %get3A_2554, %get3A_2555] : memref<1x19x64x512xf32, #tpu.memory_space<vmem>>, vector<1x1x8x512xf32>
    %get3A_2557 = vector.shape_cast %get3A_2556 : vector<1x1x8x512xf32> to vector<8x512xf32>
    %gt3A_2558 = arith.cmpf ogt, %get3A_2557, %select_n3A_2544 : vector<8x512xf32>
    %select_n3A_2559 = arith.select %gt3A_2558, %get3A_2557, %select_n3A_2544 : vector<8x512xi1>, vector<8x512xf32>
    %jit3A_2560 = arith.constant 1.100000e+01 : f32
    %broadcast_in_dim3A_2561 = vector.broadcast %jit3A_2560 : f32 to vector<8x512xf32>
    %select_n3A_2562 = arith.select %gt3A_2558, %broadcast_in_dim3A_2561, %select_n3A_2547 : vector<8x512xi1>, vector<8x512xf32>
    %eq3A_2563 = arith.constant 11 : i32
    %eq3A_2564 = vector.broadcast %eq3A_2563 : i32 to vector<8x512xi32>
    %eq3A_2565 = arith.cmpi eq, %select_n3A_2387, %eq3A_2564 : vector<8x512xi32>
    %select_n3A_2566 = arith.select %eq3A_2565, %get3A_2557, %select_n3A_2551 : vector<8x512xi1>, vector<8x512xf32>
    %get3A_2567 = arith.constant 0 : index
    %get3A_2568 = arith.constant 12 : index
    %get3A_2569 = arith.constant 40 : index
    %get3A_2570 = arith.constant 0 : index
    %get3A_2571 = vector.load %arg2[%get3A_2567, %get3A_2568, %get3A_2569, %get3A_2570] : memref<1x19x64x512xf32, #tpu.memory_space<vmem>>, vector<1x1x8x512xf32>
    %get3A_2572 = vector.shape_cast %get3A_2571 : vector<1x1x8x512xf32> to vector<8x512xf32>
    %gt3A_2573 = arith.cmpf ogt, %get3A_2572, %select_n3A_2559 : vector<8x512xf32>
    %select_n3A_2574 = arith.select %gt3A_2573, %get3A_2572, %select_n3A_2559 : vector<8x512xi1>, vector<8x512xf32>
    %jit3A_2575 = arith.constant 1.200000e+01 : f32
    %broadcast_in_dim3A_2576 = vector.broadcast %jit3A_2575 : f32 to vector<8x512xf32>
    %select_n3A_2577 = arith.select %gt3A_2573, %broadcast_in_dim3A_2576, %select_n3A_2562 : vector<8x512xi1>, vector<8x512xf32>
    %eq3A_2578 = arith.constant 12 : i32
    %eq3A_2579 = vector.broadcast %eq3A_2578 : i32 to vector<8x512xi32>
    %eq3A_2580 = arith.cmpi eq, %select_n3A_2387, %eq3A_2579 : vector<8x512xi32>
    %select_n3A_2581 = arith.select %eq3A_2580, %get3A_2572, %select_n3A_2566 : vector<8x512xi1>, vector<8x512xf32>
    %get3A_2582 = arith.constant 0 : index
    %get3A_2583 = arith.constant 13 : index
    %get3A_2584 = arith.constant 40 : index
    %get3A_2585 = arith.constant 0 : index
    %get3A_2586 = vector.load %arg2[%get3A_2582, %get3A_2583, %get3A_2584, %get3A_2585] : memref<1x19x64x512xf32, #tpu.memory_space<vmem>>, vector<1x1x8x512xf32>
    %get3A_2587 = vector.shape_cast %get3A_2586 : vector<1x1x8x512xf32> to vector<8x512xf32>
    %gt3A_2588 = arith.cmpf ogt, %get3A_2587, %select_n3A_2574 : vector<8x512xf32>
    %select_n3A_2589 = arith.select %gt3A_2588, %get3A_2587, %select_n3A_2574 : vector<8x512xi1>, vector<8x512xf32>
    %jit3A_2590 = arith.constant 1.300000e+01 : f32
    %broadcast_in_dim3A_2591 = vector.broadcast %jit3A_2590 : f32 to vector<8x512xf32>
    %select_n3A_2592 = arith.select %gt3A_2588, %broadcast_in_dim3A_2591, %select_n3A_2577 : vector<8x512xi1>, vector<8x512xf32>
    %eq3A_2593 = arith.constant 13 : i32
    %eq3A_2594 = vector.broadcast %eq3A_2593 : i32 to vector<8x512xi32>
    %eq3A_2595 = arith.cmpi eq, %select_n3A_2387, %eq3A_2594 : vector<8x512xi32>
    %select_n3A_2596 = arith.select %eq3A_2595, %get3A_2587, %select_n3A_2581 : vector<8x512xi1>, vector<8x512xf32>
    %get3A_2597 = arith.constant 0 : index
    %get3A_2598 = arith.constant 14 : index
    %get3A_2599 = arith.constant 40 : index
    %get3A_2600 = arith.constant 0 : index
    %get3A_2601 = vector.load %arg2[%get3A_2597, %get3A_2598, %get3A_2599, %get3A_2600] : memref<1x19x64x512xf32, #tpu.memory_space<vmem>>, vector<1x1x8x512xf32>
    %get3A_2602 = vector.shape_cast %get3A_2601 : vector<1x1x8x512xf32> to vector<8x512xf32>
    %gt3A_2603 = arith.cmpf ogt, %get3A_2602, %select_n3A_2589 : vector<8x512xf32>
    %select_n3A_2604 = arith.select %gt3A_2603, %get3A_2602, %select_n3A_2589 : vector<8x512xi1>, vector<8x512xf32>
    %jit3A_2605 = arith.constant 1.400000e+01 : f32
    %broadcast_in_dim3A_2606 = vector.broadcast %jit3A_2605 : f32 to vector<8x512xf32>
    %select_n3A_2607 = arith.select %gt3A_2603, %broadcast_in_dim3A_2606, %select_n3A_2592 : vector<8x512xi1>, vector<8x512xf32>
    %eq3A_2608 = arith.constant 14 : i32
    %eq3A_2609 = vector.broadcast %eq3A_2608 : i32 to vector<8x512xi32>
    %eq3A_2610 = arith.cmpi eq, %select_n3A_2387, %eq3A_2609 : vector<8x512xi32>
    %select_n3A_2611 = arith.select %eq3A_2610, %get3A_2602, %select_n3A_2596 : vector<8x512xi1>, vector<8x512xf32>
    %get3A_2612 = arith.constant 0 : index
    %get3A_2613 = arith.constant 15 : index
    %get3A_2614 = arith.constant 40 : index
    %get3A_2615 = arith.constant 0 : index
    %get3A_2616 = vector.load %arg2[%get3A_2612, %get3A_2613, %get3A_2614, %get3A_2615] : memref<1x19x64x512xf32, #tpu.memory_space<vmem>>, vector<1x1x8x512xf32>
    %get3A_2617 = vector.shape_cast %get3A_2616 : vector<1x1x8x512xf32> to vector<8x512xf32>
    %gt3A_2618 = arith.cmpf ogt, %get3A_2617, %select_n3A_2604 : vector<8x512xf32>
    %select_n3A_2619 = arith.select %gt3A_2618, %get3A_2617, %select_n3A_2604 : vector<8x512xi1>, vector<8x512xf32>
    %jit3A_2620 = arith.constant 1.500000e+01 : f32
    %broadcast_in_dim3A_2621 = vector.broadcast %jit3A_2620 : f32 to vector<8x512xf32>
    %select_n3A_2622 = arith.select %gt3A_2618, %broadcast_in_dim3A_2621, %select_n3A_2607 : vector<8x512xi1>, vector<8x512xf32>
    %eq3A_2623 = arith.constant 15 : i32
    %eq3A_2624 = vector.broadcast %eq3A_2623 : i32 to vector<8x512xi32>
    %eq3A_2625 = arith.cmpi eq, %select_n3A_2387, %eq3A_2624 : vector<8x512xi32>
    %select_n3A_2626 = arith.select %eq3A_2625, %get3A_2617, %select_n3A_2611 : vector<8x512xi1>, vector<8x512xf32>
    %get3A_2627 = arith.constant 0 : index
    %get3A_2628 = arith.constant 16 : index
    %get3A_2629 = arith.constant 40 : index
    %get3A_2630 = arith.constant 0 : index
    %get3A_2631 = vector.load %arg2[%get3A_2627, %get3A_2628, %get3A_2629, %get3A_2630] : memref<1x19x64x512xf32, #tpu.memory_space<vmem>>, vector<1x1x8x512xf32>
    %get3A_2632 = vector.shape_cast %get3A_2631 : vector<1x1x8x512xf32> to vector<8x512xf32>
    %gt3A_2633 = arith.cmpf ogt, %get3A_2632, %select_n3A_2619 : vector<8x512xf32>
    %select_n3A_2634 = arith.select %gt3A_2633, %get3A_2632, %select_n3A_2619 : vector<8x512xi1>, vector<8x512xf32>
    %jit3A_2635 = arith.constant 1.600000e+01 : f32
    %broadcast_in_dim3A_2636 = vector.broadcast %jit3A_2635 : f32 to vector<8x512xf32>
    %select_n3A_2637 = arith.select %gt3A_2633, %broadcast_in_dim3A_2636, %select_n3A_2622 : vector<8x512xi1>, vector<8x512xf32>
    %eq3A_2638 = arith.constant 16 : i32
    %eq3A_2639 = vector.broadcast %eq3A_2638 : i32 to vector<8x512xi32>
    %eq3A_2640 = arith.cmpi eq, %select_n3A_2387, %eq3A_2639 : vector<8x512xi32>
    %select_n3A_2641 = arith.select %eq3A_2640, %get3A_2632, %select_n3A_2626 : vector<8x512xi1>, vector<8x512xf32>
    %get3A_2642 = arith.constant 0 : index
    %get3A_2643 = arith.constant 17 : index
    %get3A_2644 = arith.constant 40 : index
    %get3A_2645 = arith.constant 0 : index
    %get3A_2646 = vector.load %arg2[%get3A_2642, %get3A_2643, %get3A_2644, %get3A_2645] : memref<1x19x64x512xf32, #tpu.memory_space<vmem>>, vector<1x1x8x512xf32>
    %get3A_2647 = vector.shape_cast %get3A_2646 : vector<1x1x8x512xf32> to vector<8x512xf32>
    %gt3A_2648 = arith.cmpf ogt, %get3A_2647, %select_n3A_2634 : vector<8x512xf32>
    %select_n3A_2649 = arith.select %gt3A_2648, %get3A_2647, %select_n3A_2634 : vector<8x512xi1>, vector<8x512xf32>
    %jit3A_2650 = arith.constant 1.700000e+01 : f32
    %broadcast_in_dim3A_2651 = vector.broadcast %jit3A_2650 : f32 to vector<8x512xf32>
    %select_n3A_2652 = arith.select %gt3A_2648, %broadcast_in_dim3A_2651, %select_n3A_2637 : vector<8x512xi1>, vector<8x512xf32>
    %eq3A_2653 = arith.constant 17 : i32
    %eq3A_2654 = vector.broadcast %eq3A_2653 : i32 to vector<8x512xi32>
    %eq3A_2655 = arith.cmpi eq, %select_n3A_2387, %eq3A_2654 : vector<8x512xi32>
    %select_n3A_2656 = arith.select %eq3A_2655, %get3A_2647, %select_n3A_2641 : vector<8x512xi1>, vector<8x512xf32>
    %get3A_2657 = arith.constant 0 : index
    %get3A_2658 = arith.constant 18 : index
    %get3A_2659 = arith.constant 40 : index
    %get3A_2660 = arith.constant 0 : index
    %get3A_2661 = vector.load %arg2[%get3A_2657, %get3A_2658, %get3A_2659, %get3A_2660] : memref<1x19x64x512xf32, #tpu.memory_space<vmem>>, vector<1x1x8x512xf32>
    %get3A_2662 = vector.shape_cast %get3A_2661 : vector<1x1x8x512xf32> to vector<8x512xf32>
    %gt3A_2663 = arith.cmpf ogt, %get3A_2662, %select_n3A_2649 : vector<8x512xf32>
    %select_n3A_2664 = arith.select %gt3A_2663, %get3A_2662, %select_n3A_2649 : vector<8x512xi1>, vector<8x512xf32>
    %jit3A_2665 = arith.constant 1.800000e+01 : f32
    %broadcast_in_dim3A_2666 = vector.broadcast %jit3A_2665 : f32 to vector<8x512xf32>
    %select_n3A_2667 = arith.select %gt3A_2663, %broadcast_in_dim3A_2666, %select_n3A_2652 : vector<8x512xi1>, vector<8x512xf32>
    %eq3A_2668 = arith.constant 18 : i32
    %eq3A_2669 = vector.broadcast %eq3A_2668 : i32 to vector<8x512xi32>
    %eq3A_2670 = arith.cmpi eq, %select_n3A_2387, %eq3A_2669 : vector<8x512xi32>
    %select_n3A_2671 = arith.select %eq3A_2670, %get3A_2662, %select_n3A_2656 : vector<8x512xi1>, vector<8x512xf32>
    %sub3A_2672 = arith.subf %get3A_2393, %select_n3A_2664 : vector<8x512xf32>
    %exp3A_2673 = math.exp %sub3A_2672 : vector<8x512xf32>
    %get3A_2674 = arith.constant 0 : index
    %get3A_2675 = arith.constant 1 : index
    %get3A_2676 = arith.constant 40 : index
    %get3A_2677 = arith.constant 0 : index
    %get3A_2678 = vector.load %arg2[%get3A_2674, %get3A_2675, %get3A_2676, %get3A_2677] : memref<1x19x64x512xf32, #tpu.memory_space<vmem>>, vector<1x1x8x512xf32>
    %get3A_2679 = vector.shape_cast %get3A_2678 : vector<1x1x8x512xf32> to vector<8x512xf32>
    %sub3A_2680 = arith.subf %get3A_2679, %select_n3A_2664 : vector<8x512xf32>
    %exp3A_2681 = math.exp %sub3A_2680 : vector<8x512xf32>
    %add3A_2682 = arith.addf %exp3A_2673, %exp3A_2681 : vector<8x512xf32>
    %get3A_2683 = arith.constant 0 : index
    %get3A_2684 = arith.constant 2 : index
    %get3A_2685 = arith.constant 40 : index
    %get3A_2686 = arith.constant 0 : index
    %get3A_2687 = vector.load %arg2[%get3A_2683, %get3A_2684, %get3A_2685, %get3A_2686] : memref<1x19x64x512xf32, #tpu.memory_space<vmem>>, vector<1x1x8x512xf32>
    %get3A_2688 = vector.shape_cast %get3A_2687 : vector<1x1x8x512xf32> to vector<8x512xf32>
    %sub3A_2689 = arith.subf %get3A_2688, %select_n3A_2664 : vector<8x512xf32>
    %exp3A_2690 = math.exp %sub3A_2689 : vector<8x512xf32>
    %add3A_2691 = arith.addf %add3A_2682, %exp3A_2690 : vector<8x512xf32>
    %get3A_2692 = arith.constant 0 : index
    %get3A_2693 = arith.constant 3 : index
    %get3A_2694 = arith.constant 40 : index
    %get3A_2695 = arith.constant 0 : index
    %get3A_2696 = vector.load %arg2[%get3A_2692, %get3A_2693, %get3A_2694, %get3A_2695] : memref<1x19x64x512xf32, #tpu.memory_space<vmem>>, vector<1x1x8x512xf32>
    %get3A_2697 = vector.shape_cast %get3A_2696 : vector<1x1x8x512xf32> to vector<8x512xf32>
    %sub3A_2698 = arith.subf %get3A_2697, %select_n3A_2664 : vector<8x512xf32>
    %exp3A_2699 = math.exp %sub3A_2698 : vector<8x512xf32>
    %add3A_2700 = arith.addf %add3A_2691, %exp3A_2699 : vector<8x512xf32>
    %get3A_2701 = arith.constant 0 : index
    %get3A_2702 = arith.constant 4 : index
    %get3A_2703 = arith.constant 40 : index
    %get3A_2704 = arith.constant 0 : index
    %get3A_2705 = vector.load %arg2[%get3A_2701, %get3A_2702, %get3A_2703, %get3A_2704] : memref<1x19x64x512xf32, #tpu.memory_space<vmem>>, vector<1x1x8x512xf32>
    %get3A_2706 = vector.shape_cast %get3A_2705 : vector<1x1x8x512xf32> to vector<8x512xf32>
    %sub3A_2707 = arith.subf %get3A_2706, %select_n3A_2664 : vector<8x512xf32>
    %exp3A_2708 = math.exp %sub3A_2707 : vector<8x512xf32>
    %add3A_2709 = arith.addf %add3A_2700, %exp3A_2708 : vector<8x512xf32>
    %get3A_2710 = arith.constant 0 : index
    %get3A_2711 = arith.constant 5 : index
    %get3A_2712 = arith.constant 40 : index
    %get3A_2713 = arith.constant 0 : index
    %get3A_2714 = vector.load %arg2[%get3A_2710, %get3A_2711, %get3A_2712, %get3A_2713] : memref<1x19x64x512xf32, #tpu.memory_space<vmem>>, vector<1x1x8x512xf32>
    %get3A_2715 = vector.shape_cast %get3A_2714 : vector<1x1x8x512xf32> to vector<8x512xf32>
    %sub3A_2716 = arith.subf %get3A_2715, %select_n3A_2664 : vector<8x512xf32>
    %exp3A_2717 = math.exp %sub3A_2716 : vector<8x512xf32>
    %add3A_2718 = arith.addf %add3A_2709, %exp3A_2717 : vector<8x512xf32>
    %get3A_2719 = arith.constant 0 : index
    %get3A_2720 = arith.constant 6 : index
    %get3A_2721 = arith.constant 40 : index
    %get3A_2722 = arith.constant 0 : index
    %get3A_2723 = vector.load %arg2[%get3A_2719, %get3A_2720, %get3A_2721, %get3A_2722] : memref<1x19x64x512xf32, #tpu.memory_space<vmem>>, vector<1x1x8x512xf32>
    %get3A_2724 = vector.shape_cast %get3A_2723 : vector<1x1x8x512xf32> to vector<8x512xf32>
    %sub3A_2725 = arith.subf %get3A_2724, %select_n3A_2664 : vector<8x512xf32>
    %exp3A_2726 = math.exp %sub3A_2725 : vector<8x512xf32>
    %add3A_2727 = arith.addf %add3A_2718, %exp3A_2726 : vector<8x512xf32>
    %get3A_2728 = arith.constant 0 : index
    %get3A_2729 = arith.constant 7 : index
    %get3A_2730 = arith.constant 40 : index
    %get3A_2731 = arith.constant 0 : index
    %get3A_2732 = vector.load %arg2[%get3A_2728, %get3A_2729, %get3A_2730, %get3A_2731] : memref<1x19x64x512xf32, #tpu.memory_space<vmem>>, vector<1x1x8x512xf32>
    %get3A_2733 = vector.shape_cast %get3A_2732 : vector<1x1x8x512xf32> to vector<8x512xf32>
    %sub3A_2734 = arith.subf %get3A_2733, %select_n3A_2664 : vector<8x512xf32>
    %exp3A_2735 = math.exp %sub3A_2734 : vector<8x512xf32>
    %add3A_2736 = arith.addf %add3A_2727, %exp3A_2735 : vector<8x512xf32>
    %get3A_2737 = arith.constant 0 : index
    %get3A_2738 = arith.constant 8 : index
    %get3A_2739 = arith.constant 40 : index
    %get3A_2740 = arith.constant 0 : index
    %get3A_2741 = vector.load %arg2[%get3A_2737, %get3A_2738, %get3A_2739, %get3A_2740] : memref<1x19x64x512xf32, #tpu.memory_space<vmem>>, vector<1x1x8x512xf32>
    %get3A_2742 = vector.shape_cast %get3A_2741 : vector<1x1x8x512xf32> to vector<8x512xf32>
    %sub3A_2743 = arith.subf %get3A_2742, %select_n3A_2664 : vector<8x512xf32>
    %exp3A_2744 = math.exp %sub3A_2743 : vector<8x512xf32>
    %add3A_2745 = arith.addf %add3A_2736, %exp3A_2744 : vector<8x512xf32>
    %get3A_2746 = arith.constant 0 : index
    %get3A_2747 = arith.constant 9 : index
    %get3A_2748 = arith.constant 40 : index
    %get3A_2749 = arith.constant 0 : index
    %get3A_2750 = vector.load %arg2[%get3A_2746, %get3A_2747, %get3A_2748, %get3A_2749] : memref<1x19x64x512xf32, #tpu.memory_space<vmem>>, vector<1x1x8x512xf32>
    %get3A_2751 = vector.shape_cast %get3A_2750 : vector<1x1x8x512xf32> to vector<8x512xf32>
    %sub3A_2752 = arith.subf %get3A_2751, %select_n3A_2664 : vector<8x512xf32>
    %exp3A_2753 = math.exp %sub3A_2752 : vector<8x512xf32>
    %add3A_2754 = arith.addf %add3A_2745, %exp3A_2753 : vector<8x512xf32>
    %get3A_2755 = arith.constant 0 : index
    %get3A_2756 = arith.constant 10 : index
    %get3A_2757 = arith.constant 40 : index
    %get3A_2758 = arith.constant 0 : index
    %get3A_2759 = vector.load %arg2[%get3A_2755, %get3A_2756, %get3A_2757, %get3A_2758] : memref<1x19x64x512xf32, #tpu.memory_space<vmem>>, vector<1x1x8x512xf32>
    %get3A_2760 = vector.shape_cast %get3A_2759 : vector<1x1x8x512xf32> to vector<8x512xf32>
    %sub3A_2761 = arith.subf %get3A_2760, %select_n3A_2664 : vector<8x512xf32>
    %exp3A_2762 = math.exp %sub3A_2761 : vector<8x512xf32>
    %add3A_2763 = arith.addf %add3A_2754, %exp3A_2762 : vector<8x512xf32>
    %get3A_2764 = arith.constant 0 : index
    %get3A_2765 = arith.constant 11 : index
    %get3A_2766 = arith.constant 40 : index
    %get3A_2767 = arith.constant 0 : index
    %get3A_2768 = vector.load %arg2[%get3A_2764, %get3A_2765, %get3A_2766, %get3A_2767] : memref<1x19x64x512xf32, #tpu.memory_space<vmem>>, vector<1x1x8x512xf32>
    %get3A_2769 = vector.shape_cast %get3A_2768 : vector<1x1x8x512xf32> to vector<8x512xf32>
    %sub3A_2770 = arith.subf %get3A_2769, %select_n3A_2664 : vector<8x512xf32>
    %exp3A_2771 = math.exp %sub3A_2770 : vector<8x512xf32>
    %add3A_2772 = arith.addf %add3A_2763, %exp3A_2771 : vector<8x512xf32>
    %get3A_2773 = arith.constant 0 : index
    %get3A_2774 = arith.constant 12 : index
    %get3A_2775 = arith.constant 40 : index
    %get3A_2776 = arith.constant 0 : index
    %get3A_2777 = vector.load %arg2[%get3A_2773, %get3A_2774, %get3A_2775, %get3A_2776] : memref<1x19x64x512xf32, #tpu.memory_space<vmem>>, vector<1x1x8x512xf32>
    %get3A_2778 = vector.shape_cast %get3A_2777 : vector<1x1x8x512xf32> to vector<8x512xf32>
    %sub3A_2779 = arith.subf %get3A_2778, %select_n3A_2664 : vector<8x512xf32>
    %exp3A_2780 = math.exp %sub3A_2779 : vector<8x512xf32>
    %add3A_2781 = arith.addf %add3A_2772, %exp3A_2780 : vector<8x512xf32>
    %get3A_2782 = arith.constant 0 : index
    %get3A_2783 = arith.constant 13 : index
    %get3A_2784 = arith.constant 40 : index
    %get3A_2785 = arith.constant 0 : index
    %get3A_2786 = vector.load %arg2[%get3A_2782, %get3A_2783, %get3A_2784, %get3A_2785] : memref<1x19x64x512xf32, #tpu.memory_space<vmem>>, vector<1x1x8x512xf32>
    %get3A_2787 = vector.shape_cast %get3A_2786 : vector<1x1x8x512xf32> to vector<8x512xf32>
    %sub3A_2788 = arith.subf %get3A_2787, %select_n3A_2664 : vector<8x512xf32>
    %exp3A_2789 = math.exp %sub3A_2788 : vector<8x512xf32>
    %add3A_2790 = arith.addf %add3A_2781, %exp3A_2789 : vector<8x512xf32>
    %get3A_2791 = arith.constant 0 : index
    %get3A_2792 = arith.constant 14 : index
    %get3A_2793 = arith.constant 40 : index
    %get3A_2794 = arith.constant 0 : index
    %get3A_2795 = vector.load %arg2[%get3A_2791, %get3A_2792, %get3A_2793, %get3A_2794] : memref<1x19x64x512xf32, #tpu.memory_space<vmem>>, vector<1x1x8x512xf32>
    %get3A_2796 = vector.shape_cast %get3A_2795 : vector<1x1x8x512xf32> to vector<8x512xf32>
    %sub3A_2797 = arith.subf %get3A_2796, %select_n3A_2664 : vector<8x512xf32>
    %exp3A_2798 = math.exp %sub3A_2797 : vector<8x512xf32>
    %add3A_2799 = arith.addf %add3A_2790, %exp3A_2798 : vector<8x512xf32>
    %get3A_2800 = arith.constant 0 : index
    %get3A_2801 = arith.constant 15 : index
    %get3A_2802 = arith.constant 40 : index
    %get3A_2803 = arith.constant 0 : index
    %get3A_2804 = vector.load %arg2[%get3A_2800, %get3A_2801, %get3A_2802, %get3A_2803] : memref<1x19x64x512xf32, #tpu.memory_space<vmem>>, vector<1x1x8x512xf32>
    %get3A_2805 = vector.shape_cast %get3A_2804 : vector<1x1x8x512xf32> to vector<8x512xf32>
    %sub3A_2806 = arith.subf %get3A_2805, %select_n3A_2664 : vector<8x512xf32>
    %exp3A_2807 = math.exp %sub3A_2806 : vector<8x512xf32>
    %add3A_2808 = arith.addf %add3A_2799, %exp3A_2807 : vector<8x512xf32>
    %get3A_2809 = arith.constant 0 : index
    %get3A_2810 = arith.constant 16 : index
    %get3A_2811 = arith.constant 40 : index
    %get3A_2812 = arith.constant 0 : index
    %get3A_2813 = vector.load %arg2[%get3A_2809, %get3A_2810, %get3A_2811, %get3A_2812] : memref<1x19x64x512xf32, #tpu.memory_space<vmem>>, vector<1x1x8x512xf32>
    %get3A_2814 = vector.shape_cast %get3A_2813 : vector<1x1x8x512xf32> to vector<8x512xf32>
    %sub3A_2815 = arith.subf %get3A_2814, %select_n3A_2664 : vector<8x512xf32>
    %exp3A_2816 = math.exp %sub3A_2815 : vector<8x512xf32>
    %add3A_2817 = arith.addf %add3A_2808, %exp3A_2816 : vector<8x512xf32>
    %get3A_2818 = arith.constant 0 : index
    %get3A_2819 = arith.constant 17 : index
    %get3A_2820 = arith.constant 40 : index
    %get3A_2821 = arith.constant 0 : index
    %get3A_2822 = vector.load %arg2[%get3A_2818, %get3A_2819, %get3A_2820, %get3A_2821] : memref<1x19x64x512xf32, #tpu.memory_space<vmem>>, vector<1x1x8x512xf32>
    %get3A_2823 = vector.shape_cast %get3A_2822 : vector<1x1x8x512xf32> to vector<8x512xf32>
    %sub3A_2824 = arith.subf %get3A_2823, %select_n3A_2664 : vector<8x512xf32>
    %exp3A_2825 = math.exp %sub3A_2824 : vector<8x512xf32>
    %add3A_2826 = arith.addf %add3A_2817, %exp3A_2825 : vector<8x512xf32>
    %get3A_2827 = arith.constant 0 : index
    %get3A_2828 = arith.constant 18 : index
    %get3A_2829 = arith.constant 40 : index
    %get3A_2830 = arith.constant 0 : index
    %get3A_2831 = vector.load %arg2[%get3A_2827, %get3A_2828, %get3A_2829, %get3A_2830] : memref<1x19x64x512xf32, #tpu.memory_space<vmem>>, vector<1x1x8x512xf32>
    %get3A_2832 = vector.shape_cast %get3A_2831 : vector<1x1x8x512xf32> to vector<8x512xf32>
    %sub3A_2833 = arith.subf %get3A_2832, %select_n3A_2664 : vector<8x512xf32>
    %exp3A_2834 = math.exp %sub3A_2833 : vector<8x512xf32>
    %add3A_2835 = arith.addf %add3A_2826, %exp3A_2834 : vector<8x512xf32>
    %log3A_2836 = math.log %add3A_2835 : vector<8x512xf32>
    %add3A_2837 = arith.addf %log3A_2836, %select_n3A_2664 : vector<8x512xf32>
    %convert_element_type3A_2838 = arith.extui %ge3A_2384 : vector<8x512xi1> to vector<8x512xi32>
    %convert_element_type3A_2839 = arith.sitofp %convert_element_type3A_2838 : vector<8x512xi32> to vector<8x512xf32>
    %convert_element_type3A_2840 = arith.sitofp %get3A_2381 : vector<8x512xi32> to vector<8x512xf32>
    %sub3A_2841 = arith.subf %add3A_2837, %select_n3A_2671 : vector<8x512xf32>
    %jit3A_2842 = arith.constant 0.000000e+00 : f32
    %broadcast_in_dim3A_2843 = vector.broadcast %jit3A_2842 : f32 to vector<8x512xf32>
    %select_n3A_2844 = arith.select %ge3A_2384, %sub3A_2841, %broadcast_in_dim3A_2843 : vector<8x512xi1>, vector<8x512xf32>
    %add3A_2845 = arith.addf %add3A_2369, %select_n3A_2844 : vector<8x512xf32>
    %add3A_2846 = arith.addf %add3A_2370, %convert_element_type3A_2839 : vector<8x512xf32>
    %mul3A_2847 = arith.mulf %select_n3A_2667, %convert_element_type3A_2840 : vector<8x512xf32>
    %add3A_2848 = arith.addf %add3A_2372, %mul3A_2847 : vector<8x512xf32>
    %mul3A_2849 = arith.mulf %select_n3A_2667, %select_n3A_2667 : vector<8x512xf32>
    %add3A_2850 = arith.addf %add3A_2374, %mul3A_2849 : vector<8x512xf32>
    %mul3A_2851 = arith.mulf %convert_element_type3A_2840, %convert_element_type3A_2840 : vector<8x512xf32>
    %add3A_2852 = arith.addf %add3A_2376, %mul3A_2851 : vector<8x512xf32>
    %get3A_2853 = arith.constant 0 : index
    %get3A_2854 = arith.constant 48 : index
    %get3A_2855 = arith.constant 0 : index
    %get3A_2856 = vector.load %arg3[%get3A_2853, %get3A_2854, %get3A_2855] : memref<1x64x512xi32, #tpu.memory_space<vmem>>, vector<1x8x512xi32>
    %get3A_2857 = vector.shape_cast %get3A_2856 : vector<1x8x512xi32> to vector<8x512xi32>
    %ge3A_2858 = arith.constant 0 : i32
    %ge3A_2859 = vector.broadcast %ge3A_2858 : i32 to vector<8x512xi32>
    %ge3A_2860 = arith.cmpi sge, %get3A_2857, %ge3A_2859 : vector<8x512xi32>
    %jit3A_2861 = arith.constant 0 : i32
    %broadcast_in_dim3A_2862 = vector.broadcast %jit3A_2861 : i32 to vector<8x512xi32>
    %select_n3A_2863 = arith.select %ge3A_2860, %get3A_2857, %broadcast_in_dim3A_2862 : vector<8x512xi1>, vector<8x512xi32>
    %get3A_2864 = arith.constant 0 : index
    %get3A_2865 = arith.constant 0 : index
    %get3A_2866 = arith.constant 48 : index
    %get3A_2867 = arith.constant 0 : index
    %get3A_2868 = vector.load %arg2[%get3A_2864, %get3A_2865, %get3A_2866, %get3A_2867] : memref<1x19x64x512xf32, #tpu.memory_space<vmem>>, vector<1x1x8x512xf32>
    %get3A_2869 = vector.shape_cast %get3A_2868 : vector<1x1x8x512xf32> to vector<8x512xf32>
    %broadcast_in_dim3A_2870 = arith.constant 0.000000e+00 : f32
    %broadcast_in_dim3A_2871 = vector.broadcast %broadcast_in_dim3A_2870 : f32 to vector<8x512xf32>
    %eq3A_2872 = arith.constant 0 : i32
    %eq3A_2873 = vector.broadcast %eq3A_2872 : i32 to vector<8x512xi32>
    %eq3A_2874 = arith.cmpi eq, %select_n3A_2863, %eq3A_2873 : vector<8x512xi32>
    %jit3A_2875 = arith.constant 0.000000e+00 : f32
    %broadcast_in_dim3A_2876 = vector.broadcast %jit3A_2875 : f32 to vector<8x512xf32>
    %select_n3A_2877 = arith.select %eq3A_2874, %get3A_2869, %broadcast_in_dim3A_2876 : vector<8x512xi1>, vector<8x512xf32>
    %get3A_2878 = arith.constant 0 : index
    %get3A_2879 = arith.constant 1 : index
    %get3A_2880 = arith.constant 48 : index
    %get3A_2881 = arith.constant 0 : index
    %get3A_2882 = vector.load %arg2[%get3A_2878, %get3A_2879, %get3A_2880, %get3A_2881] : memref<1x19x64x512xf32, #tpu.memory_space<vmem>>, vector<1x1x8x512xf32>
    %get3A_2883 = vector.shape_cast %get3A_2882 : vector<1x1x8x512xf32> to vector<8x512xf32>
    %gt3A_2884 = arith.cmpf ogt, %get3A_2883, %get3A_2869 : vector<8x512xf32>
    %select_n3A_2885 = arith.select %gt3A_2884, %get3A_2883, %get3A_2869 : vector<8x512xi1>, vector<8x512xf32>
    %jit3A_2886 = arith.constant 1.000000e+00 : f32
    %broadcast_in_dim3A_2887 = vector.broadcast %jit3A_2886 : f32 to vector<8x512xf32>
    %select_n3A_2888 = arith.select %gt3A_2884, %broadcast_in_dim3A_2887, %broadcast_in_dim3A_2871 : vector<8x512xi1>, vector<8x512xf32>
    %eq3A_2889 = arith.constant 1 : i32
    %eq3A_2890 = vector.broadcast %eq3A_2889 : i32 to vector<8x512xi32>
    %eq3A_2891 = arith.cmpi eq, %select_n3A_2863, %eq3A_2890 : vector<8x512xi32>
    %select_n3A_2892 = arith.select %eq3A_2891, %get3A_2883, %select_n3A_2877 : vector<8x512xi1>, vector<8x512xf32>
    %get3A_2893 = arith.constant 0 : index
    %get3A_2894 = arith.constant 2 : index
    %get3A_2895 = arith.constant 48 : index
    %get3A_2896 = arith.constant 0 : index
    %get3A_2897 = vector.load %arg2[%get3A_2893, %get3A_2894, %get3A_2895, %get3A_2896] : memref<1x19x64x512xf32, #tpu.memory_space<vmem>>, vector<1x1x8x512xf32>
    %get3A_2898 = vector.shape_cast %get3A_2897 : vector<1x1x8x512xf32> to vector<8x512xf32>
    %gt3A_2899 = arith.cmpf ogt, %get3A_2898, %select_n3A_2885 : vector<8x512xf32>
    %select_n3A_2900 = arith.select %gt3A_2899, %get3A_2898, %select_n3A_2885 : vector<8x512xi1>, vector<8x512xf32>
    %jit3A_2901 = arith.constant 2.000000e+00 : f32
    %broadcast_in_dim3A_2902 = vector.broadcast %jit3A_2901 : f32 to vector<8x512xf32>
    %select_n3A_2903 = arith.select %gt3A_2899, %broadcast_in_dim3A_2902, %select_n3A_2888 : vector<8x512xi1>, vector<8x512xf32>
    %eq3A_2904 = arith.constant 2 : i32
    %eq3A_2905 = vector.broadcast %eq3A_2904 : i32 to vector<8x512xi32>
    %eq3A_2906 = arith.cmpi eq, %select_n3A_2863, %eq3A_2905 : vector<8x512xi32>
    %select_n3A_2907 = arith.select %eq3A_2906, %get3A_2898, %select_n3A_2892 : vector<8x512xi1>, vector<8x512xf32>
    %get3A_2908 = arith.constant 0 : index
    %get3A_2909 = arith.constant 3 : index
    %get3A_2910 = arith.constant 48 : index
    %get3A_2911 = arith.constant 0 : index
    %get3A_2912 = vector.load %arg2[%get3A_2908, %get3A_2909, %get3A_2910, %get3A_2911] : memref<1x19x64x512xf32, #tpu.memory_space<vmem>>, vector<1x1x8x512xf32>
    %get3A_2913 = vector.shape_cast %get3A_2912 : vector<1x1x8x512xf32> to vector<8x512xf32>
    %gt3A_2914 = arith.cmpf ogt, %get3A_2913, %select_n3A_2900 : vector<8x512xf32>
    %select_n3A_2915 = arith.select %gt3A_2914, %get3A_2913, %select_n3A_2900 : vector<8x512xi1>, vector<8x512xf32>
    %jit3A_2916 = arith.constant 3.000000e+00 : f32
    %broadcast_in_dim3A_2917 = vector.broadcast %jit3A_2916 : f32 to vector<8x512xf32>
    %select_n3A_2918 = arith.select %gt3A_2914, %broadcast_in_dim3A_2917, %select_n3A_2903 : vector<8x512xi1>, vector<8x512xf32>
    %eq3A_2919 = arith.constant 3 : i32
    %eq3A_2920 = vector.broadcast %eq3A_2919 : i32 to vector<8x512xi32>
    %eq3A_2921 = arith.cmpi eq, %select_n3A_2863, %eq3A_2920 : vector<8x512xi32>
    %select_n3A_2922 = arith.select %eq3A_2921, %get3A_2913, %select_n3A_2907 : vector<8x512xi1>, vector<8x512xf32>
    %get3A_2923 = arith.constant 0 : index
    %get3A_2924 = arith.constant 4 : index
    %get3A_2925 = arith.constant 48 : index
    %get3A_2926 = arith.constant 0 : index
    %get3A_2927 = vector.load %arg2[%get3A_2923, %get3A_2924, %get3A_2925, %get3A_2926] : memref<1x19x64x512xf32, #tpu.memory_space<vmem>>, vector<1x1x8x512xf32>
    %get3A_2928 = vector.shape_cast %get3A_2927 : vector<1x1x8x512xf32> to vector<8x512xf32>
    %gt3A_2929 = arith.cmpf ogt, %get3A_2928, %select_n3A_2915 : vector<8x512xf32>
    %select_n3A_2930 = arith.select %gt3A_2929, %get3A_2928, %select_n3A_2915 : vector<8x512xi1>, vector<8x512xf32>
    %jit3A_2931 = arith.constant 4.000000e+00 : f32
    %broadcast_in_dim3A_2932 = vector.broadcast %jit3A_2931 : f32 to vector<8x512xf32>
    %select_n3A_2933 = arith.select %gt3A_2929, %broadcast_in_dim3A_2932, %select_n3A_2918 : vector<8x512xi1>, vector<8x512xf32>
    %eq3A_2934 = arith.constant 4 : i32
    %eq3A_2935 = vector.broadcast %eq3A_2934 : i32 to vector<8x512xi32>
    %eq3A_2936 = arith.cmpi eq, %select_n3A_2863, %eq3A_2935 : vector<8x512xi32>
    %select_n3A_2937 = arith.select %eq3A_2936, %get3A_2928, %select_n3A_2922 : vector<8x512xi1>, vector<8x512xf32>
    %get3A_2938 = arith.constant 0 : index
    %get3A_2939 = arith.constant 5 : index
    %get3A_2940 = arith.constant 48 : index
    %get3A_2941 = arith.constant 0 : index
    %get3A_2942 = vector.load %arg2[%get3A_2938, %get3A_2939, %get3A_2940, %get3A_2941] : memref<1x19x64x512xf32, #tpu.memory_space<vmem>>, vector<1x1x8x512xf32>
    %get3A_2943 = vector.shape_cast %get3A_2942 : vector<1x1x8x512xf32> to vector<8x512xf32>
    %gt3A_2944 = arith.cmpf ogt, %get3A_2943, %select_n3A_2930 : vector<8x512xf32>
    %select_n3A_2945 = arith.select %gt3A_2944, %get3A_2943, %select_n3A_2930 : vector<8x512xi1>, vector<8x512xf32>
    %jit3A_2946 = arith.constant 5.000000e+00 : f32
    %broadcast_in_dim3A_2947 = vector.broadcast %jit3A_2946 : f32 to vector<8x512xf32>
    %select_n3A_2948 = arith.select %gt3A_2944, %broadcast_in_dim3A_2947, %select_n3A_2933 : vector<8x512xi1>, vector<8x512xf32>
    %eq3A_2949 = arith.constant 5 : i32
    %eq3A_2950 = vector.broadcast %eq3A_2949 : i32 to vector<8x512xi32>
    %eq3A_2951 = arith.cmpi eq, %select_n3A_2863, %eq3A_2950 : vector<8x512xi32>
    %select_n3A_2952 = arith.select %eq3A_2951, %get3A_2943, %select_n3A_2937 : vector<8x512xi1>, vector<8x512xf32>
    %get3A_2953 = arith.constant 0 : index
    %get3A_2954 = arith.constant 6 : index
    %get3A_2955 = arith.constant 48 : index
    %get3A_2956 = arith.constant 0 : index
    %get3A_2957 = vector.load %arg2[%get3A_2953, %get3A_2954, %get3A_2955, %get3A_2956] : memref<1x19x64x512xf32, #tpu.memory_space<vmem>>, vector<1x1x8x512xf32>
    %get3A_2958 = vector.shape_cast %get3A_2957 : vector<1x1x8x512xf32> to vector<8x512xf32>
    %gt3A_2959 = arith.cmpf ogt, %get3A_2958, %select_n3A_2945 : vector<8x512xf32>
    %select_n3A_2960 = arith.select %gt3A_2959, %get3A_2958, %select_n3A_2945 : vector<8x512xi1>, vector<8x512xf32>
    %jit3A_2961 = arith.constant 6.000000e+00 : f32
    %broadcast_in_dim3A_2962 = vector.broadcast %jit3A_2961 : f32 to vector<8x512xf32>
    %select_n3A_2963 = arith.select %gt3A_2959, %broadcast_in_dim3A_2962, %select_n3A_2948 : vector<8x512xi1>, vector<8x512xf32>
    %eq3A_2964 = arith.constant 6 : i32
    %eq3A_2965 = vector.broadcast %eq3A_2964 : i32 to vector<8x512xi32>
    %eq3A_2966 = arith.cmpi eq, %select_n3A_2863, %eq3A_2965 : vector<8x512xi32>
    %select_n3A_2967 = arith.select %eq3A_2966, %get3A_2958, %select_n3A_2952 : vector<8x512xi1>, vector<8x512xf32>
    %get3A_2968 = arith.constant 0 : index
    %get3A_2969 = arith.constant 7 : index
    %get3A_2970 = arith.constant 48 : index
    %get3A_2971 = arith.constant 0 : index
    %get3A_2972 = vector.load %arg2[%get3A_2968, %get3A_2969, %get3A_2970, %get3A_2971] : memref<1x19x64x512xf32, #tpu.memory_space<vmem>>, vector<1x1x8x512xf32>
    %get3A_2973 = vector.shape_cast %get3A_2972 : vector<1x1x8x512xf32> to vector<8x512xf32>
    %gt3A_2974 = arith.cmpf ogt, %get3A_2973, %select_n3A_2960 : vector<8x512xf32>
    %select_n3A_2975 = arith.select %gt3A_2974, %get3A_2973, %select_n3A_2960 : vector<8x512xi1>, vector<8x512xf32>
    %jit3A_2976 = arith.constant 7.000000e+00 : f32
    %broadcast_in_dim3A_2977 = vector.broadcast %jit3A_2976 : f32 to vector<8x512xf32>
    %select_n3A_2978 = arith.select %gt3A_2974, %broadcast_in_dim3A_2977, %select_n3A_2963 : vector<8x512xi1>, vector<8x512xf32>
    %eq3A_2979 = arith.constant 7 : i32
    %eq3A_2980 = vector.broadcast %eq3A_2979 : i32 to vector<8x512xi32>
    %eq3A_2981 = arith.cmpi eq, %select_n3A_2863, %eq3A_2980 : vector<8x512xi32>
    %select_n3A_2982 = arith.select %eq3A_2981, %get3A_2973, %select_n3A_2967 : vector<8x512xi1>, vector<8x512xf32>
    %get3A_2983 = arith.constant 0 : index
    %get3A_2984 = arith.constant 8 : index
    %get3A_2985 = arith.constant 48 : index
    %get3A_2986 = arith.constant 0 : index
    %get3A_2987 = vector.load %arg2[%get3A_2983, %get3A_2984, %get3A_2985, %get3A_2986] : memref<1x19x64x512xf32, #tpu.memory_space<vmem>>, vector<1x1x8x512xf32>
    %get3A_2988 = vector.shape_cast %get3A_2987 : vector<1x1x8x512xf32> to vector<8x512xf32>
    %gt3A_2989 = arith.cmpf ogt, %get3A_2988, %select_n3A_2975 : vector<8x512xf32>
    %select_n3A_2990 = arith.select %gt3A_2989, %get3A_2988, %select_n3A_2975 : vector<8x512xi1>, vector<8x512xf32>
    %jit3A_2991 = arith.constant 8.000000e+00 : f32
    %broadcast_in_dim3A_2992 = vector.broadcast %jit3A_2991 : f32 to vector<8x512xf32>
    %select_n3A_2993 = arith.select %gt3A_2989, %broadcast_in_dim3A_2992, %select_n3A_2978 : vector<8x512xi1>, vector<8x512xf32>
    %eq3A_2994 = arith.constant 8 : i32
    %eq3A_2995 = vector.broadcast %eq3A_2994 : i32 to vector<8x512xi32>
    %eq3A_2996 = arith.cmpi eq, %select_n3A_2863, %eq3A_2995 : vector<8x512xi32>
    %select_n3A_2997 = arith.select %eq3A_2996, %get3A_2988, %select_n3A_2982 : vector<8x512xi1>, vector<8x512xf32>
    %get3A_2998 = arith.constant 0 : index
    %get3A_2999 = arith.constant 9 : index
    %get3A_3000 = arith.constant 48 : index
    %get3A_3001 = arith.constant 0 : index
    %get3A_3002 = vector.load %arg2[%get3A_2998, %get3A_2999, %get3A_3000, %get3A_3001] : memref<1x19x64x512xf32, #tpu.memory_space<vmem>>, vector<1x1x8x512xf32>
    %get3A_3003 = vector.shape_cast %get3A_3002 : vector<1x1x8x512xf32> to vector<8x512xf32>
    %gt3A_3004 = arith.cmpf ogt, %get3A_3003, %select_n3A_2990 : vector<8x512xf32>
    %select_n3A_3005 = arith.select %gt3A_3004, %get3A_3003, %select_n3A_2990 : vector<8x512xi1>, vector<8x512xf32>
    %jit3A_3006 = arith.constant 9.000000e+00 : f32
    %broadcast_in_dim3A_3007 = vector.broadcast %jit3A_3006 : f32 to vector<8x512xf32>
    %select_n3A_3008 = arith.select %gt3A_3004, %broadcast_in_dim3A_3007, %select_n3A_2993 : vector<8x512xi1>, vector<8x512xf32>
    %eq3A_3009 = arith.constant 9 : i32
    %eq3A_3010 = vector.broadcast %eq3A_3009 : i32 to vector<8x512xi32>
    %eq3A_3011 = arith.cmpi eq, %select_n3A_2863, %eq3A_3010 : vector<8x512xi32>
    %select_n3A_3012 = arith.select %eq3A_3011, %get3A_3003, %select_n3A_2997 : vector<8x512xi1>, vector<8x512xf32>
    %get3A_3013 = arith.constant 0 : index
    %get3A_3014 = arith.constant 10 : index
    %get3A_3015 = arith.constant 48 : index
    %get3A_3016 = arith.constant 0 : index
    %get3A_3017 = vector.load %arg2[%get3A_3013, %get3A_3014, %get3A_3015, %get3A_3016] : memref<1x19x64x512xf32, #tpu.memory_space<vmem>>, vector<1x1x8x512xf32>
    %get3A_3018 = vector.shape_cast %get3A_3017 : vector<1x1x8x512xf32> to vector<8x512xf32>
    %gt3A_3019 = arith.cmpf ogt, %get3A_3018, %select_n3A_3005 : vector<8x512xf32>
    %select_n3A_3020 = arith.select %gt3A_3019, %get3A_3018, %select_n3A_3005 : vector<8x512xi1>, vector<8x512xf32>
    %jit3A_3021 = arith.constant 1.000000e+01 : f32
    %broadcast_in_dim3A_3022 = vector.broadcast %jit3A_3021 : f32 to vector<8x512xf32>
    %select_n3A_3023 = arith.select %gt3A_3019, %broadcast_in_dim3A_3022, %select_n3A_3008 : vector<8x512xi1>, vector<8x512xf32>
    %eq3A_3024 = arith.constant 10 : i32
    %eq3A_3025 = vector.broadcast %eq3A_3024 : i32 to vector<8x512xi32>
    %eq3A_3026 = arith.cmpi eq, %select_n3A_2863, %eq3A_3025 : vector<8x512xi32>
    %select_n3A_3027 = arith.select %eq3A_3026, %get3A_3018, %select_n3A_3012 : vector<8x512xi1>, vector<8x512xf32>
    %get3A_3028 = arith.constant 0 : index
    %get3A_3029 = arith.constant 11 : index
    %get3A_3030 = arith.constant 48 : index
    %get3A_3031 = arith.constant 0 : index
    %get3A_3032 = vector.load %arg2[%get3A_3028, %get3A_3029, %get3A_3030, %get3A_3031] : memref<1x19x64x512xf32, #tpu.memory_space<vmem>>, vector<1x1x8x512xf32>
    %get3A_3033 = vector.shape_cast %get3A_3032 : vector<1x1x8x512xf32> to vector<8x512xf32>
    %gt3A_3034 = arith.cmpf ogt, %get3A_3033, %select_n3A_3020 : vector<8x512xf32>
    %select_n3A_3035 = arith.select %gt3A_3034, %get3A_3033, %select_n3A_3020 : vector<8x512xi1>, vector<8x512xf32>
    %jit3A_3036 = arith.constant 1.100000e+01 : f32
    %broadcast_in_dim3A_3037 = vector.broadcast %jit3A_3036 : f32 to vector<8x512xf32>
    %select_n3A_3038 = arith.select %gt3A_3034, %broadcast_in_dim3A_3037, %select_n3A_3023 : vector<8x512xi1>, vector<8x512xf32>
    %eq3A_3039 = arith.constant 11 : i32
    %eq3A_3040 = vector.broadcast %eq3A_3039 : i32 to vector<8x512xi32>
    %eq3A_3041 = arith.cmpi eq, %select_n3A_2863, %eq3A_3040 : vector<8x512xi32>
    %select_n3A_3042 = arith.select %eq3A_3041, %get3A_3033, %select_n3A_3027 : vector<8x512xi1>, vector<8x512xf32>
    %get3A_3043 = arith.constant 0 : index
    %get3A_3044 = arith.constant 12 : index
    %get3A_3045 = arith.constant 48 : index
    %get3A_3046 = arith.constant 0 : index
    %get3A_3047 = vector.load %arg2[%get3A_3043, %get3A_3044, %get3A_3045, %get3A_3046] : memref<1x19x64x512xf32, #tpu.memory_space<vmem>>, vector<1x1x8x512xf32>
    %get3A_3048 = vector.shape_cast %get3A_3047 : vector<1x1x8x512xf32> to vector<8x512xf32>
    %gt3A_3049 = arith.cmpf ogt, %get3A_3048, %select_n3A_3035 : vector<8x512xf32>
    %select_n3A_3050 = arith.select %gt3A_3049, %get3A_3048, %select_n3A_3035 : vector<8x512xi1>, vector<8x512xf32>
    %jit3A_3051 = arith.constant 1.200000e+01 : f32
    %broadcast_in_dim3A_3052 = vector.broadcast %jit3A_3051 : f32 to vector<8x512xf32>
    %select_n3A_3053 = arith.select %gt3A_3049, %broadcast_in_dim3A_3052, %select_n3A_3038 : vector<8x512xi1>, vector<8x512xf32>
    %eq3A_3054 = arith.constant 12 : i32
    %eq3A_3055 = vector.broadcast %eq3A_3054 : i32 to vector<8x512xi32>
    %eq3A_3056 = arith.cmpi eq, %select_n3A_2863, %eq3A_3055 : vector<8x512xi32>
    %select_n3A_3057 = arith.select %eq3A_3056, %get3A_3048, %select_n3A_3042 : vector<8x512xi1>, vector<8x512xf32>
    %get3A_3058 = arith.constant 0 : index
    %get3A_3059 = arith.constant 13 : index
    %get3A_3060 = arith.constant 48 : index
    %get3A_3061 = arith.constant 0 : index
    %get3A_3062 = vector.load %arg2[%get3A_3058, %get3A_3059, %get3A_3060, %get3A_3061] : memref<1x19x64x512xf32, #tpu.memory_space<vmem>>, vector<1x1x8x512xf32>
    %get3A_3063 = vector.shape_cast %get3A_3062 : vector<1x1x8x512xf32> to vector<8x512xf32>
    %gt3A_3064 = arith.cmpf ogt, %get3A_3063, %select_n3A_3050 : vector<8x512xf32>
    %select_n3A_3065 = arith.select %gt3A_3064, %get3A_3063, %select_n3A_3050 : vector<8x512xi1>, vector<8x512xf32>
    %jit3A_3066 = arith.constant 1.300000e+01 : f32
    %broadcast_in_dim3A_3067 = vector.broadcast %jit3A_3066 : f32 to vector<8x512xf32>
    %select_n3A_3068 = arith.select %gt3A_3064, %broadcast_in_dim3A_3067, %select_n3A_3053 : vector<8x512xi1>, vector<8x512xf32>
    %eq3A_3069 = arith.constant 13 : i32
    %eq3A_3070 = vector.broadcast %eq3A_3069 : i32 to vector<8x512xi32>
    %eq3A_3071 = arith.cmpi eq, %select_n3A_2863, %eq3A_3070 : vector<8x512xi32>
    %select_n3A_3072 = arith.select %eq3A_3071, %get3A_3063, %select_n3A_3057 : vector<8x512xi1>, vector<8x512xf32>
    %get3A_3073 = arith.constant 0 : index
    %get3A_3074 = arith.constant 14 : index
    %get3A_3075 = arith.constant 48 : index
    %get3A_3076 = arith.constant 0 : index
    %get3A_3077 = vector.load %arg2[%get3A_3073, %get3A_3074, %get3A_3075, %get3A_3076] : memref<1x19x64x512xf32, #tpu.memory_space<vmem>>, vector<1x1x8x512xf32>
    %get3A_3078 = vector.shape_cast %get3A_3077 : vector<1x1x8x512xf32> to vector<8x512xf32>
    %gt3A_3079 = arith.cmpf ogt, %get3A_3078, %select_n3A_3065 : vector<8x512xf32>
    %select_n3A_3080 = arith.select %gt3A_3079, %get3A_3078, %select_n3A_3065 : vector<8x512xi1>, vector<8x512xf32>
    %jit3A_3081 = arith.constant 1.400000e+01 : f32
    %broadcast_in_dim3A_3082 = vector.broadcast %jit3A_3081 : f32 to vector<8x512xf32>
    %select_n3A_3083 = arith.select %gt3A_3079, %broadcast_in_dim3A_3082, %select_n3A_3068 : vector<8x512xi1>, vector<8x512xf32>
    %eq3A_3084 = arith.constant 14 : i32
    %eq3A_3085 = vector.broadcast %eq3A_3084 : i32 to vector<8x512xi32>
    %eq3A_3086 = arith.cmpi eq, %select_n3A_2863, %eq3A_3085 : vector<8x512xi32>
    %select_n3A_3087 = arith.select %eq3A_3086, %get3A_3078, %select_n3A_3072 : vector<8x512xi1>, vector<8x512xf32>
    %get3A_3088 = arith.constant 0 : index
    %get3A_3089 = arith.constant 15 : index
    %get3A_3090 = arith.constant 48 : index
    %get3A_3091 = arith.constant 0 : index
    %get3A_3092 = vector.load %arg2[%get3A_3088, %get3A_3089, %get3A_3090, %get3A_3091] : memref<1x19x64x512xf32, #tpu.memory_space<vmem>>, vector<1x1x8x512xf32>
    %get3A_3093 = vector.shape_cast %get3A_3092 : vector<1x1x8x512xf32> to vector<8x512xf32>
    %gt3A_3094 = arith.cmpf ogt, %get3A_3093, %select_n3A_3080 : vector<8x512xf32>
    %select_n3A_3095 = arith.select %gt3A_3094, %get3A_3093, %select_n3A_3080 : vector<8x512xi1>, vector<8x512xf32>
    %jit3A_3096 = arith.constant 1.500000e+01 : f32
    %broadcast_in_dim3A_3097 = vector.broadcast %jit3A_3096 : f32 to vector<8x512xf32>
    %select_n3A_3098 = arith.select %gt3A_3094, %broadcast_in_dim3A_3097, %select_n3A_3083 : vector<8x512xi1>, vector<8x512xf32>
    %eq3A_3099 = arith.constant 15 : i32
    %eq3A_3100 = vector.broadcast %eq3A_3099 : i32 to vector<8x512xi32>
    %eq3A_3101 = arith.cmpi eq, %select_n3A_2863, %eq3A_3100 : vector<8x512xi32>
    %select_n3A_3102 = arith.select %eq3A_3101, %get3A_3093, %select_n3A_3087 : vector<8x512xi1>, vector<8x512xf32>
    %get3A_3103 = arith.constant 0 : index
    %get3A_3104 = arith.constant 16 : index
    %get3A_3105 = arith.constant 48 : index
    %get3A_3106 = arith.constant 0 : index
    %get3A_3107 = vector.load %arg2[%get3A_3103, %get3A_3104, %get3A_3105, %get3A_3106] : memref<1x19x64x512xf32, #tpu.memory_space<vmem>>, vector<1x1x8x512xf32>
    %get3A_3108 = vector.shape_cast %get3A_3107 : vector<1x1x8x512xf32> to vector<8x512xf32>
    %gt3A_3109 = arith.cmpf ogt, %get3A_3108, %select_n3A_3095 : vector<8x512xf32>
    %select_n3A_3110 = arith.select %gt3A_3109, %get3A_3108, %select_n3A_3095 : vector<8x512xi1>, vector<8x512xf32>
    %jit3A_3111 = arith.constant 1.600000e+01 : f32
    %broadcast_in_dim3A_3112 = vector.broadcast %jit3A_3111 : f32 to vector<8x512xf32>
    %select_n3A_3113 = arith.select %gt3A_3109, %broadcast_in_dim3A_3112, %select_n3A_3098 : vector<8x512xi1>, vector<8x512xf32>
    %eq3A_3114 = arith.constant 16 : i32
    %eq3A_3115 = vector.broadcast %eq3A_3114 : i32 to vector<8x512xi32>
    %eq3A_3116 = arith.cmpi eq, %select_n3A_2863, %eq3A_3115 : vector<8x512xi32>
    %select_n3A_3117 = arith.select %eq3A_3116, %get3A_3108, %select_n3A_3102 : vector<8x512xi1>, vector<8x512xf32>
    %get3A_3118 = arith.constant 0 : index
    %get3A_3119 = arith.constant 17 : index
    %get3A_3120 = arith.constant 48 : index
    %get3A_3121 = arith.constant 0 : index
    %get3A_3122 = vector.load %arg2[%get3A_3118, %get3A_3119, %get3A_3120, %get3A_3121] : memref<1x19x64x512xf32, #tpu.memory_space<vmem>>, vector<1x1x8x512xf32>
    %get3A_3123 = vector.shape_cast %get3A_3122 : vector<1x1x8x512xf32> to vector<8x512xf32>
    %gt3A_3124 = arith.cmpf ogt, %get3A_3123, %select_n3A_3110 : vector<8x512xf32>
    %select_n3A_3125 = arith.select %gt3A_3124, %get3A_3123, %select_n3A_3110 : vector<8x512xi1>, vector<8x512xf32>
    %jit3A_3126 = arith.constant 1.700000e+01 : f32
    %broadcast_in_dim3A_3127 = vector.broadcast %jit3A_3126 : f32 to vector<8x512xf32>
    %select_n3A_3128 = arith.select %gt3A_3124, %broadcast_in_dim3A_3127, %select_n3A_3113 : vector<8x512xi1>, vector<8x512xf32>
    %eq3A_3129 = arith.constant 17 : i32
    %eq3A_3130 = vector.broadcast %eq3A_3129 : i32 to vector<8x512xi32>
    %eq3A_3131 = arith.cmpi eq, %select_n3A_2863, %eq3A_3130 : vector<8x512xi32>
    %select_n3A_3132 = arith.select %eq3A_3131, %get3A_3123, %select_n3A_3117 : vector<8x512xi1>, vector<8x512xf32>
    %get3A_3133 = arith.constant 0 : index
    %get3A_3134 = arith.constant 18 : index
    %get3A_3135 = arith.constant 48 : index
    %get3A_3136 = arith.constant 0 : index
    %get3A_3137 = vector.load %arg2[%get3A_3133, %get3A_3134, %get3A_3135, %get3A_3136] : memref<1x19x64x512xf32, #tpu.memory_space<vmem>>, vector<1x1x8x512xf32>
    %get3A_3138 = vector.shape_cast %get3A_3137 : vector<1x1x8x512xf32> to vector<8x512xf32>
    %gt3A_3139 = arith.cmpf ogt, %get3A_3138, %select_n3A_3125 : vector<8x512xf32>
    %select_n3A_3140 = arith.select %gt3A_3139, %get3A_3138, %select_n3A_3125 : vector<8x512xi1>, vector<8x512xf32>
    %jit3A_3141 = arith.constant 1.800000e+01 : f32
    %broadcast_in_dim3A_3142 = vector.broadcast %jit3A_3141 : f32 to vector<8x512xf32>
    %select_n3A_3143 = arith.select %gt3A_3139, %broadcast_in_dim3A_3142, %select_n3A_3128 : vector<8x512xi1>, vector<8x512xf32>
    %eq3A_3144 = arith.constant 18 : i32
    %eq3A_3145 = vector.broadcast %eq3A_3144 : i32 to vector<8x512xi32>
    %eq3A_3146 = arith.cmpi eq, %select_n3A_2863, %eq3A_3145 : vector<8x512xi32>
    %select_n3A_3147 = arith.select %eq3A_3146, %get3A_3138, %select_n3A_3132 : vector<8x512xi1>, vector<8x512xf32>
    %sub3A_3148 = arith.subf %get3A_2869, %select_n3A_3140 : vector<8x512xf32>
    %exp3A_3149 = math.exp %sub3A_3148 : vector<8x512xf32>
    %get3A_3150 = arith.constant 0 : index
    %get3A_3151 = arith.constant 1 : index
    %get3A_3152 = arith.constant 48 : index
    %get3A_3153 = arith.constant 0 : index
    %get3A_3154 = vector.load %arg2[%get3A_3150, %get3A_3151, %get3A_3152, %get3A_3153] : memref<1x19x64x512xf32, #tpu.memory_space<vmem>>, vector<1x1x8x512xf32>
    %get3A_3155 = vector.shape_cast %get3A_3154 : vector<1x1x8x512xf32> to vector<8x512xf32>
    %sub3A_3156 = arith.subf %get3A_3155, %select_n3A_3140 : vector<8x512xf32>
    %exp3A_3157 = math.exp %sub3A_3156 : vector<8x512xf32>
    %add3A_3158 = arith.addf %exp3A_3149, %exp3A_3157 : vector<8x512xf32>
    %get3A_3159 = arith.constant 0 : index
    %get3A_3160 = arith.constant 2 : index
    %get3A_3161 = arith.constant 48 : index
    %get3A_3162 = arith.constant 0 : index
    %get3A_3163 = vector.load %arg2[%get3A_3159, %get3A_3160, %get3A_3161, %get3A_3162] : memref<1x19x64x512xf32, #tpu.memory_space<vmem>>, vector<1x1x8x512xf32>
    %get3A_3164 = vector.shape_cast %get3A_3163 : vector<1x1x8x512xf32> to vector<8x512xf32>
    %sub3A_3165 = arith.subf %get3A_3164, %select_n3A_3140 : vector<8x512xf32>
    %exp3A_3166 = math.exp %sub3A_3165 : vector<8x512xf32>
    %add3A_3167 = arith.addf %add3A_3158, %exp3A_3166 : vector<8x512xf32>
    %get3A_3168 = arith.constant 0 : index
    %get3A_3169 = arith.constant 3 : index
    %get3A_3170 = arith.constant 48 : index
    %get3A_3171 = arith.constant 0 : index
    %get3A_3172 = vector.load %arg2[%get3A_3168, %get3A_3169, %get3A_3170, %get3A_3171] : memref<1x19x64x512xf32, #tpu.memory_space<vmem>>, vector<1x1x8x512xf32>
    %get3A_3173 = vector.shape_cast %get3A_3172 : vector<1x1x8x512xf32> to vector<8x512xf32>
    %sub3A_3174 = arith.subf %get3A_3173, %select_n3A_3140 : vector<8x512xf32>
    %exp3A_3175 = math.exp %sub3A_3174 : vector<8x512xf32>
    %add3A_3176 = arith.addf %add3A_3167, %exp3A_3175 : vector<8x512xf32>
    %get3A_3177 = arith.constant 0 : index
    %get3A_3178 = arith.constant 4 : index
    %get3A_3179 = arith.constant 48 : index
    %get3A_3180 = arith.constant 0 : index
    %get3A_3181 = vector.load %arg2[%get3A_3177, %get3A_3178, %get3A_3179, %get3A_3180] : memref<1x19x64x512xf32, #tpu.memory_space<vmem>>, vector<1x1x8x512xf32>
    %get3A_3182 = vector.shape_cast %get3A_3181 : vector<1x1x8x512xf32> to vector<8x512xf32>
    %sub3A_3183 = arith.subf %get3A_3182, %select_n3A_3140 : vector<8x512xf32>
    %exp3A_3184 = math.exp %sub3A_3183 : vector<8x512xf32>
    %add3A_3185 = arith.addf %add3A_3176, %exp3A_3184 : vector<8x512xf32>
    %get3A_3186 = arith.constant 0 : index
    %get3A_3187 = arith.constant 5 : index
    %get3A_3188 = arith.constant 48 : index
    %get3A_3189 = arith.constant 0 : index
    %get3A_3190 = vector.load %arg2[%get3A_3186, %get3A_3187, %get3A_3188, %get3A_3189] : memref<1x19x64x512xf32, #tpu.memory_space<vmem>>, vector<1x1x8x512xf32>
    %get3A_3191 = vector.shape_cast %get3A_3190 : vector<1x1x8x512xf32> to vector<8x512xf32>
    %sub3A_3192 = arith.subf %get3A_3191, %select_n3A_3140 : vector<8x512xf32>
    %exp3A_3193 = math.exp %sub3A_3192 : vector<8x512xf32>
    %add3A_3194 = arith.addf %add3A_3185, %exp3A_3193 : vector<8x512xf32>
    %get3A_3195 = arith.constant 0 : index
    %get3A_3196 = arith.constant 6 : index
    %get3A_3197 = arith.constant 48 : index
    %get3A_3198 = arith.constant 0 : index
    %get3A_3199 = vector.load %arg2[%get3A_3195, %get3A_3196, %get3A_3197, %get3A_3198] : memref<1x19x64x512xf32, #tpu.memory_space<vmem>>, vector<1x1x8x512xf32>
    %get3A_3200 = vector.shape_cast %get3A_3199 : vector<1x1x8x512xf32> to vector<8x512xf32>
    %sub3A_3201 = arith.subf %get3A_3200, %select_n3A_3140 : vector<8x512xf32>
    %exp3A_3202 = math.exp %sub3A_3201 : vector<8x512xf32>
    %add3A_3203 = arith.addf %add3A_3194, %exp3A_3202 : vector<8x512xf32>
    %get3A_3204 = arith.constant 0 : index
    %get3A_3205 = arith.constant 7 : index
    %get3A_3206 = arith.constant 48 : index
    %get3A_3207 = arith.constant 0 : index
    %get3A_3208 = vector.load %arg2[%get3A_3204, %get3A_3205, %get3A_3206, %get3A_3207] : memref<1x19x64x512xf32, #tpu.memory_space<vmem>>, vector<1x1x8x512xf32>
    %get3A_3209 = vector.shape_cast %get3A_3208 : vector<1x1x8x512xf32> to vector<8x512xf32>
    %sub3A_3210 = arith.subf %get3A_3209, %select_n3A_3140 : vector<8x512xf32>
    %exp3A_3211 = math.exp %sub3A_3210 : vector<8x512xf32>
    %add3A_3212 = arith.addf %add3A_3203, %exp3A_3211 : vector<8x512xf32>
    %get3A_3213 = arith.constant 0 : index
    %get3A_3214 = arith.constant 8 : index
    %get3A_3215 = arith.constant 48 : index
    %get3A_3216 = arith.constant 0 : index
    %get3A_3217 = vector.load %arg2[%get3A_3213, %get3A_3214, %get3A_3215, %get3A_3216] : memref<1x19x64x512xf32, #tpu.memory_space<vmem>>, vector<1x1x8x512xf32>
    %get3A_3218 = vector.shape_cast %get3A_3217 : vector<1x1x8x512xf32> to vector<8x512xf32>
    %sub3A_3219 = arith.subf %get3A_3218, %select_n3A_3140 : vector<8x512xf32>
    %exp3A_3220 = math.exp %sub3A_3219 : vector<8x512xf32>
    %add3A_3221 = arith.addf %add3A_3212, %exp3A_3220 : vector<8x512xf32>
    %get3A_3222 = arith.constant 0 : index
    %get3A_3223 = arith.constant 9 : index
    %get3A_3224 = arith.constant 48 : index
    %get3A_3225 = arith.constant 0 : index
    %get3A_3226 = vector.load %arg2[%get3A_3222, %get3A_3223, %get3A_3224, %get3A_3225] : memref<1x19x64x512xf32, #tpu.memory_space<vmem>>, vector<1x1x8x512xf32>
    %get3A_3227 = vector.shape_cast %get3A_3226 : vector<1x1x8x512xf32> to vector<8x512xf32>
    %sub3A_3228 = arith.subf %get3A_3227, %select_n3A_3140 : vector<8x512xf32>
    %exp3A_3229 = math.exp %sub3A_3228 : vector<8x512xf32>
    %add3A_3230 = arith.addf %add3A_3221, %exp3A_3229 : vector<8x512xf32>
    %get3A_3231 = arith.constant 0 : index
    %get3A_3232 = arith.constant 10 : index
    %get3A_3233 = arith.constant 48 : index
    %get3A_3234 = arith.constant 0 : index
    %get3A_3235 = vector.load %arg2[%get3A_3231, %get3A_3232, %get3A_3233, %get3A_3234] : memref<1x19x64x512xf32, #tpu.memory_space<vmem>>, vector<1x1x8x512xf32>
    %get3A_3236 = vector.shape_cast %get3A_3235 : vector<1x1x8x512xf32> to vector<8x512xf32>
    %sub3A_3237 = arith.subf %get3A_3236, %select_n3A_3140 : vector<8x512xf32>
    %exp3A_3238 = math.exp %sub3A_3237 : vector<8x512xf32>
    %add3A_3239 = arith.addf %add3A_3230, %exp3A_3238 : vector<8x512xf32>
    %get3A_3240 = arith.constant 0 : index
    %get3A_3241 = arith.constant 11 : index
    %get3A_3242 = arith.constant 48 : index
    %get3A_3243 = arith.constant 0 : index
    %get3A_3244 = vector.load %arg2[%get3A_3240, %get3A_3241, %get3A_3242, %get3A_3243] : memref<1x19x64x512xf32, #tpu.memory_space<vmem>>, vector<1x1x8x512xf32>
    %get3A_3245 = vector.shape_cast %get3A_3244 : vector<1x1x8x512xf32> to vector<8x512xf32>
    %sub3A_3246 = arith.subf %get3A_3245, %select_n3A_3140 : vector<8x512xf32>
    %exp3A_3247 = math.exp %sub3A_3246 : vector<8x512xf32>
    %add3A_3248 = arith.addf %add3A_3239, %exp3A_3247 : vector<8x512xf32>
    %get3A_3249 = arith.constant 0 : index
    %get3A_3250 = arith.constant 12 : index
    %get3A_3251 = arith.constant 48 : index
    %get3A_3252 = arith.constant 0 : index
    %get3A_3253 = vector.load %arg2[%get3A_3249, %get3A_3250, %get3A_3251, %get3A_3252] : memref<1x19x64x512xf32, #tpu.memory_space<vmem>>, vector<1x1x8x512xf32>
    %get3A_3254 = vector.shape_cast %get3A_3253 : vector<1x1x8x512xf32> to vector<8x512xf32>
    %sub3A_3255 = arith.subf %get3A_3254, %select_n3A_3140 : vector<8x512xf32>
    %exp3A_3256 = math.exp %sub3A_3255 : vector<8x512xf32>
    %add3A_3257 = arith.addf %add3A_3248, %exp3A_3256 : vector<8x512xf32>
    %get3A_3258 = arith.constant 0 : index
    %get3A_3259 = arith.constant 13 : index
    %get3A_3260 = arith.constant 48 : index
    %get3A_3261 = arith.constant 0 : index
    %get3A_3262 = vector.load %arg2[%get3A_3258, %get3A_3259, %get3A_3260, %get3A_3261] : memref<1x19x64x512xf32, #tpu.memory_space<vmem>>, vector<1x1x8x512xf32>
    %get3A_3263 = vector.shape_cast %get3A_3262 : vector<1x1x8x512xf32> to vector<8x512xf32>
    %sub3A_3264 = arith.subf %get3A_3263, %select_n3A_3140 : vector<8x512xf32>
    %exp3A_3265 = math.exp %sub3A_3264 : vector<8x512xf32>
    %add3A_3266 = arith.addf %add3A_3257, %exp3A_3265 : vector<8x512xf32>
    %get3A_3267 = arith.constant 0 : index
    %get3A_3268 = arith.constant 14 : index
    %get3A_3269 = arith.constant 48 : index
    %get3A_3270 = arith.constant 0 : index
    %get3A_3271 = vector.load %arg2[%get3A_3267, %get3A_3268, %get3A_3269, %get3A_3270] : memref<1x19x64x512xf32, #tpu.memory_space<vmem>>, vector<1x1x8x512xf32>
    %get3A_3272 = vector.shape_cast %get3A_3271 : vector<1x1x8x512xf32> to vector<8x512xf32>
    %sub3A_3273 = arith.subf %get3A_3272, %select_n3A_3140 : vector<8x512xf32>
    %exp3A_3274 = math.exp %sub3A_3273 : vector<8x512xf32>
    %add3A_3275 = arith.addf %add3A_3266, %exp3A_3274 : vector<8x512xf32>
    %get3A_3276 = arith.constant 0 : index
    %get3A_3277 = arith.constant 15 : index
    %get3A_3278 = arith.constant 48 : index
    %get3A_3279 = arith.constant 0 : index
    %get3A_3280 = vector.load %arg2[%get3A_3276, %get3A_3277, %get3A_3278, %get3A_3279] : memref<1x19x64x512xf32, #tpu.memory_space<vmem>>, vector<1x1x8x512xf32>
    %get3A_3281 = vector.shape_cast %get3A_3280 : vector<1x1x8x512xf32> to vector<8x512xf32>
    %sub3A_3282 = arith.subf %get3A_3281, %select_n3A_3140 : vector<8x512xf32>
    %exp3A_3283 = math.exp %sub3A_3282 : vector<8x512xf32>
    %add3A_3284 = arith.addf %add3A_3275, %exp3A_3283 : vector<8x512xf32>
    %get3A_3285 = arith.constant 0 : index
    %get3A_3286 = arith.constant 16 : index
    %get3A_3287 = arith.constant 48 : index
    %get3A_3288 = arith.constant 0 : index
    %get3A_3289 = vector.load %arg2[%get3A_3285, %get3A_3286, %get3A_3287, %get3A_3288] : memref<1x19x64x512xf32, #tpu.memory_space<vmem>>, vector<1x1x8x512xf32>
    %get3A_3290 = vector.shape_cast %get3A_3289 : vector<1x1x8x512xf32> to vector<8x512xf32>
    %sub3A_3291 = arith.subf %get3A_3290, %select_n3A_3140 : vector<8x512xf32>
    %exp3A_3292 = math.exp %sub3A_3291 : vector<8x512xf32>
    %add3A_3293 = arith.addf %add3A_3284, %exp3A_3292 : vector<8x512xf32>
    %get3A_3294 = arith.constant 0 : index
    %get3A_3295 = arith.constant 17 : index
    %get3A_3296 = arith.constant 48 : index
    %get3A_3297 = arith.constant 0 : index
    %get3A_3298 = vector.load %arg2[%get3A_3294, %get3A_3295, %get3A_3296, %get3A_3297] : memref<1x19x64x512xf32, #tpu.memory_space<vmem>>, vector<1x1x8x512xf32>
    %get3A_3299 = vector.shape_cast %get3A_3298 : vector<1x1x8x512xf32> to vector<8x512xf32>
    %sub3A_3300 = arith.subf %get3A_3299, %select_n3A_3140 : vector<8x512xf32>
    %exp3A_3301 = math.exp %sub3A_3300 : vector<8x512xf32>
    %add3A_3302 = arith.addf %add3A_3293, %exp3A_3301 : vector<8x512xf32>
    %get3A_3303 = arith.constant 0 : index
    %get3A_3304 = arith.constant 18 : index
    %get3A_3305 = arith.constant 48 : index
    %get3A_3306 = arith.constant 0 : index
    %get3A_3307 = vector.load %arg2[%get3A_3303, %get3A_3304, %get3A_3305, %get3A_3306] : memref<1x19x64x512xf32, #tpu.memory_space<vmem>>, vector<1x1x8x512xf32>
    %get3A_3308 = vector.shape_cast %get3A_3307 : vector<1x1x8x512xf32> to vector<8x512xf32>
    %sub3A_3309 = arith.subf %get3A_3308, %select_n3A_3140 : vector<8x512xf32>
    %exp3A_3310 = math.exp %sub3A_3309 : vector<8x512xf32>
    %add3A_3311 = arith.addf %add3A_3302, %exp3A_3310 : vector<8x512xf32>
    %log3A_3312 = math.log %add3A_3311 : vector<8x512xf32>
    %add3A_3313 = arith.addf %log3A_3312, %select_n3A_3140 : vector<8x512xf32>
    %convert_element_type3A_3314 = arith.extui %ge3A_2860 : vector<8x512xi1> to vector<8x512xi32>
    %convert_element_type3A_3315 = arith.sitofp %convert_element_type3A_3314 : vector<8x512xi32> to vector<8x512xf32>
    %convert_element_type3A_3316 = arith.sitofp %get3A_2857 : vector<8x512xi32> to vector<8x512xf32>
    %sub3A_3317 = arith.subf %add3A_3313, %select_n3A_3147 : vector<8x512xf32>
    %jit3A_3318 = arith.constant 0.000000e+00 : f32
    %broadcast_in_dim3A_3319 = vector.broadcast %jit3A_3318 : f32 to vector<8x512xf32>
    %select_n3A_3320 = arith.select %ge3A_2860, %sub3A_3317, %broadcast_in_dim3A_3319 : vector<8x512xi1>, vector<8x512xf32>
    %add3A_3321 = arith.addf %add3A_2845, %select_n3A_3320 : vector<8x512xf32>
    %add3A_3322 = arith.addf %add3A_2846, %convert_element_type3A_3315 : vector<8x512xf32>
    %mul3A_3323 = arith.mulf %select_n3A_3143, %convert_element_type3A_3316 : vector<8x512xf32>
    %add3A_3324 = arith.addf %add3A_2848, %mul3A_3323 : vector<8x512xf32>
    %mul3A_3325 = arith.mulf %select_n3A_3143, %select_n3A_3143 : vector<8x512xf32>
    %add3A_3326 = arith.addf %add3A_2850, %mul3A_3325 : vector<8x512xf32>
    %mul3A_3327 = arith.mulf %convert_element_type3A_3316, %convert_element_type3A_3316 : vector<8x512xf32>
    %add3A_3328 = arith.addf %add3A_2852, %mul3A_3327 : vector<8x512xf32>
    %get3A_3329 = arith.constant 0 : index
    %get3A_3330 = arith.constant 56 : index
    %get3A_3331 = arith.constant 0 : index
    %get3A_3332 = vector.load %arg3[%get3A_3329, %get3A_3330, %get3A_3331] : memref<1x64x512xi32, #tpu.memory_space<vmem>>, vector<1x8x512xi32>
    %get3A_3333 = vector.shape_cast %get3A_3332 : vector<1x8x512xi32> to vector<8x512xi32>
    %ge3A_3334 = arith.constant 0 : i32
    %ge3A_3335 = vector.broadcast %ge3A_3334 : i32 to vector<8x512xi32>
    %ge3A_3336 = arith.cmpi sge, %get3A_3333, %ge3A_3335 : vector<8x512xi32>
    %jit3A_3337 = arith.constant 0 : i32
    %broadcast_in_dim3A_3338 = vector.broadcast %jit3A_3337 : i32 to vector<8x512xi32>
    %select_n3A_3339 = arith.select %ge3A_3336, %get3A_3333, %broadcast_in_dim3A_3338 : vector<8x512xi1>, vector<8x512xi32>
    %get3A_3340 = arith.constant 0 : index
    %get3A_3341 = arith.constant 0 : index
    %get3A_3342 = arith.constant 56 : index
    %get3A_3343 = arith.constant 0 : index
    %get3A_3344 = vector.load %arg2[%get3A_3340, %get3A_3341, %get3A_3342, %get3A_3343] : memref<1x19x64x512xf32, #tpu.memory_space<vmem>>, vector<1x1x8x512xf32>
    %get3A_3345 = vector.shape_cast %get3A_3344 : vector<1x1x8x512xf32> to vector<8x512xf32>
    %broadcast_in_dim3A_3346 = arith.constant 0.000000e+00 : f32
    %broadcast_in_dim3A_3347 = vector.broadcast %broadcast_in_dim3A_3346 : f32 to vector<8x512xf32>
    %eq3A_3348 = arith.constant 0 : i32
    %eq3A_3349 = vector.broadcast %eq3A_3348 : i32 to vector<8x512xi32>
    %eq3A_3350 = arith.cmpi eq, %select_n3A_3339, %eq3A_3349 : vector<8x512xi32>
    %jit3A_3351 = arith.constant 0.000000e+00 : f32
    %broadcast_in_dim3A_3352 = vector.broadcast %jit3A_3351 : f32 to vector<8x512xf32>
    %select_n3A_3353 = arith.select %eq3A_3350, %get3A_3345, %broadcast_in_dim3A_3352 : vector<8x512xi1>, vector<8x512xf32>
    %get3A_3354 = arith.constant 0 : index
    %get3A_3355 = arith.constant 1 : index
    %get3A_3356 = arith.constant 56 : index
    %get3A_3357 = arith.constant 0 : index
    %get3A_3358 = vector.load %arg2[%get3A_3354, %get3A_3355, %get3A_3356, %get3A_3357] : memref<1x19x64x512xf32, #tpu.memory_space<vmem>>, vector<1x1x8x512xf32>
    %get3A_3359 = vector.shape_cast %get3A_3358 : vector<1x1x8x512xf32> to vector<8x512xf32>
    %gt3A_3360 = arith.cmpf ogt, %get3A_3359, %get3A_3345 : vector<8x512xf32>
    %select_n3A_3361 = arith.select %gt3A_3360, %get3A_3359, %get3A_3345 : vector<8x512xi1>, vector<8x512xf32>
    %jit3A_3362 = arith.constant 1.000000e+00 : f32
    %broadcast_in_dim3A_3363 = vector.broadcast %jit3A_3362 : f32 to vector<8x512xf32>
    %select_n3A_3364 = arith.select %gt3A_3360, %broadcast_in_dim3A_3363, %broadcast_in_dim3A_3347 : vector<8x512xi1>, vector<8x512xf32>
    %eq3A_3365 = arith.constant 1 : i32
    %eq3A_3366 = vector.broadcast %eq3A_3365 : i32 to vector<8x512xi32>
    %eq3A_3367 = arith.cmpi eq, %select_n3A_3339, %eq3A_3366 : vector<8x512xi32>
    %select_n3A_3368 = arith.select %eq3A_3367, %get3A_3359, %select_n3A_3353 : vector<8x512xi1>, vector<8x512xf32>
    %get3A_3369 = arith.constant 0 : index
    %get3A_3370 = arith.constant 2 : index
    %get3A_3371 = arith.constant 56 : index
    %get3A_3372 = arith.constant 0 : index
    %get3A_3373 = vector.load %arg2[%get3A_3369, %get3A_3370, %get3A_3371, %get3A_3372] : memref<1x19x64x512xf32, #tpu.memory_space<vmem>>, vector<1x1x8x512xf32>
    %get3A_3374 = vector.shape_cast %get3A_3373 : vector<1x1x8x512xf32> to vector<8x512xf32>
    %gt3A_3375 = arith.cmpf ogt, %get3A_3374, %select_n3A_3361 : vector<8x512xf32>
    %select_n3A_3376 = arith.select %gt3A_3375, %get3A_3374, %select_n3A_3361 : vector<8x512xi1>, vector<8x512xf32>
    %jit3A_3377 = arith.constant 2.000000e+00 : f32
    %broadcast_in_dim3A_3378 = vector.broadcast %jit3A_3377 : f32 to vector<8x512xf32>
    %select_n3A_3379 = arith.select %gt3A_3375, %broadcast_in_dim3A_3378, %select_n3A_3364 : vector<8x512xi1>, vector<8x512xf32>
    %eq3A_3380 = arith.constant 2 : i32
    %eq3A_3381 = vector.broadcast %eq3A_3380 : i32 to vector<8x512xi32>
    %eq3A_3382 = arith.cmpi eq, %select_n3A_3339, %eq3A_3381 : vector<8x512xi32>
    %select_n3A_3383 = arith.select %eq3A_3382, %get3A_3374, %select_n3A_3368 : vector<8x512xi1>, vector<8x512xf32>
    %get3A_3384 = arith.constant 0 : index
    %get3A_3385 = arith.constant 3 : index
    %get3A_3386 = arith.constant 56 : index
    %get3A_3387 = arith.constant 0 : index
    %get3A_3388 = vector.load %arg2[%get3A_3384, %get3A_3385, %get3A_3386, %get3A_3387] : memref<1x19x64x512xf32, #tpu.memory_space<vmem>>, vector<1x1x8x512xf32>
    %get3A_3389 = vector.shape_cast %get3A_3388 : vector<1x1x8x512xf32> to vector<8x512xf32>
    %gt3A_3390 = arith.cmpf ogt, %get3A_3389, %select_n3A_3376 : vector<8x512xf32>
    %select_n3A_3391 = arith.select %gt3A_3390, %get3A_3389, %select_n3A_3376 : vector<8x512xi1>, vector<8x512xf32>
    %jit3A_3392 = arith.constant 3.000000e+00 : f32
    %broadcast_in_dim3A_3393 = vector.broadcast %jit3A_3392 : f32 to vector<8x512xf32>
    %select_n3A_3394 = arith.select %gt3A_3390, %broadcast_in_dim3A_3393, %select_n3A_3379 : vector<8x512xi1>, vector<8x512xf32>
    %eq3A_3395 = arith.constant 3 : i32
    %eq3A_3396 = vector.broadcast %eq3A_3395 : i32 to vector<8x512xi32>
    %eq3A_3397 = arith.cmpi eq, %select_n3A_3339, %eq3A_3396 : vector<8x512xi32>
    %select_n3A_3398 = arith.select %eq3A_3397, %get3A_3389, %select_n3A_3383 : vector<8x512xi1>, vector<8x512xf32>
    %get3A_3399 = arith.constant 0 : index
    %get3A_3400 = arith.constant 4 : index
    %get3A_3401 = arith.constant 56 : index
    %get3A_3402 = arith.constant 0 : index
    %get3A_3403 = vector.load %arg2[%get3A_3399, %get3A_3400, %get3A_3401, %get3A_3402] : memref<1x19x64x512xf32, #tpu.memory_space<vmem>>, vector<1x1x8x512xf32>
    %get3A_3404 = vector.shape_cast %get3A_3403 : vector<1x1x8x512xf32> to vector<8x512xf32>
    %gt3A_3405 = arith.cmpf ogt, %get3A_3404, %select_n3A_3391 : vector<8x512xf32>
    %select_n3A_3406 = arith.select %gt3A_3405, %get3A_3404, %select_n3A_3391 : vector<8x512xi1>, vector<8x512xf32>
    %jit3A_3407 = arith.constant 4.000000e+00 : f32
    %broadcast_in_dim3A_3408 = vector.broadcast %jit3A_3407 : f32 to vector<8x512xf32>
    %select_n3A_3409 = arith.select %gt3A_3405, %broadcast_in_dim3A_3408, %select_n3A_3394 : vector<8x512xi1>, vector<8x512xf32>
    %eq3A_3410 = arith.constant 4 : i32
    %eq3A_3411 = vector.broadcast %eq3A_3410 : i32 to vector<8x512xi32>
    %eq3A_3412 = arith.cmpi eq, %select_n3A_3339, %eq3A_3411 : vector<8x512xi32>
    %select_n3A_3413 = arith.select %eq3A_3412, %get3A_3404, %select_n3A_3398 : vector<8x512xi1>, vector<8x512xf32>
    %get3A_3414 = arith.constant 0 : index
    %get3A_3415 = arith.constant 5 : index
    %get3A_3416 = arith.constant 56 : index
    %get3A_3417 = arith.constant 0 : index
    %get3A_3418 = vector.load %arg2[%get3A_3414, %get3A_3415, %get3A_3416, %get3A_3417] : memref<1x19x64x512xf32, #tpu.memory_space<vmem>>, vector<1x1x8x512xf32>
    %get3A_3419 = vector.shape_cast %get3A_3418 : vector<1x1x8x512xf32> to vector<8x512xf32>
    %gt3A_3420 = arith.cmpf ogt, %get3A_3419, %select_n3A_3406 : vector<8x512xf32>
    %select_n3A_3421 = arith.select %gt3A_3420, %get3A_3419, %select_n3A_3406 : vector<8x512xi1>, vector<8x512xf32>
    %jit3A_3422 = arith.constant 5.000000e+00 : f32
    %broadcast_in_dim3A_3423 = vector.broadcast %jit3A_3422 : f32 to vector<8x512xf32>
    %select_n3A_3424 = arith.select %gt3A_3420, %broadcast_in_dim3A_3423, %select_n3A_3409 : vector<8x512xi1>, vector<8x512xf32>
    %eq3A_3425 = arith.constant 5 : i32
    %eq3A_3426 = vector.broadcast %eq3A_3425 : i32 to vector<8x512xi32>
    %eq3A_3427 = arith.cmpi eq, %select_n3A_3339, %eq3A_3426 : vector<8x512xi32>
    %select_n3A_3428 = arith.select %eq3A_3427, %get3A_3419, %select_n3A_3413 : vector<8x512xi1>, vector<8x512xf32>
    %get3A_3429 = arith.constant 0 : index
    %get3A_3430 = arith.constant 6 : index
    %get3A_3431 = arith.constant 56 : index
    %get3A_3432 = arith.constant 0 : index
    %get3A_3433 = vector.load %arg2[%get3A_3429, %get3A_3430, %get3A_3431, %get3A_3432] : memref<1x19x64x512xf32, #tpu.memory_space<vmem>>, vector<1x1x8x512xf32>
    %get3A_3434 = vector.shape_cast %get3A_3433 : vector<1x1x8x512xf32> to vector<8x512xf32>
    %gt3A_3435 = arith.cmpf ogt, %get3A_3434, %select_n3A_3421 : vector<8x512xf32>
    %select_n3A_3436 = arith.select %gt3A_3435, %get3A_3434, %select_n3A_3421 : vector<8x512xi1>, vector<8x512xf32>
    %jit3A_3437 = arith.constant 6.000000e+00 : f32
    %broadcast_in_dim3A_3438 = vector.broadcast %jit3A_3437 : f32 to vector<8x512xf32>
    %select_n3A_3439 = arith.select %gt3A_3435, %broadcast_in_dim3A_3438, %select_n3A_3424 : vector<8x512xi1>, vector<8x512xf32>
    %eq3A_3440 = arith.constant 6 : i32
    %eq3A_3441 = vector.broadcast %eq3A_3440 : i32 to vector<8x512xi32>
    %eq3A_3442 = arith.cmpi eq, %select_n3A_3339, %eq3A_3441 : vector<8x512xi32>
    %select_n3A_3443 = arith.select %eq3A_3442, %get3A_3434, %select_n3A_3428 : vector<8x512xi1>, vector<8x512xf32>
    %get3A_3444 = arith.constant 0 : index
    %get3A_3445 = arith.constant 7 : index
    %get3A_3446 = arith.constant 56 : index
    %get3A_3447 = arith.constant 0 : index
    %get3A_3448 = vector.load %arg2[%get3A_3444, %get3A_3445, %get3A_3446, %get3A_3447] : memref<1x19x64x512xf32, #tpu.memory_space<vmem>>, vector<1x1x8x512xf32>
    %get3A_3449 = vector.shape_cast %get3A_3448 : vector<1x1x8x512xf32> to vector<8x512xf32>
    %gt3A_3450 = arith.cmpf ogt, %get3A_3449, %select_n3A_3436 : vector<8x512xf32>
    %select_n3A_3451 = arith.select %gt3A_3450, %get3A_3449, %select_n3A_3436 : vector<8x512xi1>, vector<8x512xf32>
    %jit3A_3452 = arith.constant 7.000000e+00 : f32
    %broadcast_in_dim3A_3453 = vector.broadcast %jit3A_3452 : f32 to vector<8x512xf32>
    %select_n3A_3454 = arith.select %gt3A_3450, %broadcast_in_dim3A_3453, %select_n3A_3439 : vector<8x512xi1>, vector<8x512xf32>
    %eq3A_3455 = arith.constant 7 : i32
    %eq3A_3456 = vector.broadcast %eq3A_3455 : i32 to vector<8x512xi32>
    %eq3A_3457 = arith.cmpi eq, %select_n3A_3339, %eq3A_3456 : vector<8x512xi32>
    %select_n3A_3458 = arith.select %eq3A_3457, %get3A_3449, %select_n3A_3443 : vector<8x512xi1>, vector<8x512xf32>
    %get3A_3459 = arith.constant 0 : index
    %get3A_3460 = arith.constant 8 : index
    %get3A_3461 = arith.constant 56 : index
    %get3A_3462 = arith.constant 0 : index
    %get3A_3463 = vector.load %arg2[%get3A_3459, %get3A_3460, %get3A_3461, %get3A_3462] : memref<1x19x64x512xf32, #tpu.memory_space<vmem>>, vector<1x1x8x512xf32>
    %get3A_3464 = vector.shape_cast %get3A_3463 : vector<1x1x8x512xf32> to vector<8x512xf32>
    %gt3A_3465 = arith.cmpf ogt, %get3A_3464, %select_n3A_3451 : vector<8x512xf32>
    %select_n3A_3466 = arith.select %gt3A_3465, %get3A_3464, %select_n3A_3451 : vector<8x512xi1>, vector<8x512xf32>
    %jit3A_3467 = arith.constant 8.000000e+00 : f32
    %broadcast_in_dim3A_3468 = vector.broadcast %jit3A_3467 : f32 to vector<8x512xf32>
    %select_n3A_3469 = arith.select %gt3A_3465, %broadcast_in_dim3A_3468, %select_n3A_3454 : vector<8x512xi1>, vector<8x512xf32>
    %eq3A_3470 = arith.constant 8 : i32
    %eq3A_3471 = vector.broadcast %eq3A_3470 : i32 to vector<8x512xi32>
    %eq3A_3472 = arith.cmpi eq, %select_n3A_3339, %eq3A_3471 : vector<8x512xi32>
    %select_n3A_3473 = arith.select %eq3A_3472, %get3A_3464, %select_n3A_3458 : vector<8x512xi1>, vector<8x512xf32>
    %get3A_3474 = arith.constant 0 : index
    %get3A_3475 = arith.constant 9 : index
    %get3A_3476 = arith.constant 56 : index
    %get3A_3477 = arith.constant 0 : index
    %get3A_3478 = vector.load %arg2[%get3A_3474, %get3A_3475, %get3A_3476, %get3A_3477] : memref<1x19x64x512xf32, #tpu.memory_space<vmem>>, vector<1x1x8x512xf32>
    %get3A_3479 = vector.shape_cast %get3A_3478 : vector<1x1x8x512xf32> to vector<8x512xf32>
    %gt3A_3480 = arith.cmpf ogt, %get3A_3479, %select_n3A_3466 : vector<8x512xf32>
    %select_n3A_3481 = arith.select %gt3A_3480, %get3A_3479, %select_n3A_3466 : vector<8x512xi1>, vector<8x512xf32>
    %jit3A_3482 = arith.constant 9.000000e+00 : f32
    %broadcast_in_dim3A_3483 = vector.broadcast %jit3A_3482 : f32 to vector<8x512xf32>
    %select_n3A_3484 = arith.select %gt3A_3480, %broadcast_in_dim3A_3483, %select_n3A_3469 : vector<8x512xi1>, vector<8x512xf32>
    %eq3A_3485 = arith.constant 9 : i32
    %eq3A_3486 = vector.broadcast %eq3A_3485 : i32 to vector<8x512xi32>
    %eq3A_3487 = arith.cmpi eq, %select_n3A_3339, %eq3A_3486 : vector<8x512xi32>
    %select_n3A_3488 = arith.select %eq3A_3487, %get3A_3479, %select_n3A_3473 : vector<8x512xi1>, vector<8x512xf32>
    %get3A_3489 = arith.constant 0 : index
    %get3A_3490 = arith.constant 10 : index
    %get3A_3491 = arith.constant 56 : index
    %get3A_3492 = arith.constant 0 : index
    %get3A_3493 = vector.load %arg2[%get3A_3489, %get3A_3490, %get3A_3491, %get3A_3492] : memref<1x19x64x512xf32, #tpu.memory_space<vmem>>, vector<1x1x8x512xf32>
    %get3A_3494 = vector.shape_cast %get3A_3493 : vector<1x1x8x512xf32> to vector<8x512xf32>
    %gt3A_3495 = arith.cmpf ogt, %get3A_3494, %select_n3A_3481 : vector<8x512xf32>
    %select_n3A_3496 = arith.select %gt3A_3495, %get3A_3494, %select_n3A_3481 : vector<8x512xi1>, vector<8x512xf32>
    %jit3A_3497 = arith.constant 1.000000e+01 : f32
    %broadcast_in_dim3A_3498 = vector.broadcast %jit3A_3497 : f32 to vector<8x512xf32>
    %select_n3A_3499 = arith.select %gt3A_3495, %broadcast_in_dim3A_3498, %select_n3A_3484 : vector<8x512xi1>, vector<8x512xf32>
    %eq3A_3500 = arith.constant 10 : i32
    %eq3A_3501 = vector.broadcast %eq3A_3500 : i32 to vector<8x512xi32>
    %eq3A_3502 = arith.cmpi eq, %select_n3A_3339, %eq3A_3501 : vector<8x512xi32>
    %select_n3A_3503 = arith.select %eq3A_3502, %get3A_3494, %select_n3A_3488 : vector<8x512xi1>, vector<8x512xf32>
    %get3A_3504 = arith.constant 0 : index
    %get3A_3505 = arith.constant 11 : index
    %get3A_3506 = arith.constant 56 : index
    %get3A_3507 = arith.constant 0 : index
    %get3A_3508 = vector.load %arg2[%get3A_3504, %get3A_3505, %get3A_3506, %get3A_3507] : memref<1x19x64x512xf32, #tpu.memory_space<vmem>>, vector<1x1x8x512xf32>
    %get3A_3509 = vector.shape_cast %get3A_3508 : vector<1x1x8x512xf32> to vector<8x512xf32>
    %gt3A_3510 = arith.cmpf ogt, %get3A_3509, %select_n3A_3496 : vector<8x512xf32>
    %select_n3A_3511 = arith.select %gt3A_3510, %get3A_3509, %select_n3A_3496 : vector<8x512xi1>, vector<8x512xf32>
    %jit3A_3512 = arith.constant 1.100000e+01 : f32
    %broadcast_in_dim3A_3513 = vector.broadcast %jit3A_3512 : f32 to vector<8x512xf32>
    %select_n3A_3514 = arith.select %gt3A_3510, %broadcast_in_dim3A_3513, %select_n3A_3499 : vector<8x512xi1>, vector<8x512xf32>
    %eq3A_3515 = arith.constant 11 : i32
    %eq3A_3516 = vector.broadcast %eq3A_3515 : i32 to vector<8x512xi32>
    %eq3A_3517 = arith.cmpi eq, %select_n3A_3339, %eq3A_3516 : vector<8x512xi32>
    %select_n3A_3518 = arith.select %eq3A_3517, %get3A_3509, %select_n3A_3503 : vector<8x512xi1>, vector<8x512xf32>
    %get3A_3519 = arith.constant 0 : index
    %get3A_3520 = arith.constant 12 : index
    %get3A_3521 = arith.constant 56 : index
    %get3A_3522 = arith.constant 0 : index
    %get3A_3523 = vector.load %arg2[%get3A_3519, %get3A_3520, %get3A_3521, %get3A_3522] : memref<1x19x64x512xf32, #tpu.memory_space<vmem>>, vector<1x1x8x512xf32>
    %get3A_3524 = vector.shape_cast %get3A_3523 : vector<1x1x8x512xf32> to vector<8x512xf32>
    %gt3A_3525 = arith.cmpf ogt, %get3A_3524, %select_n3A_3511 : vector<8x512xf32>
    %select_n3A_3526 = arith.select %gt3A_3525, %get3A_3524, %select_n3A_3511 : vector<8x512xi1>, vector<8x512xf32>
    %jit3A_3527 = arith.constant 1.200000e+01 : f32
    %broadcast_in_dim3A_3528 = vector.broadcast %jit3A_3527 : f32 to vector<8x512xf32>
    %select_n3A_3529 = arith.select %gt3A_3525, %broadcast_in_dim3A_3528, %select_n3A_3514 : vector<8x512xi1>, vector<8x512xf32>
    %eq3A_3530 = arith.constant 12 : i32
    %eq3A_3531 = vector.broadcast %eq3A_3530 : i32 to vector<8x512xi32>
    %eq3A_3532 = arith.cmpi eq, %select_n3A_3339, %eq3A_3531 : vector<8x512xi32>
    %select_n3A_3533 = arith.select %eq3A_3532, %get3A_3524, %select_n3A_3518 : vector<8x512xi1>, vector<8x512xf32>
    %get3A_3534 = arith.constant 0 : index
    %get3A_3535 = arith.constant 13 : index
    %get3A_3536 = arith.constant 56 : index
    %get3A_3537 = arith.constant 0 : index
    %get3A_3538 = vector.load %arg2[%get3A_3534, %get3A_3535, %get3A_3536, %get3A_3537] : memref<1x19x64x512xf32, #tpu.memory_space<vmem>>, vector<1x1x8x512xf32>
    %get3A_3539 = vector.shape_cast %get3A_3538 : vector<1x1x8x512xf32> to vector<8x512xf32>
    %gt3A_3540 = arith.cmpf ogt, %get3A_3539, %select_n3A_3526 : vector<8x512xf32>
    %select_n3A_3541 = arith.select %gt3A_3540, %get3A_3539, %select_n3A_3526 : vector<8x512xi1>, vector<8x512xf32>
    %jit3A_3542 = arith.constant 1.300000e+01 : f32
    %broadcast_in_dim3A_3543 = vector.broadcast %jit3A_3542 : f32 to vector<8x512xf32>
    %select_n3A_3544 = arith.select %gt3A_3540, %broadcast_in_dim3A_3543, %select_n3A_3529 : vector<8x512xi1>, vector<8x512xf32>
    %eq3A_3545 = arith.constant 13 : i32
    %eq3A_3546 = vector.broadcast %eq3A_3545 : i32 to vector<8x512xi32>
    %eq3A_3547 = arith.cmpi eq, %select_n3A_3339, %eq3A_3546 : vector<8x512xi32>
    %select_n3A_3548 = arith.select %eq3A_3547, %get3A_3539, %select_n3A_3533 : vector<8x512xi1>, vector<8x512xf32>
    %get3A_3549 = arith.constant 0 : index
    %get3A_3550 = arith.constant 14 : index
    %get3A_3551 = arith.constant 56 : index
    %get3A_3552 = arith.constant 0 : index
    %get3A_3553 = vector.load %arg2[%get3A_3549, %get3A_3550, %get3A_3551, %get3A_3552] : memref<1x19x64x512xf32, #tpu.memory_space<vmem>>, vector<1x1x8x512xf32>
    %get3A_3554 = vector.shape_cast %get3A_3553 : vector<1x1x8x512xf32> to vector<8x512xf32>
    %gt3A_3555 = arith.cmpf ogt, %get3A_3554, %select_n3A_3541 : vector<8x512xf32>
    %select_n3A_3556 = arith.select %gt3A_3555, %get3A_3554, %select_n3A_3541 : vector<8x512xi1>, vector<8x512xf32>
    %jit3A_3557 = arith.constant 1.400000e+01 : f32
    %broadcast_in_dim3A_3558 = vector.broadcast %jit3A_3557 : f32 to vector<8x512xf32>
    %select_n3A_3559 = arith.select %gt3A_3555, %broadcast_in_dim3A_3558, %select_n3A_3544 : vector<8x512xi1>, vector<8x512xf32>
    %eq3A_3560 = arith.constant 14 : i32
    %eq3A_3561 = vector.broadcast %eq3A_3560 : i32 to vector<8x512xi32>
    %eq3A_3562 = arith.cmpi eq, %select_n3A_3339, %eq3A_3561 : vector<8x512xi32>
    %select_n3A_3563 = arith.select %eq3A_3562, %get3A_3554, %select_n3A_3548 : vector<8x512xi1>, vector<8x512xf32>
    %get3A_3564 = arith.constant 0 : index
    %get3A_3565 = arith.constant 15 : index
    %get3A_3566 = arith.constant 56 : index
    %get3A_3567 = arith.constant 0 : index
    %get3A_3568 = vector.load %arg2[%get3A_3564, %get3A_3565, %get3A_3566, %get3A_3567] : memref<1x19x64x512xf32, #tpu.memory_space<vmem>>, vector<1x1x8x512xf32>
    %get3A_3569 = vector.shape_cast %get3A_3568 : vector<1x1x8x512xf32> to vector<8x512xf32>
    %gt3A_3570 = arith.cmpf ogt, %get3A_3569, %select_n3A_3556 : vector<8x512xf32>
    %select_n3A_3571 = arith.select %gt3A_3570, %get3A_3569, %select_n3A_3556 : vector<8x512xi1>, vector<8x512xf32>
    %jit3A_3572 = arith.constant 1.500000e+01 : f32
    %broadcast_in_dim3A_3573 = vector.broadcast %jit3A_3572 : f32 to vector<8x512xf32>
    %select_n3A_3574 = arith.select %gt3A_3570, %broadcast_in_dim3A_3573, %select_n3A_3559 : vector<8x512xi1>, vector<8x512xf32>
    %eq3A_3575 = arith.constant 15 : i32
    %eq3A_3576 = vector.broadcast %eq3A_3575 : i32 to vector<8x512xi32>
    %eq3A_3577 = arith.cmpi eq, %select_n3A_3339, %eq3A_3576 : vector<8x512xi32>
    %select_n3A_3578 = arith.select %eq3A_3577, %get3A_3569, %select_n3A_3563 : vector<8x512xi1>, vector<8x512xf32>
    %get3A_3579 = arith.constant 0 : index
    %get3A_3580 = arith.constant 16 : index
    %get3A_3581 = arith.constant 56 : index
    %get3A_3582 = arith.constant 0 : index
    %get3A_3583 = vector.load %arg2[%get3A_3579, %get3A_3580, %get3A_3581, %get3A_3582] : memref<1x19x64x512xf32, #tpu.memory_space<vmem>>, vector<1x1x8x512xf32>
    %get3A_3584 = vector.shape_cast %get3A_3583 : vector<1x1x8x512xf32> to vector<8x512xf32>
    %gt3A_3585 = arith.cmpf ogt, %get3A_3584, %select_n3A_3571 : vector<8x512xf32>
    %select_n3A_3586 = arith.select %gt3A_3585, %get3A_3584, %select_n3A_3571 : vector<8x512xi1>, vector<8x512xf32>
    %jit3A_3587 = arith.constant 1.600000e+01 : f32
    %broadcast_in_dim3A_3588 = vector.broadcast %jit3A_3587 : f32 to vector<8x512xf32>
    %select_n3A_3589 = arith.select %gt3A_3585, %broadcast_in_dim3A_3588, %select_n3A_3574 : vector<8x512xi1>, vector<8x512xf32>
    %eq3A_3590 = arith.constant 16 : i32
    %eq3A_3591 = vector.broadcast %eq3A_3590 : i32 to vector<8x512xi32>
    %eq3A_3592 = arith.cmpi eq, %select_n3A_3339, %eq3A_3591 : vector<8x512xi32>
    %select_n3A_3593 = arith.select %eq3A_3592, %get3A_3584, %select_n3A_3578 : vector<8x512xi1>, vector<8x512xf32>
    %get3A_3594 = arith.constant 0 : index
    %get3A_3595 = arith.constant 17 : index
    %get3A_3596 = arith.constant 56 : index
    %get3A_3597 = arith.constant 0 : index
    %get3A_3598 = vector.load %arg2[%get3A_3594, %get3A_3595, %get3A_3596, %get3A_3597] : memref<1x19x64x512xf32, #tpu.memory_space<vmem>>, vector<1x1x8x512xf32>
    %get3A_3599 = vector.shape_cast %get3A_3598 : vector<1x1x8x512xf32> to vector<8x512xf32>
    %gt3A_3600 = arith.cmpf ogt, %get3A_3599, %select_n3A_3586 : vector<8x512xf32>
    %select_n3A_3601 = arith.select %gt3A_3600, %get3A_3599, %select_n3A_3586 : vector<8x512xi1>, vector<8x512xf32>
    %jit3A_3602 = arith.constant 1.700000e+01 : f32
    %broadcast_in_dim3A_3603 = vector.broadcast %jit3A_3602 : f32 to vector<8x512xf32>
    %select_n3A_3604 = arith.select %gt3A_3600, %broadcast_in_dim3A_3603, %select_n3A_3589 : vector<8x512xi1>, vector<8x512xf32>
    %eq3A_3605 = arith.constant 17 : i32
    %eq3A_3606 = vector.broadcast %eq3A_3605 : i32 to vector<8x512xi32>
    %eq3A_3607 = arith.cmpi eq, %select_n3A_3339, %eq3A_3606 : vector<8x512xi32>
    %select_n3A_3608 = arith.select %eq3A_3607, %get3A_3599, %select_n3A_3593 : vector<8x512xi1>, vector<8x512xf32>
    %get3A_3609 = arith.constant 0 : index
    %get3A_3610 = arith.constant 18 : index
    %get3A_3611 = arith.constant 56 : index
    %get3A_3612 = arith.constant 0 : index
    %get3A_3613 = vector.load %arg2[%get3A_3609, %get3A_3610, %get3A_3611, %get3A_3612] : memref<1x19x64x512xf32, #tpu.memory_space<vmem>>, vector<1x1x8x512xf32>
    %get3A_3614 = vector.shape_cast %get3A_3613 : vector<1x1x8x512xf32> to vector<8x512xf32>
    %gt3A_3615 = arith.cmpf ogt, %get3A_3614, %select_n3A_3601 : vector<8x512xf32>
    %select_n3A_3616 = arith.select %gt3A_3615, %get3A_3614, %select_n3A_3601 : vector<8x512xi1>, vector<8x512xf32>
    %jit3A_3617 = arith.constant 1.800000e+01 : f32
    %broadcast_in_dim3A_3618 = vector.broadcast %jit3A_3617 : f32 to vector<8x512xf32>
    %select_n3A_3619 = arith.select %gt3A_3615, %broadcast_in_dim3A_3618, %select_n3A_3604 : vector<8x512xi1>, vector<8x512xf32>
    %eq3A_3620 = arith.constant 18 : i32
    %eq3A_3621 = vector.broadcast %eq3A_3620 : i32 to vector<8x512xi32>
    %eq3A_3622 = arith.cmpi eq, %select_n3A_3339, %eq3A_3621 : vector<8x512xi32>
    %select_n3A_3623 = arith.select %eq3A_3622, %get3A_3614, %select_n3A_3608 : vector<8x512xi1>, vector<8x512xf32>
    %sub3A_3624 = arith.subf %get3A_3345, %select_n3A_3616 : vector<8x512xf32>
    %exp3A_3625 = math.exp %sub3A_3624 : vector<8x512xf32>
    %get3A_3626 = arith.constant 0 : index
    %get3A_3627 = arith.constant 1 : index
    %get3A_3628 = arith.constant 56 : index
    %get3A_3629 = arith.constant 0 : index
    %get3A_3630 = vector.load %arg2[%get3A_3626, %get3A_3627, %get3A_3628, %get3A_3629] : memref<1x19x64x512xf32, #tpu.memory_space<vmem>>, vector<1x1x8x512xf32>
    %get3A_3631 = vector.shape_cast %get3A_3630 : vector<1x1x8x512xf32> to vector<8x512xf32>
    %sub3A_3632 = arith.subf %get3A_3631, %select_n3A_3616 : vector<8x512xf32>
    %exp3A_3633 = math.exp %sub3A_3632 : vector<8x512xf32>
    %add3A_3634 = arith.addf %exp3A_3625, %exp3A_3633 : vector<8x512xf32>
    %get3A_3635 = arith.constant 0 : index
    %get3A_3636 = arith.constant 2 : index
    %get3A_3637 = arith.constant 56 : index
    %get3A_3638 = arith.constant 0 : index
    %get3A_3639 = vector.load %arg2[%get3A_3635, %get3A_3636, %get3A_3637, %get3A_3638] : memref<1x19x64x512xf32, #tpu.memory_space<vmem>>, vector<1x1x8x512xf32>
    %get3A_3640 = vector.shape_cast %get3A_3639 : vector<1x1x8x512xf32> to vector<8x512xf32>
    %sub3A_3641 = arith.subf %get3A_3640, %select_n3A_3616 : vector<8x512xf32>
    %exp3A_3642 = math.exp %sub3A_3641 : vector<8x512xf32>
    %add3A_3643 = arith.addf %add3A_3634, %exp3A_3642 : vector<8x512xf32>
    %get3A_3644 = arith.constant 0 : index
    %get3A_3645 = arith.constant 3 : index
    %get3A_3646 = arith.constant 56 : index
    %get3A_3647 = arith.constant 0 : index
    %get3A_3648 = vector.load %arg2[%get3A_3644, %get3A_3645, %get3A_3646, %get3A_3647] : memref<1x19x64x512xf32, #tpu.memory_space<vmem>>, vector<1x1x8x512xf32>
    %get3A_3649 = vector.shape_cast %get3A_3648 : vector<1x1x8x512xf32> to vector<8x512xf32>
    %sub3A_3650 = arith.subf %get3A_3649, %select_n3A_3616 : vector<8x512xf32>
    %exp3A_3651 = math.exp %sub3A_3650 : vector<8x512xf32>
    %add3A_3652 = arith.addf %add3A_3643, %exp3A_3651 : vector<8x512xf32>
    %get3A_3653 = arith.constant 0 : index
    %get3A_3654 = arith.constant 4 : index
    %get3A_3655 = arith.constant 56 : index
    %get3A_3656 = arith.constant 0 : index
    %get3A_3657 = vector.load %arg2[%get3A_3653, %get3A_3654, %get3A_3655, %get3A_3656] : memref<1x19x64x512xf32, #tpu.memory_space<vmem>>, vector<1x1x8x512xf32>
    %get3A_3658 = vector.shape_cast %get3A_3657 : vector<1x1x8x512xf32> to vector<8x512xf32>
    %sub3A_3659 = arith.subf %get3A_3658, %select_n3A_3616 : vector<8x512xf32>
    %exp3A_3660 = math.exp %sub3A_3659 : vector<8x512xf32>
    %add3A_3661 = arith.addf %add3A_3652, %exp3A_3660 : vector<8x512xf32>
    %get3A_3662 = arith.constant 0 : index
    %get3A_3663 = arith.constant 5 : index
    %get3A_3664 = arith.constant 56 : index
    %get3A_3665 = arith.constant 0 : index
    %get3A_3666 = vector.load %arg2[%get3A_3662, %get3A_3663, %get3A_3664, %get3A_3665] : memref<1x19x64x512xf32, #tpu.memory_space<vmem>>, vector<1x1x8x512xf32>
    %get3A_3667 = vector.shape_cast %get3A_3666 : vector<1x1x8x512xf32> to vector<8x512xf32>
    %sub3A_3668 = arith.subf %get3A_3667, %select_n3A_3616 : vector<8x512xf32>
    %exp3A_3669 = math.exp %sub3A_3668 : vector<8x512xf32>
    %add3A_3670 = arith.addf %add3A_3661, %exp3A_3669 : vector<8x512xf32>
    %get3A_3671 = arith.constant 0 : index
    %get3A_3672 = arith.constant 6 : index
    %get3A_3673 = arith.constant 56 : index
    %get3A_3674 = arith.constant 0 : index
    %get3A_3675 = vector.load %arg2[%get3A_3671, %get3A_3672, %get3A_3673, %get3A_3674] : memref<1x19x64x512xf32, #tpu.memory_space<vmem>>, vector<1x1x8x512xf32>
    %get3A_3676 = vector.shape_cast %get3A_3675 : vector<1x1x8x512xf32> to vector<8x512xf32>
    %sub3A_3677 = arith.subf %get3A_3676, %select_n3A_3616 : vector<8x512xf32>
    %exp3A_3678 = math.exp %sub3A_3677 : vector<8x512xf32>
    %add3A_3679 = arith.addf %add3A_3670, %exp3A_3678 : vector<8x512xf32>
    %get3A_3680 = arith.constant 0 : index
    %get3A_3681 = arith.constant 7 : index
    %get3A_3682 = arith.constant 56 : index
    %get3A_3683 = arith.constant 0 : index
    %get3A_3684 = vector.load %arg2[%get3A_3680, %get3A_3681, %get3A_3682, %get3A_3683] : memref<1x19x64x512xf32, #tpu.memory_space<vmem>>, vector<1x1x8x512xf32>
    %get3A_3685 = vector.shape_cast %get3A_3684 : vector<1x1x8x512xf32> to vector<8x512xf32>
    %sub3A_3686 = arith.subf %get3A_3685, %select_n3A_3616 : vector<8x512xf32>
    %exp3A_3687 = math.exp %sub3A_3686 : vector<8x512xf32>
    %add3A_3688 = arith.addf %add3A_3679, %exp3A_3687 : vector<8x512xf32>
    %get3A_3689 = arith.constant 0 : index
    %get3A_3690 = arith.constant 8 : index
    %get3A_3691 = arith.constant 56 : index
    %get3A_3692 = arith.constant 0 : index
    %get3A_3693 = vector.load %arg2[%get3A_3689, %get3A_3690, %get3A_3691, %get3A_3692] : memref<1x19x64x512xf32, #tpu.memory_space<vmem>>, vector<1x1x8x512xf32>
    %get3A_3694 = vector.shape_cast %get3A_3693 : vector<1x1x8x512xf32> to vector<8x512xf32>
    %sub3A_3695 = arith.subf %get3A_3694, %select_n3A_3616 : vector<8x512xf32>
    %exp3A_3696 = math.exp %sub3A_3695 : vector<8x512xf32>
    %add3A_3697 = arith.addf %add3A_3688, %exp3A_3696 : vector<8x512xf32>
    %get3A_3698 = arith.constant 0 : index
    %get3A_3699 = arith.constant 9 : index
    %get3A_3700 = arith.constant 56 : index
    %get3A_3701 = arith.constant 0 : index
    %get3A_3702 = vector.load %arg2[%get3A_3698, %get3A_3699, %get3A_3700, %get3A_3701] : memref<1x19x64x512xf32, #tpu.memory_space<vmem>>, vector<1x1x8x512xf32>
    %get3A_3703 = vector.shape_cast %get3A_3702 : vector<1x1x8x512xf32> to vector<8x512xf32>
    %sub3A_3704 = arith.subf %get3A_3703, %select_n3A_3616 : vector<8x512xf32>
    %exp3A_3705 = math.exp %sub3A_3704 : vector<8x512xf32>
    %add3A_3706 = arith.addf %add3A_3697, %exp3A_3705 : vector<8x512xf32>
    %get3A_3707 = arith.constant 0 : index
    %get3A_3708 = arith.constant 10 : index
    %get3A_3709 = arith.constant 56 : index
    %get3A_3710 = arith.constant 0 : index
    %get3A_3711 = vector.load %arg2[%get3A_3707, %get3A_3708, %get3A_3709, %get3A_3710] : memref<1x19x64x512xf32, #tpu.memory_space<vmem>>, vector<1x1x8x512xf32>
    %get3A_3712 = vector.shape_cast %get3A_3711 : vector<1x1x8x512xf32> to vector<8x512xf32>
    %sub3A_3713 = arith.subf %get3A_3712, %select_n3A_3616 : vector<8x512xf32>
    %exp3A_3714 = math.exp %sub3A_3713 : vector<8x512xf32>
    %add3A_3715 = arith.addf %add3A_3706, %exp3A_3714 : vector<8x512xf32>
    %get3A_3716 = arith.constant 0 : index
    %get3A_3717 = arith.constant 11 : index
    %get3A_3718 = arith.constant 56 : index
    %get3A_3719 = arith.constant 0 : index
    %get3A_3720 = vector.load %arg2[%get3A_3716, %get3A_3717, %get3A_3718, %get3A_3719] : memref<1x19x64x512xf32, #tpu.memory_space<vmem>>, vector<1x1x8x512xf32>
    %get3A_3721 = vector.shape_cast %get3A_3720 : vector<1x1x8x512xf32> to vector<8x512xf32>
    %sub3A_3722 = arith.subf %get3A_3721, %select_n3A_3616 : vector<8x512xf32>
    %exp3A_3723 = math.exp %sub3A_3722 : vector<8x512xf32>
    %add3A_3724 = arith.addf %add3A_3715, %exp3A_3723 : vector<8x512xf32>
    %get3A_3725 = arith.constant 0 : index
    %get3A_3726 = arith.constant 12 : index
    %get3A_3727 = arith.constant 56 : index
    %get3A_3728 = arith.constant 0 : index
    %get3A_3729 = vector.load %arg2[%get3A_3725, %get3A_3726, %get3A_3727, %get3A_3728] : memref<1x19x64x512xf32, #tpu.memory_space<vmem>>, vector<1x1x8x512xf32>
    %get3A_3730 = vector.shape_cast %get3A_3729 : vector<1x1x8x512xf32> to vector<8x512xf32>
    %sub3A_3731 = arith.subf %get3A_3730, %select_n3A_3616 : vector<8x512xf32>
    %exp3A_3732 = math.exp %sub3A_3731 : vector<8x512xf32>
    %add3A_3733 = arith.addf %add3A_3724, %exp3A_3732 : vector<8x512xf32>
    %get3A_3734 = arith.constant 0 : index
    %get3A_3735 = arith.constant 13 : index
    %get3A_3736 = arith.constant 56 : index
    %get3A_3737 = arith.constant 0 : index
    %get3A_3738 = vector.load %arg2[%get3A_3734, %get3A_3735, %get3A_3736, %get3A_3737] : memref<1x19x64x512xf32, #tpu.memory_space<vmem>>, vector<1x1x8x512xf32>
    %get3A_3739 = vector.shape_cast %get3A_3738 : vector<1x1x8x512xf32> to vector<8x512xf32>
    %sub3A_3740 = arith.subf %get3A_3739, %select_n3A_3616 : vector<8x512xf32>
    %exp3A_3741 = math.exp %sub3A_3740 : vector<8x512xf32>
    %add3A_3742 = arith.addf %add3A_3733, %exp3A_3741 : vector<8x512xf32>
    %get3A_3743 = arith.constant 0 : index
    %get3A_3744 = arith.constant 14 : index
    %get3A_3745 = arith.constant 56 : index
    %get3A_3746 = arith.constant 0 : index
    %get3A_3747 = vector.load %arg2[%get3A_3743, %get3A_3744, %get3A_3745, %get3A_3746] : memref<1x19x64x512xf32, #tpu.memory_space<vmem>>, vector<1x1x8x512xf32>
    %get3A_3748 = vector.shape_cast %get3A_3747 : vector<1x1x8x512xf32> to vector<8x512xf32>
    %sub3A_3749 = arith.subf %get3A_3748, %select_n3A_3616 : vector<8x512xf32>
    %exp3A_3750 = math.exp %sub3A_3749 : vector<8x512xf32>
    %add3A_3751 = arith.addf %add3A_3742, %exp3A_3750 : vector<8x512xf32>
    %get3A_3752 = arith.constant 0 : index
    %get3A_3753 = arith.constant 15 : index
    %get3A_3754 = arith.constant 56 : index
    %get3A_3755 = arith.constant 0 : index
    %get3A_3756 = vector.load %arg2[%get3A_3752, %get3A_3753, %get3A_3754, %get3A_3755] : memref<1x19x64x512xf32, #tpu.memory_space<vmem>>, vector<1x1x8x512xf32>
    %get3A_3757 = vector.shape_cast %get3A_3756 : vector<1x1x8x512xf32> to vector<8x512xf32>
    %sub3A_3758 = arith.subf %get3A_3757, %select_n3A_3616 : vector<8x512xf32>
    %exp3A_3759 = math.exp %sub3A_3758 : vector<8x512xf32>
    %add3A_3760 = arith.addf %add3A_3751, %exp3A_3759 : vector<8x512xf32>
    %get3A_3761 = arith.constant 0 : index
    %get3A_3762 = arith.constant 16 : index
    %get3A_3763 = arith.constant 56 : index
    %get3A_3764 = arith.constant 0 : index
    %get3A_3765 = vector.load %arg2[%get3A_3761, %get3A_3762, %get3A_3763, %get3A_3764] : memref<1x19x64x512xf32, #tpu.memory_space<vmem>>, vector<1x1x8x512xf32>
    %get3A_3766 = vector.shape_cast %get3A_3765 : vector<1x1x8x512xf32> to vector<8x512xf32>
    %sub3A_3767 = arith.subf %get3A_3766, %select_n3A_3616 : vector<8x512xf32>
    %exp3A_3768 = math.exp %sub3A_3767 : vector<8x512xf32>
    %add3A_3769 = arith.addf %add3A_3760, %exp3A_3768 : vector<8x512xf32>
    %get3A_3770 = arith.constant 0 : index
    %get3A_3771 = arith.constant 17 : index
    %get3A_3772 = arith.constant 56 : index
    %get3A_3773 = arith.constant 0 : index
    %get3A_3774 = vector.load %arg2[%get3A_3770, %get3A_3771, %get3A_3772, %get3A_3773] : memref<1x19x64x512xf32, #tpu.memory_space<vmem>>, vector<1x1x8x512xf32>
    %get3A_3775 = vector.shape_cast %get3A_3774 : vector<1x1x8x512xf32> to vector<8x512xf32>
    %sub3A_3776 = arith.subf %get3A_3775, %select_n3A_3616 : vector<8x512xf32>
    %exp3A_3777 = math.exp %sub3A_3776 : vector<8x512xf32>
    %add3A_3778 = arith.addf %add3A_3769, %exp3A_3777 : vector<8x512xf32>
    %get3A_3779 = arith.constant 0 : index
    %get3A_3780 = arith.constant 18 : index
    %get3A_3781 = arith.constant 56 : index
    %get3A_3782 = arith.constant 0 : index
    %get3A_3783 = vector.load %arg2[%get3A_3779, %get3A_3780, %get3A_3781, %get3A_3782] : memref<1x19x64x512xf32, #tpu.memory_space<vmem>>, vector<1x1x8x512xf32>
    %get3A_3784 = vector.shape_cast %get3A_3783 : vector<1x1x8x512xf32> to vector<8x512xf32>
    %sub3A_3785 = arith.subf %get3A_3784, %select_n3A_3616 : vector<8x512xf32>
    %exp3A_3786 = math.exp %sub3A_3785 : vector<8x512xf32>
    %add3A_3787 = arith.addf %add3A_3778, %exp3A_3786 : vector<8x512xf32>
    %log3A_3788 = math.log %add3A_3787 : vector<8x512xf32>
    %add3A_3789 = arith.addf %log3A_3788, %select_n3A_3616 : vector<8x512xf32>
    %convert_element_type3A_3790 = arith.extui %ge3A_3336 : vector<8x512xi1> to vector<8x512xi32>
    %convert_element_type3A_3791 = arith.sitofp %convert_element_type3A_3790 : vector<8x512xi32> to vector<8x512xf32>
    %convert_element_type3A_3792 = arith.sitofp %get3A_3333 : vector<8x512xi32> to vector<8x512xf32>
    %sub3A_3793 = arith.subf %add3A_3789, %select_n3A_3623 : vector<8x512xf32>
    %jit3A_3794 = arith.constant 0.000000e+00 : f32
    %broadcast_in_dim3A_3795 = vector.broadcast %jit3A_3794 : f32 to vector<8x512xf32>
    %select_n3A_3796 = arith.select %ge3A_3336, %sub3A_3793, %broadcast_in_dim3A_3795 : vector<8x512xi1>, vector<8x512xf32>
    %add3A_3797 = arith.addf %add3A_3321, %select_n3A_3796 : vector<8x512xf32>
    %add3A_3798 = arith.addf %add3A_3322, %convert_element_type3A_3791 : vector<8x512xf32>
    %mul3A_3799 = arith.mulf %select_n3A_3619, %convert_element_type3A_3792 : vector<8x512xf32>
    %add3A_3800 = arith.addf %add3A_3324, %mul3A_3799 : vector<8x512xf32>
    %mul3A_3801 = arith.mulf %select_n3A_3619, %select_n3A_3619 : vector<8x512xf32>
    %add3A_3802 = arith.addf %add3A_3326, %mul3A_3801 : vector<8x512xf32>
    %mul3A_3803 = arith.mulf %convert_element_type3A_3792, %convert_element_type3A_3792 : vector<8x512xf32>
    %add3A_3804 = arith.addf %add3A_3328, %mul3A_3803 : vector<8x512xf32>
    %reduce_sum3A = vector.shape_cast %add3A_3797 : vector<8x512xf32> to vector<1x8x512xf32>
    %reduce_sum3A_3805 = arith.constant dense<0.000000e+00> : vector<1xf32>
    %reduce_sum3A_3806 = vector.multi_reduction <add>, %reduce_sum3A, %reduce_sum3A_3805 [1, 2] : vector<1x8x512xf32> to vector<1xf32>
    %reduce_sum3A_3807 = vector.shape_cast %reduce_sum3A_3806 : vector<1xf32> to vector<1x1x1xf32>
    %reduce_sum3A_3808 = vector.extract %reduce_sum3A_3807[0, 0, 0] : f32 from vector<1x1x1xf32>
    %swap3A = arith.constant 0 : index
    %swap3A_3809 = arith.constant 0 : index
    %swap3A_3810 = arith.constant 0 : index
    %swap3A_3811 = arith.constant 0 : index
    %swap3A_3812 = memref.load %arg4[%swap3A, %swap3A_3809, %swap3A_3810, %swap3A_3811] : memref<1x1x1x5xf32, #tpu.memory_space<smem>>
    memref.store %reduce_sum3A_3808, %arg4[%swap3A, %swap3A_3809, %swap3A_3810, %swap3A_3811] : memref<1x1x1x5xf32, #tpu.memory_space<smem>>
    %reduce_sum3A_3813 = vector.shape_cast %add3A_3798 : vector<8x512xf32> to vector<1x8x512xf32>
    %reduce_sum3A_3814 = arith.constant dense<0.000000e+00> : vector<1xf32>
    %reduce_sum3A_3815 = vector.multi_reduction <add>, %reduce_sum3A_3813, %reduce_sum3A_3814 [1, 2] : vector<1x8x512xf32> to vector<1xf32>
    %reduce_sum3A_3816 = vector.shape_cast %reduce_sum3A_3815 : vector<1xf32> to vector<1x1x1xf32>
    %reduce_sum3A_3817 = vector.extract %reduce_sum3A_3816[0, 0, 0] : f32 from vector<1x1x1xf32>
    %swap3A_3818 = arith.constant 0 : index
    %swap3A_3819 = arith.constant 0 : index
    %swap3A_3820 = arith.constant 0 : index
    %swap3A_3821 = arith.constant 1 : index
    %swap3A_3822 = memref.load %arg4[%swap3A_3818, %swap3A_3819, %swap3A_3820, %swap3A_3821] : memref<1x1x1x5xf32, #tpu.memory_space<smem>>
    memref.store %reduce_sum3A_3817, %arg4[%swap3A_3818, %swap3A_3819, %swap3A_3820, %swap3A_3821] : memref<1x1x1x5xf32, #tpu.memory_space<smem>>
    %reduce_sum3A_3823 = vector.shape_cast %add3A_3800 : vector<8x512xf32> to vector<1x8x512xf32>
    %reduce_sum3A_3824 = arith.constant dense<0.000000e+00> : vector<1xf32>
    %reduce_sum3A_3825 = vector.multi_reduction <add>, %reduce_sum3A_3823, %reduce_sum3A_3824 [1, 2] : vector<1x8x512xf32> to vector<1xf32>
    %reduce_sum3A_3826 = vector.shape_cast %reduce_sum3A_3825 : vector<1xf32> to vector<1x1x1xf32>
    %reduce_sum3A_3827 = vector.extract %reduce_sum3A_3826[0, 0, 0] : f32 from vector<1x1x1xf32>
    %swap3A_3828 = arith.constant 0 : index
    %swap3A_3829 = arith.constant 0 : index
    %swap3A_3830 = arith.constant 0 : index
    %swap3A_3831 = arith.constant 2 : index
    %swap3A_3832 = memref.load %arg4[%swap3A_3828, %swap3A_3829, %swap3A_3830, %swap3A_3831] : memref<1x1x1x5xf32, #tpu.memory_space<smem>>
    memref.store %reduce_sum3A_3827, %arg4[%swap3A_3828, %swap3A_3829, %swap3A_3830, %swap3A_3831] : memref<1x1x1x5xf32, #tpu.memory_space<smem>>
    %reduce_sum3A_3833 = vector.shape_cast %add3A_3802 : vector<8x512xf32> to vector<1x8x512xf32>
    %reduce_sum3A_3834 = arith.constant dense<0.000000e+00> : vector<1xf32>
    %reduce_sum3A_3835 = vector.multi_reduction <add>, %reduce_sum3A_3833, %reduce_sum3A_3834 [1, 2] : vector<1x8x512xf32> to vector<1xf32>
    %reduce_sum3A_3836 = vector.shape_cast %reduce_sum3A_3835 : vector<1xf32> to vector<1x1x1xf32>
    %reduce_sum3A_3837 = vector.extract %reduce_sum3A_3836[0, 0, 0] : f32 from vector<1x1x1xf32>
    %swap3A_3838 = arith.constant 0 : index
    %swap3A_3839 = arith.constant 0 : index
    %swap3A_3840 = arith.constant 0 : index
    %swap3A_3841 = arith.constant 3 : index
    %swap3A_3842 = memref.load %arg4[%swap3A_3838, %swap3A_3839, %swap3A_3840, %swap3A_3841] : memref<1x1x1x5xf32, #tpu.memory_space<smem>>
    memref.store %reduce_sum3A_3837, %arg4[%swap3A_3838, %swap3A_3839, %swap3A_3840, %swap3A_3841] : memref<1x1x1x5xf32, #tpu.memory_space<smem>>
    %reduce_sum3A_3843 = vector.shape_cast %add3A_3804 : vector<8x512xf32> to vector<1x8x512xf32>
    %reduce_sum3A_3844 = arith.constant dense<0.000000e+00> : vector<1xf32>
    %reduce_sum3A_3845 = vector.multi_reduction <add>, %reduce_sum3A_3843, %reduce_sum3A_3844 [1, 2] : vector<1x8x512xf32> to vector<1xf32>
    %reduce_sum3A_3846 = vector.shape_cast %reduce_sum3A_3845 : vector<1xf32> to vector<1x1x1xf32>
    %reduce_sum3A_3847 = vector.extract %reduce_sum3A_3846[0, 0, 0] : f32 from vector<1x1x1xf32>
    %swap3A_3848 = arith.constant 0 : index
    %swap3A_3849 = arith.constant 0 : index
    %swap3A_3850 = arith.constant 0 : index
    %swap3A_3851 = arith.constant 4 : index
    %swap3A_3852 = memref.load %arg4[%swap3A_3848, %swap3A_3849, %swap3A_3850, %swap3A_3851] : memref<1x1x1x5xf32, #tpu.memory_space<smem>>
    memref.store %reduce_sum3A_3847, %arg4[%swap3A_3848, %swap3A_3849, %swap3A_3850, %swap3A_3851] : memref<1x1x1x5xf32, #tpu.memory_space<smem>>
    return
  }
  func.func @transform_0(%arg0: i32, %arg1: i32) -> (i32, i32, i32, i32) {
    %c0_i32 = arith.constant 0 : i32
    %c0_i32_0 = arith.constant 0 : i32
    %c0_i32_1 = arith.constant 0 : i32
    return %arg0, %c0_i32, %arg1, %c0_i32_0 : i32, i32, i32, i32
  }
  func.func @transform_1(%arg0: i32, %arg1: i32) -> (i32, i32, i32) {
    %c0_i32 = arith.constant 0 : i32
    %c0_i32_0 = arith.constant 0 : i32
    return %arg0, %arg1, %c0_i32 : i32, i32, i32
  }
  func.func @transform_2(%arg0: i32, %arg1: i32) -> (i32, i32, i32, i32) {
    %c0_i32 = arith.constant 0 : i32
    %c0_i32_0 = arith.constant 0 : i32
    %c0_i32_1 = arith.constant 0 : i32
    return %arg0, %arg1, %c0_i32, %c0_i32_0 : i32, i32, i32, i32
  }
}

</mosaic_0001>

<sc_bundles>
// kernel: _run.4.cloned.1.call-start
scs
__scs_entry_jumppad:
0x0: {  	(pc) =	sbr.rel $0x88, $3  }
0x1: {  	(tag) =	ssettag $0x0;
	lr =	simm.s32 $0x1  }
0x2: {  	[smem:$0x3F9F] =	sst lr;
	_ =	strace $0xD0000000  }
0x3: {  	_ = 	snop  }
0x4: {  	_ = 	snop  }
0x5: {  	_ = 	snop  }
0x6: {  	_ = 	snop  }
0x7: {  	_ = 	snop  }
__scs_overlays_trampoline_lowered:
0x8: {  	[smem:$0x3FAE] =	sst s0  }
0x9: {  	[smem:$0x3FAF] =	sst s1  }
0xa: {  	[smem:$0x3FB0] =	sst s2  }
0xb: {  	[smem:$0x3FB1] =	sst s3  }
0xc: {  	[smem:$0x3FB2] =	sst s4  }
0xd: {  	[smem:$0x3FB3] =	sst s5  }
0xe: {  	[smem:$0x3FB4] =	sst s6  }
0xf: {  	[smem:$0x3FB5] =	sst s7  }
0x10: {  	[smem:$0x3FB6] =	sst s8  }
0x11: {  	[smem:$0x3FB7] =	sst s9;
	s0 =	simm.s32 @!p0 $0x0  }
0x12: {  	s1 =	sld [smem:$0x3F9D];
	s0 =	simm.s32 @p0 $0x1  }
0x13: {  	[smem:$0x3FB8] =	sst s0;
	s0 =	simm.s32 @!p1 $0x0  }
0x14: {  	s2 =	sld [smem:$0x3F9C];
	s0 =	simm.s32 @p1 $0x1  }
0x15: {  	[smem:$0x3FB9] =	sst s0;
	s0 =	simm.s32 @!p2 $0x0  }
0x16: {  	s3 =	sld [smem:$0x3FDB];
	s0 =	simm.s32 @p2 $0x1  }
0x17: {  	s4 =	simm.s32 $0x1BF5;
	[smem:$0x3FBB] =	sst s0  }
0x18: {  	s0 =	sld [smem:$0x3F9E];
	_ =	swait.ge [sflag:s4], $0x0  }
0x19: {  	s7 =	sld [smem:$0x3F9F]  }
0x1a: {  	s8 =	sadd.s32 $0xFFFFE003, lr  }
0x1b: {  	s9 =	sadd.s32 $0xFFFFFEF7, lr;
	s5 =	simm.s32 $0xFFFFFFFF;
	p2 =	slt.u32 s8, $0xFFFFF086  }
0x1c: {  	p1 =	slt.u32 s9, $0xF7A;
	s5 =	simm.s32 @!p2 $0x0  }
0x1d: {  	s5 =	simm.s32 @p1 $0x1;
	p0 =	seq.s32 s7, s2  }
0x1e: {  	s7 =	smul.u32 @!p0 $0xF7A, s2;
	p2 =	seq.s32 @!p0 s5, $0x0  }
0x1f: {  	s9 =	smul.u32 $0xF7A, s1;
	s8 =	simm.s32 @!p0 $0x1BF5;
	p2 =	por !p2, p0  }
0x20: {  	[sflag:s8] =	ssyncset.s32 @!p0 $0xFFFFF086;
	s6 =	sadd.s32 @!p0 s3, s7;
	s7 =	simm.s32 @!p0 $0x108  }
0x21: {  	s3 =	sadd.s32 s3, s9;
	s6 =	sadd.s32 @!p0 $0x88, s6;
	s7 =	simm.s32 @p2 $0x1082  }
0x22: {  	[simem:s7], [sflag:s8] =	dma.local @!p0 [hbm:s6], $0xF7A  }
0x23: {  	s9 =	sor.u32 $0xD0000000, s2;
	s6 =	simm.s32 $0x108;
	_ =	swait.ge @!p0 [sflag:s8], $0x0  }
0x24: {  	s3 =	sadd.s32 $0x88, s3;
	s6 =	simm.s32 @!p1 $0x1082;
	[sflag:s4] =	ssyncset.s32 $0xFFFFF086  }
0x25: {  	[simem:s6], [sflag:s4] =	dma.local [hbm:s3], $0xF7A  }
0x26: {  	[smem:$0x3F9F] =	sst s1;
	(tag) =	ssettag s2;
	_ =	strace s9  }
0x27: {  	s1 =	sld [smem:$0x3FAF]  }
0x28: {  	s2 =	sld [smem:$0x3FB0]  }
0x29: {  	s4 =	sld [smem:$0x3FB2]  }
0x2a: {  	p0 =	seq.s32 s5, $0x0;
	s5 =	sld [smem:$0x3FB3]  }
0x2b: {  	s6 =	sld [smem:$0x3FB4]  }
0x2c: {  	s7 =	sld [smem:$0x3FB5]  }
0x2d: {  	s3 =	simm.s32 $0x108;
	s8 =	sld [smem:$0x3FB6]  }
0x2e: {  	s3 =	simm.s32 @!p0 $0x1082;
	s9 =	sld [smem:$0x3FB7]  }
0x2f: {  	lr =	sadd.s32 s0, s3;
	s0 =	sld [smem:$0x3FAE]  }
0x30: {  	s3 =	sld [smem:$0x3FB1]  }
0x31: {  	[smem:$0x3FBA] =	sst s10  }
0x32: {  	s10 =	sld [smem:$0x3FB8];
	_ =	sdelay $0x3  }
0x33: {  	p0 =	seq.s32 s10, $0x1;
	s10 =	sld [smem:$0x3FBA];
	_ =	sdelay $0x3  }
0x34: {  	[smem:$0x3FBA] =	sst s10  }
0x35: {  	s10 =	sld [smem:$0x3FB9];
	_ =	sdelay $0x3  }
0x36: {  	p1 =	seq.s32 s10, $0x1;
	s10 =	sld [smem:$0x3FBA];
	_ =	sdelay $0x3  }
0x37: {  	[smem:$0x3FBA] =	sst s10  }
0x38: {  	s10 =	sld [smem:$0x3FBB]  }
0x39: {  	_ = 	snop;
	(pc) =	sbr.ind lr, $3  }
0x3a: {  	_ = 	snop  }
0x3b: {  	_ = 	snop  }
0x3c: {  	p2 =	seq.s32 s10, $0x1;
	s10 =	sld [smem:$0x3FBA]  }
0x3d: {  	_ =	shalt  }
0x3e: {  	_ =	shalt  }
0x3f: {  	_ =	shalt  }
0x40: {  	_ =	shalt  }
0x41: {  	_ =	shalt  }
0x42: {  	_ =	shalt  }
0x43: {  	_ =	shalt  }
0x44: {  	_ =	shalt  }
0x45: {  	_ =	shalt  }
0x46: {  	_ =	shalt  }
0x47: {  	_ =	shalt  }
0x48: {  	_ =	shalt  }
0x49: {  	_ =	shalt  }
0x4a: {  	_ =	shalt  }
0x4b: {  	_ =	shalt  }
0x4c: {  	_ =	shalt  }
0x4d: {  	_ =	shalt  }
0x4e: {  	_ =	shalt  }
0x4f: {  	_ =	shalt  }
0x50: {  	_ =	shalt  }
0x51: {  	_ =	shalt  }
0x52: {  	_ =	shalt  }
0x53: {  	_ =	shalt  }
0x54: {  	_ =	shalt  }
0x55: {  	_ =	shalt  }
0x56: {  	_ =	shalt  }
0x57: {  	_ =	shalt  }
0x58: {  	_ =	shalt  }
0x59: {  	_ =	shalt  }
0x5a: {  	_ =	shalt  }
0x5b: {  	_ =	shalt  }
0x5c: {  	_ =	shalt  }
0x5d: {  	_ =	shalt  }
0x5e: {  	_ =	shalt  }
0x5f: {  	_ =	shalt  }
0x60: {  	_ =	shalt  }
0x61: {  	_ =	shalt  }
0x62: {  	_ =	shalt  }
0x63: {  	_ =	shalt  }
0x64: {  	_ =	shalt  }
0x65: {  	_ =	shalt  }
0x66: {  	_ =	shalt  }
0x67: {  	_ =	shalt  }
0x68: {  	_ =	shalt  }
0x69: {  	_ =	shalt  }
0x6a: {  	_ =	shalt  }
0x6b: {  	_ =	shalt  }
0x6c: {  	_ =	shalt  }
0x6d: {  	_ =	shalt  }
0x6e: {  	_ =	shalt  }
0x6f: {  	_ =	shalt  }
0x70: {  	_ =	shalt  }
0x71: {  	_ =	shalt  }
0x72: {  	_ =	shalt  }
0x73: {  	_ =	shalt  }
0x74: {  	_ =	shalt  }
0x75: {  	_ =	shalt  }
0x76: {  	_ =	shalt  }
0x77: {  	_ =	shalt  }
0x78: {  	_ =	shalt  }
0x79: {  	_ =	shalt  }
0x7a: {  	_ =	shalt  }
0x7b: {  	_ =	shalt  }
0x7c: {  	_ =	shalt  }
0x7d: {  	_ =	shalt  }
0x7e: {  	_ =	shalt  }
0x7f: {  	_ =	shalt  }
0x80: {  	_ =	shalt  }
0x81: {  	_ =	shalt  }
0x82: {  	_ =	shalt  }
0x83: {  	_ =	shalt  }
0x84: {  	_ =	shalt  }
0x85: {  	_ =	shalt  }
0x86: {  	_ =	shalt  }
0x87: {  	_ =	shalt  }
.Lfunc_end0:
.L_simem_size_0:
called_computation_lowered:
.L_overlay_start_0:
0x88: {  	s2 =	sld [smem:$0x3FD9]  }
0x89: {  	s3 =	sld [smem:$0x3FFE];
	_ =	sdelay $0x1  }
0x8a: {  	s1 =	srdreg.scid  }
0x8b: {  	s0 =	sand.u32 $0x1, s1  }
0x8c: {  	s17 =	sshll.u32 s0, $0xA;
	s2 =	sadd.s32 s3, s2  }
0x8d: {  	s2 =	sadd.s32 s2, s17  }
0x8e: {  	[smem:$0x3FC6] =	sst s2  }
0x8f: {  	_ = 	snop  }
0x90: {  	s2 =	sld [smem:$0x3FC9]  }
0x91: {  	s18 =	sld [smem:$0x3FC8];
	(tm) =	ssettm $0x1  }
0x92: {  	s4 =	sld [smem:$0x3FFB];
	_ =	sdelay $0x3  }
0x93: {  	_ =	strace s4  }
0x94: {  	s4 =	sld [smem:$0x3FFC];
	_ =	sdelay $0x3  }
0x95: {  	_ =	strace s4  }
0x96: {  	s4 =	sld [smem:$0x3FFD];
	_ =	sdelay $0x3  }
0x97: {  	_ =	strace s4  }
0x98: {  	_ =	strace $0x8FFFFFFF  }
0x99: {  	s19 =	sld [smem:$0x3FDB];
	_ =	sdelay $0x1  }
0x9a: {  	s5 =	simm.s32 $_scs_section_size  }
0x9b: {  	s6 =	simm.s32 $_size__tile_overlayer_lowered;
	s7 =	simm.s32 $_tile_overlayer_lowered  }
0x9c: {  	s22 =	simm.s32 $0x1BFF;
	s21 =	sshll.u32 s7, $0x1;
	s4 =	sadd.s32 s5, s19  }
0x9d: {  	s8 =	simm.s32 $0x0;
	s20 =	sshll.u32 s6, $0x1;
	s6 =	sadd.s32 s21, s4  }
0x9e: {  	[timem:s8], [sflag:s22] =	dma.local [hbm:s6], s20  }
0x9f: {  	_ =	swait.ge [sflag:s22], s20  }
0xa0: {  	s5 =	ssub.s32 $0x0, s20;
	[sflag:s22] =	ssyncset.done $0x0  }
0xa1: {  	[sflag:s22] =	ssyncadd.s32 s5;
	_ =	sdelay $0x1  }
0xa2: {  	s23 =	simm.s32 $0x1B8B  }
0xa3: {  	_ =	swait.ge [sflag:s23], $0x1  }
0xa4: {  	[sflag:s23] =	ssyncset.done $0x0  }
0xa5: {  	s25 =	simm.s32 $0x1B8E;
	s24 =	sld [smem:$0x3FFE];
	[sflag:s23] =	ssyncadd.s32 $0xFFFFFFFF  }
0xa6: {  	s26 =	simm.s32 $execute0_lowered;
	[smem:$0x3FD2] =	sst s25  }
0xa7: {  	s6 =	sshll.u32 s26, $0x1;
	_ =	strace $0x80000046;
	[dreg:$0x1] =	wrdreg $0xFFFFFFFF  }
0xa8: {  	s28 =	simm.s32 $_size_execute0_lowered;
	s4 =	sadd.s32 s4, s6;
	[dreg:$0x0] =	wrdreg $0x0  }
0xa9: {  	s6 =	sshll.u32 s28, $0x1;
	[dreg:$0x2] =	wrdreg s4  }
0xaa: {  	[dreg:$0x3] =	wrdreg s6  }
0xab: {  	[dreg:$0x4] =	wrdreg $0xC0  }
0xac: {  	_ =	task [dreg:s8], $0x5FFFF  }
0xad: {  	[dreg:$0x1] =	wrdreg $0xFFFFFFFF  }
0xae: {  	[dreg:$0x0] =	wrdreg $0x60  }
0xaf: {  	[dreg:$0x2] =	wrdreg s2  }
0xb0: {  	[dreg:$0x3] =	wrdreg s18  }
0xb1: {  	[dreg:$0x4] =	wrdreg s24  }
0xb2: {  	[dreg:$0x5] =	wrdreg $0x9  }
0xb3: {  	_ =	task.clear_ibuf [dreg:s8], $0x6FFFF;
	_ =	strace $0x90000046  }
0xb4: {  	s29 =	simm.s32 $0x9;
	_ =	strace $0x80000048  }
0xb5: {  	_ =	swait.ge [sflag:s29], $0x1  }
0xb6: {  	[sflag:s29] =	ssyncadd.s32 $0xFFFFFFFF  }
0xb7: {  	_ =	strace $0x90000048  }
0xb8: {  	_ =	sfence  }
0xb9: {  	s30 =	sld [smem:$0x0];
	_ =	sdelay $0x2  }
0xba: {  	s31 =	sshll.u32 s1, $0xD;
	s1 =	sshrl.u32 s1, $0x2  }
0xbb: {  	s3 =	sand.u32 $0x4000, s31;
	s1 =	sadd.s32 s1, s30  }
0xbc: {  	s0 =	sor.u32 s3, s0;
	s1 =	sshll.u32 s1, $0x11  }
0xbd: {  	s0 =	sor.u32 s1, s0  }
0xbe: {  	s0 =	sadd.s32 $0x8F2B, s0  }
0xbf: {  	[sflag:s0] =	ssyncadd.remote.s32 $0x1  }
0xc0: {  	_ =	sfence.sel $0xFFFF  }
0xc1: {  	[dreg:$0x0] =	wrdreg $0xFFFFFFFF;
	(pc) =	sbr.abs _section_cstart, $3  }
0xc2: {  	[dreg:$0x1] =	wrdreg $0xFFFFFFFF  }
0xc3: {  	_ =	task.clear_ibuf [dreg:s8], $0x2FFFF;
	_ =	strace $0x9FFFFFFF  }
0xc4: {  	(tm) =	ssettm $0x7FFFFFFF  }
0xc5: {  	_ =	shalt  }
tec
execute0_lowered:
.L_overlay_start_1:
0x0: {  	(tag) =	ssettag $0x1  }
0x1: {  	s1 =	rddreg [dreg:$0x0];
	s0 =	srdreg.scid  }
0x2: {  	s6 =	stileid.u32;
	s3 =	rddreg [dreg:$0x1]  }
0x3: {  	s11 =	rddreg [dreg:$0x2];
	s4 =	simm.s32 $0x0;
	s14 =	simm.s32 $0x100  }
0x4: {  	s15 =	simm.s32 $0x400;
	s16 =	simm.s32 $0x9800;
	s17 =	simm.s32 $0x9C00  }
0x5: {  	s18 =	simm.s32 $0x1;
	s19 =	simm.s32 $0x3;
	s20 =	simm.s32 $0x2  }
0x6: {  	s21 =	simm.s32 $0x4;
	s0 =	sand.u32 $0x1, s0;
	s2 =	sshll.u32 s6, $0x1  }
0x7: {  	s22 =	simm.s32 $0x4C00;
	s25 =	simm.s32 $0x0;
	s2 =	sor.u32 s0, s2  }
0x8: {  	s7 =	sshrl.u32 s6, $0x2;
	[smem:$0x7FF] =	sst s4;
	s5 =	sand.u32 $0x7, s2  }
0x9: {  	_ =	strace $0x80000047;
	s0 =	ssub.s32 $0x2, s0;
	s30 =	smul.u32 $0x3000, s5  }
0xa: {  	s9 =	sshrl.u32 s0, $0x1;
	s2 =	sshll.u32 s2, $0x7;
	s5 =	smul.u32 $0x4C0000, s7  }
0xb: {  	s7 =	sshll.u32 s7, $0x12;
	s2 =	sadd.s32 s11, s2;
	s6 =	sadd.s32 $0x28000, s30  }
0xc: {  	s0 =	ssub.s32 s0, s9;
	[dreg:$0x6] =	wrdreg s2;
	s10 =	sadd.s32 s7, s6  }
0xd: {  	s0 =	smax.u32 s0, $0x1;
	s8 =	sadd.s32 s5, s6;
	s31 =	sshrl.u32 s10, $0x3  }
0xe: {  	[dreg:$0x7] =	wrdreg s0;
	s8 =	sshrl.u32 s8, $0x3;
	s9 =	sadd.s32 s3, s31  }
0xf: {  	s8 =	sadd.s32 s1, s8;
	[dreg:$0x4] =	wrdreg s9;
	s9 =	sadd.s32 $0x20, s9  }
0x10: {  	v0 =	vimm.f32 $0.0e+00;
	v1 =	vimm.f32 $9.000000000e+00;
	v2 =	vlaneseq.u32;
	s26 =	simm.s32 $0x0;
	s10 =	sadd.s32 $0x20, s8;
	[dreg:$0x5] =	wrdreg s9  }
.LBB2_1:
0x11: {  	s0 =	simm.s32 $0x1000  }
0x12: {  	s12 =	simm.s32 $0x0;
	s2 =	sadd.s32 $0x8000, s8;
	s11 =	smov.u32 s8  }
.LBB2_2:
0x13: {  	[tilespmem:s12], [sflag:$0x1] =	stream.strided.gather [hbm4b:s11+s14], $0x400, s15, s14, $0x38;
	[tilespmem:$0xA400] =	vst v63  }
0x14: {  	s12 =	smov.u32 s0;
	s11 =	smov.u32 s2;
	p0 =	sne.s32 s0, $0x12000  }
.Ltmp0:
0x15: {  	s0 =	sadd.s32 $0x1000, s0;
	(pc) =	sbr.rel @p0 .LBB2_2-.Ltmp0, $2  }
0x16: {  	_ =	sdelay $0x2  }
0x17: {  	s2 =	sadd.s32 $0x8000, s2;
	s12 =	sshra.s32 s12, $0x2  }
0x18: {  	[tilespmem:s12], [sflag:$0x1] =	stream.strided.gather [hbm4b:s11+s14], $0x400, s15, s14, $0x38;
	[tilespmem:$0xA400] =	vst v63  }
0x19: {  	s0 =	rddreg [dreg:$0x4]  }
0x1a: {  	[tilespmem:s16], [sflag:$0x3] =	stream.strided.gather [hbm4b:s0+s14], $0x400, s15, s14, $0x38;
	[tilespmem:$0xA400] =	vst v63  }
0x1b: {  	s31 =	simm.s32 $0x4C00;
	s2 =	smov.u32 s10;
	s0 =	simm.s32 $0x1000  }
0x1c: {  	[tilespmem:s31], [sflag:$0x2] =	stream.strided.gather [hbm4b:s10+s14], $0x400, s15, s14, $0x38;
	[tilespmem:$0xA400] =	vst v63  }
.LBB2_4:
0x1d: {  	p0 =	sne.s32 s0, $0x12000  }
.Ltmp1:
0x1e: {  	_ = 	snop;
	(pc) =	sbr.rel @p0 .LBB2_4-.Ltmp1, $4  }
0x1f: {  	_ = 	snop  }
0x20: {  	s11 =	sshra.s32 s0, $0x2;
	s0 =	sadd.s32 $0x1000, s0  }
0x21: {  	s2 =	sadd.s32 $0x8000, s2;
	s11 =	sadd.s32 $0x4C00, s11  }
0x22: {  	[tilespmem:s11], [sflag:$0x2] =	stream.strided.gather [hbm4b:s2+s14], $0x400, s15, s14, $0x38;
	[tilespmem:$0xA400] =	vst v63  }
0x23: {  	s0 =	rddreg [dreg:$0x5];
	v3 =	vimm.f32 $0.0e+00;
	v7 =	vimm.f32 $0.0e+00;
	s28 =	simm.s32 $0x0  }
0x24: {  	v4 =	vimm.f32 $0.0e+00;
	v5 =	vimm.f32 $0.0e+00;
	v8 =	vimm.f32 $0.0e+00;
	[tilespmem:s17], [sflag:$0x4] =	stream.strided.gather [hbm4b:s0+s14], $0x400, s15, s14, $0x38;
	[tilespmem:$0xA400] =	vst v63  }
.LBB2_6:
0x25: {  	_ =	swait.ge [sflag:s18], $0x4C00  }
0x26: {  	[sflag:s18] =	ssyncset.done $0x0  }
0x27: {  	[sflag:s18] =	ssyncadd.s32 $0xFFFFB400  }
0x28: {  	s2 =	sand.u32 $0x300, s26;
	s0 =	simm.s32 $0x0;
	_ =	swait.ge [sflag:s19], $0x400  }
0x29: {  	s11 =	sand.u32 $0x70, s26;
	s0 =	sor.u32 s0, s2;
	[sflag:s19] =	ssyncset.done $0x0  }
0x2a: {  	s2 =	sadd.s32 $0x0, s2;
	s0 =	sor.u32 s11, s0;
	[sflag:s19] =	ssyncadd.s32 $0xFFFFFC00  }
0x2b: {  	s2 =	sor.u32 s11, s2;
	v6 =	vld [tilespmem:s0+$0x0]  }
0x2c: {  	v9 =	vld [tilespmem:s2+$0x2400]  }
0x2d: {  	v11 =	vld [tilespmem:s2+$0x2800]  }
0x2e: {  	v12 =	vld [tilespmem:s2+$0x400]  }
0x2f: {  	v13 =	vld [tilespmem:s2+$0x2C00]  }
0x30: {  	v14 =	vld [tilespmem:s2+$0x800]  }
0x31: {  	v15 =	vld [tilespmem:s2+$0x3000]  }
0x32: {  	v16 =	vld [tilespmem:s2+$0xC00];
	vm0 =	vgt.f32 v11, v9  }
0x33: {  	v17 =	vld [tilespmem:s2+$0x3400];
	v10 =	vsel vm0, v11, v9  }
0x34: {  	v18 =	vld [tilespmem:s2+$0x1000];
	vm8 =	vgt.f32 v12, v6;
	vm1 =	vgt.f32 v13, v10  }
0x35: {  	v20 =	vld [tilespmem:s2+$0x3800];
	v19 =	vsel vm8, v12, v6;
	v10 =	vsel vm1, v13, v10  }
0x36: {  	v21 =	vld [tilespmem:s2+$0x1400];
	vm10 =	vgt.f32 v14, v19;
	vm15 =	vgt.f32 v15, v10  }
0x37: {  	v22 =	vld [tilespmem:s2+$0x3C00];
	v19 =	vsel vm10, v14, v19;
	v10 =	vsel vm15, v15, v10  }
0x38: {  	v23 =	vld [tilespmem:s2+$0x1800];
	vm11 =	vgt.f32 v16, v19;
	vm12 =	vgt.f32 v17, v10  }
0x39: {  	v24 =	vld [tilespmem:s2+$0x4000];
	v19 =	vsel vm11, v16, v19;
	v10 =	vsel vm12, v17, v10  }
0x3a: {  	v25 =	vld [tilespmem:s2+$0x1C00];
	vm3 =	vgt.f32 v18, v19;
	vm14 =	vgt.f32 v20, v10  }
0x3b: {  	v26 =	vld [tilespmem:s2+$0x4400];
	v19 =	vsel vm3, v18, v19;
	v10 =	vsel vm14, v20, v10  }
0x3c: {  	v27 =	vld [tilespmem:s2+$0x2000];
	vm5 =	vgt.f32 v21, v19;
	vm13 =	vgt.f32 v22, v10  }
0x3d: {  	v28 =	vld [tilespmem:s2+$0x4800];
	v19 =	vsel vm5, v21, v19;
	v10 =	vsel vm13, v22, v10  }
0x3e: {  	vm6 =	vgt.f32 v23, v19;
	vm7 =	vgt.f32 v24, v10  }
0x3f: {  	v19 =	vsel vm6, v23, v19;
	v10 =	vsel vm7, v24, v10  }
0x40: {  	vm2 =	vgt.f32 v25, v19;
	vm9 =	vgt.f32 v26, v10  }
0x41: {  	v29 =	vimm.s32 $0x0;
	v19 =	vsel vm2, v25, v19;
	v10 =	vsel vm9, v26, v10  }
0x42: {  	v29 =	vsel vm2, $0xFFFFFFFF, v29;
	vm2 =	vgt.f32 v27, v19;
	vm4 =	vgt.f32 v28, v10  }
0x43: {  	v51 =	vimm.s32 $0x0;
	v19 =	vsel vm2, v27, v19;
	v10 =	vsel vm4, v28, v10  }
0x44: {  	[tilespmem:$0x1FFE0] =	vst v29;
	v29 =	vsel vm2, $0xFFFFFFFF, v51;
	vm2 =	vgt.f32 v10, v19  }
0x45: {  	v10 =	vsel vm2, v10, v19  }
0x46: {  	v12 =	vsub.f32 v12, v10  }
0x47: {  	v16 =	vsub.f32 v16, v10  }
0x48: {  	v6 =	vsub.f32 v6, v10;
	v14 =	vsub.f32 v14, v10;
	v12 =	vmul.f32 $1.442695020e+00, v12  }
0x49: {  	v26 =	vsub.f32 v26, v10;
	v11 =	vsub.f32 v11, v10;
	v16 =	vmul.f32 $1.442695020e+00, v16  }
0x4a: {  	v6 =	vmul.f32 $1.442695020e+00, v6;
	(erf) = vpow2.f32 v12;
	v12 =	vsub.f32 v18, v10  }
0x4b: {  	v14 =	vmul.f32 $1.442695020e+00, v14;
	v18 =	vsub.f32 v21, v10;
	(erf) = vpow2.f32 v16  }
0x4c: {  	(erf) = vpow2.f32 v6;
	v6 =	vmul.f32 $1.442695020e+00, v12;
	v12 =	vsub.f32 v23, v10  }
0x4d: {  	v21 =	vsub.f32 v25, v10;
	v18 =	vmul.f32 $1.442695020e+00, v18;
	(erf) = vpow2.f32 v14  }
0x4e: {  	(erf) = vpow2.f32 v6;
	v6 =	vmul.f32 $1.442695020e+00, v12;
	v12 =	vsub.f32 v27, v10  }
0x4f: {  	v9 =	vsub.f32 v9, v10;
	v11 =	vmul.f32 $1.442695020e+00, v11;
	v21 =	vmul.f32 $1.442695020e+00, v21  }
0x50: {  	v16 =	vsub.f32 v22, v10;
	(erf) = vpow2.f32 v18;
	v12 =	vmul.f32 $1.442695020e+00, v12  }
0x51: {  	(erf) = vpow2.f32 v6;
	v6 =	vmul.f32 $1.442695020e+00, v9;
	v9 =	vsub.f32 v13, v10  }
0x52: {  	v14 =	vsub.f32 v28, v10;
	v13 =	vsub.f32 v15, v10;
	(erf) = vpow2.f32 v21  }
0x53: {  	v9 =	vmul.f32 $1.442695020e+00, v9;
	v15 =	vpop (erf);
	(erf) = vpow2.f32 v12;
	v12 =	vsub.f32 v17, v10  }
0x54: {  	v17 =	vpop (erf);
	(erf) = vpow2.f32 v6;
	v6 =	vmul.f32 $1.442695020e+00, v13;
	v13 =	vsub.f32 v20, v10  }
0x55: {  	v18 =	vpop (erf);
	(erf) = vpow2.f32 v11;
	v11 =	vmul.f32 $1.442695020e+00, v12;
	v12 =	vsub.f32 v24, v10  }
0x56: {  	v15 =	vadd.f32 v17, v15;
	v20 =	vpop (erf);
	(erf) = vpow2.f32 v9;
	v13 =	vmul.f32 $1.442695020e+00, v13  }
0x57: {  	v9 =	vadd.f32 v20, v18;
	(erf) = vpow2.f32 v6;
	v6 =	vmul.f32 $1.442695020e+00, v16  }
0x58: {  	v16 =	vpop (erf);
	(erf) = vpow2.f32 v11;
	v11 =	vmul.f32 $1.442695020e+00, v12  }
0x59: {  	v9 =	vadd.f32 v9, v16;
	v12 =	vpop (erf);
	(erf) = vpow2.f32 v13;
	v13 =	vmul.f32 $1.442695020e+00, v26  }
0x5a: {  	v12 =	vadd.f32 v15, v12;
	v15 =	vpop (erf);
	(erf) = vpow2.f32 v6  }
0x5b: {  	v6 =	vmul.f32 $1.442695020e+00, v14;
	v9 =	vadd.f32 v9, v15;
	v14 =	vpop (erf);
	(erf) = vpow2.f32 v11  }
0x5c: {  	v15 =	vpop (erf)  }
0x5d: {  	(erf) = vpow2.f32 v13;
	v12 =	vadd.f32 v12, v14;
	v9 =	vadd.f32 v9, v15;
	v13 =	vpop (erf)  }
0x5e: {  	v14 =	vpop (erf)  }
0x5f: {  	v12 =	vadd.f32 v12, v13;
	v9 =	vadd.f32 v9, v14;
	v13 =	vpop (erf)  }
0x60: {  	v14 =	vpop (erf)  }
0x61: {  	(erf) = vpow2.f32 v6;
	v12 =	vadd.f32 v12, v13;
	v9 =	vadd.f32 v9, v14;
	v13 =	vpop (erf)  }
0x62: {  	v19 =	vsel vm0, $0x41200000, v1;
	v14 =	vpop (erf)  }
0x63: {  	v11 =	vsel vm1, $0x41300000, v19;
	v12 =	vadd.f32 v12, v13;
	v9 =	vadd.f32 v9, v14;
	v13 =	vpop (erf)  }
0x64: {  	s23 =	simm.s32 $0x20;
	v11 =	vsel vm15, $0x41400000, v11;
	v14 =	vpop (erf)  }
0x65: {  	s24 =	simm.s32 $0x0;
	s29 =	simm.s32 $0x10;
	s2 =	sand.u32 $0x300, s23;
	[tilespmem:$0x1FFF0] =	vst v29;
	v6 =	vsel vm8, $0x3F800000, v0;
	v11 =	vsel vm12, $0x41500000, v11;
	v9 =	vadd.f32 v9, v14;
	v14 =	vld [tilespmem:$0x1FFE0]  }
0x66: {  	s12 =	sand.u32 $0x70, s29;
	s11 =	sor.u32 s24, s2;
	v19 =	vld [tilespmem:$0x1FFF0];
	v6 =	vsel vm10, $0x40000000, v6;
	v11 =	vsel vm14, $0x41600000, v11  }
0x67: {  	s2 =	sadd.s32 $0x0, s2;
	s30 =	sor.u32 s12, s11;
	v6 =	vsel vm11, $0x40400000, v6;
	v11 =	vsel vm13, $0x41700000, v11  }
0x68: {  	s2 =	sor.u32 s12, s2;
	v17 =	vld [tilespmem:s30+$0x0];
	v6 =	vsel vm3, $0x40800000, v6;
	v11 =	vsel vm7, $0x41800000, v11;
	v12 =	vadd.f32 v12, v13  }
0x69: {  	v16 =	vld [tilespmem:s2+$0x2800];
	v6 =	vsel vm5, $0x40A00000, v6;
	v11 =	vsel vm9, $0x41880000, v11;
	v13 =	vpop (erf)  }
0x6a: {  	v15 =	vld [tilespmem:s2+$0x2400];
	v6 =	vsel vm6, $0x40C00000, v6;
	v12 =	vadd.f32 v12, v13;
	vm0 =	vnez.u8 v14;
	v14 =	vpop (erf)  }
0x6b: {  	v18 =	vld [tilespmem:s2+$0x400];
	v6 =	vsel vm0, $0x40E00000, v6;
	vm0 =	vnez.u8 v19;
	v9 =	vadd.f32 v9, v14  }
0x6c: {  	v11 =	vsel vm4, $0x41900000, v11;
	v19 =	vld [tilespmem:s2+$0x2C00];
	v6 =	vsel vm0, $0x41000000, v6  }
0x6d: {  	v21 =	vld [tilespmem:s2+$0x3000];
	v6 =	vsel vm2, v11, v6;
	v11 =	vadd.f32 v9, v12  }
0x6e: {  	v20 =	vld [tilespmem:s2+$0x800];
	v13 =	vmul.f32 v6, v6  }
0x6f: {  	v22 =	vld [tilespmem:s2+$0xC00];
	vm0 =	vgt.f32 v16, v15;
	v12 =	vcvt.s32.f32 v11  }
0x70: {  	v23 =	vld [tilespmem:s2+$0x3400];
	v9 =	vsel vm0, v16, v15;
	v7 =	vadd.f32 v13, v7;
	v13 =	vsel vm0, $0x41200000, v1  }
0x71: {  	v52 =	vld [tilespmem:s2+$0x1000];
	vm0 =	vgt.f32 v18, v17;
	vm1 =	vgt.f32 v19, v9;
	v12 =	vmul.f32 $8.262958320e-08, v12  }
0x72: {  	v53 =	vld [tilespmem:s2+$0x3800];
	v14 =	vsel vm0, v18, v17;
	v9 =	vsel vm1, v19, v9;
	v54 =	vsel vm1, $0x41300000, v13  }
0x73: {  	v55 =	vld [tilespmem:s2+$0x1400];
	vm6 =	vgt.f32 v20, v14;
	vm1 =	vgt.f32 v21, v9;
	v57 =	vadd.f32 $-8.799846650e+01, v12  }
0x74: {  	v56 =	vld [tilespmem:s2+$0x3C00];
	v14 =	vsel vm6, v20, v14;
	v9 =	vsel vm1, v21, v9  }
0x75: {  	v30 =	vld [tilespmem:s2+$0x1800];
	vm8 =	vgt.f32 v22, v14;
	vm9 =	vgt.f32 v23, v9;
	v32 =	vsub.f32 $0.0e+00, v57  }
0x76: {  	v31 =	vld [tilespmem:s2+$0x4000];
	v14 =	vsel vm8, v22, v14;
	v9 =	vsel vm9, v23, v9  }
0x77: {  	v58 =	vld [tilespmem:s2+$0x1C00];
	vm2 =	vgt.f32 v52, v14;
	vm12 =	vgt.f32 v53, v9;
	v32 =	vmul.f32 $1.442695020e+00, v32  }
0x78: {  	v33 =	vld [tilespmem:s2+$0x4400];
	v14 =	vsel vm2, v52, v14;
	v9 =	vsel vm12, v53, v9  }
0x79: {  	s9 =	simm.s32 $0x0;
	v34 =	vld [tilespmem:s2+$0x2000];
	vm5 =	vgt.f32 v55, v14;
	vm13 =	vgt.f32 v56, v9;
	(erf) = vpow2.f32 v32  }
0x7a: {  	v35 =	vmov s9;
	v36 =	vld [tilespmem:s2+$0x4800];
	v14 =	vsel vm5, v55, v14;
	v9 =	vsel vm13, v56, v9  }
0x7b: {  	v35 =	vshll.u32 v35, $0x7;
	vm10 =	vgt.f32 v30, v14;
	vm11 =	vgt.f32 v31, v9  }
0x7c: {  	v35 =	vand.u32 $0x80, v35;
	s12 =	sand.u32 $0x1F0, s26;
	v37 =	vsel vm10, v30, v14;
	v9 =	vsel vm11, v31, v9  }
0x7d: {  	v38 =	vmov s12;
	vm3 =	vgt.f32 v58, v37;
	vm4 =	vgt.f32 v33, v9  }
0x7e: {  	v38 =	vshll.u32 v38, $0x1;
	v37 =	vsel vm3, v58, v37;
	v9 =	vsel vm4, v33, v9  }
0x7f: {  	v12 =	vsel vm1, $0x41400000, v54;
	v14 =	vld [tilespmem:s0+$0x9800];
	vm1 =	vgt.f32 v34, v37;
	vm7 =	vgt.f32 v36, v9  }
0x80: {  	v38 =	vand.u32 $0x300, v38;
	v37 =	vsel vm1, v34, v37;
	v9 =	vsel vm7, v36, v9  }
0x81: {  	v35 =	vor.u32 v35, v38;
	v13 =	vsel vm0, $0x3F800000, v0;
	vm0 =	vgt.f32 v9, v37  }
0x82: {  	v59 =	vor.u32 s12, v2;
	v35 =	vbroadcast v35, $0x0;
	v9 =	vsel vm0, v9, v37;
	v61 =	vpop (erf)  }
0x83: {  	v32 =	vand.u32 $0x7F, v59;
	v33 =	vsub.f32 v33, v9;
	v38 =	vmul.f32 v61, v11  }
0x84: {  	vm14 =	vgt.s32 v14, $0x0;
	v18 =	vsub.f32 v18, v9;
	v22 =	vsub.f32 v22, v9  }
0x85: {  	v60 =	vnsel vm14, $0x0, v14;
	v17 =	vsub.f32 v17, v9;
	v29 =	vadd.f32 v38, v57  }
0x86: {  	v20 =	vsub.f32 v20, v9;
	v15 =	vsub.f32 v15, v9;
	v18 =	vmul.f32 $1.442695020e+00, v18  }
0x87: {  	v22 =	vmul.f32 $1.442695020e+00, v22;
	v17 =	vmul.f32 $1.442695020e+00, v17;
	v29 =	vadd.f32 $-1.000000000e+00, v29  }
0x88: {  	v24 =	vsub.f32 v52, v9;
	v15 =	vmul.f32 $1.442695020e+00, v15;
	(erf) = vpow2.f32 v18  }
0x89: {  	v18 =	vmul.f32 $1.442695020e+00, v20;
	(erf) = vpow2.f32 v22;
	v20 =	vsub.f32 $0.0e+00, v29  }
0x8a: {  	v62 =	vsub.f32 v55, v9;
	v22 =	vmul.f32 $1.442695020e+00, v24;
	(erf) = vpow2.f32 v17  }
0x8b: {  	v17 =	vsub.f32 v30, v9;
	(erf) = vpow2.f32 v18;
	v18 =	vmul.f32 $1.442695020e+00, v20  }
0x8c: {  	v63 =	vsub.f32 v58, v9;
	(erf) = vpow2.f32 v22;
	v20 =	vmul.f32 $1.442695020e+00, v62  }
0x8d: {  	v17 =	vmul.f32 $1.442695020e+00, v17;
	v22 =	vsub.f32 v34, v9;
	(erf) = vpow2.f32 v18  }
0x8e: {  	v16 =	vsub.f32 v16, v9;
	v18 =	vmul.f32 $1.442695020e+00, v63;
	(erf) = vpow2.f32 v20  }
0x8f: {  	v20 =	vmul.f32 $1.442695020e+00, v22;
	(erf) = vpow2.f32 v17;
	v17 =	vsub.f32 v19, v9  }
0x90: {  	v16 =	vmul.f32 $1.442695020e+00, v16;
	(erf) = vpow2.f32 v18;
	v18 =	vsub.f32 v21, v9  }
0x91: {  	(erf) = vpow2.f32 v20;
	v17 =	vmul.f32 $1.442695020e+00, v17;
	v20 =	vsub.f32 v23, v9  }
0x92: {  	v28 =	vsub.f32 v56, v9;
	v19 =	vpop (erf);
	(erf) = vpow2.f32 v15;
	v15 =	vmul.f32 $1.442695020e+00, v18  }
0x93: {  	v21 =	vpop (erf);
	v18 =	vsub.f32 v53, v9;
	(erf) = vpow2.f32 v16;
	v16 =	vmul.f32 $1.442695020e+00, v20  }
0x94: {  	v37 =	vshll.u32 v60, $0xA;
	v36 =	vsub.f32 v36, v9;
	v22 =	vpop (erf);
	v20 =	vsub.f32 v31, v9  }
0x95: {  	v35 =	vor.u32 v35, v37;
	v23 =	vpop (erf);
	(erf) = vpow2.f32 v17;
	v18 =	vmul.f32 $1.442695020e+00, v18  }
0x96: {  	v32 =	vor.u32 v32, v35;
	v17 =	vadd.f32 v23, v22;
	v22 =	vpop (erf);
	(erf) = vpow2.f32 v15  }
0x97: {  	v28 =	vmul.f32 $1.442695020e+00, v28;
	v15 =	vadd.f32 v21, v19;
	(erf) = vpow2.f32 v16;
	v16 =	vpop (erf)  }
0x98: {  	v19 =	vmul.f32 $1.442695020e+00, v20;
	v17 =	vadd.f32 v17, v22;
	(erf) = vpow2.f32 v18;
	v20 =	vpop (erf)  }
0x99: {  	v11 =	vmul.f32 v16, v11;
	v16 =	vmul.f32 $1.442695020e+00, v36;
	v15 =	vadd.f32 v15, v20;
	v18 =	vpop (erf)  }
0x9a: {  	v33 =	vmul.f32 $1.442695020e+00, v33;
	(erf) = vpow2.f32 v28;
	v17 =	vadd.f32 v17, v18;
	v18 =	vpop (erf)  }
0x9b: {  	(erf) = vpow2.f32 v19;
	v15 =	vadd.f32 v15, v18;
	v18 =	vpop (erf)  }
0x9c: {  	(erf) = vpow2.f32 v33;
	v17 =	vadd.f32 v17, v18;
	v18 =	vpop (erf)  }
0x9d: {  	v11 =	vadd.f32 v11, v29;
	(erf) = vpow2.f32 v16;
	v15 =	vadd.f32 v15, v18;
	v16 =	vpop (erf)  }
0x9e: {  	v12 =	vsel vm9, $0x41500000, v12;
	v19 =	vld.idx.msk [tilespmem:v32+s4+$0x0], $0xffff;
	v16 =	vadd.f32 v17, v16  }
0x9f: {  	v13 =	vsel vm6, $0x40000000, v13;
	v12 =	vsel vm12, $0x41600000, v12;
	v11 =	vadd.f32 $-1.000000000e+00, v11  }
0xa0: {  	v13 =	vsel vm8, $0x40400000, v13;
	v12 =	vsel vm13, $0x41700000, v12;
	s0 =	simm.s32 $0x40;
	v17 =	vpop (erf)  }
0xa1: {  	s31 =	simm.s32 $0x20;
	s23 =	simm.s32 $0x0;
	s13 =	sand.u32 $0x300, s0;
	v10 =	vadd.f32 v11, v10;
	v11 =	vsel vm2, $0x40800000, v13;
	v13 =	vadd.f32 v15, v17;
	v15 =	vpop (erf)  }
0xa2: {  	s24 =	sand.u32 $0x70, s31;
	s11 =	sor.u32 s23, s13;
	vm2 =	vgt.s32 v14, $0xFFFFFFFF;
	v11 =	vsel vm5, $0x40A00000, v11;
	v15 =	vadd.f32 v16, v15;
	v16 =	vpop (erf)  }
0xa3: {  	s2 =	sadd.s32 $0x0, s13;
	s11 =	sor.u32 s24, s11;
	v10 =	vsub.f32 v10, v19;
	v11 =	vsel vm10, $0x40C00000, v11;
	v17 =	vsel vm11, $0x41800000, v12;
	v18 =	vpop (erf)  }
0xa4: {  	s13 =	sor.u32 s24, s2;
	v12 =	vld [tilespmem:s11+$0x0];
	v19 =	vsel vm3, $0x40E00000, v11;
	v16 =	vadd.f32 v13, v16;
	v15 =	vadd.f32 v15, v18;
	v18 =	vpop (erf)  }
0xa5: {  	v14 =	vcvt.s32.f32 v14;
	v11 =	vld [tilespmem:s13+$0x2800];
	v17 =	vsel vm4, $0x41880000, v17;
	v19 =	vsel vm1, $0x41000000, v19;
	v20 =	vpop (erf)  }
0xa6: {  	v13 =	vnsel vm2, $0x0, v10;
	v10 =	vld [tilespmem:s13+$0x2400];
	v16 =	vadd.f32 v16, v18;
	v18 =	vadd.f32 v15, v20;
	v21 =	vpop (erf)  }
0xa7: {  	s12 =	simm.s32 $0x3;
	s23 =	simm.s32 $0x0;
	s2 =	simm.s32 $0x0;
	v8 =	vadd.f32 v13, v8;
	v13 =	vsel vm7, $0x41900000, v17;
	v17 =	vld [tilespmem:s13+$0x400];
	v15 =	vsel vm2, $0x3F800000, v0;
	v22 =	vpop (erf)  }
.LBB2_7:
0xa8: {  	p0 =	sne.s32 s12, $0x3F;
	v20 =	vld [tilespmem:s13+$0x2C00];
	v19 =	vsel vm0, v13, v19;
	v16 =	vadd.f32 v16, v21;
	v18 =	vadd.f32 v18, v22;
	v13 =	vmovc v9  }
0xa9: {  	v5 =	vadd.f32 v15, v5;
	v24 =	vld [tilespmem:s13+$0x800];
	v9 =	vmul.f32 v19, v19;
	v21 =	vmul.f32 v14, v6;
	v6 =	vmovc v19  }
0xaa: {  	v14 =	vmul.f32 v14, v14;
	v19 =	vld [tilespmem:s13+$0x3000];
	v15 =	vadd.f32 v18, v16  }
0xab: {  	vm0 =	vgt.f32 v11, v10;
	v25 =	vld [tilespmem:s13+$0xC00];
	v7 =	vadd.f32 v9, v7;
	v4 =	vadd.f32 v21, v4  }
0xac: {  	v9 =	vsel vm0, v11, v10;
	v16 =	vsel vm0, $0x41200000, v1;
	v21 =	vld [tilespmem:s13+$0x3400];
	v18 =	vcvt.s32.f32 v15  }
0xad: {  	v3 =	vadd.f32 v14, v3;
	vm0 =	vgt.f32 v17, v12;
	vm1 =	vgt.f32 v20, v9;
	v26 =	vld [tilespmem:s13+$0x1000]  }
0xae: {  	v14 =	vsel vm0, v17, v12;
	v9 =	vsel vm1, v20, v9;
	v22 =	vld [tilespmem:s13+$0x3800];
	v18 =	vmul.f32 $8.262958320e-08, v18  }
0xaf: {  	vm4 =	vgt.f32 v24, v14;
	v16 =	vsel vm1, $0x41300000, v16;
	vm1 =	vgt.f32 v19, v9;
	v27 =	vld [tilespmem:s13+$0x1400]  }
0xb0: {  	v14 =	vsel vm4, v24, v14;
	v9 =	vsel vm1, v19, v9;
	v28 =	vld [tilespmem:s13+$0x3C00];
	v29 =	vadd.f32 $-8.799846650e+01, v18  }
0xb1: {  	v18 =	vsel vm0, $0x3F800000, v0;
	vm5 =	vgt.f32 v25, v14;
	vm6 =	vgt.f32 v21, v9;
	v30 =	vld [tilespmem:s13+$0x1800]  }
0xb2: {  	v14 =	vsel vm5, v25, v14;
	v9 =	vsel vm6, v21, v9;
	v23 =	vld [tilespmem:s13+$0x4000];
	v31 =	vsub.f32 $0.0e+00, v29  }
0xb3: {  	v16 =	vsel vm1, $0x41400000, v16;
	vm2 =	vgt.f32 v26, v14;
	vm12 =	vgt.f32 v22, v9;
	v32 =	vld [tilespmem:s13+$0x1C00]  }
0xb4: {  	v14 =	vsel vm2, v26, v14;
	v9 =	vsel vm12, v22, v9;
	v33 =	vld [tilespmem:s13+$0x4400];
	v31 =	vmul.f32 $1.442695020e+00, v31  }
0xb5: {  	v35 =	vmov s2;
	s2 =	smov.u32 s23;
	vm3 =	vgt.f32 v27, v14;
	vm13 =	vgt.f32 v28, v9;
	v34 =	vld [tilespmem:s13+$0x2000]  }
0xb6: {  	v14 =	vsel vm3, v27, v14;
	v9 =	vsel vm13, v28, v9;
	v36 =	vld [tilespmem:s13+$0x4800];
	s13 =	sand.u32 $0x1F0, s29;
	(erf) = vpow2.f32 v31;
	s29 =	smov.u32 s31  }
0xb7: {  	vm9 =	vgt.f32 v30, v14;
	vm10 =	vgt.f32 v23, v9;
	v31 =	vor.u32 s13, v2  }
0xb8: {  	v37 =	vsel vm9, v30, v14;
	v38 =	vmov s13;
	v9 =	vsel vm10, v23, v9;
	v14 =	vld [tilespmem:s30+$0x9800];
	s30 =	smov.u32 s11  }
0xb9: {  	v35 =	vshll.u32 v35, $0x7;
	vm7 =	vgt.f32 v32, v37;
	vm8 =	vgt.f32 v33, v9  }
0xba: {  	v31 =	vand.u32 $0x7F, v31;
	v37 =	vsel vm7, v32, v37;
	v9 =	vsel vm8, v33, v9  }
0xbb: {  	v38 =	vshll.u32 v38, $0x1;
	vm1 =	vgt.f32 v34, v37;
	vm11 =	vgt.f32 v36, v9  }
0xbc: {  	v35 =	vand.u32 $0x80, v35;
	v37 =	vsel vm1, v34, v37;
	v9 =	vsel vm11, v36, v9  }
0xbd: {  	v39 =	vand.u32 $0x300, v38;
	vm0 =	vgt.f32 v9, v37;
	vm14 =	vgt.s32 v14, $0x0  }
0xbe: {  	v35 =	vor.u32 v35, v39;
	v9 =	vsel vm0, v9, v37;
	v37 =	vnsel vm14, $0x0, v14  }
0xbf: {  	v35 =	vbroadcast v35, $0x0;
	v33 =	vsub.f32 v33, v9;
	v37 =	vshll.u32 v37, $0xA;
	v38 =	vpop (erf)  }
0xc0: {  	v28 =	vsub.f32 v28, v9;
	v36 =	vsub.f32 v36, v9;
	v38 =	vmul.f32 v38, v15  }
0xc1: {  	v17 =	vsub.f32 v17, v9;
	v25 =	vsub.f32 v25, v9;
	v35 =	vor.u32 v35, v37  }
0xc2: {  	v12 =	vsub.f32 v12, v9;
	v31 =	vor.u32 v31, v35;
	v29 =	vadd.f32 v38, v29  }
0xc3: {  	v24 =	vsub.f32 v24, v9;
	v17 =	vmul.f32 $1.442695020e+00, v17;
	v33 =	vmul.f32 $1.442695020e+00, v33  }
0xc4: {  	v25 =	vmul.f32 $1.442695020e+00, v25;
	v28 =	vmul.f32 $1.442695020e+00, v28;
	v29 =	vadd.f32 $-1.000000000e+00, v29  }
0xc5: {  	v26 =	vsub.f32 v26, v9;
	v12 =	vmul.f32 $1.442695020e+00, v12;
	(erf) = vpow2.f32 v17  }
0xc6: {  	v17 =	vmul.f32 $1.442695020e+00, v24;
	(erf) = vpow2.f32 v25;
	v24 =	vsub.f32 $0.0e+00, v29  }
0xc7: {  	v25 =	vmul.f32 $1.442695020e+00, v26;
	v26 =	vsub.f32 v27, v9;
	(erf) = vpow2.f32 v12  }
0xc8: {  	v12 =	vsub.f32 v30, v9;
	(erf) = vpow2.f32 v17;
	v17 =	vmul.f32 $1.442695020e+00, v24  }
0xc9: {  	v24 =	vmul.f32 $1.442695020e+00, v26;
	v26 =	vsub.f32 v32, v9;
	(erf) = vpow2.f32 v25  }
0xca: {  	v12 =	vmul.f32 $1.442695020e+00, v12;
	v25 =	vsub.f32 v34, v9;
	(erf) = vpow2.f32 v17  }
0xcb: {  	v10 =	vsub.f32 v10, v9;
	v17 =	vmul.f32 $1.442695020e+00, v26;
	(erf) = vpow2.f32 v24  }
0xcc: {  	v11 =	vsub.f32 v11, v9;
	v24 =	vmul.f32 $1.442695020e+00, v25;
	(erf) = vpow2.f32 v12  }
0xcd: {  	v10 =	vmul.f32 $1.442695020e+00, v10;
	v12 =	vsub.f32 v20, v9;
	(erf) = vpow2.f32 v17  }
0xce: {  	v11 =	vmul.f32 $1.442695020e+00, v11;
	v17 =	vsub.f32 v19, v9;
	v19 =	vpop (erf);
	(erf) = vpow2.f32 v24  }
0xcf: {  	v20 =	vsub.f32 v21, v9;
	v12 =	vmul.f32 $1.442695020e+00, v12;
	v21 =	vpop (erf);
	(erf) = vpow2.f32 v10  }
0xd0: {  	v10 =	vmul.f32 $1.442695020e+00, v17;
	v17 =	vsub.f32 v22, v9;
	v22 =	vpop (erf);
	(erf) = vpow2.f32 v11  }
0xd1: {  	v25 =	vsub.f32 v23, v9;
	v24 =	vmul.f32 $1.442695020e+00, v20;
	v23 =	vpop (erf);
	(erf) = vpow2.f32 v12  }
0xd2: {  	v12 =	vadd.f32 v23, v22;
	v23 =	vmul.f32 $1.442695020e+00, v17;
	v22 =	vpop (erf);
	(erf) = vpow2.f32 v10  }
0xd3: {  	v10 =	vadd.f32 v21, v19;
	v19 =	vmul.f32 $1.442695020e+00, v25;
	(erf) = vpow2.f32 v24;
	v11 =	vpop (erf)  }
0xd4: {  	v12 =	vadd.f32 v12, v22;
	v20 =	vpop (erf);
	(erf) = vpow2.f32 v23;
	v11 =	vmul.f32 v11, v15  }
0xd5: {  	v15 =	vmul.f32 $1.442695020e+00, v36;
	v10 =	vadd.f32 v10, v20;
	v17 =	vpop (erf);
	(erf) = vpow2.f32 v28  }
0xd6: {  	v12 =	vadd.f32 v12, v17;
	v17 =	vpop (erf);
	(erf) = vpow2.f32 v19;
	v19 =	vld.idx.msk [tilespmem:v31+s4+$0x0], $0xffff;
	v11 =	vadd.f32 v11, v29  }
0xd7: {  	v18 =	vsel vm4, $0x40000000, v18;
	v10 =	vadd.f32 v10, v17;
	v17 =	vpop (erf);
	(erf) = vpow2.f32 v33  }
0xd8: {  	v12 =	vadd.f32 v12, v17;
	v17 =	vpop (erf);
	(erf) = vpow2.f32 v15;
	v11 =	vadd.f32 $-1.000000000e+00, v11  }
0xd9: {  	v20 =	vsel vm6, $0x41500000, v16;
	v15 =	vsel vm5, $0x40400000, v18;
	v10 =	vadd.f32 v10, v17;
	v17 =	vpop (erf)  }
0xda: {  	s23 =	sshrl.u32 s12, $0x5;
	s0 =	sadd.s32 $0x20, s0;
	v18 =	vsel vm12, $0x41600000, v20;
	v12 =	vadd.f32 v12, v17;
	v17 =	vpop (erf);
	v11 =	vadd.f32 v11, v13  }
0xdb: {  	s9 =	sshll.u32 s23, $0x7;
	s31 =	sadd.s32 $0x10, s31;
	s13 =	sand.u32 $0x300, s0;
	v13 =	vsel vm2, $0x40800000, v15;
	v15 =	vsel vm13, $0x41700000, v18;
	v10 =	vadd.f32 v10, v17;
	v16 =	vpop (erf)  }
0xdc: {  	s24 =	sand.u32 $0x70, s31;
	s11 =	sor.u32 s9, s13;
	v13 =	vsel vm3, $0x40A00000, v13;
	v20 =	vadd.f32 v12, v16;
	v17 =	vpop (erf);
	v11 =	vsub.f32 v11, v19  }
.Ltmp2:
0xdd: {  	s9 =	sadd.s32 s9, s13;
	s11 =	sor.u32 s24, s11;
	vm2 =	vgt.s32 v14, $0xFFFFFFFF;
	v21 =	vsel vm10, $0x41800000, v15;
	v13 =	vsel vm9, $0x40C00000, v13;
	v18 =	vpop (erf);
	(pc) =	sbr.rel @p0 .LBB2_7-.Ltmp2, $4  }
0xde: {  	s13 =	sor.u32 s24, s9;
	v17 =	vadd.f32 v10, v17;
	v12 =	vld [tilespmem:s11+$0x0];
	v18 =	vadd.f32 v20, v18;
	v16 =	vpop (erf);
	v11 =	vnsel vm2, $0x0, v11  }
0xdf: {  	v19 =	vsel vm7, $0x40E00000, v13;
	v13 =	vsel vm8, $0x41880000, v21;
	v10 =	vld [tilespmem:s13+$0x2400];
	v15 =	vpop (erf);
	v8 =	vadd.f32 v11, v8  }
0xe0: {  	v13 =	vsel vm11, $0x41900000, v13;
	v16 =	vadd.f32 v17, v16;
	v11 =	vld [tilespmem:s13+$0x2800];
	v18 =	vadd.f32 v18, v15;
	v21 =	vpop (erf)  }
0xe1: {  	s12 =	sadd.s32 $0x1, s12;
	v14 =	vcvt.s32.f32 v14;
	v19 =	vsel vm1, $0x41000000, v19;
	v15 =	vsel vm2, $0x3F800000, v0;
	v17 =	vld [tilespmem:s13+$0x400];
	v22 =	vpop (erf)  }
0xe2: {  	v16 =	vadd.f32 v16, v21;
	v18 =	vadd.f32 v18, v22;
	_ =	sdelay $0x1  }
0xe3: {  	v20 =	vld [tilespmem:s13+$0x2C00];
	v16 =	vadd.f32 v18, v16  }
0xe4: {  	v54 =	vld [tilespmem:s13+$0x800]  }
0xe5: {  	v55 =	vld [tilespmem:s13+$0x3000];
	v18 =	vcvt.s32.f32 v16  }
0xe6: {  	v23 =	vld [tilespmem:s13+$0xC00];
	vm2 =	vgt.f32 v11, v10  }
0xe7: {  	v25 =	vld [tilespmem:s13+$0x3400];
	v24 =	vsel vm2, v11, v10;
	v18 =	vmul.f32 $8.262958320e-08, v18  }
0xe8: {  	v26 =	vld [tilespmem:s13+$0x1000];
	v29 =	vimm.s32 $0x0;
	vm3 =	vgt.f32 v17, v12;
	vm1 =	vgt.f32 v20, v24  }
0xe9: {  	v28 =	vld [tilespmem:s13+$0x3800];
	v27 =	vsel vm3, v17, v12;
	v24 =	vsel vm1, v20, v24;
	v30 =	vadd.f32 $-8.799846650e+01, v18  }
0xea: {  	v56 =	vimm.s32 $0x0;
	v57 =	vld [tilespmem:s13+$0x1400];
	vm4 =	vgt.f32 v54, v27;
	vm5 =	vgt.f32 v55, v24  }
0xeb: {  	v59 =	vld [tilespmem:s13+$0x3C00];
	v58 =	vsel vm4, v54, v27;
	v24 =	vsel vm5, v55, v24;
	v32 =	vsub.f32 $0.0e+00, v30  }
0xec: {  	v60 =	vld [tilespmem:s13+$0x1800];
	v29 =	vsel vm4, $0xFFFFFFFF, v29;
	vm15 =	vgt.f32 v23, v58;
	vm4 =	vgt.f32 v25, v24  }
0xed: {  	v33 =	vld [tilespmem:s13+$0x4000];
	v18 =	vsel vm15, v23, v58;
	v24 =	vsel vm4, v25, v24;
	v32 =	vmul.f32 $1.442695020e+00, v32  }
0xee: {  	v34 =	vld [tilespmem:s13+$0x1C00];
	[tilespmem:$0x1FFC0] =	vst v29;
	v29 =	vsel vm5, $0xFFFFFFFF, v56;
	vm5 =	vgt.f32 v26, v18;
	vm6 =	vgt.f32 v28, v24  }
0xef: {  	v35 =	vld [tilespmem:s13+$0x4400];
	v18 =	vsel vm5, v26, v18;
	v24 =	vsel vm6, v28, v24;
	(erf) = vpow2.f32 v32  }
0xf0: {  	v36 =	vld [tilespmem:s13+$0x2000];
	vm7 =	vgt.f32 v57, v18;
	vm10 =	vgt.f32 v59, v24  }
0xf1: {  	v61 =	vld [tilespmem:s13+$0x4800];
	v18 =	vsel vm7, v57, v18;
	v24 =	vsel vm10, v59, v24  }
0xf2: {  	vm13 =	vgt.f32 v60, v18;
	vm14 =	vgt.f32 v33, v24  }
0xf3: {  	v18 =	vsel vm13, v60, v18;
	v24 =	vsel vm14, v33, v24  }
0xf4: {  	vm11 =	vgt.f32 v34, v18;
	vm12 =	vgt.f32 v35, v24  }
0xf5: {  	v31 =	vimm.s32 $0x0;
	v18 =	vsel vm11, v34, v18;
	v24 =	vsel vm12, v35, v24  }
0xf6: {  	v31 =	vsel vm15, $0xFFFFFFFF, v31;
	vm8 =	vgt.f32 v36, v18;
	vm15 =	vgt.f32 v61, v24  }
0xf7: {  	v18 =	vsel vm8, v36, v18;
	v24 =	vsel vm15, v61, v24  }
0xf8: {  	vm9 =	vgt.f32 v24, v18;
	v62 =	vpop (erf)  }
0xf9: {  	v18 =	vsel vm9, v24, v18;
	v24 =	vmul.f32 v62, v16  }
0xfa: {  	v63 =	vsub.f32 v17, v18  }
0xfb: {  	v23 =	vsub.f32 v23, v18;
	v24 =	vadd.f32 v24, v30  }
0xfc: {  	v38 =	vsub.f32 v12, v18;
	v21 =	vsub.f32 v54, v18;
	v17 =	vmul.f32 $1.442695020e+00, v63  }
0xfd: {  	v26 =	vsub.f32 v26, v18;
	v23 =	vmul.f32 $1.442695020e+00, v23;
	v12 =	vadd.f32 $-1.000000000e+00, v24  }
0xfe: {  	[tilespmem:$0x1FFB0] =	vst v29;
	v29 =	vsub.f32 v57, v18;
	v27 =	vmul.f32 $1.442695020e+00, v38;
	(erf) = vpow2.f32 v17  }
0xff: {  	v21 =	vmul.f32 $1.442695020e+00, v21;
	(erf) = vpow2.f32 v23;
	v40 =	vsub.f32 $0.0e+00, v12  }
0x100: {  	v41 =	vsub.f32 v60, v18;
	v26 =	vmul.f32 $1.442695020e+00, v26;
	(erf) = vpow2.f32 v27  }
0x101: {  	v44 =	vsub.f32 v34, v18;
	(erf) = vpow2.f32 v21;
	v42 =	vmul.f32 $1.442695020e+00, v40  }
0x102: {  	v46 =	vsub.f32 v36, v18;
	v43 =	vmul.f32 $1.442695020e+00, v29;
	(erf) = vpow2.f32 v26  }
0x103: {  	v10 =	vsub.f32 v10, v18;
	v45 =	vmul.f32 $1.442695020e+00, v41;
	(erf) = vpow2.f32 v42  }
0x104: {  	v11 =	vsub.f32 v11, v18;
	v47 =	vmul.f32 $1.442695020e+00, v44;
	(erf) = vpow2.f32 v43  }
0x105: {  	v20 =	vsub.f32 v20, v18;
	v48 =	vmul.f32 $1.442695020e+00, v46;
	(erf) = vpow2.f32 v45  }
0x106: {  	v49 =	vsub.f32 v55, v18;
	v10 =	vmul.f32 $1.442695020e+00, v10;
	(erf) = vpow2.f32 v47  }
0x107: {  	v51 =	vsub.f32 v25, v18;
	v11 =	vmul.f32 $1.442695020e+00, v11;
	v50 =	vpop (erf);
	(erf) = vpow2.f32 v48  }
0x108: {  	v55 =	vsub.f32 v33, v18;
	v20 =	vmul.f32 $1.442695020e+00, v20;
	v52 =	vpop (erf);
	(erf) = vpow2.f32 v10  }
0x109: {  	v35 =	vsub.f32 v35, v18;
	v54 =	vpop (erf);
	(erf) = vpow2.f32 v11;
	v11 =	vmul.f32 $1.442695020e+00, v51  }
0x10a: {  	v53 =	vsub.f32 v28, v18;
	v60 =	vmul.f32 $1.442695020e+00, v55;
	v10 =	vmul.f32 $1.442695020e+00, v49  }
0x10b: {  	v37 =	vsub.f32 v59, v18;
	v62 =	vmul.f32 $1.442695020e+00, v35;
	v56 =	vpop (erf);
	(erf) = vpow2.f32 v20  }
0x10c: {  	v21 =	vmul.f32 $1.442695020e+00, v53;
	v57 =	vadd.f32 v56, v54;
	v58 =	vpop (erf);
	(erf) = vpow2.f32 v10  }
0x10d: {  	v39 =	vsub.f32 v61, v18;
	v10 =	vmul.f32 $1.442695020e+00, v37;
	(erf) = vpow2.f32 v11;
	v11 =	vpop (erf)  }
0x10e: {  	v59 =	vadd.f32 v52, v50;
	v20 =	vadd.f32 v57, v58;
	(erf) = vpow2.f32 v21;
	v61 =	vpop (erf)  }
0x10f: {  	(erf) = vpow2.f32 v10;
	v10 =	vmul.f32 $1.442695020e+00, v39;
	v63 =	vpop (erf)  }
0x110: {  	v17 =	vadd.f32 v59, v61;
	(erf) = vpow2.f32 v60;
	v20 =	vadd.f32 v20, v63;
	v24 =	vpop (erf)  }
0x111: {  	v25 =	vpop (erf);
	(erf) = vpow2.f32 v62  }
0x112: {  	v17 =	vadd.f32 v17, v24;
	v20 =	vadd.f32 v20, v25;
	v26 =	vpop (erf);
	(erf) = vpow2.f32 v10  }
0x113: {  	v10 =	vpop (erf)  }
0x114: {  	v17 =	vadd.f32 v17, v26;
	v10 =	vadd.f32 v20, v10;
	v27 =	vpop (erf)  }
0x115: {  	v28 =	vpop (erf)  }
0x116: {  	v17 =	vadd.f32 v17, v27;
	v10 =	vadd.f32 v10, v28;
	v29 =	vpop (erf)  }
0x117: {  	v30 =	vpop (erf)  }
0x118: {  	[tilespmem:$0x1FFD0] =	vst v31;
	v17 =	vadd.f32 v17, v29;
	v10 =	vadd.f32 v10, v30;
	v31 =	vpop (erf)  }
0x119: {  	v32 =	vpop (erf)  }
0x11a: {  	v17 =	vadd.f32 v17, v31;
	v10 =	vadd.f32 v10, v32;
	v33 =	vpop (erf)  }
0x11b: {  	v34 =	vpop (erf)  }
0x11c: {  	v17 =	vadd.f32 v17, v33;
	v10 =	vadd.f32 v10, v34;
	_ =	sdelay $0x1  }
0x11d: {  	v10 =	vadd.f32 v10, v17;
	_ =	sdelay $0x1  }
0x11e: {  	v17 =	vcvt.s32.f32 v10;
	_ =	sdelay $0x1  }
0x11f: {  	v17 =	vmul.f32 $8.262958320e-08, v17;
	_ =	sdelay $0x1  }
0x120: {  	v17 =	vadd.f32 $-8.799846650e+01, v17;
	_ =	sdelay $0x1  }
0x121: {  	v35 =	vsub.f32 $0.0e+00, v17;
	_ =	sdelay $0x1  }
0x122: {  	v20 =	vmul.f32 $1.442695020e+00, v35;
	_ =	sdelay $0x1  }
0x123: {  	(erf) = vpow2.f32 v20;
	_ =	sdelay $0x8  }
0x124: {  	v36 =	vld [tilespmem:s30+$0x9800];
	v20 =	vpop (erf)  }
0x125: {  	v13 =	vsel vm0, v13, v19;
	s0 =	sand.u32 $0x1F0, s29;
	v6 =	vmul.f32 v14, v6;
	v20 =	vmul.f32 v20, v10  }
0x126: {  	v5 =	vadd.f32 v15, v5;
	v38 =	vld [tilespmem:s11+$0x9800];
	v41 =	vmov s0;
	v46 =	vmul.f32 v13, v13  }
0x127: {  	s24 =	sand.u32 $0x1F0, s31;
	v4 =	vadd.f32 v6, v4;
	v22 =	vshll.u32 v41, $0x1;
	v17 =	vadd.f32 v20, v17  }
0x128: {  	v55 =	vor.u32 s24, v2;
	v22 =	vand.u32 $0x300, v22;
	v7 =	vadd.f32 v46, v7  }
0x129: {  	vm0 =	vgt.s32 v36, $0x0;
	v40 =	vmov s2;
	v17 =	vadd.f32 $-1.000000000e+00, v17  }
0x12a: {  	v44 =	vnsel vm0, $0x0, v36;
	v53 =	vmul.f32 v14, v14;
	v20 =	vshll.u32 v40, $0x7  }
0x12b: {  	vm0 =	vgt.s32 v38, $0x0;
	v20 =	vand.u32 $0x80, v20;
	v43 =	vsub.f32 $0.0e+00, v17  }
0x12c: {  	v3 =	vadd.f32 v53, v3;
	v47 =	vor.u32 s0, v2;
	v20 =	vor.u32 v20, v22  }
0x12d: {  	v48 =	vmov s23;
	v20 =	vbroadcast v20, $0x0;
	v25 =	vmul.f32 $1.442695020e+00, v43  }
0x12e: {  	v49 =	vmov s24;
	v50 =	vshll.u32 v48, $0x7;
	v26 =	vshll.u32 v44, $0xA  }
0x12f: {  	v28 =	vand.u32 $0x7F, v47;
	v20 =	vor.u32 v20, v26;
	(erf) = vpow2.f32 v25  }
0x130: {  	v51 =	vshll.u32 v49, $0x1;
	v57 =	vld [tilespmem:$0x1FFB0];
	v11 =	vmul.f32 v11, v16;
	v20 =	vor.u32 v28, v20  }
0x131: {  	v42 =	vsel vm3, $0x3F800000, v0;
	v15 =	vand.u32 $0x80, v50;
	v52 =	vand.u32 $0x300, v51;
	v58 =	vld [tilespmem:$0x1FFC0]  }
0x132: {  	v45 =	vnsel vm0, $0x0, v38;
	v15 =	vor.u32 v15, v52;
	v59 =	vld [tilespmem:$0x1FFD0];
	v11 =	vadd.f32 v11, v12  }
0x133: {  	v56 =	vshll.u32 v45, $0xA;
	v37 =	vsel vm2, $0x41200000, v1;
	v54 =	vbroadcast v15, $0x0  }
0x134: {  	v15 =	vand.u32 $0x7F, v55;
	v39 =	vsel vm1, $0x41300000, v37;
	v11 =	vadd.f32 $-1.000000000e+00, v11  }
0x135: {  	v61 =	vcvt.s32.f32 v36;
	v12 =	vor.u32 v54, v56;
	vm0 =	vnez.u8 v57;
	v6 =	vld.idx.msk [tilespmem:v20+s4+$0x0], $0xffff  }
0x136: {  	v14 =	vsel vm0, $0x41400000, v39;
	v12 =	vor.u32 v15, v12;
	vm0 =	vnez.u8 v58  }
0x137: {  	v15 =	vsel vm0, $0x40000000, v42;
	v14 =	vsel vm4, $0x41500000, v14;
	vm4 =	vnez.u8 v59  }
0x138: {  	v62 =	vmul.f32 v61, v61;
	v9 =	vadd.f32 v11, v9;
	v15 =	vsel vm4, $0x40400000, v15;
	v11 =	vpop (erf)  }
0x139: {  	v14 =	vsel vm6, $0x41600000, v14;
	v10 =	vmul.f32 v11, v10;
	v11 =	vsel vm5, $0x40800000, v15  }
0x13a: {  	v14 =	vsel vm10, $0x41700000, v14;
	v6 =	vsub.f32 v9, v6;
	v9 =	vsel vm7, $0x40A00000, v11  }
0x13b: {  	s29 =	sshll.u32 s28, $0x1;
	v11 =	vsel vm14, $0x41800000, v14;
	v10 =	vadd.f32 v10, v17;
	v9 =	vsel vm13, $0x40C00000, v9  }
0x13c: {  	s30 =	smin.u32 s29, $0x9;
	vm10 =	vgt.s32 v36, $0xFFFFFFFF;
	v12 =	vld.idx.msk [tilespmem:v12+s4+$0x0], $0xffff;
	v11 =	vsel vm12, $0x41880000, v11;
	v9 =	vsel vm11, $0x40E00000, v9  }
0x13d: {  	s31 =	sadd.s32 $0x2, s30;
	v11 =	vsel vm15, $0x41900000, v11;
	v10 =	vadd.f32 $-1.000000000e+00, v10;
	v9 =	vsel vm8, $0x41000000, v9  }
0x13e: {  	s0 =	sshll.u32 s31, $0xA;
	v3 =	vadd.f32 v62, v3;
	v6 =	vnsel vm10, $0x0, v6;
	v9 =	vsel vm9, v11, v9  }
0x13f: {  	s0 =	sadd.s32 s6, s0;
	v6 =	vadd.f32 v6, v8;
	v10 =	vadd.f32 v10, v18;
	v8 =	vmul.f32 v9, v9  }
0x140: {  	s2 =	sshll.u32 s31, $0x8;
	s0 =	sand.u32 $0xFF000, s0;
	v60 =	vsel vm10, $0x3F800000, v0;
	vm15 =	vgt.s32 v38, $0xFFFFFFFF;
	v11 =	vmul.f32 v61, v13  }
0x141: {  	s2 =	sand.u32 $0x300, s2;
	s9 =	sadd.s32 s5, s0;
	v10 =	vsub.f32 v10, v12;
	v7 =	vadd.f32 v8, v7;
	v8 =	vcvt.s32.f32 v38  }
0x142: {  	s9 =	sor.u32 s2, s9;
	v5 =	vadd.f32 v60, v5;
	v4 =	vadd.f32 v11, v4;
	v11 =	vsel vm15, $0x3F800000, v0  }
0x143: {  	s9 =	sshrl.u32 s9, $0x3;
	v10 =	vnsel vm15, $0x0, v10;
	v9 =	vmul.f32 v8, v9;
	v63 =	vmul.f32 v8, v8  }
0x144: {  	s11 =	sadd.s32 s1, s9;
	v5 =	vadd.f32 v11, v5;
	v8 =	vadd.f32 v10, v6  }
0x145: {  	s12 =	simm.s32 $0x1000;
	s23 =	simm.s32 $0x0;
	s13 =	sadd.s32 $0x8000, s11;
	v4 =	vadd.f32 v9, v4;
	v3 =	vadd.f32 v63, v3  }
.LBB2_9:
0x146: {  	[tilespmem:s23], [sflag:$0x1] =	stream.strided.gather [hbm4b:s11+s14], $0x400, s15, s14, $0x38;
	[tilespmem:$0xA400] =	vst v63  }
0x147: {  	s9 =	smov.u32 s12;
	s11 =	smov.u32 s13;
	p0 =	sne.s32 s12, $0x12000  }
.Ltmp3:
0x148: {  	s12 =	sadd.s32 $0x1000, s12;
	(pc) =	sbr.rel @p0 .LBB2_9-.Ltmp3, $2  }
0x149: {  	_ =	sdelay $0x2  }
0x14a: {  	s13 =	sadd.s32 $0x8000, s13;
	s23 =	sshra.s32 s9, $0x2  }
0x14b: {  	[tilespmem:s23], [sflag:$0x1] =	stream.strided.gather [hbm4b:s11+s14], $0x400, s15, s14, $0x38;
	[tilespmem:$0xA400] =	vst v63  }
0x14c: {  	s0 =	sadd.s32 s7, s0  }
0x14d: {  	s0 =	sor.u32 s2, s0  }
0x14e: {  	s0 =	sshrl.u32 s0, $0x3  }
0x14f: {  	s0 =	sadd.s32 s3, s0  }
0x150: {  	[tilespmem:s16], [sflag:$0x3] =	stream.strided.gather [hbm4b:s0+s14], $0x400, s15, s14, $0x38;
	[tilespmem:$0xA400] =	vst v63  }
0x151: {  	_ =	swait.ge [sflag:s20], $0x4C00  }
0x152: {  	[sflag:s20] =	ssyncset.done $0x0  }
0x153: {  	s23 =	simm.s32 $0x0;
	[sflag:s20] =	ssyncadd.s32 $0xFFFFB400  }
0x154: {  	s24 =	sand.u32 $0x300, s23;
	_ =	swait.ge [sflag:s21], $0x400  }
0x155: {  	s9 =	sand.u32 $0x70, s23;
	s2 =	sadd.s32 $0x0, s24;
	[sflag:s21] =	ssyncset.done $0x0  }
0x156: {  	s2 =	sor.u32 s9, s2;
	[sflag:s21] =	ssyncadd.s32 $0xFFFFFC00  }
0x157: {  	v6 =	vld [tilespmem:s2+$0x4C00]  }
0x158: {  	v9 =	vld [tilespmem:s2+$0x7000]  }
0x159: {  	v11 =	vld [tilespmem:s2+$0x7400]  }
0x15a: {  	v12 =	vld [tilespmem:s2+$0x5000]  }
0x15b: {  	v13 =	vld [tilespmem:s2+$0x7800]  }
0x15c: {  	v14 =	vld [tilespmem:s2+$0x5400]  }
0x15d: {  	v15 =	vld [tilespmem:s2+$0x7C00]  }
0x15e: {  	v16 =	vld [tilespmem:s2+$0x5800];
	vm0 =	vgt.f32 v11, v9  }
0x15f: {  	v17 =	vld [tilespmem:s2+$0x8000];
	v10 =	vsel vm0, v11, v9  }
0x160: {  	v18 =	vld [tilespmem:s2+$0x5C00];
	vm4 =	vgt.f32 v12, v6;
	vm1 =	vgt.f32 v13, v10  }
0x161: {  	v20 =	vld [tilespmem:s2+$0x8400];
	v19 =	vsel vm4, v12, v6;
	v10 =	vsel vm1, v13, v10  }
0x162: {  	v21 =	vld [tilespmem:s2+$0x6000];
	vm9 =	vgt.f32 v14, v19;
	vm14 =	vgt.f32 v15, v10  }
0x163: {  	v22 =	vld [tilespmem:s2+$0x8800];
	v19 =	vsel vm9, v14, v19;
	v10 =	vsel vm14, v15, v10  }
0x164: {  	v23 =	vld [tilespmem:s2+$0x6400];
	vm11 =	vgt.f32 v16, v19;
	vm12 =	vgt.f32 v17, v10  }
0x165: {  	v24 =	vld [tilespmem:s2+$0x8C00];
	v19 =	vsel vm11, v16, v19;
	v10 =	vsel vm12, v17, v10  }
0x166: {  	v25 =	vld [tilespmem:s2+$0x6800];
	vm3 =	vgt.f32 v18, v19;
	vm15 =	vgt.f32 v20, v10  }
0x167: {  	v26 =	vld [tilespmem:s2+$0x9000];
	v19 =	vsel vm3, v18, v19;
	v10 =	vsel vm15, v20, v10  }
0x168: {  	v27 =	vld [tilespmem:s2+$0x6C00];
	vm5 =	vgt.f32 v21, v19;
	vm13 =	vgt.f32 v22, v10  }
0x169: {  	v28 =	vld [tilespmem:s2+$0x9400];
	v19 =	vsel vm5, v21, v19;
	v10 =	vsel vm13, v22, v10  }
0x16a: {  	vm7 =	vgt.f32 v23, v19;
	vm8 =	vgt.f32 v24, v10  }
0x16b: {  	v19 =	vsel vm7, v23, v19;
	v10 =	vsel vm8, v24, v10  }
0x16c: {  	vm2 =	vgt.f32 v25, v19;
	vm10 =	vgt.f32 v26, v10  }
0x16d: {  	v29 =	vimm.s32 $0x0;
	v19 =	vsel vm2, v25, v19;
	v10 =	vsel vm10, v26, v10  }
0x16e: {  	v29 =	vsel vm2, $0xFFFFFFFF, v29;
	vm2 =	vgt.f32 v27, v19;
	vm6 =	vgt.f32 v28, v10  }
0x16f: {  	v51 =	vimm.s32 $0x0;
	v19 =	vsel vm2, v27, v19;
	v10 =	vsel vm6, v28, v10  }
0x170: {  	[tilespmem:$0x1FF90] =	vst v29;
	v29 =	vsel vm2, $0xFFFFFFFF, v51;
	vm2 =	vgt.f32 v10, v19  }
0x171: {  	v10 =	vsel vm2, v10, v19  }
0x172: {  	v12 =	vsub.f32 v12, v10  }
0x173: {  	v16 =	vsub.f32 v16, v10  }
0x174: {  	v6 =	vsub.f32 v6, v10;
	v14 =	vsub.f32 v14, v10;
	v12 =	vmul.f32 $1.442695020e+00, v12  }
0x175: {  	v26 =	vsub.f32 v26, v10;
	v11 =	vsub.f32 v11, v10;
	v16 =	vmul.f32 $1.442695020e+00, v16  }
0x176: {  	v6 =	vmul.f32 $1.442695020e+00, v6;
	(erf) = vpow2.f32 v12;
	v12 =	vsub.f32 v18, v10  }
0x177: {  	v14 =	vmul.f32 $1.442695020e+00, v14;
	v18 =	vsub.f32 v21, v10;
	(erf) = vpow2.f32 v16  }
0x178: {  	(erf) = vpow2.f32 v6;
	v6 =	vmul.f32 $1.442695020e+00, v12;
	v12 =	vsub.f32 v23, v10  }
0x179: {  	v21 =	vsub.f32 v25, v10;
	v18 =	vmul.f32 $1.442695020e+00, v18;
	(erf) = vpow2.f32 v14  }
0x17a: {  	(erf) = vpow2.f32 v6;
	v6 =	vmul.f32 $1.442695020e+00, v12;
	v12 =	vsub.f32 v27, v10  }
0x17b: {  	v9 =	vsub.f32 v9, v10;
	v11 =	vmul.f32 $1.442695020e+00, v11;
	v21 =	vmul.f32 $1.442695020e+00, v21  }
0x17c: {  	v16 =	vsub.f32 v22, v10;
	(erf) = vpow2.f32 v18;
	v12 =	vmul.f32 $1.442695020e+00, v12  }
0x17d: {  	(erf) = vpow2.f32 v6;
	v6 =	vmul.f32 $1.442695020e+00, v9;
	v9 =	vsub.f32 v13, v10  }
0x17e: {  	v14 =	vsub.f32 v28, v10;
	v13 =	vsub.f32 v15, v10;
	(erf) = vpow2.f32 v21  }
0x17f: {  	v9 =	vmul.f32 $1.442695020e+00, v9;
	v15 =	vpop (erf);
	(erf) = vpow2.f32 v12;
	v12 =	vsub.f32 v17, v10  }
0x180: {  	v17 =	vpop (erf);
	(erf) = vpow2.f32 v6;
	v6 =	vmul.f32 $1.442695020e+00, v13;
	v13 =	vsub.f32 v20, v10  }
0x181: {  	v18 =	vpop (erf);
	(erf) = vpow2.f32 v11;
	v11 =	vmul.f32 $1.442695020e+00, v12;
	v12 =	vsub.f32 v24, v10  }
0x182: {  	v15 =	vadd.f32 v17, v15;
	v20 =	vpop (erf);
	(erf) = vpow2.f32 v9;
	v13 =	vmul.f32 $1.442695020e+00, v13  }
0x183: {  	v9 =	vadd.f32 v20, v18;
	(erf) = vpow2.f32 v6;
	v6 =	vmul.f32 $1.442695020e+00, v16  }
0x184: {  	v16 =	vpop (erf);
	(erf) = vpow2.f32 v11;
	v11 =	vmul.f32 $1.442695020e+00, v12  }
0x185: {  	v9 =	vadd.f32 v9, v16;
	v12 =	vpop (erf);
	(erf) = vpow2.f32 v13;
	v13 =	vmul.f32 $1.442695020e+00, v26  }
0x186: {  	v12 =	vadd.f32 v15, v12;
	v15 =	vpop (erf);
	(erf) = vpow2.f32 v6  }
0x187: {  	v6 =	vmul.f32 $1.442695020e+00, v14;
	v9 =	vadd.f32 v9, v15;
	v14 =	vpop (erf);
	(erf) = vpow2.f32 v11  }
0x188: {  	v15 =	vpop (erf)  }
0x189: {  	(erf) = vpow2.f32 v13;
	v12 =	vadd.f32 v12, v14;
	v9 =	vadd.f32 v9, v15;
	v13 =	vpop (erf)  }
0x18a: {  	v14 =	vpop (erf)  }
0x18b: {  	v12 =	vadd.f32 v12, v13;
	v9 =	vadd.f32 v9, v14;
	v13 =	vpop (erf)  }
0x18c: {  	v14 =	vpop (erf)  }
0x18d: {  	(erf) = vpow2.f32 v6;
	v12 =	vadd.f32 v12, v13;
	v9 =	vadd.f32 v9, v14;
	v13 =	vpop (erf)  }
0x18e: {  	v19 =	vsel vm0, $0x41200000, v1;
	v14 =	vpop (erf)  }
0x18f: {  	v11 =	vsel vm1, $0x41300000, v19;
	v12 =	vadd.f32 v12, v13;
	v9 =	vadd.f32 v9, v14;
	v13 =	vpop (erf)  }
0x190: {  	s11 =	simm.s32 $0x20;
	v11 =	vsel vm14, $0x41400000, v11;
	v14 =	vpop (erf)  }
0x191: {  	s30 =	simm.s32 $0x10;
	s9 =	sand.u32 $0x300, s11;
	[tilespmem:$0x1FFA0] =	vst v29;
	v6 =	vsel vm4, $0x3F800000, v0;
	v11 =	vsel vm12, $0x41500000, v11;
	v9 =	vadd.f32 v9, v14;
	v14 =	vld [tilespmem:$0x1FF90]  }
0x192: {  	s12 =	sand.u32 $0x70, s30;
	s9 =	sadd.s32 $0x0, s9;
	v19 =	vld [tilespmem:$0x1FFA0];
	v6 =	vsel vm9, $0x40000000, v6;
	v11 =	vsel vm15, $0x41600000, v11  }
0x193: {  	s31 =	sor.u32 s12, s9;
	v6 =	vsel vm11, $0x40400000, v6;
	v11 =	vsel vm13, $0x41700000, v11  }
0x194: {  	v17 =	vld [tilespmem:s31+$0x4C00];
	v6 =	vsel vm3, $0x40800000, v6;
	v11 =	vsel vm8, $0x41800000, v11;
	v12 =	vadd.f32 v12, v13  }
0x195: {  	v16 =	vld [tilespmem:s31+$0x7400];
	v6 =	vsel vm5, $0x40A00000, v6;
	v11 =	vsel vm10, $0x41880000, v11;
	v13 =	vpop (erf)  }
0x196: {  	v15 =	vld [tilespmem:s31+$0x7000];
	v6 =	vsel vm7, $0x40C00000, v6;
	v12 =	vadd.f32 v12, v13;
	vm0 =	vnez.u8 v14;
	v14 =	vpop (erf)  }
0x197: {  	v18 =	vld [tilespmem:s31+$0x5000];
	v6 =	vsel vm0, $0x40E00000, v6;
	vm0 =	vnez.u8 v19;
	v9 =	vadd.f32 v9, v14  }
0x198: {  	v11 =	vsel vm6, $0x41900000, v11;
	v19 =	vld [tilespmem:s31+$0x7800];
	v6 =	vsel vm0, $0x41000000, v6  }
0x199: {  	v21 =	vld [tilespmem:s31+$0x7C00];
	v6 =	vsel vm2, v11, v6;
	v11 =	vadd.f32 v9, v12  }
0x19a: {  	v20 =	vld [tilespmem:s31+$0x5400];
	v13 =	vmul.f32 v6, v6  }
0x19b: {  	v22 =	vld [tilespmem:s31+$0x5800];
	vm0 =	vgt.f32 v16, v15;
	v12 =	vcvt.s32.f32 v11  }
0x19c: {  	v23 =	vld [tilespmem:s31+$0x8000];
	v9 =	vsel vm0, v16, v15;
	v7 =	vadd.f32 v13, v7;
	v13 =	vsel vm0, $0x41200000, v1  }
0x19d: {  	v52 =	vld [tilespmem:s31+$0x5C00];
	vm0 =	vgt.f32 v18, v17;
	vm1 =	vgt.f32 v19, v9;
	v12 =	vmul.f32 $8.262958320e-08, v12  }
0x19e: {  	v53 =	vld [tilespmem:s31+$0x8400];
	v14 =	vsel vm0, v18, v17;
	v9 =	vsel vm1, v19, v9;
	v54 =	vsel vm1, $0x41300000, v13  }
0x19f: {  	v55 =	vld [tilespmem:s31+$0x6000];
	vm3 =	vgt.f32 v20, v14;
	vm1 =	vgt.f32 v21, v9;
	v57 =	vadd.f32 $-8.799846650e+01, v12  }
0x1a0: {  	v56 =	vld [tilespmem:s31+$0x8800];
	v14 =	vsel vm3, v20, v14;
	v9 =	vsel vm1, v21, v9  }
0x1a1: {  	v30 =	vld [tilespmem:s31+$0x6400];
	vm5 =	vgt.f32 v22, v14;
	vm6 =	vgt.f32 v23, v9;
	v32 =	vsub.f32 $0.0e+00, v57  }
0x1a2: {  	v31 =	vld [tilespmem:s31+$0x8C00];
	v14 =	vsel vm5, v22, v14;
	v9 =	vsel vm6, v23, v9  }
0x1a3: {  	v58 =	vld [tilespmem:s31+$0x6800];
	vm2 =	vgt.f32 v52, v14;
	vm12 =	vgt.f32 v53, v9;
	v32 =	vmul.f32 $1.442695020e+00, v32  }
0x1a4: {  	v33 =	vld [tilespmem:s31+$0x9000];
	v14 =	vsel vm2, v52, v14;
	v9 =	vsel vm12, v53, v9  }
0x1a5: {  	s13 =	simm.s32 $0x0;
	v34 =	vld [tilespmem:s31+$0x6C00];
	vm4 =	vgt.f32 v55, v14;
	vm13 =	vgt.f32 v56, v9;
	(erf) = vpow2.f32 v32  }
0x1a6: {  	v35 =	vmov s13;
	v36 =	vld [tilespmem:s31+$0x9400];
	v14 =	vsel vm4, v55, v14;
	v9 =	vsel vm13, v56, v9  }
0x1a7: {  	v35 =	vshll.u32 v35, $0x7;
	vm10 =	vgt.f32 v30, v14;
	vm11 =	vgt.f32 v31, v9  }
0x1a8: {  	v35 =	vand.u32 $0x80, v35;
	s0 =	sand.u32 $0x1F0, s23;
	v37 =	vsel vm10, v30, v14;
	v9 =	vsel vm11, v31, v9  }
0x1a9: {  	v38 =	vmov s0;
	vm7 =	vgt.f32 v58, v37;
	vm8 =	vgt.f32 v33, v9  }
0x1aa: {  	v38 =	vshll.u32 v38, $0x1;
	v37 =	vsel vm7, v58, v37;
	v9 =	vsel vm8, v33, v9  }
0x1ab: {  	v12 =	vsel vm1, $0x41400000, v54;
	v14 =	vld [tilespmem:s2+$0x9C00];
	vm1 =	vgt.f32 v34, v37;
	vm9 =	vgt.f32 v36, v9  }
0x1ac: {  	v38 =	vand.u32 $0x300, v38;
	v37 =	vsel vm1, v34, v37;
	v9 =	vsel vm9, v36, v9  }
0x1ad: {  	v35 =	vor.u32 v35, v38;
	v13 =	vsel vm0, $0x3F800000, v0;
	vm0 =	vgt.f32 v9, v37  }
0x1ae: {  	v59 =	vor.u32 s0, v2;
	v35 =	vbroadcast v35, $0x0;
	v9 =	vsel vm0, v9, v37;
	v61 =	vpop (erf)  }
0x1af: {  	v32 =	vand.u32 $0x7F, v59;
	v33 =	vsub.f32 v33, v9;
	v38 =	vmul.f32 v61, v11  }
0x1b0: {  	vm14 =	vgt.s32 v14, $0x0;
	v18 =	vsub.f32 v18, v9;
	v22 =	vsub.f32 v22, v9  }
0x1b1: {  	v60 =	vnsel vm14, $0x0, v14;
	v17 =	vsub.f32 v17, v9;
	v29 =	vadd.f32 v38, v57  }
0x1b2: {  	v20 =	vsub.f32 v20, v9;
	v15 =	vsub.f32 v15, v9;
	v18 =	vmul.f32 $1.442695020e+00, v18  }
0x1b3: {  	v22 =	vmul.f32 $1.442695020e+00, v22;
	v17 =	vmul.f32 $1.442695020e+00, v17;
	v29 =	vadd.f32 $-1.000000000e+00, v29  }
0x1b4: {  	v24 =	vsub.f32 v52, v9;
	v15 =	vmul.f32 $1.442695020e+00, v15;
	(erf) = vpow2.f32 v18  }
0x1b5: {  	v18 =	vmul.f32 $1.442695020e+00, v20;
	(erf) = vpow2.f32 v22;
	v20 =	vsub.f32 $0.0e+00, v29  }
0x1b6: {  	v62 =	vsub.f32 v55, v9;
	v22 =	vmul.f32 $1.442695020e+00, v24;
	(erf) = vpow2.f32 v17  }
0x1b7: {  	v17 =	vsub.f32 v30, v9;
	(erf) = vpow2.f32 v18;
	v18 =	vmul.f32 $1.442695020e+00, v20  }
0x1b8: {  	v63 =	vsub.f32 v58, v9;
	(erf) = vpow2.f32 v22;
	v20 =	vmul.f32 $1.442695020e+00, v62  }
0x1b9: {  	v17 =	vmul.f32 $1.442695020e+00, v17;
	v22 =	vsub.f32 v34, v9;
	(erf) = vpow2.f32 v18  }
0x1ba: {  	v16 =	vsub.f32 v16, v9;
	v18 =	vmul.f32 $1.442695020e+00, v63;
	(erf) = vpow2.f32 v20  }
0x1bb: {  	v20 =	vmul.f32 $1.442695020e+00, v22;
	(erf) = vpow2.f32 v17;
	v17 =	vsub.f32 v19, v9  }
0x1bc: {  	v16 =	vmul.f32 $1.442695020e+00, v16;
	(erf) = vpow2.f32 v18;
	v18 =	vsub.f32 v21, v9  }
0x1bd: {  	(erf) = vpow2.f32 v20;
	v17 =	vmul.f32 $1.442695020e+00, v17;
	v20 =	vsub.f32 v23, v9  }
0x1be: {  	v28 =	vsub.f32 v56, v9;
	v19 =	vpop (erf);
	(erf) = vpow2.f32 v15;
	v15 =	vmul.f32 $1.442695020e+00, v18  }
0x1bf: {  	v21 =	vpop (erf);
	v18 =	vsub.f32 v53, v9;
	(erf) = vpow2.f32 v16;
	v16 =	vmul.f32 $1.442695020e+00, v20  }
0x1c0: {  	v37 =	vshll.u32 v60, $0xA;
	v36 =	vsub.f32 v36, v9;
	v22 =	vpop (erf);
	v20 =	vsub.f32 v31, v9  }
0x1c1: {  	v35 =	vor.u32 v35, v37;
	v23 =	vpop (erf);
	(erf) = vpow2.f32 v17;
	v18 =	vmul.f32 $1.442695020e+00, v18  }
0x1c2: {  	v32 =	vor.u32 v32, v35;
	v17 =	vadd.f32 v23, v22;
	v22 =	vpop (erf);
	(erf) = vpow2.f32 v15  }
0x1c3: {  	v28 =	vmul.f32 $1.442695020e+00, v28;
	v15 =	vadd.f32 v21, v19;
	(erf) = vpow2.f32 v16;
	v16 =	vpop (erf)  }
0x1c4: {  	v19 =	vmul.f32 $1.442695020e+00, v20;
	v17 =	vadd.f32 v17, v22;
	(erf) = vpow2.f32 v18;
	v20 =	vpop (erf)  }
0x1c5: {  	v11 =	vmul.f32 v16, v11;
	v16 =	vmul.f32 $1.442695020e+00, v36;
	v15 =	vadd.f32 v15, v20;
	v18 =	vpop (erf)  }
0x1c6: {  	v33 =	vmul.f32 $1.442695020e+00, v33;
	(erf) = vpow2.f32 v28;
	v17 =	vadd.f32 v17, v18;
	v18 =	vpop (erf)  }
0x1c7: {  	(erf) = vpow2.f32 v19;
	v15 =	vadd.f32 v15, v18;
	v18 =	vpop (erf)  }
0x1c8: {  	(erf) = vpow2.f32 v33;
	v17 =	vadd.f32 v17, v18;
	v18 =	vpop (erf)  }
0x1c9: {  	v11 =	vadd.f32 v11, v29;
	(erf) = vpow2.f32 v16;
	v15 =	vadd.f32 v15, v18;
	v16 =	vpop (erf)  }
0x1ca: {  	v12 =	vsel vm6, $0x41500000, v12;
	v19 =	vld.idx.msk [tilespmem:v32+s22+$0x0], $0xffff;
	v16 =	vadd.f32 v17, v16  }
0x1cb: {  	v13 =	vsel vm3, $0x40000000, v13;
	v12 =	vsel vm12, $0x41600000, v12;
	v11 =	vadd.f32 $-1.000000000e+00, v11  }
0x1cc: {  	s11 =	simm.s32 $0x40;
	v13 =	vsel vm5, $0x40400000, v13;
	v12 =	vsel vm13, $0x41700000, v12;
	v17 =	vpop (erf)  }
0x1cd: {  	s23 =	sand.u32 $0x300, s11;
	s2 =	simm.s32 $0x20;
	v10 =	vadd.f32 v11, v10;
	v11 =	vsel vm2, $0x40800000, v13;
	v13 =	vadd.f32 v15, v17;
	v15 =	vpop (erf)  }
0x1ce: {  	s0 =	sadd.s32 $0x0, s23;
	s24 =	sand.u32 $0x70, s2;
	vm2 =	vgt.s32 v14, $0xFFFFFFFF;
	v11 =	vsel vm4, $0x40A00000, v11;
	v15 =	vadd.f32 v16, v15;
	v16 =	vpop (erf)  }
0x1cf: {  	s12 =	sor.u32 s24, s0;
	v10 =	vsub.f32 v10, v19;
	v11 =	vsel vm10, $0x40C00000, v11;
	v17 =	vsel vm11, $0x41800000, v12;
	v18 =	vpop (erf)  }
0x1d0: {  	v12 =	vld [tilespmem:s12+$0x4C00];
	v19 =	vsel vm7, $0x40E00000, v11;
	v16 =	vadd.f32 v13, v16;
	v15 =	vadd.f32 v15, v18;
	v18 =	vpop (erf)  }
0x1d1: {  	v14 =	vcvt.s32.f32 v14;
	v11 =	vld [tilespmem:s12+$0x7400];
	v17 =	vsel vm8, $0x41880000, v17;
	v19 =	vsel vm1, $0x41000000, v19;
	v20 =	vpop (erf)  }
0x1d2: {  	v13 =	vnsel vm2, $0x0, v10;
	v10 =	vld [tilespmem:s12+$0x7000];
	v16 =	vadd.f32 v16, v18;
	v18 =	vadd.f32 v15, v20;
	v21 =	vpop (erf)  }
0x1d3: {  	s13 =	simm.s32 $0x3;
	s23 =	simm.s32 $0x0;
	s0 =	simm.s32 $0x0;
	v8 =	vadd.f32 v13, v8;
	v13 =	vsel vm9, $0x41900000, v17;
	v17 =	vld [tilespmem:s12+$0x5000];
	v15 =	vsel vm2, $0x3F800000, v0;
	v22 =	vpop (erf)  }
.LBB2_11:
0x1d4: {  	p0 =	sne.s32 s13, $0x3F;
	v20 =	vld [tilespmem:s12+$0x7800];
	v19 =	vsel vm0, v13, v19;
	v16 =	vadd.f32 v16, v21;
	v18 =	vadd.f32 v18, v22;
	v13 =	vmovc v9  }
0x1d5: {  	v5 =	vadd.f32 v15, v5;
	v24 =	vld [tilespmem:s12+$0x5400];
	v9 =	vmul.f32 v19, v19;
	v21 =	vmul.f32 v14, v6;
	v6 =	vmovc v19  }
0x1d6: {  	v14 =	vmul.f32 v14, v14;
	v19 =	vld [tilespmem:s12+$0x7C00];
	v15 =	vadd.f32 v18, v16  }
0x1d7: {  	vm0 =	vgt.f32 v11, v10;
	v25 =	vld [tilespmem:s12+$0x5800];
	v7 =	vadd.f32 v9, v7;
	v4 =	vadd.f32 v21, v4  }
0x1d8: {  	v9 =	vsel vm0, v11, v10;
	v16 =	vsel vm0, $0x41200000, v1;
	v21 =	vld [tilespmem:s12+$0x8000];
	v18 =	vcvt.s32.f32 v15  }
0x1d9: {  	v3 =	vadd.f32 v14, v3;
	vm0 =	vgt.f32 v17, v12;
	vm1 =	vgt.f32 v20, v9;
	v26 =	vld [tilespmem:s12+$0x5C00]  }
0x1da: {  	v14 =	vsel vm0, v17, v12;
	v9 =	vsel vm1, v20, v9;
	v22 =	vld [tilespmem:s12+$0x8400];
	v18 =	vmul.f32 $8.262958320e-08, v18  }
0x1db: {  	vm4 =	vgt.f32 v24, v14;
	v16 =	vsel vm1, $0x41300000, v16;
	vm1 =	vgt.f32 v19, v9;
	v27 =	vld [tilespmem:s12+$0x6000]  }
0x1dc: {  	v14 =	vsel vm4, v24, v14;
	v9 =	vsel vm1, v19, v9;
	v28 =	vld [tilespmem:s12+$0x8800];
	v29 =	vadd.f32 $-8.799846650e+01, v18  }
0x1dd: {  	v18 =	vsel vm0, $0x3F800000, v0;
	vm5 =	vgt.f32 v25, v14;
	vm6 =	vgt.f32 v21, v9;
	v30 =	vld [tilespmem:s12+$0x6400]  }
0x1de: {  	v14 =	vsel vm5, v25, v14;
	v9 =	vsel vm6, v21, v9;
	v23 =	vld [tilespmem:s12+$0x8C00];
	v31 =	vsub.f32 $0.0e+00, v29  }
0x1df: {  	v16 =	vsel vm1, $0x41400000, v16;
	vm1 =	vgt.f32 v26, v14;
	vm11 =	vgt.f32 v22, v9;
	v32 =	vld [tilespmem:s12+$0x6800]  }
0x1e0: {  	v14 =	vsel vm1, v26, v14;
	v9 =	vsel vm11, v22, v9;
	v33 =	vld [tilespmem:s12+$0x9000];
	v31 =	vmul.f32 $1.442695020e+00, v31  }
0x1e1: {  	v35 =	vmov s0;
	s0 =	smov.u32 s23;
	vm2 =	vgt.f32 v27, v14;
	vm12 =	vgt.f32 v28, v9;
	v34 =	vld [tilespmem:s12+$0x6C00]  }
0x1e2: {  	s9 =	sand.u32 $0x1F0, s30;
	s30 =	smov.u32 s2;
	v14 =	vsel vm2, v27, v14;
	v9 =	vsel vm12, v28, v9;
	v36 =	vld [tilespmem:s12+$0x9400];
	(erf) = vpow2.f32 v31  }
0x1e3: {  	vm9 =	vgt.f32 v30, v14;
	v31 =	vor.u32 s9, v2;
	vm10 =	vgt.f32 v23, v9  }
0x1e4: {  	v38 =	vmov s9;
	v37 =	vsel vm9, v30, v14;
	v9 =	vsel vm10, v23, v9;
	v14 =	vld [tilespmem:s31+$0x9C00];
	s31 =	smov.u32 s12  }
0x1e5: {  	v35 =	vshll.u32 v35, $0x7;
	vm7 =	vgt.f32 v32, v37;
	vm8 =	vgt.f32 v33, v9  }
0x1e6: {  	v31 =	vand.u32 $0x7F, v31;
	v37 =	vsel vm7, v32, v37;
	v9 =	vsel vm8, v33, v9  }
0x1e7: {  	v38 =	vshll.u32 v38, $0x1;
	vm3 =	vgt.f32 v34, v37;
	vm13 =	vgt.f32 v36, v9  }
0x1e8: {  	v35 =	vand.u32 $0x80, v35;
	v37 =	vsel vm3, v34, v37;
	v9 =	vsel vm13, v36, v9  }
0x1e9: {  	v39 =	vand.u32 $0x300, v38;
	vm0 =	vgt.f32 v9, v37;
	vm14 =	vgt.s32 v14, $0x0  }
0x1ea: {  	v35 =	vor.u32 v35, v39;
	v9 =	vsel vm0, v9, v37;
	v37 =	vnsel vm14, $0x0, v14  }
0x1eb: {  	v35 =	vbroadcast v35, $0x0;
	v33 =	vsub.f32 v33, v9;
	v37 =	vshll.u32 v37, $0xA;
	v38 =	vpop (erf)  }
0x1ec: {  	v28 =	vsub.f32 v28, v9;
	v36 =	vsub.f32 v36, v9;
	v38 =	vmul.f32 v38, v15  }
0x1ed: {  	v17 =	vsub.f32 v17, v9;
	v25 =	vsub.f32 v25, v9;
	v35 =	vor.u32 v35, v37  }
0x1ee: {  	v12 =	vsub.f32 v12, v9;
	v31 =	vor.u32 v31, v35;
	v29 =	vadd.f32 v38, v29  }
0x1ef: {  	v24 =	vsub.f32 v24, v9;
	v17 =	vmul.f32 $1.442695020e+00, v17;
	v33 =	vmul.f32 $1.442695020e+00, v33  }
0x1f0: {  	v25 =	vmul.f32 $1.442695020e+00, v25;
	v28 =	vmul.f32 $1.442695020e+00, v28;
	v29 =	vadd.f32 $-1.000000000e+00, v29  }
0x1f1: {  	v26 =	vsub.f32 v26, v9;
	v12 =	vmul.f32 $1.442695020e+00, v12;
	(erf) = vpow2.f32 v17  }
0x1f2: {  	v17 =	vmul.f32 $1.442695020e+00, v24;
	(erf) = vpow2.f32 v25;
	v24 =	vsub.f32 $0.0e+00, v29  }
0x1f3: {  	v25 =	vmul.f32 $1.442695020e+00, v26;
	v26 =	vsub.f32 v27, v9;
	(erf) = vpow2.f32 v12  }
0x1f4: {  	v12 =	vsub.f32 v30, v9;
	(erf) = vpow2.f32 v17;
	v17 =	vmul.f32 $1.442695020e+00, v24  }
0x1f5: {  	v24 =	vmul.f32 $1.442695020e+00, v26;
	v26 =	vsub.f32 v32, v9;
	(erf) = vpow2.f32 v25  }
0x1f6: {  	v12 =	vmul.f32 $1.442695020e+00, v12;
	v25 =	vsub.f32 v34, v9;
	(erf) = vpow2.f32 v17  }
0x1f7: {  	v10 =	vsub.f32 v10, v9;
	v17 =	vmul.f32 $1.442695020e+00, v26;
	(erf) = vpow2.f32 v24  }
0x1f8: {  	v11 =	vsub.f32 v11, v9;
	v24 =	vmul.f32 $1.442695020e+00, v25;
	(erf) = vpow2.f32 v12  }
0x1f9: {  	v10 =	vmul.f32 $1.442695020e+00, v10;
	v12 =	vsub.f32 v20, v9;
	(erf) = vpow2.f32 v17  }
0x1fa: {  	v11 =	vmul.f32 $1.442695020e+00, v11;
	v17 =	vsub.f32 v19, v9;
	v19 =	vpop (erf);
	(erf) = vpow2.f32 v24  }
0x1fb: {  	v20 =	vsub.f32 v21, v9;
	v12 =	vmul.f32 $1.442695020e+00, v12;
	v21 =	vpop (erf);
	(erf) = vpow2.f32 v10  }
0x1fc: {  	v10 =	vmul.f32 $1.442695020e+00, v17;
	v17 =	vsub.f32 v22, v9;
	v22 =	vpop (erf);
	(erf) = vpow2.f32 v11  }
0x1fd: {  	v25 =	vsub.f32 v23, v9;
	v24 =	vmul.f32 $1.442695020e+00, v20;
	v23 =	vpop (erf);
	(erf) = vpow2.f32 v12  }
0x1fe: {  	v12 =	vadd.f32 v23, v22;
	v23 =	vmul.f32 $1.442695020e+00, v17;
	v22 =	vpop (erf);
	(erf) = vpow2.f32 v10  }
0x1ff: {  	v10 =	vadd.f32 v21, v19;
	v19 =	vmul.f32 $1.442695020e+00, v25;
	(erf) = vpow2.f32 v24;
	v11 =	vpop (erf)  }
0x200: {  	v12 =	vadd.f32 v12, v22;
	v20 =	vpop (erf);
	(erf) = vpow2.f32 v23;
	v11 =	vmul.f32 v11, v15  }
0x201: {  	v15 =	vmul.f32 $1.442695020e+00, v36;
	v10 =	vadd.f32 v10, v20;
	v17 =	vpop (erf);
	(erf) = vpow2.f32 v28  }
0x202: {  	v12 =	vadd.f32 v12, v17;
	v17 =	vpop (erf);
	(erf) = vpow2.f32 v19;
	v19 =	vld.idx.msk [tilespmem:v31+s22+$0x0], $0xffff;
	v11 =	vadd.f32 v11, v29  }
0x203: {  	v18 =	vsel vm4, $0x40000000, v18;
	v10 =	vadd.f32 v10, v17;
	v17 =	vpop (erf);
	(erf) = vpow2.f32 v33  }
0x204: {  	v12 =	vadd.f32 v12, v17;
	v17 =	vpop (erf);
	(erf) = vpow2.f32 v15;
	v11 =	vadd.f32 $-1.000000000e+00, v11  }
0x205: {  	v20 =	vsel vm6, $0x41500000, v16;
	v15 =	vsel vm5, $0x40400000, v18;
	v10 =	vadd.f32 v10, v17;
	v17 =	vpop (erf)  }
0x206: {  	s23 =	sshrl.u32 s13, $0x5;
	s11 =	sadd.s32 $0x20, s11;
	v18 =	vsel vm11, $0x41600000, v20;
	v12 =	vadd.f32 v12, v17;
	v17 =	vpop (erf);
	v11 =	vadd.f32 v11, v13  }
0x207: {  	s2 =	sadd.s32 $0x10, s2;
	s9 =	sand.u32 $0x300, s11;
	s12 =	sshll.u32 s23, $0x7;
	v13 =	vsel vm1, $0x40800000, v15;
	v15 =	vsel vm12, $0x41700000, v18;
	v10 =	vadd.f32 v10, v17;
	v16 =	vpop (erf)  }
0x208: {  	s24 =	sand.u32 $0x70, s2;
	s9 =	sadd.s32 s12, s9;
	v13 =	vsel vm2, $0x40A00000, v13;
	v20 =	vadd.f32 v12, v16;
	v17 =	vpop (erf);
	v11 =	vsub.f32 v11, v19  }
.Ltmp4:
0x209: {  	s12 =	sor.u32 s24, s9;
	vm1 =	vgt.s32 v14, $0xFFFFFFFF;
	v21 =	vsel vm10, $0x41800000, v15;
	v13 =	vsel vm9, $0x40C00000, v13;
	v18 =	vpop (erf);
	(pc) =	sbr.rel @p0 .LBB2_11-.Ltmp4, $4  }
0x20a: {  	v17 =	vadd.f32 v10, v17;
	v12 =	vld [tilespmem:s12+$0x4C00];
	v18 =	vadd.f32 v20, v18;
	v16 =	vpop (erf);
	v11 =	vnsel vm1, $0x0, v11  }
0x20b: {  	v19 =	vsel vm7, $0x40E00000, v13;
	v13 =	vsel vm8, $0x41880000, v21;
	v10 =	vld [tilespmem:s12+$0x7000];
	v15 =	vpop (erf);
	v8 =	vadd.f32 v11, v8  }
0x20c: {  	v13 =	vsel vm13, $0x41900000, v13;
	v16 =	vadd.f32 v17, v16;
	v11 =	vld [tilespmem:s12+$0x7400];
	v18 =	vadd.f32 v18, v15;
	v21 =	vpop (erf)  }
0x20d: {  	s13 =	sadd.s32 $0x1, s13;
	v14 =	vcvt.s32.f32 v14;
	v19 =	vsel vm3, $0x41000000, v19;
	v15 =	vsel vm1, $0x3F800000, v0;
	v17 =	vld [tilespmem:s12+$0x5000];
	v22 =	vpop (erf)  }
0x20e: {  	v16 =	vadd.f32 v16, v21;
	v18 =	vadd.f32 v18, v22;
	_ =	sdelay $0x1  }
0x20f: {  	v20 =	vld [tilespmem:s12+$0x7800];
	v16 =	vadd.f32 v18, v16  }
0x210: {  	v54 =	vld [tilespmem:s12+$0x5400]  }
0x211: {  	v55 =	vld [tilespmem:s12+$0x7C00];
	v18 =	vcvt.s32.f32 v16  }
0x212: {  	v23 =	vld [tilespmem:s12+$0x5800];
	vm2 =	vgt.f32 v11, v10  }
0x213: {  	v25 =	vld [tilespmem:s12+$0x8000];
	v24 =	vsel vm2, v11, v10;
	v18 =	vmul.f32 $8.262958320e-08, v18  }
0x214: {  	v26 =	vld [tilespmem:s12+$0x5C00];
	v29 =	vimm.s32 $0x0;
	vm3 =	vgt.f32 v17, v12;
	vm1 =	vgt.f32 v20, v24  }
0x215: {  	v28 =	vld [tilespmem:s12+$0x8400];
	v27 =	vsel vm3, v17, v12;
	v24 =	vsel vm1, v20, v24;
	v30 =	vadd.f32 $-8.799846650e+01, v18  }
0x216: {  	v56 =	vimm.s32 $0x0;
	v57 =	vld [tilespmem:s12+$0x6000];
	vm4 =	vgt.f32 v54, v27;
	vm5 =	vgt.f32 v55, v24  }
0x217: {  	v59 =	vld [tilespmem:s12+$0x8800];
	v58 =	vsel vm4, v54, v27;
	v24 =	vsel vm5, v55, v24;
	v32 =	vsub.f32 $0.0e+00, v30  }
0x218: {  	v60 =	vld [tilespmem:s12+$0x6400];
	v29 =	vsel vm4, $0xFFFFFFFF, v29;
	vm15 =	vgt.f32 v23, v58;
	vm4 =	vgt.f32 v25, v24  }
0x219: {  	v33 =	vld [tilespmem:s12+$0x8C00];
	v18 =	vsel vm15, v23, v58;
	v24 =	vsel vm4, v25, v24;
	v32 =	vmul.f32 $1.442695020e+00, v32  }
0x21a: {  	v34 =	vld [tilespmem:s12+$0x6800];
	[tilespmem:$0x1FF70] =	vst v29;
	v29 =	vsel vm5, $0xFFFFFFFF, v56;
	vm5 =	vgt.f32 v26, v18;
	vm6 =	vgt.f32 v28, v24  }
0x21b: {  	v35 =	vld [tilespmem:s12+$0x9000];
	v18 =	vsel vm5, v26, v18;
	v24 =	vsel vm6, v28, v24;
	(erf) = vpow2.f32 v32  }
0x21c: {  	v36 =	vld [tilespmem:s12+$0x6C00];
	vm7 =	vgt.f32 v57, v18;
	vm12 =	vgt.f32 v59, v24  }
0x21d: {  	v61 =	vld [tilespmem:s12+$0x9400];
	v18 =	vsel vm7, v57, v18;
	v24 =	vsel vm12, v59, v24  }
0x21e: {  	vm13 =	vgt.f32 v60, v18;
	vm14 =	vgt.f32 v33, v24  }
0x21f: {  	v18 =	vsel vm13, v60, v18;
	v24 =	vsel vm14, v33, v24  }
0x220: {  	vm10 =	vgt.f32 v34, v18;
	vm11 =	vgt.f32 v35, v24  }
0x221: {  	v31 =	vimm.s32 $0x0;
	v18 =	vsel vm10, v34, v18;
	v24 =	vsel vm11, v35, v24  }
0x222: {  	v31 =	vsel vm15, $0xFFFFFFFF, v31;
	vm8 =	vgt.f32 v36, v18;
	vm15 =	vgt.f32 v61, v24  }
0x223: {  	v18 =	vsel vm8, v36, v18;
	v24 =	vsel vm15, v61, v24  }
0x224: {  	vm9 =	vgt.f32 v24, v18;
	v62 =	vpop (erf)  }
0x225: {  	v18 =	vsel vm9, v24, v18;
	v24 =	vmul.f32 v62, v16  }
0x226: {  	v63 =	vsub.f32 v17, v18  }
0x227: {  	v23 =	vsub.f32 v23, v18;
	v24 =	vadd.f32 v24, v30  }
0x228: {  	v38 =	vsub.f32 v12, v18;
	v21 =	vsub.f32 v54, v18;
	v17 =	vmul.f32 $1.442695020e+00, v63  }
0x229: {  	v26 =	vsub.f32 v26, v18;
	v23 =	vmul.f32 $1.442695020e+00, v23;
	v12 =	vadd.f32 $-1.000000000e+00, v24  }
0x22a: {  	[tilespmem:$0x1FF60] =	vst v29;
	v29 =	vsub.f32 v57, v18;
	v27 =	vmul.f32 $1.442695020e+00, v38;
	(erf) = vpow2.f32 v17  }
0x22b: {  	v21 =	vmul.f32 $1.442695020e+00, v21;
	(erf) = vpow2.f32 v23;
	v40 =	vsub.f32 $0.0e+00, v12  }
0x22c: {  	v41 =	vsub.f32 v60, v18;
	v26 =	vmul.f32 $1.442695020e+00, v26;
	(erf) = vpow2.f32 v27  }
0x22d: {  	v44 =	vsub.f32 v34, v18;
	(erf) = vpow2.f32 v21;
	v42 =	vmul.f32 $1.442695020e+00, v40  }
0x22e: {  	v46 =	vsub.f32 v36, v18;
	v43 =	vmul.f32 $1.442695020e+00, v29;
	(erf) = vpow2.f32 v26  }
0x22f: {  	v10 =	vsub.f32 v10, v18;
	v45 =	vmul.f32 $1.442695020e+00, v41;
	(erf) = vpow2.f32 v42  }
0x230: {  	v11 =	vsub.f32 v11, v18;
	v47 =	vmul.f32 $1.442695020e+00, v44;
	(erf) = vpow2.f32 v43  }
0x231: {  	v20 =	vsub.f32 v20, v18;
	v48 =	vmul.f32 $1.442695020e+00, v46;
	(erf) = vpow2.f32 v45  }
0x232: {  	v49 =	vsub.f32 v55, v18;
	v10 =	vmul.f32 $1.442695020e+00, v10;
	(erf) = vpow2.f32 v47  }
0x233: {  	v51 =	vsub.f32 v25, v18;
	v11 =	vmul.f32 $1.442695020e+00, v11;
	v50 =	vpop (erf);
	(erf) = vpow2.f32 v48  }
0x234: {  	v55 =	vsub.f32 v33, v18;
	v20 =	vmul.f32 $1.442695020e+00, v20;
	v52 =	vpop (erf);
	(erf) = vpow2.f32 v10  }
0x235: {  	v35 =	vsub.f32 v35, v18;
	v54 =	vpop (erf);
	(erf) = vpow2.f32 v11;
	v11 =	vmul.f32 $1.442695020e+00, v51  }
0x236: {  	v53 =	vsub.f32 v28, v18;
	v60 =	vmul.f32 $1.442695020e+00, v55;
	v10 =	vmul.f32 $1.442695020e+00, v49  }
0x237: {  	v37 =	vsub.f32 v59, v18;
	v62 =	vmul.f32 $1.442695020e+00, v35;
	v56 =	vpop (erf);
	(erf) = vpow2.f32 v20  }
0x238: {  	v21 =	vmul.f32 $1.442695020e+00, v53;
	v57 =	vadd.f32 v56, v54;
	v58 =	vpop (erf);
	(erf) = vpow2.f32 v10  }
0x239: {  	v39 =	vsub.f32 v61, v18;
	v10 =	vmul.f32 $1.442695020e+00, v37;
	(erf) = vpow2.f32 v11;
	v11 =	vpop (erf)  }
0x23a: {  	v59 =	vadd.f32 v52, v50;
	v20 =	vadd.f32 v57, v58;
	(erf) = vpow2.f32 v21;
	v61 =	vpop (erf)  }
0x23b: {  	(erf) = vpow2.f32 v10;
	v10 =	vmul.f32 $1.442695020e+00, v39;
	v63 =	vpop (erf)  }
0x23c: {  	v17 =	vadd.f32 v59, v61;
	(erf) = vpow2.f32 v60;
	v20 =	vadd.f32 v20, v63;
	v24 =	vpop (erf)  }
0x23d: {  	v25 =	vpop (erf);
	(erf) = vpow2.f32 v62  }
0x23e: {  	v17 =	vadd.f32 v17, v24;
	v20 =	vadd.f32 v20, v25;
	v26 =	vpop (erf);
	(erf) = vpow2.f32 v10  }
0x23f: {  	v10 =	vpop (erf)  }
0x240: {  	v17 =	vadd.f32 v17, v26;
	v10 =	vadd.f32 v20, v10;
	v27 =	vpop (erf)  }
0x241: {  	v28 =	vpop (erf)  }
0x242: {  	v17 =	vadd.f32 v17, v27;
	v10 =	vadd.f32 v10, v28;
	v29 =	vpop (erf)  }
0x243: {  	v30 =	vpop (erf)  }
0x244: {  	[tilespmem:$0x1FF80] =	vst v31;
	v17 =	vadd.f32 v17, v29;
	v10 =	vadd.f32 v10, v30;
	v31 =	vpop (erf)  }
0x245: {  	v32 =	vpop (erf)  }
0x246: {  	v17 =	vadd.f32 v17, v31;
	v10 =	vadd.f32 v10, v32;
	v33 =	vpop (erf)  }
0x247: {  	v34 =	vpop (erf)  }
0x248: {  	v17 =	vadd.f32 v17, v33;
	v10 =	vadd.f32 v10, v34;
	_ =	sdelay $0x1  }
0x249: {  	v10 =	vadd.f32 v10, v17;
	_ =	sdelay $0x1  }
0x24a: {  	v17 =	vcvt.s32.f32 v10;
	_ =	sdelay $0x1  }
0x24b: {  	v17 =	vmul.f32 $8.262958320e-08, v17;
	_ =	sdelay $0x1  }
0x24c: {  	v17 =	vadd.f32 $-8.799846650e+01, v17;
	_ =	sdelay $0x1  }
0x24d: {  	v35 =	vsub.f32 $0.0e+00, v17;
	_ =	sdelay $0x1  }
0x24e: {  	v20 =	vmul.f32 $1.442695020e+00, v35;
	_ =	sdelay $0x1  }
0x24f: {  	(erf) = vpow2.f32 v20;
	_ =	sdelay $0x8  }
0x250: {  	v36 =	vld [tilespmem:s31+$0x9C00];
	v20 =	vpop (erf)  }
0x251: {  	v13 =	vsel vm0, v13, v19;
	s13 =	sand.u32 $0x1F0, s30;
	v6 =	vmul.f32 v14, v6;
	v20 =	vmul.f32 v20, v10  }
0x252: {  	v5 =	vadd.f32 v15, v5;
	v38 =	vld [tilespmem:s12+$0x9C00];
	v41 =	vmov s13;
	v46 =	vmul.f32 v13, v13  }
0x253: {  	s24 =	sand.u32 $0x1F0, s2;
	v4 =	vadd.f32 v6, v4;
	v22 =	vshll.u32 v41, $0x1;
	v17 =	vadd.f32 v20, v17  }
0x254: {  	v55 =	vor.u32 s24, v2;
	v22 =	vand.u32 $0x300, v22;
	v7 =	vadd.f32 v46, v7  }
0x255: {  	vm0 =	vgt.s32 v36, $0x0;
	v40 =	vmov s0;
	v17 =	vadd.f32 $-1.000000000e+00, v17  }
0x256: {  	v44 =	vnsel vm0, $0x0, v36;
	v53 =	vmul.f32 v14, v14;
	v20 =	vshll.u32 v40, $0x7  }
0x257: {  	vm0 =	vgt.s32 v38, $0x0;
	v20 =	vand.u32 $0x80, v20;
	v43 =	vsub.f32 $0.0e+00, v17  }
0x258: {  	v3 =	vadd.f32 v53, v3;
	v47 =	vor.u32 s13, v2;
	v20 =	vor.u32 v20, v22  }
0x259: {  	v48 =	vmov s23;
	v20 =	vbroadcast v20, $0x0;
	v25 =	vmul.f32 $1.442695020e+00, v43  }
0x25a: {  	v49 =	vmov s24;
	v50 =	vshll.u32 v48, $0x7;
	v26 =	vshll.u32 v44, $0xA  }
0x25b: {  	v28 =	vand.u32 $0x7F, v47;
	v20 =	vor.u32 v20, v26;
	(erf) = vpow2.f32 v25  }
0x25c: {  	v51 =	vshll.u32 v49, $0x1;
	v57 =	vld [tilespmem:$0x1FF60];
	v11 =	vmul.f32 v11, v16;
	v20 =	vor.u32 v28, v20  }
0x25d: {  	v42 =	vsel vm3, $0x3F800000, v0;
	v15 =	vand.u32 $0x80, v50;
	v52 =	vand.u32 $0x300, v51;
	v58 =	vld [tilespmem:$0x1FF70]  }
0x25e: {  	v45 =	vnsel vm0, $0x0, v38;
	v15 =	vor.u32 v15, v52;
	v59 =	vld [tilespmem:$0x1FF80];
	v11 =	vadd.f32 v11, v12  }
0x25f: {  	v56 =	vshll.u32 v45, $0xA;
	v37 =	vsel vm2, $0x41200000, v1;
	v54 =	vbroadcast v15, $0x0  }
0x260: {  	v15 =	vand.u32 $0x7F, v55;
	v39 =	vsel vm1, $0x41300000, v37;
	v11 =	vadd.f32 $-1.000000000e+00, v11  }
0x261: {  	v61 =	vcvt.s32.f32 v36;
	v12 =	vor.u32 v54, v56;
	vm0 =	vnez.u8 v57;
	v6 =	vld.idx.msk [tilespmem:v20+s22+$0x0], $0xffff  }
0x262: {  	v14 =	vsel vm0, $0x41400000, v39;
	v12 =	vor.u32 v15, v12;
	vm0 =	vnez.u8 v58  }
0x263: {  	v15 =	vsel vm0, $0x40000000, v42;
	v14 =	vsel vm4, $0x41500000, v14;
	vm4 =	vnez.u8 v59  }
0x264: {  	v62 =	vmul.f32 v61, v61;
	v9 =	vadd.f32 v11, v9;
	v15 =	vsel vm4, $0x40400000, v15;
	v11 =	vpop (erf)  }
0x265: {  	v14 =	vsel vm6, $0x41600000, v14;
	v10 =	vmul.f32 v11, v10;
	v11 =	vsel vm5, $0x40800000, v15  }
0x266: {  	v14 =	vsel vm12, $0x41700000, v14;
	v6 =	vsub.f32 v9, v6;
	v9 =	vsel vm7, $0x40A00000, v11  }
0x267: {  	v11 =	vsel vm14, $0x41800000, v14;
	v10 =	vadd.f32 v10, v17;
	v9 =	vsel vm13, $0x40C00000, v9  }
0x268: {  	s29 =	smin.u32 s29, $0x8;
	vm12 =	vgt.s32 v36, $0xFFFFFFFF;
	v12 =	vld.idx.msk [tilespmem:v12+s22+$0x0], $0xffff;
	v11 =	vsel vm11, $0x41880000, v11;
	v9 =	vsel vm10, $0x40E00000, v9  }
0x269: {  	s30 =	sadd.s32 $0x3, s29;
	v11 =	vsel vm15, $0x41900000, v11;
	v10 =	vadd.f32 $-1.000000000e+00, v10;
	v9 =	vsel vm8, $0x41000000, v9  }
0x26a: {  	s0 =	sshll.u32 s30, $0xA;
	v3 =	vadd.f32 v62, v3;
	v6 =	vnsel vm12, $0x0, v6;
	v9 =	vsel vm9, v11, v9  }
0x26b: {  	s0 =	sadd.s32 s6, s0;
	v6 =	vadd.f32 v6, v8;
	v10 =	vadd.f32 v10, v18;
	v8 =	vmul.f32 v9, v9  }
0x26c: {  	s2 =	sshll.u32 s30, $0x8;
	s0 =	sand.u32 $0xFF000, s0;
	v60 =	vsel vm12, $0x3F800000, v0;
	vm15 =	vgt.s32 v38, $0xFFFFFFFF;
	v11 =	vmul.f32 v61, v13  }
0x26d: {  	s2 =	sand.u32 $0x300, s2;
	s9 =	sadd.s32 s5, s0;
	v10 =	vsub.f32 v10, v12;
	v7 =	vadd.f32 v8, v7;
	v8 =	vcvt.s32.f32 v38  }
0x26e: {  	s9 =	sor.u32 s2, s9;
	v5 =	vadd.f32 v60, v5;
	v4 =	vadd.f32 v11, v4;
	v11 =	vsel vm15, $0x3F800000, v0  }
0x26f: {  	s9 =	sshrl.u32 s9, $0x3;
	v10 =	vnsel vm15, $0x0, v10;
	v9 =	vmul.f32 v8, v9;
	v63 =	vmul.f32 v8, v8  }
0x270: {  	s31 =	simm.s32 $0x4C00;
	s12 =	simm.s32 $0x1000;
	s11 =	sadd.s32 s1, s9;
	v5 =	vadd.f32 v11, v5;
	v8 =	vadd.f32 v10, v6  }
0x271: {  	[tilespmem:s31], [sflag:$0x2] =	stream.strided.gather [hbm4b:s11+s14], $0x400, s15, s14, $0x38;
	v4 =	vadd.f32 v9, v4;
	v3 =	vadd.f32 v63, v3;
	[tilespmem:$0xA400] =	vst v63  }
.LBB2_13:
0x272: {  	p0 =	sne.s32 s12, $0x12000  }
.Ltmp5:
0x273: {  	_ = 	snop;
	(pc) =	sbr.rel @p0 .LBB2_13-.Ltmp5, $4  }
0x274: {  	_ = 	snop  }
0x275: {  	s9 =	sshra.s32 s12, $0x2;
	s12 =	sadd.s32 $0x1000, s12  }
0x276: {  	s11 =	sadd.s32 $0x8000, s11;
	s9 =	sadd.s32 $0x4C00, s9  }
0x277: {  	[tilespmem:s9], [sflag:$0x2] =	stream.strided.gather [hbm4b:s11+s14], $0x400, s15, s14, $0x38;
	[tilespmem:$0xA400] =	vst v63  }
0x278: {  	s28 =	sadd.s32 $0x1, s28  }
0x279: {  	p0 =	sne.s32 s28, $0x6  }
.Ltmp6:
0x27a: {  	s0 =	sadd.s32 s7, s0;
	(pc) =	sbr.rel @p0 .LBB2_6-.Ltmp6, $4  }
0x27b: {  	s0 =	sor.u32 s2, s0  }
0x27c: {  	s0 =	sshrl.u32 s0, $0x3  }
0x27d: {  	s0 =	sadd.s32 s3, s0  }
0x27e: {  	[tilespmem:s17], [sflag:$0x4] =	stream.strided.gather [hbm4b:s0+s14], $0x400, s15, s14, $0x38;
	[tilespmem:$0xA400] =	vst v63  }
0x27f: {  	_ =	swait.ge [sflag:s18], $0x4C00  }
0x280: {  	[sflag:s18] =	ssyncset.done $0x0  }
0x281: {  	[sflag:s18] =	ssyncadd.s32 $0xFFFFB400  }
0x282: {  	_ =	swait.ge [sflag:s19], $0x400  }
0x283: {  	[sflag:s19] =	ssyncset.done $0x0  }
0x284: {  	[sflag:s19] =	ssyncadd.s32 $0xFFFFFC00  }
0x285: {  	_ =	swait.ge [sflag:s20], $0x4C00  }
0x286: {  	[sflag:s20] =	ssyncset.done $0x0  }
0x287: {  	[sflag:s20] =	ssyncadd.s32 $0xFFFFB400  }
0x288: {  	_ =	swait.ge [sflag:s21], $0x400  }
0x289: {  	[sflag:s21] =	ssyncset.done $0x0  }
0x28a: {  	[sflag:s21] =	ssyncadd.s32 $0xFFFFFC00  }
0x28b: {  	[tilespmem:$0xA000] =	vst v8  }
0x28c: {  	[tilespmem:$0xA080] =	vst v5  }
0x28d: {  	[tilespmem:$0xA100] =	vst v4  }
0x28e: {  	[tilespmem:$0xA180] =	vst v7  }
0x28f: {  	s2 =	simm.s32 $0xA000;
	s30 =	simm.s32 $0x5;
	s0 =	rddreg [dreg:$0x6];
	[tilespmem:$0xA200] =	vst v3  }
0x290: {  	[hbm4b:s0+s4] =	stream.linear.scatter [tilespmem:s2], [sflag:$0x5], $0x280, $0x38;
	[tilespmem:$0xA400] =	vst v63  }
0x291: {  	_ =	swait.ge [sflag:s30], $0x280  }
0x292: {  	s25 =	sadd.s32 $0x1, s25;
	s31 =	rddreg [dreg:$0x7]  }
0x293: {  	p0 =	sne.s32 s25, s31  }
.Ltmp7:
0x294: {  	_ = 	snop;
	(pc) =	sbr.rel @p0 .LBB2_1-.Ltmp7, $3  }
0x295: {  	_ =	sdelay $0x1  }
0x296: {  	[sflag:s30] =	ssyncset.done $0x0  }
0x297: {  	[sflag:s30] =	ssyncadd.s32 $0xFFFFFD80  }
0x298: {  	_ =	sfence.sel $0x180000  }
0x299: {  	[bflag:$0x0] =	sbarrier.arrive $0xFFFF  }
0x29a: {  	_ =	strace $0x90000047  }
0x29b: {  	s0 =	stileid.u32;
	[bflag:$0x2] =	sbarrier.arrive $0xFFFF  }
0x29c: {  	p0 =	sne.s32 s0, $0x0;
	s0 =	rddreg [dreg:$0x3]  }
0x29d: {  	s0 =	sadd.s32 @!p0 $0x100000, s0  }
0x29e: {  	[sflag:s0] =	ssyncadd.tile.s32 @!p0 $0x1;
	_ =	shalt  }
.Lfunc_end2:
_tile_overlayer_lowered:
.L_overlay_start_2:
0x29f: {  	(tag) =	ssettag $0x2  }
0x2a0: {  	s0 =	rddreg [dreg:$0x0];
	s2 =	stileid.u32  }
0x2a1: {  	s1 =	rddreg [dreg:$0x1];
	p0 =	sne.s32 s2, $0x0  }
0x2a2: {  	s3 =	rddreg [dreg:$0x2];
	[bflag:$0x3] =	sbarrier.arrive $0xFFFF;
	s2 =	simm.s32 @!p0 $0x1C05  }
0x2a3: {  	[timem:s3], [sflag:s2] =	dma.local @!p0 [hbm:s0], s1  }
0x2a4: {  	s0 =	simm.s32 @!p0 $0x5  }
0x2a5: {  	_ =	swait.ge @!p0 [sflag:s0], s1  }
0x2a6: {  	s1 =	ssub.s32 @!p0 $0x0, s1;
	[sflag:s0] =	ssyncset.done @!p0 $0x0  }
0x2a7: {  	[sflag:s0] =	ssyncadd.s32 @!p0 s1  }
0x2a8: {  	[bflag:$0x3] =	sbarrier.arrive $0xFFFF  }
0x2a9: {  	_ =	shalt  }

</sc_bundles>
